<compile_context>
chip_gen: v7x
topology: tpu7x:2x2x1
jax: 0.10.2.dev20260603
libtpu: 0.0.44.dev20260713+nightly
codegen_flags: <defaults>
</compile_context>

<pallas_src>
import functools

import jax
import jax.numpy as jnp
from jax import lax
from jax.experimental import pallas as pl
from jax.experimental.pallas import tpu as pltpu
from jax.experimental.pallas import tpu_sc as plsc

_TOPK = 5
_ROWS = 128
_COLS = 32768
_LANES = 16
_GATHER_WORKERS = 8
_EXT = 128
_XGRP = 128
_BLK = 8192
_NBLK = _COLS // _BLK



def _extract_body(lab_ref, *refs):
    del lab_ref
    out_ref = refs[-1]
    for i in range(_XGRP):
        out_ref[pl.ds(i * _EXT, _EXT)] = refs[i][pl.ds(i % 8, 1), :].reshape(_EXT)


def _extract_in_spec(i):
    return pl.BlockSpec(
        (8, _EXT),
        lambda g, lab: (g * (_XGRP // 8) + i // 8, lab[g * _XGRP + i] // _EXT))


_extract_call = pl.pallas_call(
    _extract_body,
    grid_spec=pltpu.PrefetchScalarGridSpec(
        num_scalar_prefetch=1,
        grid=(_ROWS // _XGRP,),
        in_specs=[_extract_in_spec(i) for i in range(_XGRP)],
        out_specs=pl.BlockSpec((_XGRP * _EXT,), lambda g, lab: (g,)),
    ),
    out_shape=jax.ShapeDtypeStruct((_ROWS * _EXT,), jnp.float32),
)



def _sc_gather_body(table, labels, out, idx_v, val_v, sem):
    wid = lax.axis_index("s") * 2 + lax.axis_index("c")

    @pl.when(wid < _GATHER_WORKERS)
    def _():
        base = wid * _LANES
        pltpu.sync_copy(labels.at[pl.ds(base, _LANES)], idx_v)
        rows = lax.iota(jnp.int32, _LANES) + base
        flat = rows * _EXT + (idx_v[...] & (_EXT - 1))
        pltpu.async_copy(table.at[flat], val_v, sem).wait()
        pltpu.sync_copy(val_v, out.at[pl.ds(base, _LANES)])


def _make_sc_gather():
    return functools.partial(
        pl.kernel,
        mesh=plsc.VectorSubcoreMesh(core_axis_name="c", subcore_axis_name="s"),
        out_type=jax.ShapeDtypeStruct((_ROWS,), jnp.float32),
        scratch_types=[
            pltpu.VMEM((_LANES,), jnp.int32),
            pltpu.VMEM((_LANES,), jnp.float32),
            pltpu.SemaphoreType.DMA,
        ],
    )(_sc_gather_body)



def _count_body(v_ref, lab_ref, s_ref, out_ref, acc_ref, vb_ref, lb_ref):
    j = pl.program_id(0)

    @pl.when(j == 0)
    def _():
        acc_ref[...] = jnp.zeros_like(acc_ref)
        vb_ref[...] = v_ref[...].reshape(_ROWS, 1)
        lb_ref[...] = lab_ref[...].reshape(_ROWS, 1)

    s = s_ref[...]
    v = vb_ref[...]
    lab = lb_ref[...]
    col = lax.broadcasted_iota(jnp.int32, s.shape, 1) + j * _BLK
    ahead = (s > v) | ((s == v) & (col < lab))
    acc_ref[...] += jnp.sum(ahead.astype(jnp.int32), axis=1, keepdims=True)

    @pl.when(j == _NBLK - 1)
    def _():
        hits = (acc_ref[...] < _TOPK).astype(jnp.float32)
        out_ref[...] = (jnp.sum(hits) / _ROWS).reshape(1, 1)


_count_call = pl.pallas_call(
    _count_body,
    grid=(_NBLK,),
    in_specs=[
        pl.BlockSpec((_ROWS,), lambda j: (0,)),
        pl.BlockSpec((_ROWS,), lambda j: (0,)),
        pl.BlockSpec((_ROWS, _BLK), lambda j: (0, j)),
    ],
    out_specs=pl.BlockSpec((1, 1), lambda j: (0, 0)),
    out_shape=jax.ShapeDtypeStruct((1, 1), jnp.float32),
    scratch_shapes=[
        pltpu.VMEM((_ROWS, 1), jnp.int32),
        pltpu.VMEM((_ROWS, 1), jnp.float32),
        pltpu.VMEM((_ROWS, 1), jnp.int32),
    ],
)


def kernel(scores, labels):
    labels = labels.astype(jnp.int32)
    staged = _extract_call(labels, *([scores] * _XGRP))
    v = _make_sc_gather()(staged, labels)
    out = _count_call(v, labels, scores)
    return out[0, 0]

# --- scband reference (transcript-rebuilt; emitter-appended) ---
"""Pipeline reference for scband-precision-62783831933354 (READ-ONLY COPY).

The authoritative reference and input builder live on the scoring server;
editing this copy changes nothing except your own understanding.
"""

import jax, jax.numpy as jnp
import numpy as np

K = 5  # ops.topk_precision default k


def setup_inputs(seed: int = 0) -> dict:
    key = jax.random.key(seed)
    k1, k2 = jax.random.split(key)
    scores = jax.random.normal(k1, (128, 32768), dtype=jnp.float32)
    labels = jax.random.randint(k2, (128,), 0, 32768, dtype=jnp.int64)
    return {"scores": scores, "labels": labels}


def reference(scores, labels):
    # topk_precision: fraction of rows whose ground-truth label index
    # appears in the top-K scored candidates (precision@K with a single
    # relevant item per row, i.e. hit-rate@K scaled identically across rows).
    _, topk_idx = jax.lax.top_k(scores, K)
    hits = (topk_idx == labels[:, None]).any(axis=-1)
    precision = hits.astype(jnp.float32).mean()
    return precision

if __name__ == "__main__":
    import jax
    _d = setup_inputs()
    print(jax.jit(kernel)(*tuple(_d.values())))

</pallas_src>

<mosaic_0001>
#map = affine_map<(d0, d1) -> (0)>
module attributes {stable_mosaic.version = 14 : i64} {
  func.func @_sc_gather_body(%arg0: i32, %arg1: i32, %arg2: memref<16384xf32, #tpu.memory_space<hbm>>, %arg3: memref<128xi32, #tpu.memory_space<hbm>>, %arg4: memref<128xf32, #tpu.memory_space<hbm>>, %arg5: memref<16xi32, #tpu.memory_space<vmem>>, %arg6: memref<16xf32, #tpu.memory_space<vmem>>, %arg7: memref<!tpu.dma_semaphore, #tpu.memory_space<semaphore_mem>>) attributes {dimension_semantics = [#tpu.dimension_semantics<core_parallel>, #tpu.dimension_semantics<subcore_parallel>], iteration_bounds = array<i64: 2, 16>, scalar_prefetch = 0 : i64, scratch_operands = 3 : i64, tpu.core_type = #tpu.core_type<sc_vector_subcore>, window_params = [{transform_indices = #map}, {transform_indices = #map}, {transform_indices = #map}]} {
    %mul3A = arith.constant 2 : i32
    %mul3A_0 = arith.muli %arg1, %mul3A : i32
    %add3A = arith.addi %mul3A_0, %arg0 : i32
    %lt3A = arith.constant 8 : i32
    %lt3A_1 = arith.cmpi slt, %add3A, %lt3A : i32
    %convert_element_type3A = arith.extui %lt3A_1 : i1 to i32
    %cond3A = arith.constant 0 : i32
    %cond3A_2 = arith.cmpi ne, %convert_element_type3A, %cond3A : i32
    scf.if %cond3A_2 {
      %mul3A_3 = arith.constant 16 : i32
      %mul3A_4 = arith.muli %add3A, %mul3A_3 : i32
      "tpu.region"() ({
        %run_scoped3A = tpu.sem_alloc : memref<!tpu.dma_semaphore, #tpu.memory_space<semaphore_mem>>
        %dma_start3A_17 = tpu.memref_slice %arg3[%mul3A_4] : memref<128xi32, #tpu.memory_space<hbm>> -> memref<16xi32, #tpu.memory_space<hbm>>
        %dma_start3A_18 = tpu.memref_slice %arg3[%mul3A_4] : memref<128xi32, #tpu.memory_space<hbm>> -> memref<16xi32, #tpu.memory_space<hbm>>
        tpu.enqueue_dma source(%dma_start3A_18 : memref<16xi32, #tpu.memory_space<hbm>>) target(%arg5 : memref<16xi32, #tpu.memory_space<vmem>>) target_semaphore(%run_scoped3A : memref<!tpu.dma_semaphore, #tpu.memory_space<semaphore_mem>>)
        %dma_wait3A_19 = tpu.memref_slice %arg3[%mul3A_4] : memref<128xi32, #tpu.memory_space<hbm>> -> memref<16xi32, #tpu.memory_space<hbm>>
        %dma_wait3A_20 = tpu.memref_slice %arg3[%mul3A_4] : memref<128xi32, #tpu.memory_space<hbm>> -> memref<16xi32, #tpu.memory_space<hbm>>
        tpu.wait_dma2 semaphore(%run_scoped3A : memref<!tpu.dma_semaphore, #tpu.memory_space<semaphore_mem>>) src(%dma_wait3A_20 : memref<16xi32, #tpu.memory_space<hbm>>) dst(%arg5 : memref<16xi32, #tpu.memory_space<vmem>>)
        tpu.yield
      }) : () -> ()
      %iota3A = tpu.iota {dimensions = array<i32: 0>} : vector<16xi32>
      %add3A_5 = vector.broadcast %mul3A_4 : i32 to vector<16xi32>
      %add3A_6 = arith.addi %iota3A, %add3A_5 : vector<16xi32>
      %mul3A_7 = arith.constant 128 : i32
      %mul3A_8 = vector.broadcast %mul3A_7 : i32 to vector<16xi32>
      %mul3A_9 = arith.muli %add3A_6, %mul3A_8 : vector<16xi32>
      %get3A = arith.constant 0 : index
      %get3A_10 = tpu.vector_load %arg5[%get3A] {strides = array<i32>} : memref<16xi32, #tpu.memory_space<vmem>>, vector<16xi32>,
      %get3A_11 = vector.shape_cast %get3A_10 : vector<16xi32> to vector<16xi32>
      %and3A = arith.constant 127 : i32
      %and3A_12 = vector.broadcast %and3A : i32 to vector<16xi32>
      %and3A_13 = arith.andi %get3A_11, %and3A_12 : vector<16xi32>
      %add3A_14 = arith.addi %mul3A_9, %and3A_13 : vector<16xi32>
      %dma_start3A = arith.constant 0 : i32
      %dma_start3A_15 = tpu.memref_slice %arg2[%dma_start3A] : memref<16384xf32, #tpu.memory_space<hbm>> -> memref<16384xf32, #tpu.memory_space<hbm>>
      tpu.enqueue_indirect_dma source(%dma_start3A_15 : memref<16384xf32, #tpu.memory_space<hbm>>) target(%arg6 : memref<16xf32, #tpu.memory_space<vmem>>) offsets(%add3A_14 : vector<16xi32>) semaphore(%arg7 : memref<!tpu.dma_semaphore, #tpu.memory_space<semaphore_mem>>)
      %dma_wait3A = arith.constant 0 : i32
      %dma_wait3A_16 = tpu.memref_slice %arg2[%dma_wait3A] : memref<16384xf32, #tpu.memory_space<hbm>> -> memref<16384xf32, #tpu.memory_space<hbm>>
      tpu.wait_indirect_dma semaphore(%arg7 : memref<!tpu.dma_semaphore, #tpu.memory_space<semaphore_mem>>) src(%dma_wait3A_16 : memref<16384xf32, #tpu.memory_space<hbm>>) dst(%arg6 : memref<16xf32, #tpu.memory_space<vmem>>)
      "tpu.region"() ({
        %run_scoped3A = tpu.sem_alloc : memref<!tpu.dma_semaphore, #tpu.memory_space<semaphore_mem>>
        %dma_start3A_17 = tpu.memref_slice %arg4[%mul3A_4] : memref<128xf32, #tpu.memory_space<hbm>> -> memref<16xf32, #tpu.memory_space<hbm>>
        %dma_start3A_18 = tpu.memref_slice %arg4[%mul3A_4] : memref<128xf32, #tpu.memory_space<hbm>> -> memref<16xf32, #tpu.memory_space<hbm>>
        tpu.enqueue_dma source(%arg6 : memref<16xf32, #tpu.memory_space<vmem>>) target(%dma_start3A_18 : memref<16xf32, #tpu.memory_space<hbm>>) target_semaphore(%run_scoped3A : memref<!tpu.dma_semaphore, #tpu.memory_space<semaphore_mem>>)
        %dma_wait3A_19 = tpu.memref_slice %arg4[%mul3A_4] : memref<128xf32, #tpu.memory_space<hbm>> -> memref<16xf32, #tpu.memory_space<hbm>>
        %dma_wait3A_20 = tpu.memref_slice %arg4[%mul3A_4] : memref<128xf32, #tpu.memory_space<hbm>> -> memref<16xf32, #tpu.memory_space<hbm>>
        tpu.wait_dma2 semaphore(%run_scoped3A : memref<!tpu.dma_semaphore, #tpu.memory_space<semaphore_mem>>) src(%arg6 : memref<16xf32, #tpu.memory_space<vmem>>) dst(%dma_wait3A_20 : memref<16xf32, #tpu.memory_space<hbm>>)
        tpu.yield
      }) : () -> ()
    } else {
    }
    return
  }
}

module attributes {stable_mosaic.version = 14 : i64} {
  func.func @_count_body(%arg0: i32, %arg1: memref<128xf32, #tpu.memory_space<vmem>>, %arg2: memref<128xi32, #tpu.memory_space<vmem>>, %arg3: memref<128x8192xf32, #tpu.memory_space<vmem>>, %arg4: memref<1x1xf32, #tpu.memory_space<vmem>>, %arg5: memref<128x1xi32, #tpu.memory_space<vmem>>, %arg6: memref<128x1xf32, #tpu.memory_space<vmem>>, %arg7: memref<128x1xi32, #tpu.memory_space<vmem>>) attributes {dimension_semantics = [#tpu.dimension_semantics<arbitrary>], iteration_bounds = array<i64: 4>, scalar_prefetch = 0 : i64, scratch_operands = 3 : i64, tpu.core_type = #tpu.core_type<tc>, window_params = [{pipeline_mode = #tpu.pipeline_mode<synchronous>, transform_indices = @transform_0, window_bounds = array<i64: 128>}, {pipeline_mode = #tpu.pipeline_mode<synchronous>, transform_indices = @transform_1, window_bounds = array<i64: 128>}, {transform_indices = @transform_2, window_bounds = array<i64: 128, 8192>}, {pipeline_mode = #tpu.pipeline_mode<synchronous>, transform_indices = @transform_3, window_bounds = array<i64: 1, 1>}]} {
    %eq3A = arith.constant 0 : i32
    %eq3A_0 = arith.cmpi eq, %arg0, %eq3A : i32
    %convert_element_type3A = arith.extui %eq3A_0 : i1 to i32
    %cond3A = arith.constant 0 : i32
    %cond3A_1 = arith.cmpi ne, %convert_element_type3A, %cond3A : i32
    scf.if %cond3A_1 {
      %broadcast_in_dim3A_29 = arith.constant 0 : i32
      %broadcast_in_dim3A_30 = vector.broadcast %broadcast_in_dim3A_29 : i32 to vector<128x1xi32>
      %swap3A_31 = arith.constant 0 : index
      %swap3A_32 = arith.constant 0 : index
      %swap3A_33 = vector.load %arg5[%swap3A_31, %swap3A_32] : memref<128x1xi32, #tpu.memory_space<vmem>>, vector<128x1xi32>
      tpu.vector_store %arg5[%swap3A_31, %swap3A_32], %broadcast_in_dim3A_30 {strides = array<i32>} : memref<128x1xi32, #tpu.memory_space<vmem>>, vector<128x1xi32>,
      %get3A_34 = arith.constant 0 : index
      %get3A_35 = vector.load %arg1[%get3A_34] : memref<128xf32, #tpu.memory_space<vmem>>, vector<128xf32>
      %reshape3A = vector.shape_cast %get3A_35 : vector<128xf32> to vector<128x1xf32>
      %swap3A_36 = arith.constant 0 : index
      %swap3A_37 = arith.constant 0 : index
      %swap3A_38 = vector.load %arg6[%swap3A_36, %swap3A_37] : memref<128x1xf32, #tpu.memory_space<vmem>>, vector<128x1xf32>
      tpu.vector_store %arg6[%swap3A_36, %swap3A_37], %reshape3A {strides = array<i32>} : memref<128x1xf32, #tpu.memory_space<vmem>>, vector<128x1xf32>,
      %get3A_39 = arith.constant 0 : index
      %get3A_40 = vector.load %arg2[%get3A_39] : memref<128xi32, #tpu.memory_space<vmem>>, vector<128xi32>
      %reshape3A_41 = vector.shape_cast %get3A_40 : vector<128xi32> to vector<128x1xi32>
      %swap3A_42 = arith.constant 0 : index
      %swap3A_43 = arith.constant 0 : index
      %swap3A_44 = vector.load %arg7[%swap3A_42, %swap3A_43] : memref<128x1xi32, #tpu.memory_space<vmem>>, vector<128x1xi32>
      tpu.vector_store %arg7[%swap3A_42, %swap3A_43], %reshape3A_41 {strides = array<i32>} : memref<128x1xi32, #tpu.memory_space<vmem>>, vector<128x1xi32>,
    } else {
    }
    %get3A = arith.constant 0 : index
    %get3A_2 = arith.constant 0 : index
    %get3A_3 = vector.load %arg3[%get3A, %get3A_2] : memref<128x8192xf32, #tpu.memory_space<vmem>>, vector<128x8192xf32>
    %get3A_4 = arith.constant 0 : index
    %get3A_5 = arith.constant 0 : index
    %get3A_6 = vector.load %arg6[%get3A_4, %get3A_5] : memref<128x1xf32, #tpu.memory_space<vmem>>, vector<128x1xf32>
    %get3A_7 = arith.constant 0 : index
    %get3A_8 = arith.constant 0 : index
    %get3A_9 = vector.load %arg7[%get3A_7, %get3A_8] : memref<128x1xi32, #tpu.memory_space<vmem>>, vector<128x1xi32>
    %iota3A = tpu.iota {dimensions = array<i32: 1>} : vector<128x8192xi32>
    %mul3A = arith.constant 8192 : i32
    %mul3A_10 = arith.muli %arg0, %mul3A : i32
    %add3A = vector.broadcast %mul3A_10 : i32 to vector<128x8192xi32>
    %add3A_11 = arith.addi %iota3A, %add3A : vector<128x8192xi32>
    %gt3A = vector.broadcast %get3A_6 : vector<128x1xf32> to vector<128x8192xf32>
    %gt3A_12 = arith.cmpf ogt, %get3A_3, %gt3A : vector<128x8192xf32>
    %eq3A_13 = vector.broadcast %get3A_6 : vector<128x1xf32> to vector<128x8192xf32>
    %eq3A_14 = arith.cmpf oeq, %get3A_3, %eq3A_13 : vector<128x8192xf32>
    %lt3A = vector.broadcast %get3A_9 : vector<128x1xi32> to vector<128x8192xi32>
    %lt3A_15 = arith.cmpi slt, %add3A_11, %lt3A : vector<128x8192xi32>
    %and3A = arith.andi %eq3A_14, %lt3A_15 : vector<128x8192xi1>
    %or3A = arith.ori %gt3A_12, %and3A : vector<128x8192xi1>
    %get3A_16 = arith.constant 0 : index
    %get3A_17 = arith.constant 0 : index
    %get3A_18 = vector.load %arg5[%get3A_16, %get3A_17] : memref<128x1xi32, #tpu.memory_space<vmem>>, vector<128x1xi32>
    %convert_element_type3A_19 = arith.extui %or3A : vector<128x8192xi1> to vector<128x8192xi32>
    %reduce_sum3A = arith.constant dense<0> : vector<128xi32>
    %reduce_sum3A_20 = vector.multi_reduction <add>, %convert_element_type3A_19, %reduce_sum3A [1] : vector<128x8192xi32> to vector<128xi32>
    %broadcast_in_dim3A = vector.shape_cast %reduce_sum3A_20 : vector<128xi32> to vector<128x1xi32>
    %add3A_21 = arith.addi %get3A_18, %broadcast_in_dim3A : vector<128x1xi32>
    %swap3A = arith.constant 0 : index
    %swap3A_22 = arith.constant 0 : index
    %swap3A_23 = vector.load %arg5[%swap3A, %swap3A_22] : memref<128x1xi32, #tpu.memory_space<vmem>>, vector<128x1xi32>
    tpu.vector_store %arg5[%swap3A, %swap3A_22], %add3A_21 {strides = array<i32>} : memref<128x1xi32, #tpu.memory_space<vmem>>, vector<128x1xi32>,
    %eq3A_24 = arith.constant 3 : i32
    %eq3A_25 = arith.cmpi eq, %arg0, %eq3A_24 : i32
    %convert_element_type3A_26 = arith.extui %eq3A_25 : i1 to i32
    %cond3A_27 = arith.constant 0 : i32
    %cond3A_28 = arith.cmpi ne, %convert_element_type3A_26, %cond3A_27 : i32
    scf.if %cond3A_28 {
      %get3A_29 = arith.constant 0 : index
      %get3A_30 = arith.constant 0 : index
      %get3A_31 = vector.load %arg5[%get3A_29, %get3A_30] : memref<128x1xi32, #tpu.memory_space<vmem>>, vector<128x1xi32>
      %lt3A_32 = arith.constant 5 : i32
      %lt3A_33 = vector.broadcast %lt3A_32 : i32 to vector<128x1xi32>
      %lt3A_34 = arith.cmpi slt, %get3A_31, %lt3A_33 : vector<128x1xi32>
      %convert_element_type3A_35 = arith.extui %lt3A_34 : vector<128x1xi1> to vector<128x1xi32>
      %convert_element_type3A_36 = arith.sitofp %convert_element_type3A_35 : vector<128x1xi32> to vector<128x1xf32>
      %reduce_sum3A_37 = vector.shape_cast %convert_element_type3A_36 : vector<128x1xf32> to vector<1x128x1xf32>
      %reduce_sum3A_38 = arith.constant dense<0.000000e+00> : vector<1xf32>
      %reduce_sum3A_39 = vector.multi_reduction <add>, %reduce_sum3A_37, %reduce_sum3A_38 [1, 2] : vector<1x128x1xf32> to vector<1xf32>
      %reduce_sum3A_40 = vector.shape_cast %reduce_sum3A_39 : vector<1xf32> to vector<1x1x1xf32>
      %reduce_sum3A_41 = vector.extract %reduce_sum3A_40[0, 0, 0] : f32 from vector<1x1x1xf32>
      %div3A = arith.constant 1.280000e+02 : f32
      %div3A_42 = arith.divf %reduce_sum3A_41, %div3A : f32
      %reshape3A = vector.broadcast %div3A_42 : f32 to vector<1x1xf32>
      %swap3A_43 = arith.constant 0 : index
      %swap3A_44 = arith.constant 0 : index
      %swap3A_45 = vector.load %arg4[%swap3A_43, %swap3A_44] : memref<1x1xf32, #tpu.memory_space<vmem>>, vector<1x1xf32>
      tpu.vector_store %arg4[%swap3A_43, %swap3A_44], %reshape3A {strides = array<i32>} : memref<1x1xf32, #tpu.memory_space<vmem>>, vector<1x1xf32>,
    } else {
    }
    return
  }
  func.func @transform_0(%arg0: i32) -> i32 {
    %c0_i32 = arith.constant 0 : i32
    %c0_i32_0 = arith.constant 0 : i32
    return %c0_i32 : i32
  }
  func.func @transform_1(%arg0: i32) -> i32 {
    %c0_i32 = arith.constant 0 : i32
    %c0_i32_0 = arith.constant 0 : i32
    return %c0_i32 : i32
  }
  func.func @transform_2(%arg0: i32) -> (i32, i32) {
    %c0_i32 = arith.constant 0 : i32
    %c0_i32_0 = arith.constant 0 : i32
    return %c0_i32, %arg0 : i32, i32
  }
  func.func @transform_3(%arg0: i32) -> (i32, i32) {
    %c0_i32 = arith.constant 0 : i32
    %c0_i32_0 = arith.constant 0 : i32
    %c0_i32_1 = arith.constant 0 : i32
    return %c0_i32, %c0_i32_0 : i32, i32
  }
}

module attributes {stable_mosaic.version = 14 : i64} {
  func.func @_extract_body(%arg0: i32, %arg1: memref<128xi32, #tpu.memory_space<smem>>, %arg2: memref<8x128xf32, #tpu.memory_space<vmem>>, %arg3: memref<8x128xf32, #tpu.memory_space<vmem>>, %arg4: memref<8x128xf32, #tpu.memory_space<vmem>>, %arg5: memref<8x128xf32, #tpu.memory_space<vmem>>, %arg6: memref<8x128xf32, #tpu.memory_space<vmem>>, %arg7: memref<8x128xf32, #tpu.memory_space<vmem>>, %arg8: memref<8x128xf32, #tpu.memory_space<vmem>>, %arg9: memref<8x128xf32, #tpu.memory_space<vmem>>, %arg10: memref<8x128xf32, #tpu.memory_space<vmem>>, %arg11: memref<8x128xf32, #tpu.memory_space<vmem>>, %arg12: memref<8x128xf32, #tpu.memory_space<vmem>>, %arg13: memref<8x128xf32, #tpu.memory_space<vmem>>, %arg14: memref<8x128xf32, #tpu.memory_space<vmem>>, %arg15: memref<8x128xf32, #tpu.memory_space<vmem>>, %arg16: memref<8x128xf32, #tpu.memory_space<vmem>>, %arg17: memref<8x128xf32, #tpu.memory_space<vmem>>, %arg18: memref<8x128xf32, #tpu.memory_space<vmem>>, %arg19: memref<8x128xf32, #tpu.memory_space<vmem>>, %arg20: memref<8x128xf32, #tpu.memory_space<vmem>>, %arg21: memref<8x128xf32, #tpu.memory_space<vmem>>, %arg22: memref<8x128xf32, #tpu.memory_space<vmem>>, %arg23: memref<8x128xf32, #tpu.memory_space<vmem>>, %arg24: memref<8x128xf32, #tpu.memory_space<vmem>>, %arg25: memref<8x128xf32, #tpu.memory_space<vmem>>, %arg26: memref<8x128xf32, #tpu.memory_space<vmem>>, %arg27: memref<8x128xf32, #tpu.memory_space<vmem>>, %arg28: memref<8x128xf32, #tpu.memory_space<vmem>>, %arg29: memref<8x128xf32, #tpu.memory_space<vmem>>, %arg30: memref<8x128xf32, #tpu.memory_space<vmem>>, %arg31: memref<8x128xf32, #tpu.memory_space<vmem>>, %arg32: memref<8x128xf32, #tpu.memory_space<vmem>>, %arg33: memref<8x128xf32, #tpu.memory_space<vmem>>, %arg34: memref<8x128xf32, #tpu.memory_space<vmem>>, %arg35: memref<8x128xf32, #tpu.memory_space<vmem>>, %arg36: memref<8x128xf32, #tpu.memory_space<vmem>>, %arg37: memref<8x128xf32, #tpu.memory_space<vmem>>, %arg38: memref<8x128xf32, #tpu.memory_space<vmem>>, %arg39: memref<8x128xf32, #tpu.memory_space<vmem>>, %arg40: memref<8x128xf32, #tpu.memory_space<vmem>>, %arg41: memref<8x128xf32, #tpu.memory_space<vmem>>, %arg42: memref<8x128xf32, #tpu.memory_space<vmem>>, %arg43: memref<8x128xf32, #tpu.memory_space<vmem>>, %arg44: memref<8x128xf32, #tpu.memory_space<vmem>>, %arg45: memref<8x128xf32, #tpu.memory_space<vmem>>, %arg46: memref<8x128xf32, #tpu.memory_space<vmem>>, %arg47: memref<8x128xf32, #tpu.memory_space<vmem>>, %arg48: memref<8x128xf32, #tpu.memory_space<vmem>>, %arg49: memref<8x128xf32, #tpu.memory_space<vmem>>, %arg50: memref<8x128xf32, #tpu.memory_space<vmem>>, %arg51: memref<8x128xf32, #tpu.memory_space<vmem>>, %arg52: memref<8x128xf32, #tpu.memory_space<vmem>>, %arg53: memref<8x128xf32, #tpu.memory_space<vmem>>, %arg54: memref<8x128xf32, #tpu.memory_space<vmem>>, %arg55: memref<8x128xf32, #tpu.memory_space<vmem>>, %arg56: memref<8x128xf32, #tpu.memory_space<vmem>>, %arg57: memref<8x128xf32, #tpu.memory_space<vmem>>, %arg58: memref<8x128xf32, #tpu.memory_space<vmem>>, %arg59: memref<8x128xf32, #tpu.memory_space<vmem>>, %arg60: memref<8x128xf32, #tpu.memory_space<vmem>>, %arg61: memref<8x128xf32, #tpu.memory_space<vmem>>, %arg62: memref<8x128xf32, #tpu.memory_space<vmem>>, %arg63: memref<8x128xf32, #tpu.memory_space<vmem>>, %arg64: memref<8x128xf32, #tpu.memory_space<vmem>>, %arg65: memref<8x128xf32, #tpu.memory_space<vmem>>, %arg66: memref<8x128xf32, #tpu.memory_space<vmem>>, %arg67: memref<8x128xf32, #tpu.memory_space<vmem>>, %arg68: memref<8x128xf32, #tpu.memory_space<vmem>>, %arg69: memref<8x128xf32, #tpu.memory_space<vmem>>, %arg70: memref<8x128xf32, #tpu.memory_space<vmem>>, %arg71: memref<8x128xf32, #tpu.memory_space<vmem>>, %arg72: memref<8x128xf32, #tpu.memory_space<vmem>>, %arg73: memref<8x128xf32, #tpu.memory_space<vmem>>, %arg74: memref<8x128xf32, #tpu.memory_space<vmem>>, %arg75: memref<8x128xf32, #tpu.memory_space<vmem>>, %arg76: memref<8x128xf32, #tpu.memory_space<vmem>>, %arg77: memref<8x128xf32, #tpu.memory_space<vmem>>, %arg78: memref<8x128xf32, #tpu.memory_space<vmem>>, %arg79: memref<8x128xf32, #tpu.memory_space<vmem>>, %arg80: memref<8x128xf32, #tpu.memory_space<vmem>>, %arg81: memref<8x128xf32, #tpu.memory_space<vmem>>, %arg82: memref<8x128xf32, #tpu.memory_space<vmem>>, %arg83: memref<8x128xf32, #tpu.memory_space<vmem>>, %arg84: memref<8x128xf32, #tpu.memory_space<vmem>>, %arg85: memref<8x128xf32, #tpu.memory_space<vmem>>, %arg86: memref<8x128xf32, #tpu.memory_space<vmem>>, %arg87: memref<8x128xf32, #tpu.memory_space<vmem>>, %arg88: memref<8x128xf32, #tpu.memory_space<vmem>>, %arg89: memref<8x128xf32, #tpu.memory_space<vmem>>, %arg90: memref<8x128xf32, #tpu.memory_space<vmem>>, %arg91: memref<8x128xf32, #tpu.memory_space<vmem>>, %arg92: memref<8x128xf32, #tpu.memory_space<vmem>>, %arg93: memref<8x128xf32, #tpu.memory_space<vmem>>, %arg94: memref<8x128xf32, #tpu.memory_space<vmem>>, %arg95: memref<8x128xf32, #tpu.memory_space<vmem>>, %arg96: memref<8x128xf32, #tpu.memory_space<vmem>>, %arg97: memref<8x128xf32, #tpu.memory_space<vmem>>, %arg98: memref<8x128xf32, #tpu.memory_space<vmem>>, %arg99: memref<8x128xf32, #tpu.memory_space<vmem>>, %arg100: memref<8x128xf32, #tpu.memory_space<vmem>>, %arg101: memref<8x128xf32, #tpu.memory_space<vmem>>, %arg102: memref<8x128xf32, #tpu.memory_space<vmem>>, %arg103: memref<8x128xf32, #tpu.memory_space<vmem>>, %arg104: memref<8x128xf32, #tpu.memory_space<vmem>>, %arg105: memref<8x128xf32, #tpu.memory_space<vmem>>, %arg106: memref<8x128xf32, #tpu.memory_space<vmem>>, %arg107: memref<8x128xf32, #tpu.memory_space<vmem>>, %arg108: memref<8x128xf32, #tpu.memory_space<vmem>>, %arg109: memref<8x128xf32, #tpu.memory_space<vmem>>, %arg110: memref<8x128xf32, #tpu.memory_space<vmem>>, %arg111: memref<8x128xf32, #tpu.memory_space<vmem>>, %arg112: memref<8x128xf32, #tpu.memory_space<vmem>>, %arg113: memref<8x128xf32, #tpu.memory_space<vmem>>, %arg114: memref<8x128xf32, #tpu.memory_space<vmem>>, %arg115: memref<8x128xf32, #tpu.memory_space<vmem>>, %arg116: memref<8x128xf32, #tpu.memory_space<vmem>>, %arg117: memref<8x128xf32, #tpu.memory_space<vmem>>, %arg118: memref<8x128xf32, #tpu.memory_space<vmem>>, %arg119: memref<8x128xf32, #tpu.memory_space<vmem>>, %arg120: memref<8x128xf32, #tpu.memory_space<vmem>>, %arg121: memref<8x128xf32, #tpu.memory_space<vmem>>, %arg122: memref<8x128xf32, #tpu.memory_space<vmem>>, %arg123: memref<8x128xf32, #tpu.memory_space<vmem>>, %arg124: memref<8x128xf32, #tpu.memory_space<vmem>>, %arg125: memref<8x128xf32, #tpu.memory_space<vmem>>, %arg126: memref<8x128xf32, #tpu.memory_space<vmem>>, %arg127: memref<8x128xf32, #tpu.memory_space<vmem>>, %arg128: memref<8x128xf32, #tpu.memory_space<vmem>>, %arg129: memref<8x128xf32, #tpu.memory_space<vmem>>, %arg130: memref<16384xf32, #tpu.memory_space<vmem>>) attributes {dimension_semantics = [#tpu.dimension_semantics<arbitrary>], iteration_bounds = array<i64: 1>, scalar_prefetch = 1 : i64, scratch_operands = 0 : i64, tpu.core_type = #tpu.core_type<tc>, window_params = [{transform_indices = @transform_0, window_bounds = array<i64: 8, 128>}, {transform_indices = @transform_1, window_bounds = array<i64: 8, 128>}, {transform_indices = @transform_2, window_bounds = array<i64: 8, 128>}, {transform_indices = @transform_3, window_bounds = array<i64: 8, 128>}, {transform_indices = @transform_4, window_bounds = array<i64: 8, 128>}, {transform_indices = @transform_5, window_bounds = array<i64: 8, 128>}, {transform_indices = @transform_6, window_bounds = array<i64: 8, 128>}, {transform_indices = @transform_7, window_bounds = array<i64: 8, 128>}, {transform_indices = @transform_8, window_bounds = array<i64: 8, 128>}, {transform_indices = @transform_9, window_bounds = array<i64: 8, 128>}, {transform_indices = @transform_10, window_bounds = array<i64: 8, 128>}, {transform_indices = @transform_11, window_bounds = array<i64: 8, 128>}, {transform_indices = @transform_12, window_bounds = array<i64: 8, 128>}, {transform_indices = @transform_13, window_bounds = array<i64: 8, 128>}, {transform_indices = @transform_14, window_bounds = array<i64: 8, 128>}, {transform_indices = @transform_15, window_bounds = array<i64: 8, 128>}, {transform_indices = @transform_16, window_bounds = array<i64: 8, 128>}, {transform_indices = @transform_17, window_bounds = array<i64: 8, 128>}, {transform_indices = @transform_18, window_bounds = array<i64: 8, 128>}, {transform_indices = @transform_19, window_bounds = array<i64: 8, 128>}, {transform_indices = @transform_20, window_bounds = array<i64: 8, 128>}, {transform_indices = @transform_21, window_bounds = array<i64: 8, 128>}, {transform_indices = @transform_22, window_bounds = array<i64: 8, 128>}, {transform_indices = @transform_23, window_bounds = array<i64: 8, 128>}, {transform_indices = @transform_24, window_bounds = array<i64: 8, 128>}, {transform_indices = @transform_25, window_bounds = array<i64: 8, 128>}, {transform_indices = @transform_26, window_bounds = array<i64: 8, 128>}, {transform_indices = @transform_27, window_bounds = array<i64: 8, 128>}, {transform_indices = @transform_28, window_bounds = array<i64: 8, 128>}, {transform_indices = @transform_29, window_bounds = array<i64: 8, 128>}, {transform_indices = @transform_30, window_bounds = array<i64: 8, 128>}, {transform_indices = @transform_31, window_bounds = array<i64: 8, 128>}, {transform_indices = @transform_32, window_bounds = array<i64: 8, 128>}, {transform_indices = @transform_33, window_bounds = array<i64: 8, 128>}, {transform_indices = @transform_34, window_bounds = array<i64: 8, 128>}, {transform_indices = @transform_35, window_bounds = array<i64: 8, 128>}, {transform_indices = @transform_36, window_bounds = array<i64: 8, 128>}, {transform_indices = @transform_37, window_bounds = array<i64: 8, 128>}, {transform_indices = @transform_38, window_bounds = array<i64: 8, 128>}, {transform_indices = @transform_39, window_bounds = array<i64: 8, 128>}, {transform_indices = @transform_40, window_bounds = array<i64: 8, 128>}, {transform_indices = @transform_41, window_bounds = array<i64: 8, 128>}, {transform_indices = @transform_42, window_bounds = array<i64: 8, 128>}, {transform_indices = @transform_43, window_bounds = array<i64: 8, 128>}, {transform_indices = @transform_44, window_bounds = array<i64: 8, 128>}, {transform_indices = @transform_45, window_bounds = array<i64: 8, 128>}, {transform_indices = @transform_46, window_bounds = array<i64: 8, 128>}, {transform_indices = @transform_47, window_bounds = array<i64: 8, 128>}, {transform_indices = @transform_48, window_bounds = array<i64: 8, 128>}, {transform_indices = @transform_49, window_bounds = array<i64: 8, 128>}, {transform_indices = @transform_50, window_bounds = array<i64: 8, 128>}, {transform_indices = @transform_51, window_bounds = array<i64: 8, 128>}, {transform_indices = @transform_52, window_bounds = array<i64: 8, 128>}, {transform_indices = @transform_53, window_bounds = array<i64: 8, 128>}, {transform_indices = @transform_54, window_bounds = array<i64: 8, 128>}, {transform_indices = @transform_55, window_bounds = array<i64: 8, 128>}, {transform_indices = @transform_56, window_bounds = array<i64: 8, 128>}, {transform_indices = @transform_57, window_bounds = array<i64: 8, 128>}, {transform_indices = @transform_58, window_bounds = array<i64: 8, 128>}, {transform_indices = @transform_59, window_bounds = array<i64: 8, 128>}, {transform_indices = @transform_60, window_bounds = array<i64: 8, 128>}, {transform_indices = @transform_61, window_bounds = array<i64: 8, 128>}, {transform_indices = @transform_62, window_bounds = array<i64: 8, 128>}, {transform_indices = @transform_63, window_bounds = array<i64: 8, 128>}, {transform_indices = @transform_64, window_bounds = array<i64: 8, 128>}, {transform_indices = @transform_65, window_bounds = array<i64: 8, 128>}, {transform_indices = @transform_66, window_bounds = array<i64: 8, 128>}, {transform_indices = @transform_67, window_bounds = array<i64: 8, 128>}, {transform_indices = @transform_68, window_bounds = array<i64: 8, 128>}, {transform_indices = @transform_69, window_bounds = array<i64: 8, 128>}, {transform_indices = @transform_70, window_bounds = array<i64: 8, 128>}, {transform_indices = @transform_71, window_bounds = array<i64: 8, 128>}, {transform_indices = @transform_72, window_bounds = array<i64: 8, 128>}, {transform_indices = @transform_73, window_bounds = array<i64: 8, 128>}, {transform_indices = @transform_74, window_bounds = array<i64: 8, 128>}, {transform_indices = @transform_75, window_bounds = array<i64: 8, 128>}, {transform_indices = @transform_76, window_bounds = array<i64: 8, 128>}, {transform_indices = @transform_77, window_bounds = array<i64: 8, 128>}, {transform_indices = @transform_78, window_bounds = array<i64: 8, 128>}, {transform_indices = @transform_79, window_bounds = array<i64: 8, 128>}, {transform_indices = @transform_80, window_bounds = array<i64: 8, 128>}, {transform_indices = @transform_81, window_bounds = array<i64: 8, 128>}, {transform_indices = @transform_82, window_bounds = array<i64: 8, 128>}, {transform_indices = @transform_83, window_bounds = array<i64: 8, 128>}, {transform_indices = @transform_84, window_bounds = array<i64: 8, 128>}, {transform_indices = @transform_85, window_bounds = array<i64: 8, 128>}, {transform_indices = @transform_86, window_bounds = array<i64: 8, 128>}, {transform_indices = @transform_87, window_bounds = array<i64: 8, 128>}, {transform_indices = @transform_88, window_bounds = array<i64: 8, 128>}, {transform_indices = @transform_89, window_bounds = array<i64: 8, 128>}, {transform_indices = @transform_90, window_bounds = array<i64: 8, 128>}, {transform_indices = @transform_91, window_bounds = array<i64: 8, 128>}, {transform_indices = @transform_92, window_bounds = array<i64: 8, 128>}, {transform_indices = @transform_93, window_bounds = array<i64: 8, 128>}, {transform_indices = @transform_94, window_bounds = array<i64: 8, 128>}, {transform_indices = @transform_95, window_bounds = array<i64: 8, 128>}, {transform_indices = @transform_96, window_bounds = array<i64: 8, 128>}, {transform_indices = @transform_97, window_bounds = array<i64: 8, 128>}, {transform_indices = @transform_98, window_bounds = array<i64: 8, 128>}, {transform_indices = @transform_99, window_bounds = array<i64: 8, 128>}, {transform_indices = @transform_100, window_bounds = array<i64: 8, 128>}, {transform_indices = @transform_101, window_bounds = array<i64: 8, 128>}, {transform_indices = @transform_102, window_bounds = array<i64: 8, 128>}, {transform_indices = @transform_103, window_bounds = array<i64: 8, 128>}, {transform_indices = @transform_104, window_bounds = array<i64: 8, 128>}, {transform_indices = @transform_105, window_bounds = array<i64: 8, 128>}, {transform_indices = @transform_106, window_bounds = array<i64: 8, 128>}, {transform_indices = @transform_107, window_bounds = array<i64: 8, 128>}, {transform_indices = @transform_108, window_bounds = array<i64: 8, 128>}, {transform_indices = @transform_109, window_bounds = array<i64: 8, 128>}, {transform_indices = @transform_110, window_bounds = array<i64: 8, 128>}, {transform_indices = @transform_111, window_bounds = array<i64: 8, 128>}, {transform_indices = @transform_112, window_bounds = array<i64: 8, 128>}, {transform_indices = @transform_113, window_bounds = array<i64: 8, 128>}, {transform_indices = @transform_114, window_bounds = array<i64: 8, 128>}, {transform_indices = @transform_115, window_bounds = array<i64: 8, 128>}, {transform_indices = @transform_116, window_bounds = array<i64: 8, 128>}, {transform_indices = @transform_117, window_bounds = array<i64: 8, 128>}, {transform_indices = @transform_118, window_bounds = array<i64: 8, 128>}, {transform_indices = @transform_119, window_bounds = array<i64: 8, 128>}, {transform_indices = @transform_120, window_bounds = array<i64: 8, 128>}, {transform_indices = @transform_121, window_bounds = array<i64: 8, 128>}, {transform_indices = @transform_122, window_bounds = array<i64: 8, 128>}, {transform_indices = @transform_123, window_bounds = array<i64: 8, 128>}, {transform_indices = @transform_124, window_bounds = array<i64: 8, 128>}, {transform_indices = @transform_125, window_bounds = array<i64: 8, 128>}, {transform_indices = @transform_126, window_bounds = array<i64: 8, 128>}, {transform_indices = @transform_127, window_bounds = array<i64: 8, 128>}, {transform_indices = @transform_128, window_bounds = array<i64: 16384>}]} {
    %get3A = arith.constant 0 : index
    %get3A_0 = arith.constant 0 : index
    %get3A_1 = vector.load %arg2[%get3A, %get3A_0] : memref<8x128xf32, #tpu.memory_space<vmem>>, vector<1x128xf32>
    %reshape3A = vector.shape_cast %get3A_1 : vector<1x128xf32> to vector<128xf32>
    %swap3A = arith.constant 0 : index
    %swap3A_2 = vector.load %arg130[%swap3A] : memref<16384xf32, #tpu.memory_space<vmem>>, vector<128xf32>
    tpu.vector_store %arg130[%swap3A], %reshape3A {strides = array<i32>} : memref<16384xf32, #tpu.memory_space<vmem>>, vector<128xf32>,
    %get3A_3 = arith.constant 1 : index
    %get3A_4 = arith.constant 0 : index
    %get3A_5 = vector.load %arg3[%get3A_3, %get3A_4] : memref<8x128xf32, #tpu.memory_space<vmem>>, vector<1x128xf32>
    %reshape3A_6 = vector.shape_cast %get3A_5 : vector<1x128xf32> to vector<128xf32>
    %swap3A_7 = arith.constant 128 : index
    %swap3A_8 = vector.load %arg130[%swap3A_7] : memref<16384xf32, #tpu.memory_space<vmem>>, vector<128xf32>
    tpu.vector_store %arg130[%swap3A_7], %reshape3A_6 {strides = array<i32>} : memref<16384xf32, #tpu.memory_space<vmem>>, vector<128xf32>,
    %get3A_9 = arith.constant 2 : index
    %get3A_10 = arith.constant 0 : index
    %get3A_11 = vector.load %arg4[%get3A_9, %get3A_10] : memref<8x128xf32, #tpu.memory_space<vmem>>, vector<1x128xf32>
    %reshape3A_12 = vector.shape_cast %get3A_11 : vector<1x128xf32> to vector<128xf32>
    %swap3A_13 = arith.constant 256 : index
    %swap3A_14 = vector.load %arg130[%swap3A_13] : memref<16384xf32, #tpu.memory_space<vmem>>, vector<128xf32>
    tpu.vector_store %arg130[%swap3A_13], %reshape3A_12 {strides = array<i32>} : memref<16384xf32, #tpu.memory_space<vmem>>, vector<128xf32>,
    %get3A_15 = arith.constant 3 : index
    %get3A_16 = arith.constant 0 : index
    %get3A_17 = vector.load %arg5[%get3A_15, %get3A_16] : memref<8x128xf32, #tpu.memory_space<vmem>>, vector<1x128xf32>
    %reshape3A_18 = vector.shape_cast %get3A_17 : vector<1x128xf32> to vector<128xf32>
    %swap3A_19 = arith.constant 384 : index
    %swap3A_20 = vector.load %arg130[%swap3A_19] : memref<16384xf32, #tpu.memory_space<vmem>>, vector<128xf32>
    tpu.vector_store %arg130[%swap3A_19], %reshape3A_18 {strides = array<i32>} : memref<16384xf32, #tpu.memory_space<vmem>>, vector<128xf32>,
    %get3A_21 = arith.constant 4 : index
    %get3A_22 = arith.constant 0 : index
    %get3A_23 = vector.load %arg6[%get3A_21, %get3A_22] : memref<8x128xf32, #tpu.memory_space<vmem>>, vector<1x128xf32>
    %reshape3A_24 = vector.shape_cast %get3A_23 : vector<1x128xf32> to vector<128xf32>
    %swap3A_25 = arith.constant 512 : index
    %swap3A_26 = vector.load %arg130[%swap3A_25] : memref<16384xf32, #tpu.memory_space<vmem>>, vector<128xf32>
    tpu.vector_store %arg130[%swap3A_25], %reshape3A_24 {strides = array<i32>} : memref<16384xf32, #tpu.memory_space<vmem>>, vector<128xf32>,
    %get3A_27 = arith.constant 5 : index
    %get3A_28 = arith.constant 0 : index
    %get3A_29 = vector.load %arg7[%get3A_27, %get3A_28] : memref<8x128xf32, #tpu.memory_space<vmem>>, vector<1x128xf32>
    %reshape3A_30 = vector.shape_cast %get3A_29 : vector<1x128xf32> to vector<128xf32>
    %swap3A_31 = arith.constant 640 : index
    %swap3A_32 = vector.load %arg130[%swap3A_31] : memref<16384xf32, #tpu.memory_space<vmem>>, vector<128xf32>
    tpu.vector_store %arg130[%swap3A_31], %reshape3A_30 {strides = array<i32>} : memref<16384xf32, #tpu.memory_space<vmem>>, vector<128xf32>,
    %get3A_33 = arith.constant 6 : index
    %get3A_34 = arith.constant 0 : index
    %get3A_35 = vector.load %arg8[%get3A_33, %get3A_34] : memref<8x128xf32, #tpu.memory_space<vmem>>, vector<1x128xf32>
    %reshape3A_36 = vector.shape_cast %get3A_35 : vector<1x128xf32> to vector<128xf32>
    %swap3A_37 = arith.constant 768 : index
    %swap3A_38 = vector.load %arg130[%swap3A_37] : memref<16384xf32, #tpu.memory_space<vmem>>, vector<128xf32>
    tpu.vector_store %arg130[%swap3A_37], %reshape3A_36 {strides = array<i32>} : memref<16384xf32, #tpu.memory_space<vmem>>, vector<128xf32>,
    %get3A_39 = arith.constant 7 : index
    %get3A_40 = arith.constant 0 : index
    %get3A_41 = vector.load %arg9[%get3A_39, %get3A_40] : memref<8x128xf32, #tpu.memory_space<vmem>>, vector<1x128xf32>
    %reshape3A_42 = vector.shape_cast %get3A_41 : vector<1x128xf32> to vector<128xf32>
    %swap3A_43 = arith.constant 896 : index
    %swap3A_44 = vector.load %arg130[%swap3A_43] : memref<16384xf32, #tpu.memory_space<vmem>>, vector<128xf32>
    tpu.vector_store %arg130[%swap3A_43], %reshape3A_42 {strides = array<i32>} : memref<16384xf32, #tpu.memory_space<vmem>>, vector<128xf32>,
    %get3A_45 = arith.constant 0 : index
    %get3A_46 = arith.constant 0 : index
    %get3A_47 = vector.load %arg10[%get3A_45, %get3A_46] : memref<8x128xf32, #tpu.memory_space<vmem>>, vector<1x128xf32>
    %reshape3A_48 = vector.shape_cast %get3A_47 : vector<1x128xf32> to vector<128xf32>
    %swap3A_49 = arith.constant 1024 : index
    %swap3A_50 = vector.load %arg130[%swap3A_49] : memref<16384xf32, #tpu.memory_space<vmem>>, vector<128xf32>
    tpu.vector_store %arg130[%swap3A_49], %reshape3A_48 {strides = array<i32>} : memref<16384xf32, #tpu.memory_space<vmem>>, vector<128xf32>,
    %get3A_51 = arith.constant 1 : index
    %get3A_52 = arith.constant 0 : index
    %get3A_53 = vector.load %arg11[%get3A_51, %get3A_52] : memref<8x128xf32, #tpu.memory_space<vmem>>, vector<1x128xf32>
    %reshape3A_54 = vector.shape_cast %get3A_53 : vector<1x128xf32> to vector<128xf32>
    %swap3A_55 = arith.constant 1152 : index
    %swap3A_56 = vector.load %arg130[%swap3A_55] : memref<16384xf32, #tpu.memory_space<vmem>>, vector<128xf32>
    tpu.vector_store %arg130[%swap3A_55], %reshape3A_54 {strides = array<i32>} : memref<16384xf32, #tpu.memory_space<vmem>>, vector<128xf32>,
    %get3A_57 = arith.constant 2 : index
    %get3A_58 = arith.constant 0 : index
    %get3A_59 = vector.load %arg12[%get3A_57, %get3A_58] : memref<8x128xf32, #tpu.memory_space<vmem>>, vector<1x128xf32>
    %reshape3A_60 = vector.shape_cast %get3A_59 : vector<1x128xf32> to vector<128xf32>
    %swap3A_61 = arith.constant 1280 : index
    %swap3A_62 = vector.load %arg130[%swap3A_61] : memref<16384xf32, #tpu.memory_space<vmem>>, vector<128xf32>
    tpu.vector_store %arg130[%swap3A_61], %reshape3A_60 {strides = array<i32>} : memref<16384xf32, #tpu.memory_space<vmem>>, vector<128xf32>,
    %get3A_63 = arith.constant 3 : index
    %get3A_64 = arith.constant 0 : index
    %get3A_65 = vector.load %arg13[%get3A_63, %get3A_64] : memref<8x128xf32, #tpu.memory_space<vmem>>, vector<1x128xf32>
    %reshape3A_66 = vector.shape_cast %get3A_65 : vector<1x128xf32> to vector<128xf32>
    %swap3A_67 = arith.constant 1408 : index
    %swap3A_68 = vector.load %arg130[%swap3A_67] : memref<16384xf32, #tpu.memory_space<vmem>>, vector<128xf32>
    tpu.vector_store %arg130[%swap3A_67], %reshape3A_66 {strides = array<i32>} : memref<16384xf32, #tpu.memory_space<vmem>>, vector<128xf32>,
    %get3A_69 = arith.constant 4 : index
    %get3A_70 = arith.constant 0 : index
    %get3A_71 = vector.load %arg14[%get3A_69, %get3A_70] : memref<8x128xf32, #tpu.memory_space<vmem>>, vector<1x128xf32>
    %reshape3A_72 = vector.shape_cast %get3A_71 : vector<1x128xf32> to vector<128xf32>
    %swap3A_73 = arith.constant 1536 : index
    %swap3A_74 = vector.load %arg130[%swap3A_73] : memref<16384xf32, #tpu.memory_space<vmem>>, vector<128xf32>
    tpu.vector_store %arg130[%swap3A_73], %reshape3A_72 {strides = array<i32>} : memref<16384xf32, #tpu.memory_space<vmem>>, vector<128xf32>,
    %get3A_75 = arith.constant 5 : index
    %get3A_76 = arith.constant 0 : index
    %get3A_77 = vector.load %arg15[%get3A_75, %get3A_76] : memref<8x128xf32, #tpu.memory_space<vmem>>, vector<1x128xf32>
    %reshape3A_78 = vector.shape_cast %get3A_77 : vector<1x128xf32> to vector<128xf32>
    %swap3A_79 = arith.constant 1664 : index
    %swap3A_80 = vector.load %arg130[%swap3A_79] : memref<16384xf32, #tpu.memory_space<vmem>>, vector<128xf32>
    tpu.vector_store %arg130[%swap3A_79], %reshape3A_78 {strides = array<i32>} : memref<16384xf32, #tpu.memory_space<vmem>>, vector<128xf32>,
    %get3A_81 = arith.constant 6 : index
    %get3A_82 = arith.constant 0 : index
    %get3A_83 = vector.load %arg16[%get3A_81, %get3A_82] : memref<8x128xf32, #tpu.memory_space<vmem>>, vector<1x128xf32>
    %reshape3A_84 = vector.shape_cast %get3A_83 : vector<1x128xf32> to vector<128xf32>
    %swap3A_85 = arith.constant 1792 : index
    %swap3A_86 = vector.load %arg130[%swap3A_85] : memref<16384xf32, #tpu.memory_space<vmem>>, vector<128xf32>
    tpu.vector_store %arg130[%swap3A_85], %reshape3A_84 {strides = array<i32>} : memref<16384xf32, #tpu.memory_space<vmem>>, vector<128xf32>,
    %get3A_87 = arith.constant 7 : index
    %get3A_88 = arith.constant 0 : index
    %get3A_89 = vector.load %arg17[%get3A_87, %get3A_88] : memref<8x128xf32, #tpu.memory_space<vmem>>, vector<1x128xf32>
    %reshape3A_90 = vector.shape_cast %get3A_89 : vector<1x128xf32> to vector<128xf32>
    %swap3A_91 = arith.constant 1920 : index
    %swap3A_92 = vector.load %arg130[%swap3A_91] : memref<16384xf32, #tpu.memory_space<vmem>>, vector<128xf32>
    tpu.vector_store %arg130[%swap3A_91], %reshape3A_90 {strides = array<i32>} : memref<16384xf32, #tpu.memory_space<vmem>>, vector<128xf32>,
    %get3A_93 = arith.constant 0 : index
    %get3A_94 = arith.constant 0 : index
    %get3A_95 = vector.load %arg18[%get3A_93, %get3A_94] : memref<8x128xf32, #tpu.memory_space<vmem>>, vector<1x128xf32>
    %reshape3A_96 = vector.shape_cast %get3A_95 : vector<1x128xf32> to vector<128xf32>
    %swap3A_97 = arith.constant 2048 : index
    %swap3A_98 = vector.load %arg130[%swap3A_97] : memref<16384xf32, #tpu.memory_space<vmem>>, vector<128xf32>
    tpu.vector_store %arg130[%swap3A_97], %reshape3A_96 {strides = array<i32>} : memref<16384xf32, #tpu.memory_space<vmem>>, vector<128xf32>,
    %get3A_99 = arith.constant 1 : index
    %get3A_100 = arith.constant 0 : index
    %get3A_101 = vector.load %arg19[%get3A_99, %get3A_100] : memref<8x128xf32, #tpu.memory_space<vmem>>, vector<1x128xf32>
    %reshape3A_102 = vector.shape_cast %get3A_101 : vector<1x128xf32> to vector<128xf32>
    %swap3A_103 = arith.constant 2176 : index
    %swap3A_104 = vector.load %arg130[%swap3A_103] : memref<16384xf32, #tpu.memory_space<vmem>>, vector<128xf32>
    tpu.vector_store %arg130[%swap3A_103], %reshape3A_102 {strides = array<i32>} : memref<16384xf32, #tpu.memory_space<vmem>>, vector<128xf32>,
    %get3A_105 = arith.constant 2 : index
    %get3A_106 = arith.constant 0 : index
    %get3A_107 = vector.load %arg20[%get3A_105, %get3A_106] : memref<8x128xf32, #tpu.memory_space<vmem>>, vector<1x128xf32>
    %reshape3A_108 = vector.shape_cast %get3A_107 : vector<1x128xf32> to vector<128xf32>
    %swap3A_109 = arith.constant 2304 : index
    %swap3A_110 = vector.load %arg130[%swap3A_109] : memref<16384xf32, #tpu.memory_space<vmem>>, vector<128xf32>
    tpu.vector_store %arg130[%swap3A_109], %reshape3A_108 {strides = array<i32>} : memref<16384xf32, #tpu.memory_space<vmem>>, vector<128xf32>,
    %get3A_111 = arith.constant 3 : index
    %get3A_112 = arith.constant 0 : index
    %get3A_113 = vector.load %arg21[%get3A_111, %get3A_112] : memref<8x128xf32, #tpu.memory_space<vmem>>, vector<1x128xf32>
    %reshape3A_114 = vector.shape_cast %get3A_113 : vector<1x128xf32> to vector<128xf32>
    %swap3A_115 = arith.constant 2432 : index
    %swap3A_116 = vector.load %arg130[%swap3A_115] : memref<16384xf32, #tpu.memory_space<vmem>>, vector<128xf32>
    tpu.vector_store %arg130[%swap3A_115], %reshape3A_114 {strides = array<i32>} : memref<16384xf32, #tpu.memory_space<vmem>>, vector<128xf32>,
    %get3A_117 = arith.constant 4 : index
    %get3A_118 = arith.constant 0 : index
    %get3A_119 = vector.load %arg22[%get3A_117, %get3A_118] : memref<8x128xf32, #tpu.memory_space<vmem>>, vector<1x128xf32>
    %reshape3A_120 = vector.shape_cast %get3A_119 : vector<1x128xf32> to vector<128xf32>
    %swap3A_121 = arith.constant 2560 : index
    %swap3A_122 = vector.load %arg130[%swap3A_121] : memref<16384xf32, #tpu.memory_space<vmem>>, vector<128xf32>
    tpu.vector_store %arg130[%swap3A_121], %reshape3A_120 {strides = array<i32>} : memref<16384xf32, #tpu.memory_space<vmem>>, vector<128xf32>,
    %get3A_123 = arith.constant 5 : index
    %get3A_124 = arith.constant 0 : index
    %get3A_125 = vector.load %arg23[%get3A_123, %get3A_124] : memref<8x128xf32, #tpu.memory_space<vmem>>, vector<1x128xf32>
    %reshape3A_126 = vector.shape_cast %get3A_125 : vector<1x128xf32> to vector<128xf32>
    %swap3A_127 = arith.constant 2688 : index
    %swap3A_128 = vector.load %arg130[%swap3A_127] : memref<16384xf32, #tpu.memory_space<vmem>>, vector<128xf32>
    tpu.vector_store %arg130[%swap3A_127], %reshape3A_126 {strides = array<i32>} : memref<16384xf32, #tpu.memory_space<vmem>>, vector<128xf32>,
    %get3A_129 = arith.constant 6 : index
    %get3A_130 = arith.constant 0 : index
    %get3A_131 = vector.load %arg24[%get3A_129, %get3A_130] : memref<8x128xf32, #tpu.memory_space<vmem>>, vector<1x128xf32>
    %reshape3A_132 = vector.shape_cast %get3A_131 : vector<1x128xf32> to vector<128xf32>
    %swap3A_133 = arith.constant 2816 : index
    %swap3A_134 = vector.load %arg130[%swap3A_133] : memref<16384xf32, #tpu.memory_space<vmem>>, vector<128xf32>
    tpu.vector_store %arg130[%swap3A_133], %reshape3A_132 {strides = array<i32>} : memref<16384xf32, #tpu.memory_space<vmem>>, vector<128xf32>,
    %get3A_135 = arith.constant 7 : index
    %get3A_136 = arith.constant 0 : index
    %get3A_137 = vector.load %arg25[%get3A_135, %get3A_136] : memref<8x128xf32, #tpu.memory_space<vmem>>, vector<1x128xf32>
    %reshape3A_138 = vector.shape_cast %get3A_137 : vector<1x128xf32> to vector<128xf32>
    %swap3A_139 = arith.constant 2944 : index
    %swap3A_140 = vector.load %arg130[%swap3A_139] : memref<16384xf32, #tpu.memory_space<vmem>>, vector<128xf32>
    tpu.vector_store %arg130[%swap3A_139], %reshape3A_138 {strides = array<i32>} : memref<16384xf32, #tpu.memory_space<vmem>>, vector<128xf32>,
    %get3A_141 = arith.constant 0 : index
    %get3A_142 = arith.constant 0 : index
    %get3A_143 = vector.load %arg26[%get3A_141, %get3A_142] : memref<8x128xf32, #tpu.memory_space<vmem>>, vector<1x128xf32>
    %reshape3A_144 = vector.shape_cast %get3A_143 : vector<1x128xf32> to vector<128xf32>
    %swap3A_145 = arith.constant 3072 : index
    %swap3A_146 = vector.load %arg130[%swap3A_145] : memref<16384xf32, #tpu.memory_space<vmem>>, vector<128xf32>
    tpu.vector_store %arg130[%swap3A_145], %reshape3A_144 {strides = array<i32>} : memref<16384xf32, #tpu.memory_space<vmem>>, vector<128xf32>,
    %get3A_147 = arith.constant 1 : index
    %get3A_148 = arith.constant 0 : index
    %get3A_149 = vector.load %arg27[%get3A_147, %get3A_148] : memref<8x128xf32, #tpu.memory_space<vmem>>, vector<1x128xf32>
    %reshape3A_150 = vector.shape_cast %get3A_149 : vector<1x128xf32> to vector<128xf32>
    %swap3A_151 = arith.constant 3200 : index
    %swap3A_152 = vector.load %arg130[%swap3A_151] : memref<16384xf32, #tpu.memory_space<vmem>>, vector<128xf32>
    tpu.vector_store %arg130[%swap3A_151], %reshape3A_150 {strides = array<i32>} : memref<16384xf32, #tpu.memory_space<vmem>>, vector<128xf32>,
    %get3A_153 = arith.constant 2 : index
    %get3A_154 = arith.constant 0 : index
    %get3A_155 = vector.load %arg28[%get3A_153, %get3A_154] : memref<8x128xf32, #tpu.memory_space<vmem>>, vector<1x128xf32>
    %reshape3A_156 = vector.shape_cast %get3A_155 : vector<1x128xf32> to vector<128xf32>
    %swap3A_157 = arith.constant 3328 : index
    %swap3A_158 = vector.load %arg130[%swap3A_157] : memref<16384xf32, #tpu.memory_space<vmem>>, vector<128xf32>
    tpu.vector_store %arg130[%swap3A_157], %reshape3A_156 {strides = array<i32>} : memref<16384xf32, #tpu.memory_space<vmem>>, vector<128xf32>,
    %get3A_159 = arith.constant 3 : index
    %get3A_160 = arith.constant 0 : index
    %get3A_161 = vector.load %arg29[%get3A_159, %get3A_160] : memref<8x128xf32, #tpu.memory_space<vmem>>, vector<1x128xf32>
    %reshape3A_162 = vector.shape_cast %get3A_161 : vector<1x128xf32> to vector<128xf32>
    %swap3A_163 = arith.constant 3456 : index
    %swap3A_164 = vector.load %arg130[%swap3A_163] : memref<16384xf32, #tpu.memory_space<vmem>>, vector<128xf32>
    tpu.vector_store %arg130[%swap3A_163], %reshape3A_162 {strides = array<i32>} : memref<16384xf32, #tpu.memory_space<vmem>>, vector<128xf32>,
    %get3A_165 = arith.constant 4 : index
    %get3A_166 = arith.constant 0 : index
    %get3A_167 = vector.load %arg30[%get3A_165, %get3A_166] : memref<8x128xf32, #tpu.memory_space<vmem>>, vector<1x128xf32>
    %reshape3A_168 = vector.shape_cast %get3A_167 : vector<1x128xf32> to vector<128xf32>
    %swap3A_169 = arith.constant 3584 : index
    %swap3A_170 = vector.load %arg130[%swap3A_169] : memref<16384xf32, #tpu.memory_space<vmem>>, vector<128xf32>
    tpu.vector_store %arg130[%swap3A_169], %reshape3A_168 {strides = array<i32>} : memref<16384xf32, #tpu.memory_space<vmem>>, vector<128xf32>,
    %get3A_171 = arith.constant 5 : index
    %get3A_172 = arith.constant 0 : index
    %get3A_173 = vector.load %arg31[%get3A_171, %get3A_172] : memref<8x128xf32, #tpu.memory_space<vmem>>, vector<1x128xf32>
    %reshape3A_174 = vector.shape_cast %get3A_173 : vector<1x128xf32> to vector<128xf32>
    %swap3A_175 = arith.constant 3712 : index
    %swap3A_176 = vector.load %arg130[%swap3A_175] : memref<16384xf32, #tpu.memory_space<vmem>>, vector<128xf32>
    tpu.vector_store %arg130[%swap3A_175], %reshape3A_174 {strides = array<i32>} : memref<16384xf32, #tpu.memory_space<vmem>>, vector<128xf32>,
    %get3A_177 = arith.constant 6 : index
    %get3A_178 = arith.constant 0 : index
    %get3A_179 = vector.load %arg32[%get3A_177, %get3A_178] : memref<8x128xf32, #tpu.memory_space<vmem>>, vector<1x128xf32>
    %reshape3A_180 = vector.shape_cast %get3A_179 : vector<1x128xf32> to vector<128xf32>
    %swap3A_181 = arith.constant 3840 : index
    %swap3A_182 = vector.load %arg130[%swap3A_181] : memref<16384xf32, #tpu.memory_space<vmem>>, vector<128xf32>
    tpu.vector_store %arg130[%swap3A_181], %reshape3A_180 {strides = array<i32>} : memref<16384xf32, #tpu.memory_space<vmem>>, vector<128xf32>,
    %get3A_183 = arith.constant 7 : index
    %get3A_184 = arith.constant 0 : index
    %get3A_185 = vector.load %arg33[%get3A_183, %get3A_184] : memref<8x128xf32, #tpu.memory_space<vmem>>, vector<1x128xf32>
    %reshape3A_186 = vector.shape_cast %get3A_185 : vector<1x128xf32> to vector<128xf32>
    %swap3A_187 = arith.constant 3968 : index
    %swap3A_188 = vector.load %arg130[%swap3A_187] : memref<16384xf32, #tpu.memory_space<vmem>>, vector<128xf32>
    tpu.vector_store %arg130[%swap3A_187], %reshape3A_186 {strides = array<i32>} : memref<16384xf32, #tpu.memory_space<vmem>>, vector<128xf32>,
    %get3A_189 = arith.constant 0 : index
    %get3A_190 = arith.constant 0 : index
    %get3A_191 = vector.load %arg34[%get3A_189, %get3A_190] : memref<8x128xf32, #tpu.memory_space<vmem>>, vector<1x128xf32>
    %reshape3A_192 = vector.shape_cast %get3A_191 : vector<1x128xf32> to vector<128xf32>
    %swap3A_193 = arith.constant 4096 : index
    %swap3A_194 = vector.load %arg130[%swap3A_193] : memref<16384xf32, #tpu.memory_space<vmem>>, vector<128xf32>
    tpu.vector_store %arg130[%swap3A_193], %reshape3A_192 {strides = array<i32>} : memref<16384xf32, #tpu.memory_space<vmem>>, vector<128xf32>,
    %get3A_195 = arith.constant 1 : index
    %get3A_196 = arith.constant 0 : index
    %get3A_197 = vector.load %arg35[%get3A_195, %get3A_196] : memref<8x128xf32, #tpu.memory_space<vmem>>, vector<1x128xf32>
    %reshape3A_198 = vector.shape_cast %get3A_197 : vector<1x128xf32> to vector<128xf32>
    %swap3A_199 = arith.constant 4224 : index
    %swap3A_200 = vector.load %arg130[%swap3A_199] : memref<16384xf32, #tpu.memory_space<vmem>>, vector<128xf32>
    tpu.vector_store %arg130[%swap3A_199], %reshape3A_198 {strides = array<i32>} : memref<16384xf32, #tpu.memory_space<vmem>>, vector<128xf32>,
    %get3A_201 = arith.constant 2 : index
    %get3A_202 = arith.constant 0 : index
    %get3A_203 = vector.load %arg36[%get3A_201, %get3A_202] : memref<8x128xf32, #tpu.memory_space<vmem>>, vector<1x128xf32>
    %reshape3A_204 = vector.shape_cast %get3A_203 : vector<1x128xf32> to vector<128xf32>
    %swap3A_205 = arith.constant 4352 : index
    %swap3A_206 = vector.load %arg130[%swap3A_205] : memref<16384xf32, #tpu.memory_space<vmem>>, vector<128xf32>
    tpu.vector_store %arg130[%swap3A_205], %reshape3A_204 {strides = array<i32>} : memref<16384xf32, #tpu.memory_space<vmem>>, vector<128xf32>,
    %get3A_207 = arith.constant 3 : index
    %get3A_208 = arith.constant 0 : index
    %get3A_209 = vector.load %arg37[%get3A_207, %get3A_208] : memref<8x128xf32, #tpu.memory_space<vmem>>, vector<1x128xf32>
    %reshape3A_210 = vector.shape_cast %get3A_209 : vector<1x128xf32> to vector<128xf32>
    %swap3A_211 = arith.constant 4480 : index
    %swap3A_212 = vector.load %arg130[%swap3A_211] : memref<16384xf32, #tpu.memory_space<vmem>>, vector<128xf32>
    tpu.vector_store %arg130[%swap3A_211], %reshape3A_210 {strides = array<i32>} : memref<16384xf32, #tpu.memory_space<vmem>>, vector<128xf32>,
    %get3A_213 = arith.constant 4 : index
    %get3A_214 = arith.constant 0 : index
    %get3A_215 = vector.load %arg38[%get3A_213, %get3A_214] : memref<8x128xf32, #tpu.memory_space<vmem>>, vector<1x128xf32>
    %reshape3A_216 = vector.shape_cast %get3A_215 : vector<1x128xf32> to vector<128xf32>
    %swap3A_217 = arith.constant 4608 : index
    %swap3A_218 = vector.load %arg130[%swap3A_217] : memref<16384xf32, #tpu.memory_space<vmem>>, vector<128xf32>
    tpu.vector_store %arg130[%swap3A_217], %reshape3A_216 {strides = array<i32>} : memref<16384xf32, #tpu.memory_space<vmem>>, vector<128xf32>,
    %get3A_219 = arith.constant 5 : index
    %get3A_220 = arith.constant 0 : index
    %get3A_221 = vector.load %arg39[%get3A_219, %get3A_220] : memref<8x128xf32, #tpu.memory_space<vmem>>, vector<1x128xf32>
    %reshape3A_222 = vector.shape_cast %get3A_221 : vector<1x128xf32> to vector<128xf32>
    %swap3A_223 = arith.constant 4736 : index
    %swap3A_224 = vector.load %arg130[%swap3A_223] : memref<16384xf32, #tpu.memory_space<vmem>>, vector<128xf32>
    tpu.vector_store %arg130[%swap3A_223], %reshape3A_222 {strides = array<i32>} : memref<16384xf32, #tpu.memory_space<vmem>>, vector<128xf32>,
    %get3A_225 = arith.constant 6 : index
    %get3A_226 = arith.constant 0 : index
    %get3A_227 = vector.load %arg40[%get3A_225, %get3A_226] : memref<8x128xf32, #tpu.memory_space<vmem>>, vector<1x128xf32>
    %reshape3A_228 = vector.shape_cast %get3A_227 : vector<1x128xf32> to vector<128xf32>
    %swap3A_229 = arith.constant 4864 : index
    %swap3A_230 = vector.load %arg130[%swap3A_229] : memref<16384xf32, #tpu.memory_space<vmem>>, vector<128xf32>
    tpu.vector_store %arg130[%swap3A_229], %reshape3A_228 {strides = array<i32>} : memref<16384xf32, #tpu.memory_space<vmem>>, vector<128xf32>,
    %get3A_231 = arith.constant 7 : index
    %get3A_232 = arith.constant 0 : index
    %get3A_233 = vector.load %arg41[%get3A_231, %get3A_232] : memref<8x128xf32, #tpu.memory_space<vmem>>, vector<1x128xf32>
    %reshape3A_234 = vector.shape_cast %get3A_233 : vector<1x128xf32> to vector<128xf32>
    %swap3A_235 = arith.constant 4992 : index
    %swap3A_236 = vector.load %arg130[%swap3A_235] : memref<16384xf32, #tpu.memory_space<vmem>>, vector<128xf32>
    tpu.vector_store %arg130[%swap3A_235], %reshape3A_234 {strides = array<i32>} : memref<16384xf32, #tpu.memory_space<vmem>>, vector<128xf32>,
    %get3A_237 = arith.constant 0 : index
    %get3A_238 = arith.constant 0 : index
    %get3A_239 = vector.load %arg42[%get3A_237, %get3A_238] : memref<8x128xf32, #tpu.memory_space<vmem>>, vector<1x128xf32>
    %reshape3A_240 = vector.shape_cast %get3A_239 : vector<1x128xf32> to vector<128xf32>
    %swap3A_241 = arith.constant 5120 : index
    %swap3A_242 = vector.load %arg130[%swap3A_241] : memref<16384xf32, #tpu.memory_space<vmem>>, vector<128xf32>
    tpu.vector_store %arg130[%swap3A_241], %reshape3A_240 {strides = array<i32>} : memref<16384xf32, #tpu.memory_space<vmem>>, vector<128xf32>,
    %get3A_243 = arith.constant 1 : index
    %get3A_244 = arith.constant 0 : index
    %get3A_245 = vector.load %arg43[%get3A_243, %get3A_244] : memref<8x128xf32, #tpu.memory_space<vmem>>, vector<1x128xf32>
    %reshape3A_246 = vector.shape_cast %get3A_245 : vector<1x128xf32> to vector<128xf32>
    %swap3A_247 = arith.constant 5248 : index
    %swap3A_248 = vector.load %arg130[%swap3A_247] : memref<16384xf32, #tpu.memory_space<vmem>>, vector<128xf32>
    tpu.vector_store %arg130[%swap3A_247], %reshape3A_246 {strides = array<i32>} : memref<16384xf32, #tpu.memory_space<vmem>>, vector<128xf32>,
    %get3A_249 = arith.constant 2 : index
    %get3A_250 = arith.constant 0 : index
    %get3A_251 = vector.load %arg44[%get3A_249, %get3A_250] : memref<8x128xf32, #tpu.memory_space<vmem>>, vector<1x128xf32>
    %reshape3A_252 = vector.shape_cast %get3A_251 : vector<1x128xf32> to vector<128xf32>
    %swap3A_253 = arith.constant 5376 : index
    %swap3A_254 = vector.load %arg130[%swap3A_253] : memref<16384xf32, #tpu.memory_space<vmem>>, vector<128xf32>
    tpu.vector_store %arg130[%swap3A_253], %reshape3A_252 {strides = array<i32>} : memref<16384xf32, #tpu.memory_space<vmem>>, vector<128xf32>,
    %get3A_255 = arith.constant 3 : index
    %get3A_256 = arith.constant 0 : index
    %get3A_257 = vector.load %arg45[%get3A_255, %get3A_256] : memref<8x128xf32, #tpu.memory_space<vmem>>, vector<1x128xf32>
    %reshape3A_258 = vector.shape_cast %get3A_257 : vector<1x128xf32> to vector<128xf32>
    %swap3A_259 = arith.constant 5504 : index
    %swap3A_260 = vector.load %arg130[%swap3A_259] : memref<16384xf32, #tpu.memory_space<vmem>>, vector<128xf32>
    tpu.vector_store %arg130[%swap3A_259], %reshape3A_258 {strides = array<i32>} : memref<16384xf32, #tpu.memory_space<vmem>>, vector<128xf32>,
    %get3A_261 = arith.constant 4 : index
    %get3A_262 = arith.constant 0 : index
    %get3A_263 = vector.load %arg46[%get3A_261, %get3A_262] : memref<8x128xf32, #tpu.memory_space<vmem>>, vector<1x128xf32>
    %reshape3A_264 = vector.shape_cast %get3A_263 : vector<1x128xf32> to vector<128xf32>
    %swap3A_265 = arith.constant 5632 : index
    %swap3A_266 = vector.load %arg130[%swap3A_265] : memref<16384xf32, #tpu.memory_space<vmem>>, vector<128xf32>
    tpu.vector_store %arg130[%swap3A_265], %reshape3A_264 {strides = array<i32>} : memref<16384xf32, #tpu.memory_space<vmem>>, vector<128xf32>,
    %get3A_267 = arith.constant 5 : index
    %get3A_268 = arith.constant 0 : index
    %get3A_269 = vector.load %arg47[%get3A_267, %get3A_268] : memref<8x128xf32, #tpu.memory_space<vmem>>, vector<1x128xf32>
    %reshape3A_270 = vector.shape_cast %get3A_269 : vector<1x128xf32> to vector<128xf32>
    %swap3A_271 = arith.constant 5760 : index
    %swap3A_272 = vector.load %arg130[%swap3A_271] : memref<16384xf32, #tpu.memory_space<vmem>>, vector<128xf32>
    tpu.vector_store %arg130[%swap3A_271], %reshape3A_270 {strides = array<i32>} : memref<16384xf32, #tpu.memory_space<vmem>>, vector<128xf32>,
    %get3A_273 = arith.constant 6 : index
    %get3A_274 = arith.constant 0 : index
    %get3A_275 = vector.load %arg48[%get3A_273, %get3A_274] : memref<8x128xf32, #tpu.memory_space<vmem>>, vector<1x128xf32>
    %reshape3A_276 = vector.shape_cast %get3A_275 : vector<1x128xf32> to vector<128xf32>
    %swap3A_277 = arith.constant 5888 : index
    %swap3A_278 = vector.load %arg130[%swap3A_277] : memref<16384xf32, #tpu.memory_space<vmem>>, vector<128xf32>
    tpu.vector_store %arg130[%swap3A_277], %reshape3A_276 {strides = array<i32>} : memref<16384xf32, #tpu.memory_space<vmem>>, vector<128xf32>,
    %get3A_279 = arith.constant 7 : index
    %get3A_280 = arith.constant 0 : index
    %get3A_281 = vector.load %arg49[%get3A_279, %get3A_280] : memref<8x128xf32, #tpu.memory_space<vmem>>, vector<1x128xf32>
    %reshape3A_282 = vector.shape_cast %get3A_281 : vector<1x128xf32> to vector<128xf32>
    %swap3A_283 = arith.constant 6016 : index
    %swap3A_284 = vector.load %arg130[%swap3A_283] : memref<16384xf32, #tpu.memory_space<vmem>>, vector<128xf32>
    tpu.vector_store %arg130[%swap3A_283], %reshape3A_282 {strides = array<i32>} : memref<16384xf32, #tpu.memory_space<vmem>>, vector<128xf32>,
    %get3A_285 = arith.constant 0 : index
    %get3A_286 = arith.constant 0 : index
    %get3A_287 = vector.load %arg50[%get3A_285, %get3A_286] : memref<8x128xf32, #tpu.memory_space<vmem>>, vector<1x128xf32>
    %reshape3A_288 = vector.shape_cast %get3A_287 : vector<1x128xf32> to vector<128xf32>
    %swap3A_289 = arith.constant 6144 : index
    %swap3A_290 = vector.load %arg130[%swap3A_289] : memref<16384xf32, #tpu.memory_space<vmem>>, vector<128xf32>
    tpu.vector_store %arg130[%swap3A_289], %reshape3A_288 {strides = array<i32>} : memref<16384xf32, #tpu.memory_space<vmem>>, vector<128xf32>,
    %get3A_291 = arith.constant 1 : index
    %get3A_292 = arith.constant 0 : index
    %get3A_293 = vector.load %arg51[%get3A_291, %get3A_292] : memref<8x128xf32, #tpu.memory_space<vmem>>, vector<1x128xf32>
    %reshape3A_294 = vector.shape_cast %get3A_293 : vector<1x128xf32> to vector<128xf32>
    %swap3A_295 = arith.constant 6272 : index
    %swap3A_296 = vector.load %arg130[%swap3A_295] : memref<16384xf32, #tpu.memory_space<vmem>>, vector<128xf32>
    tpu.vector_store %arg130[%swap3A_295], %reshape3A_294 {strides = array<i32>} : memref<16384xf32, #tpu.memory_space<vmem>>, vector<128xf32>,
    %get3A_297 = arith.constant 2 : index
    %get3A_298 = arith.constant 0 : index
    %get3A_299 = vector.load %arg52[%get3A_297, %get3A_298] : memref<8x128xf32, #tpu.memory_space<vmem>>, vector<1x128xf32>
    %reshape3A_300 = vector.shape_cast %get3A_299 : vector<1x128xf32> to vector<128xf32>
    %swap3A_301 = arith.constant 6400 : index
    %swap3A_302 = vector.load %arg130[%swap3A_301] : memref<16384xf32, #tpu.memory_space<vmem>>, vector<128xf32>
    tpu.vector_store %arg130[%swap3A_301], %reshape3A_300 {strides = array<i32>} : memref<16384xf32, #tpu.memory_space<vmem>>, vector<128xf32>,
    %get3A_303 = arith.constant 3 : index
    %get3A_304 = arith.constant 0 : index
    %get3A_305 = vector.load %arg53[%get3A_303, %get3A_304] : memref<8x128xf32, #tpu.memory_space<vmem>>, vector<1x128xf32>
    %reshape3A_306 = vector.shape_cast %get3A_305 : vector<1x128xf32> to vector<128xf32>
    %swap3A_307 = arith.constant 6528 : index
    %swap3A_308 = vector.load %arg130[%swap3A_307] : memref<16384xf32, #tpu.memory_space<vmem>>, vector<128xf32>
    tpu.vector_store %arg130[%swap3A_307], %reshape3A_306 {strides = array<i32>} : memref<16384xf32, #tpu.memory_space<vmem>>, vector<128xf32>,
    %get3A_309 = arith.constant 4 : index
    %get3A_310 = arith.constant 0 : index
    %get3A_311 = vector.load %arg54[%get3A_309, %get3A_310] : memref<8x128xf32, #tpu.memory_space<vmem>>, vector<1x128xf32>
    %reshape3A_312 = vector.shape_cast %get3A_311 : vector<1x128xf32> to vector<128xf32>
    %swap3A_313 = arith.constant 6656 : index
    %swap3A_314 = vector.load %arg130[%swap3A_313] : memref<16384xf32, #tpu.memory_space<vmem>>, vector<128xf32>
    tpu.vector_store %arg130[%swap3A_313], %reshape3A_312 {strides = array<i32>} : memref<16384xf32, #tpu.memory_space<vmem>>, vector<128xf32>,
    %get3A_315 = arith.constant 5 : index
    %get3A_316 = arith.constant 0 : index
    %get3A_317 = vector.load %arg55[%get3A_315, %get3A_316] : memref<8x128xf32, #tpu.memory_space<vmem>>, vector<1x128xf32>
    %reshape3A_318 = vector.shape_cast %get3A_317 : vector<1x128xf32> to vector<128xf32>
    %swap3A_319 = arith.constant 6784 : index
    %swap3A_320 = vector.load %arg130[%swap3A_319] : memref<16384xf32, #tpu.memory_space<vmem>>, vector<128xf32>
    tpu.vector_store %arg130[%swap3A_319], %reshape3A_318 {strides = array<i32>} : memref<16384xf32, #tpu.memory_space<vmem>>, vector<128xf32>,
    %get3A_321 = arith.constant 6 : index
    %get3A_322 = arith.constant 0 : index
    %get3A_323 = vector.load %arg56[%get3A_321, %get3A_322] : memref<8x128xf32, #tpu.memory_space<vmem>>, vector<1x128xf32>
    %reshape3A_324 = vector.shape_cast %get3A_323 : vector<1x128xf32> to vector<128xf32>
    %swap3A_325 = arith.constant 6912 : index
    %swap3A_326 = vector.load %arg130[%swap3A_325] : memref<16384xf32, #tpu.memory_space<vmem>>, vector<128xf32>
    tpu.vector_store %arg130[%swap3A_325], %reshape3A_324 {strides = array<i32>} : memref<16384xf32, #tpu.memory_space<vmem>>, vector<128xf32>,
    %get3A_327 = arith.constant 7 : index
    %get3A_328 = arith.constant 0 : index
    %get3A_329 = vector.load %arg57[%get3A_327, %get3A_328] : memref<8x128xf32, #tpu.memory_space<vmem>>, vector<1x128xf32>
    %reshape3A_330 = vector.shape_cast %get3A_329 : vector<1x128xf32> to vector<128xf32>
    %swap3A_331 = arith.constant 7040 : index
    %swap3A_332 = vector.load %arg130[%swap3A_331] : memref<16384xf32, #tpu.memory_space<vmem>>, vector<128xf32>
    tpu.vector_store %arg130[%swap3A_331], %reshape3A_330 {strides = array<i32>} : memref<16384xf32, #tpu.memory_space<vmem>>, vector<128xf32>,
    %get3A_333 = arith.constant 0 : index
    %get3A_334 = arith.constant 0 : index
    %get3A_335 = vector.load %arg58[%get3A_333, %get3A_334] : memref<8x128xf32, #tpu.memory_space<vmem>>, vector<1x128xf32>
    %reshape3A_336 = vector.shape_cast %get3A_335 : vector<1x128xf32> to vector<128xf32>
    %swap3A_337 = arith.constant 7168 : index
    %swap3A_338 = vector.load %arg130[%swap3A_337] : memref<16384xf32, #tpu.memory_space<vmem>>, vector<128xf32>
    tpu.vector_store %arg130[%swap3A_337], %reshape3A_336 {strides = array<i32>} : memref<16384xf32, #tpu.memory_space<vmem>>, vector<128xf32>,
    %get3A_339 = arith.constant 1 : index
    %get3A_340 = arith.constant 0 : index
    %get3A_341 = vector.load %arg59[%get3A_339, %get3A_340] : memref<8x128xf32, #tpu.memory_space<vmem>>, vector<1x128xf32>
    %reshape3A_342 = vector.shape_cast %get3A_341 : vector<1x128xf32> to vector<128xf32>
    %swap3A_343 = arith.constant 7296 : index
    %swap3A_344 = vector.load %arg130[%swap3A_343] : memref<16384xf32, #tpu.memory_space<vmem>>, vector<128xf32>
    tpu.vector_store %arg130[%swap3A_343], %reshape3A_342 {strides = array<i32>} : memref<16384xf32, #tpu.memory_space<vmem>>, vector<128xf32>,
    %get3A_345 = arith.constant 2 : index
    %get3A_346 = arith.constant 0 : index
    %get3A_347 = vector.load %arg60[%get3A_345, %get3A_346] : memref<8x128xf32, #tpu.memory_space<vmem>>, vector<1x128xf32>
    %reshape3A_348 = vector.shape_cast %get3A_347 : vector<1x128xf32> to vector<128xf32>
    %swap3A_349 = arith.constant 7424 : index
    %swap3A_350 = vector.load %arg130[%swap3A_349] : memref<16384xf32, #tpu.memory_space<vmem>>, vector<128xf32>
    tpu.vector_store %arg130[%swap3A_349], %reshape3A_348 {strides = array<i32>} : memref<16384xf32, #tpu.memory_space<vmem>>, vector<128xf32>,
    %get3A_351 = arith.constant 3 : index
    %get3A_352 = arith.constant 0 : index
    %get3A_353 = vector.load %arg61[%get3A_351, %get3A_352] : memref<8x128xf32, #tpu.memory_space<vmem>>, vector<1x128xf32>
    %reshape3A_354 = vector.shape_cast %get3A_353 : vector<1x128xf32> to vector<128xf32>
    %swap3A_355 = arith.constant 7552 : index
    %swap3A_356 = vector.load %arg130[%swap3A_355] : memref<16384xf32, #tpu.memory_space<vmem>>, vector<128xf32>
    tpu.vector_store %arg130[%swap3A_355], %reshape3A_354 {strides = array<i32>} : memref<16384xf32, #tpu.memory_space<vmem>>, vector<128xf32>,
    %get3A_357 = arith.constant 4 : index
    %get3A_358 = arith.constant 0 : index
    %get3A_359 = vector.load %arg62[%get3A_357, %get3A_358] : memref<8x128xf32, #tpu.memory_space<vmem>>, vector<1x128xf32>
    %reshape3A_360 = vector.shape_cast %get3A_359 : vector<1x128xf32> to vector<128xf32>
    %swap3A_361 = arith.constant 7680 : index
    %swap3A_362 = vector.load %arg130[%swap3A_361] : memref<16384xf32, #tpu.memory_space<vmem>>, vector<128xf32>
    tpu.vector_store %arg130[%swap3A_361], %reshape3A_360 {strides = array<i32>} : memref<16384xf32, #tpu.memory_space<vmem>>, vector<128xf32>,
    %get3A_363 = arith.constant 5 : index
    %get3A_364 = arith.constant 0 : index
    %get3A_365 = vector.load %arg63[%get3A_363, %get3A_364] : memref<8x128xf32, #tpu.memory_space<vmem>>, vector<1x128xf32>
    %reshape3A_366 = vector.shape_cast %get3A_365 : vector<1x128xf32> to vector<128xf32>
    %swap3A_367 = arith.constant 7808 : index
    %swap3A_368 = vector.load %arg130[%swap3A_367] : memref<16384xf32, #tpu.memory_space<vmem>>, vector<128xf32>
    tpu.vector_store %arg130[%swap3A_367], %reshape3A_366 {strides = array<i32>} : memref<16384xf32, #tpu.memory_space<vmem>>, vector<128xf32>,
    %get3A_369 = arith.constant 6 : index
    %get3A_370 = arith.constant 0 : index
    %get3A_371 = vector.load %arg64[%get3A_369, %get3A_370] : memref<8x128xf32, #tpu.memory_space<vmem>>, vector<1x128xf32>
    %reshape3A_372 = vector.shape_cast %get3A_371 : vector<1x128xf32> to vector<128xf32>
    %swap3A_373 = arith.constant 7936 : index
    %swap3A_374 = vector.load %arg130[%swap3A_373] : memref<16384xf32, #tpu.memory_space<vmem>>, vector<128xf32>
    tpu.vector_store %arg130[%swap3A_373], %reshape3A_372 {strides = array<i32>} : memref<16384xf32, #tpu.memory_space<vmem>>, vector<128xf32>,
    %get3A_375 = arith.constant 7 : index
    %get3A_376 = arith.constant 0 : index
    %get3A_377 = vector.load %arg65[%get3A_375, %get3A_376] : memref<8x128xf32, #tpu.memory_space<vmem>>, vector<1x128xf32>
    %reshape3A_378 = vector.shape_cast %get3A_377 : vector<1x128xf32> to vector<128xf32>
    %swap3A_379 = arith.constant 8064 : index
    %swap3A_380 = vector.load %arg130[%swap3A_379] : memref<16384xf32, #tpu.memory_space<vmem>>, vector<128xf32>
    tpu.vector_store %arg130[%swap3A_379], %reshape3A_378 {strides = array<i32>} : memref<16384xf32, #tpu.memory_space<vmem>>, vector<128xf32>,
    %get3A_381 = arith.constant 0 : index
    %get3A_382 = arith.constant 0 : index
    %get3A_383 = vector.load %arg66[%get3A_381, %get3A_382] : memref<8x128xf32, #tpu.memory_space<vmem>>, vector<1x128xf32>
    %reshape3A_384 = vector.shape_cast %get3A_383 : vector<1x128xf32> to vector<128xf32>
    %swap3A_385 = arith.constant 8192 : index
    %swap3A_386 = vector.load %arg130[%swap3A_385] : memref<16384xf32, #tpu.memory_space<vmem>>, vector<128xf32>
    tpu.vector_store %arg130[%swap3A_385], %reshape3A_384 {strides = array<i32>} : memref<16384xf32, #tpu.memory_space<vmem>>, vector<128xf32>,
    %get3A_387 = arith.constant 1 : index
    %get3A_388 = arith.constant 0 : index
    %get3A_389 = vector.load %arg67[%get3A_387, %get3A_388] : memref<8x128xf32, #tpu.memory_space<vmem>>, vector<1x128xf32>
    %reshape3A_390 = vector.shape_cast %get3A_389 : vector<1x128xf32> to vector<128xf32>
    %swap3A_391 = arith.constant 8320 : index
    %swap3A_392 = vector.load %arg130[%swap3A_391] : memref<16384xf32, #tpu.memory_space<vmem>>, vector<128xf32>
    tpu.vector_store %arg130[%swap3A_391], %reshape3A_390 {strides = array<i32>} : memref<16384xf32, #tpu.memory_space<vmem>>, vector<128xf32>,
    %get3A_393 = arith.constant 2 : index
    %get3A_394 = arith.constant 0 : index
    %get3A_395 = vector.load %arg68[%get3A_393, %get3A_394] : memref<8x128xf32, #tpu.memory_space<vmem>>, vector<1x128xf32>
    %reshape3A_396 = vector.shape_cast %get3A_395 : vector<1x128xf32> to vector<128xf32>
    %swap3A_397 = arith.constant 8448 : index
    %swap3A_398 = vector.load %arg130[%swap3A_397] : memref<16384xf32, #tpu.memory_space<vmem>>, vector<128xf32>
    tpu.vector_store %arg130[%swap3A_397], %reshape3A_396 {strides = array<i32>} : memref<16384xf32, #tpu.memory_space<vmem>>, vector<128xf32>,
    %get3A_399 = arith.constant 3 : index
    %get3A_400 = arith.constant 0 : index
    %get3A_401 = vector.load %arg69[%get3A_399, %get3A_400] : memref<8x128xf32, #tpu.memory_space<vmem>>, vector<1x128xf32>
    %reshape3A_402 = vector.shape_cast %get3A_401 : vector<1x128xf32> to vector<128xf32>
    %swap3A_403 = arith.constant 8576 : index
    %swap3A_404 = vector.load %arg130[%swap3A_403] : memref<16384xf32, #tpu.memory_space<vmem>>, vector<128xf32>
    tpu.vector_store %arg130[%swap3A_403], %reshape3A_402 {strides = array<i32>} : memref<16384xf32, #tpu.memory_space<vmem>>, vector<128xf32>,
    %get3A_405 = arith.constant 4 : index
    %get3A_406 = arith.constant 0 : index
    %get3A_407 = vector.load %arg70[%get3A_405, %get3A_406] : memref<8x128xf32, #tpu.memory_space<vmem>>, vector<1x128xf32>
    %reshape3A_408 = vector.shape_cast %get3A_407 : vector<1x128xf32> to vector<128xf32>
    %swap3A_409 = arith.constant 8704 : index
    %swap3A_410 = vector.load %arg130[%swap3A_409] : memref<16384xf32, #tpu.memory_space<vmem>>, vector<128xf32>
    tpu.vector_store %arg130[%swap3A_409], %reshape3A_408 {strides = array<i32>} : memref<16384xf32, #tpu.memory_space<vmem>>, vector<128xf32>,
    %get3A_411 = arith.constant 5 : index
    %get3A_412 = arith.constant 0 : index
    %get3A_413 = vector.load %arg71[%get3A_411, %get3A_412] : memref<8x128xf32, #tpu.memory_space<vmem>>, vector<1x128xf32>
    %reshape3A_414 = vector.shape_cast %get3A_413 : vector<1x128xf32> to vector<128xf32>
    %swap3A_415 = arith.constant 8832 : index
    %swap3A_416 = vector.load %arg130[%swap3A_415] : memref<16384xf32, #tpu.memory_space<vmem>>, vector<128xf32>
    tpu.vector_store %arg130[%swap3A_415], %reshape3A_414 {strides = array<i32>} : memref<16384xf32, #tpu.memory_space<vmem>>, vector<128xf32>,
    %get3A_417 = arith.constant 6 : index
    %get3A_418 = arith.constant 0 : index
    %get3A_419 = vector.load %arg72[%get3A_417, %get3A_418] : memref<8x128xf32, #tpu.memory_space<vmem>>, vector<1x128xf32>
    %reshape3A_420 = vector.shape_cast %get3A_419 : vector<1x128xf32> to vector<128xf32>
    %swap3A_421 = arith.constant 8960 : index
    %swap3A_422 = vector.load %arg130[%swap3A_421] : memref<16384xf32, #tpu.memory_space<vmem>>, vector<128xf32>
    tpu.vector_store %arg130[%swap3A_421], %reshape3A_420 {strides = array<i32>} : memref<16384xf32, #tpu.memory_space<vmem>>, vector<128xf32>,
    %get3A_423 = arith.constant 7 : index
    %get3A_424 = arith.constant 0 : index
    %get3A_425 = vector.load %arg73[%get3A_423, %get3A_424] : memref<8x128xf32, #tpu.memory_space<vmem>>, vector<1x128xf32>
    %reshape3A_426 = vector.shape_cast %get3A_425 : vector<1x128xf32> to vector<128xf32>
    %swap3A_427 = arith.constant 9088 : index
    %swap3A_428 = vector.load %arg130[%swap3A_427] : memref<16384xf32, #tpu.memory_space<vmem>>, vector<128xf32>
    tpu.vector_store %arg130[%swap3A_427], %reshape3A_426 {strides = array<i32>} : memref<16384xf32, #tpu.memory_space<vmem>>, vector<128xf32>,
    %get3A_429 = arith.constant 0 : index
    %get3A_430 = arith.constant 0 : index
    %get3A_431 = vector.load %arg74[%get3A_429, %get3A_430] : memref<8x128xf32, #tpu.memory_space<vmem>>, vector<1x128xf32>
    %reshape3A_432 = vector.shape_cast %get3A_431 : vector<1x128xf32> to vector<128xf32>
    %swap3A_433 = arith.constant 9216 : index
    %swap3A_434 = vector.load %arg130[%swap3A_433] : memref<16384xf32, #tpu.memory_space<vmem>>, vector<128xf32>
    tpu.vector_store %arg130[%swap3A_433], %reshape3A_432 {strides = array<i32>} : memref<16384xf32, #tpu.memory_space<vmem>>, vector<128xf32>,
    %get3A_435 = arith.constant 1 : index
    %get3A_436 = arith.constant 0 : index
    %get3A_437 = vector.load %arg75[%get3A_435, %get3A_436] : memref<8x128xf32, #tpu.memory_space<vmem>>, vector<1x128xf32>
    %reshape3A_438 = vector.shape_cast %get3A_437 : vector<1x128xf32> to vector<128xf32>
    %swap3A_439 = arith.constant 9344 : index
    %swap3A_440 = vector.load %arg130[%swap3A_439] : memref<16384xf32, #tpu.memory_space<vmem>>, vector<128xf32>
    tpu.vector_store %arg130[%swap3A_439], %reshape3A_438 {strides = array<i32>} : memref<16384xf32, #tpu.memory_space<vmem>>, vector<128xf32>,
    %get3A_441 = arith.constant 2 : index
    %get3A_442 = arith.constant 0 : index
    %get3A_443 = vector.load %arg76[%get3A_441, %get3A_442] : memref<8x128xf32, #tpu.memory_space<vmem>>, vector<1x128xf32>
    %reshape3A_444 = vector.shape_cast %get3A_443 : vector<1x128xf32> to vector<128xf32>
    %swap3A_445 = arith.constant 9472 : index
    %swap3A_446 = vector.load %arg130[%swap3A_445] : memref<16384xf32, #tpu.memory_space<vmem>>, vector<128xf32>
    tpu.vector_store %arg130[%swap3A_445], %reshape3A_444 {strides = array<i32>} : memref<16384xf32, #tpu.memory_space<vmem>>, vector<128xf32>,
    %get3A_447 = arith.constant 3 : index
    %get3A_448 = arith.constant 0 : index
    %get3A_449 = vector.load %arg77[%get3A_447, %get3A_448] : memref<8x128xf32, #tpu.memory_space<vmem>>, vector<1x128xf32>
    %reshape3A_450 = vector.shape_cast %get3A_449 : vector<1x128xf32> to vector<128xf32>
    %swap3A_451 = arith.constant 9600 : index
    %swap3A_452 = vector.load %arg130[%swap3A_451] : memref<16384xf32, #tpu.memory_space<vmem>>, vector<128xf32>
    tpu.vector_store %arg130[%swap3A_451], %reshape3A_450 {strides = array<i32>} : memref<16384xf32, #tpu.memory_space<vmem>>, vector<128xf32>,
    %get3A_453 = arith.constant 4 : index
    %get3A_454 = arith.constant 0 : index
    %get3A_455 = vector.load %arg78[%get3A_453, %get3A_454] : memref<8x128xf32, #tpu.memory_space<vmem>>, vector<1x128xf32>
    %reshape3A_456 = vector.shape_cast %get3A_455 : vector<1x128xf32> to vector<128xf32>
    %swap3A_457 = arith.constant 9728 : index
    %swap3A_458 = vector.load %arg130[%swap3A_457] : memref<16384xf32, #tpu.memory_space<vmem>>, vector<128xf32>
    tpu.vector_store %arg130[%swap3A_457], %reshape3A_456 {strides = array<i32>} : memref<16384xf32, #tpu.memory_space<vmem>>, vector<128xf32>,
    %get3A_459 = arith.constant 5 : index
    %get3A_460 = arith.constant 0 : index
    %get3A_461 = vector.load %arg79[%get3A_459, %get3A_460] : memref<8x128xf32, #tpu.memory_space<vmem>>, vector<1x128xf32>
    %reshape3A_462 = vector.shape_cast %get3A_461 : vector<1x128xf32> to vector<128xf32>
    %swap3A_463 = arith.constant 9856 : index
    %swap3A_464 = vector.load %arg130[%swap3A_463] : memref<16384xf32, #tpu.memory_space<vmem>>, vector<128xf32>
    tpu.vector_store %arg130[%swap3A_463], %reshape3A_462 {strides = array<i32>} : memref<16384xf32, #tpu.memory_space<vmem>>, vector<128xf32>,
    %get3A_465 = arith.constant 6 : index
    %get3A_466 = arith.constant 0 : index
    %get3A_467 = vector.load %arg80[%get3A_465, %get3A_466] : memref<8x128xf32, #tpu.memory_space<vmem>>, vector<1x128xf32>
    %reshape3A_468 = vector.shape_cast %get3A_467 : vector<1x128xf32> to vector<128xf32>
    %swap3A_469 = arith.constant 9984 : index
    %swap3A_470 = vector.load %arg130[%swap3A_469] : memref<16384xf32, #tpu.memory_space<vmem>>, vector<128xf32>
    tpu.vector_store %arg130[%swap3A_469], %reshape3A_468 {strides = array<i32>} : memref<16384xf32, #tpu.memory_space<vmem>>, vector<128xf32>,
    %get3A_471 = arith.constant 7 : index
    %get3A_472 = arith.constant 0 : index
    %get3A_473 = vector.load %arg81[%get3A_471, %get3A_472] : memref<8x128xf32, #tpu.memory_space<vmem>>, vector<1x128xf32>
    %reshape3A_474 = vector.shape_cast %get3A_473 : vector<1x128xf32> to vector<128xf32>
    %swap3A_475 = arith.constant 10112 : index
    %swap3A_476 = vector.load %arg130[%swap3A_475] : memref<16384xf32, #tpu.memory_space<vmem>>, vector<128xf32>
    tpu.vector_store %arg130[%swap3A_475], %reshape3A_474 {strides = array<i32>} : memref<16384xf32, #tpu.memory_space<vmem>>, vector<128xf32>,
    %get3A_477 = arith.constant 0 : index
    %get3A_478 = arith.constant 0 : index
    %get3A_479 = vector.load %arg82[%get3A_477, %get3A_478] : memref<8x128xf32, #tpu.memory_space<vmem>>, vector<1x128xf32>
    %reshape3A_480 = vector.shape_cast %get3A_479 : vector<1x128xf32> to vector<128xf32>
    %swap3A_481 = arith.constant 10240 : index
    %swap3A_482 = vector.load %arg130[%swap3A_481] : memref<16384xf32, #tpu.memory_space<vmem>>, vector<128xf32>
    tpu.vector_store %arg130[%swap3A_481], %reshape3A_480 {strides = array<i32>} : memref<16384xf32, #tpu.memory_space<vmem>>, vector<128xf32>,
    %get3A_483 = arith.constant 1 : index
    %get3A_484 = arith.constant 0 : index
    %get3A_485 = vector.load %arg83[%get3A_483, %get3A_484] : memref<8x128xf32, #tpu.memory_space<vmem>>, vector<1x128xf32>
    %reshape3A_486 = vector.shape_cast %get3A_485 : vector<1x128xf32> to vector<128xf32>
    %swap3A_487 = arith.constant 10368 : index
    %swap3A_488 = vector.load %arg130[%swap3A_487] : memref<16384xf32, #tpu.memory_space<vmem>>, vector<128xf32>
    tpu.vector_store %arg130[%swap3A_487], %reshape3A_486 {strides = array<i32>} : memref<16384xf32, #tpu.memory_space<vmem>>, vector<128xf32>,
    %get3A_489 = arith.constant 2 : index
    %get3A_490 = arith.constant 0 : index
    %get3A_491 = vector.load %arg84[%get3A_489, %get3A_490] : memref<8x128xf32, #tpu.memory_space<vmem>>, vector<1x128xf32>
    %reshape3A_492 = vector.shape_cast %get3A_491 : vector<1x128xf32> to vector<128xf32>
    %swap3A_493 = arith.constant 10496 : index
    %swap3A_494 = vector.load %arg130[%swap3A_493] : memref<16384xf32, #tpu.memory_space<vmem>>, vector<128xf32>
    tpu.vector_store %arg130[%swap3A_493], %reshape3A_492 {strides = array<i32>} : memref<16384xf32, #tpu.memory_space<vmem>>, vector<128xf32>,
    %get3A_495 = arith.constant 3 : index
    %get3A_496 = arith.constant 0 : index
    %get3A_497 = vector.load %arg85[%get3A_495, %get3A_496] : memref<8x128xf32, #tpu.memory_space<vmem>>, vector<1x128xf32>
    %reshape3A_498 = vector.shape_cast %get3A_497 : vector<1x128xf32> to vector<128xf32>
    %swap3A_499 = arith.constant 10624 : index
    %swap3A_500 = vector.load %arg130[%swap3A_499] : memref<16384xf32, #tpu.memory_space<vmem>>, vector<128xf32>
    tpu.vector_store %arg130[%swap3A_499], %reshape3A_498 {strides = array<i32>} : memref<16384xf32, #tpu.memory_space<vmem>>, vector<128xf32>,
    %get3A_501 = arith.constant 4 : index
    %get3A_502 = arith.constant 0 : index
    %get3A_503 = vector.load %arg86[%get3A_501, %get3A_502] : memref<8x128xf32, #tpu.memory_space<vmem>>, vector<1x128xf32>
    %reshape3A_504 = vector.shape_cast %get3A_503 : vector<1x128xf32> to vector<128xf32>
    %swap3A_505 = arith.constant 10752 : index
    %swap3A_506 = vector.load %arg130[%swap3A_505] : memref<16384xf32, #tpu.memory_space<vmem>>, vector<128xf32>
    tpu.vector_store %arg130[%swap3A_505], %reshape3A_504 {strides = array<i32>} : memref<16384xf32, #tpu.memory_space<vmem>>, vector<128xf32>,
    %get3A_507 = arith.constant 5 : index
    %get3A_508 = arith.constant 0 : index
    %get3A_509 = vector.load %arg87[%get3A_507, %get3A_508] : memref<8x128xf32, #tpu.memory_space<vmem>>, vector<1x128xf32>
    %reshape3A_510 = vector.shape_cast %get3A_509 : vector<1x128xf32> to vector<128xf32>
    %swap3A_511 = arith.constant 10880 : index
    %swap3A_512 = vector.load %arg130[%swap3A_511] : memref<16384xf32, #tpu.memory_space<vmem>>, vector<128xf32>
    tpu.vector_store %arg130[%swap3A_511], %reshape3A_510 {strides = array<i32>} : memref<16384xf32, #tpu.memory_space<vmem>>, vector<128xf32>,
    %get3A_513 = arith.constant 6 : index
    %get3A_514 = arith.constant 0 : index
    %get3A_515 = vector.load %arg88[%get3A_513, %get3A_514] : memref<8x128xf32, #tpu.memory_space<vmem>>, vector<1x128xf32>
    %reshape3A_516 = vector.shape_cast %get3A_515 : vector<1x128xf32> to vector<128xf32>
    %swap3A_517 = arith.constant 11008 : index
    %swap3A_518 = vector.load %arg130[%swap3A_517] : memref<16384xf32, #tpu.memory_space<vmem>>, vector<128xf32>
    tpu.vector_store %arg130[%swap3A_517], %reshape3A_516 {strides = array<i32>} : memref<16384xf32, #tpu.memory_space<vmem>>, vector<128xf32>,
    %get3A_519 = arith.constant 7 : index
    %get3A_520 = arith.constant 0 : index
    %get3A_521 = vector.load %arg89[%get3A_519, %get3A_520] : memref<8x128xf32, #tpu.memory_space<vmem>>, vector<1x128xf32>
    %reshape3A_522 = vector.shape_cast %get3A_521 : vector<1x128xf32> to vector<128xf32>
    %swap3A_523 = arith.constant 11136 : index
    %swap3A_524 = vector.load %arg130[%swap3A_523] : memref<16384xf32, #tpu.memory_space<vmem>>, vector<128xf32>
    tpu.vector_store %arg130[%swap3A_523], %reshape3A_522 {strides = array<i32>} : memref<16384xf32, #tpu.memory_space<vmem>>, vector<128xf32>,
    %get3A_525 = arith.constant 0 : index
    %get3A_526 = arith.constant 0 : index
    %get3A_527 = vector.load %arg90[%get3A_525, %get3A_526] : memref<8x128xf32, #tpu.memory_space<vmem>>, vector<1x128xf32>
    %reshape3A_528 = vector.shape_cast %get3A_527 : vector<1x128xf32> to vector<128xf32>
    %swap3A_529 = arith.constant 11264 : index
    %swap3A_530 = vector.load %arg130[%swap3A_529] : memref<16384xf32, #tpu.memory_space<vmem>>, vector<128xf32>
    tpu.vector_store %arg130[%swap3A_529], %reshape3A_528 {strides = array<i32>} : memref<16384xf32, #tpu.memory_space<vmem>>, vector<128xf32>,
    %get3A_531 = arith.constant 1 : index
    %get3A_532 = arith.constant 0 : index
    %get3A_533 = vector.load %arg91[%get3A_531, %get3A_532] : memref<8x128xf32, #tpu.memory_space<vmem>>, vector<1x128xf32>
    %reshape3A_534 = vector.shape_cast %get3A_533 : vector<1x128xf32> to vector<128xf32>
    %swap3A_535 = arith.constant 11392 : index
    %swap3A_536 = vector.load %arg130[%swap3A_535] : memref<16384xf32, #tpu.memory_space<vmem>>, vector<128xf32>
    tpu.vector_store %arg130[%swap3A_535], %reshape3A_534 {strides = array<i32>} : memref<16384xf32, #tpu.memory_space<vmem>>, vector<128xf32>,
    %get3A_537 = arith.constant 2 : index
    %get3A_538 = arith.constant 0 : index
    %get3A_539 = vector.load %arg92[%get3A_537, %get3A_538] : memref<8x128xf32, #tpu.memory_space<vmem>>, vector<1x128xf32>
    %reshape3A_540 = vector.shape_cast %get3A_539 : vector<1x128xf32> to vector<128xf32>
    %swap3A_541 = arith.constant 11520 : index
    %swap3A_542 = vector.load %arg130[%swap3A_541] : memref<16384xf32, #tpu.memory_space<vmem>>, vector<128xf32>
    tpu.vector_store %arg130[%swap3A_541], %reshape3A_540 {strides = array<i32>} : memref<16384xf32, #tpu.memory_space<vmem>>, vector<128xf32>,
    %get3A_543 = arith.constant 3 : index
    %get3A_544 = arith.constant 0 : index
    %get3A_545 = vector.load %arg93[%get3A_543, %get3A_544] : memref<8x128xf32, #tpu.memory_space<vmem>>, vector<1x128xf32>
    %reshape3A_546 = vector.shape_cast %get3A_545 : vector<1x128xf32> to vector<128xf32>
    %swap3A_547 = arith.constant 11648 : index
    %swap3A_548 = vector.load %arg130[%swap3A_547] : memref<16384xf32, #tpu.memory_space<vmem>>, vector<128xf32>
    tpu.vector_store %arg130[%swap3A_547], %reshape3A_546 {strides = array<i32>} : memref<16384xf32, #tpu.memory_space<vmem>>, vector<128xf32>,
    %get3A_549 = arith.constant 4 : index
    %get3A_550 = arith.constant 0 : index
    %get3A_551 = vector.load %arg94[%get3A_549, %get3A_550] : memref<8x128xf32, #tpu.memory_space<vmem>>, vector<1x128xf32>
    %reshape3A_552 = vector.shape_cast %get3A_551 : vector<1x128xf32> to vector<128xf32>
    %swap3A_553 = arith.constant 11776 : index
    %swap3A_554 = vector.load %arg130[%swap3A_553] : memref<16384xf32, #tpu.memory_space<vmem>>, vector<128xf32>
    tpu.vector_store %arg130[%swap3A_553], %reshape3A_552 {strides = array<i32>} : memref<16384xf32, #tpu.memory_space<vmem>>, vector<128xf32>,
    %get3A_555 = arith.constant 5 : index
    %get3A_556 = arith.constant 0 : index
    %get3A_557 = vector.load %arg95[%get3A_555, %get3A_556] : memref<8x128xf32, #tpu.memory_space<vmem>>, vector<1x128xf32>
    %reshape3A_558 = vector.shape_cast %get3A_557 : vector<1x128xf32> to vector<128xf32>
    %swap3A_559 = arith.constant 11904 : index
    %swap3A_560 = vector.load %arg130[%swap3A_559] : memref<16384xf32, #tpu.memory_space<vmem>>, vector<128xf32>
    tpu.vector_store %arg130[%swap3A_559], %reshape3A_558 {strides = array<i32>} : memref<16384xf32, #tpu.memory_space<vmem>>, vector<128xf32>,
    %get3A_561 = arith.constant 6 : index
    %get3A_562 = arith.constant 0 : index
    %get3A_563 = vector.load %arg96[%get3A_561, %get3A_562] : memref<8x128xf32, #tpu.memory_space<vmem>>, vector<1x128xf32>
    %reshape3A_564 = vector.shape_cast %get3A_563 : vector<1x128xf32> to vector<128xf32>
    %swap3A_565 = arith.constant 12032 : index
    %swap3A_566 = vector.load %arg130[%swap3A_565] : memref<16384xf32, #tpu.memory_space<vmem>>, vector<128xf32>
    tpu.vector_store %arg130[%swap3A_565], %reshape3A_564 {strides = array<i32>} : memref<16384xf32, #tpu.memory_space<vmem>>, vector<128xf32>,
    %get3A_567 = arith.constant 7 : index
    %get3A_568 = arith.constant 0 : index
    %get3A_569 = vector.load %arg97[%get3A_567, %get3A_568] : memref<8x128xf32, #tpu.memory_space<vmem>>, vector<1x128xf32>
    %reshape3A_570 = vector.shape_cast %get3A_569 : vector<1x128xf32> to vector<128xf32>
    %swap3A_571 = arith.constant 12160 : index
    %swap3A_572 = vector.load %arg130[%swap3A_571] : memref<16384xf32, #tpu.memory_space<vmem>>, vector<128xf32>
    tpu.vector_store %arg130[%swap3A_571], %reshape3A_570 {strides = array<i32>} : memref<16384xf32, #tpu.memory_space<vmem>>, vector<128xf32>,
    %get3A_573 = arith.constant 0 : index
    %get3A_574 = arith.constant 0 : index
    %get3A_575 = vector.load %arg98[%get3A_573, %get3A_574] : memref<8x128xf32, #tpu.memory_space<vmem>>, vector<1x128xf32>
    %reshape3A_576 = vector.shape_cast %get3A_575 : vector<1x128xf32> to vector<128xf32>
    %swap3A_577 = arith.constant 12288 : index
    %swap3A_578 = vector.load %arg130[%swap3A_577] : memref<16384xf32, #tpu.memory_space<vmem>>, vector<128xf32>
    tpu.vector_store %arg130[%swap3A_577], %reshape3A_576 {strides = array<i32>} : memref<16384xf32, #tpu.memory_space<vmem>>, vector<128xf32>,
    %get3A_579 = arith.constant 1 : index
    %get3A_580 = arith.constant 0 : index
    %get3A_581 = vector.load %arg99[%get3A_579, %get3A_580] : memref<8x128xf32, #tpu.memory_space<vmem>>, vector<1x128xf32>
    %reshape3A_582 = vector.shape_cast %get3A_581 : vector<1x128xf32> to vector<128xf32>
    %swap3A_583 = arith.constant 12416 : index
    %swap3A_584 = vector.load %arg130[%swap3A_583] : memref<16384xf32, #tpu.memory_space<vmem>>, vector<128xf32>
    tpu.vector_store %arg130[%swap3A_583], %reshape3A_582 {strides = array<i32>} : memref<16384xf32, #tpu.memory_space<vmem>>, vector<128xf32>,
    %get3A_585 = arith.constant 2 : index
    %get3A_586 = arith.constant 0 : index
    %get3A_587 = vector.load %arg100[%get3A_585, %get3A_586] : memref<8x128xf32, #tpu.memory_space<vmem>>, vector<1x128xf32>
    %reshape3A_588 = vector.shape_cast %get3A_587 : vector<1x128xf32> to vector<128xf32>
    %swap3A_589 = arith.constant 12544 : index
    %swap3A_590 = vector.load %arg130[%swap3A_589] : memref<16384xf32, #tpu.memory_space<vmem>>, vector<128xf32>
    tpu.vector_store %arg130[%swap3A_589], %reshape3A_588 {strides = array<i32>} : memref<16384xf32, #tpu.memory_space<vmem>>, vector<128xf32>,
    %get3A_591 = arith.constant 3 : index
    %get3A_592 = arith.constant 0 : index
    %get3A_593 = vector.load %arg101[%get3A_591, %get3A_592] : memref<8x128xf32, #tpu.memory_space<vmem>>, vector<1x128xf32>
    %reshape3A_594 = vector.shape_cast %get3A_593 : vector<1x128xf32> to vector<128xf32>
    %swap3A_595 = arith.constant 12672 : index
    %swap3A_596 = vector.load %arg130[%swap3A_595] : memref<16384xf32, #tpu.memory_space<vmem>>, vector<128xf32>
    tpu.vector_store %arg130[%swap3A_595], %reshape3A_594 {strides = array<i32>} : memref<16384xf32, #tpu.memory_space<vmem>>, vector<128xf32>,
    %get3A_597 = arith.constant 4 : index
    %get3A_598 = arith.constant 0 : index
    %get3A_599 = vector.load %arg102[%get3A_597, %get3A_598] : memref<8x128xf32, #tpu.memory_space<vmem>>, vector<1x128xf32>
    %reshape3A_600 = vector.shape_cast %get3A_599 : vector<1x128xf32> to vector<128xf32>
    %swap3A_601 = arith.constant 12800 : index
    %swap3A_602 = vector.load %arg130[%swap3A_601] : memref<16384xf32, #tpu.memory_space<vmem>>, vector<128xf32>
    tpu.vector_store %arg130[%swap3A_601], %reshape3A_600 {strides = array<i32>} : memref<16384xf32, #tpu.memory_space<vmem>>, vector<128xf32>,
    %get3A_603 = arith.constant 5 : index
    %get3A_604 = arith.constant 0 : index
    %get3A_605 = vector.load %arg103[%get3A_603, %get3A_604] : memref<8x128xf32, #tpu.memory_space<vmem>>, vector<1x128xf32>
    %reshape3A_606 = vector.shape_cast %get3A_605 : vector<1x128xf32> to vector<128xf32>
    %swap3A_607 = arith.constant 12928 : index
    %swap3A_608 = vector.load %arg130[%swap3A_607] : memref<16384xf32, #tpu.memory_space<vmem>>, vector<128xf32>
    tpu.vector_store %arg130[%swap3A_607], %reshape3A_606 {strides = array<i32>} : memref<16384xf32, #tpu.memory_space<vmem>>, vector<128xf32>,
    %get3A_609 = arith.constant 6 : index
    %get3A_610 = arith.constant 0 : index
    %get3A_611 = vector.load %arg104[%get3A_609, %get3A_610] : memref<8x128xf32, #tpu.memory_space<vmem>>, vector<1x128xf32>
    %reshape3A_612 = vector.shape_cast %get3A_611 : vector<1x128xf32> to vector<128xf32>
    %swap3A_613 = arith.constant 13056 : index
    %swap3A_614 = vector.load %arg130[%swap3A_613] : memref<16384xf32, #tpu.memory_space<vmem>>, vector<128xf32>
    tpu.vector_store %arg130[%swap3A_613], %reshape3A_612 {strides = array<i32>} : memref<16384xf32, #tpu.memory_space<vmem>>, vector<128xf32>,
    %get3A_615 = arith.constant 7 : index
    %get3A_616 = arith.constant 0 : index
    %get3A_617 = vector.load %arg105[%get3A_615, %get3A_616] : memref<8x128xf32, #tpu.memory_space<vmem>>, vector<1x128xf32>
    %reshape3A_618 = vector.shape_cast %get3A_617 : vector<1x128xf32> to vector<128xf32>
    %swap3A_619 = arith.constant 13184 : index
    %swap3A_620 = vector.load %arg130[%swap3A_619] : memref<16384xf32, #tpu.memory_space<vmem>>, vector<128xf32>
    tpu.vector_store %arg130[%swap3A_619], %reshape3A_618 {strides = array<i32>} : memref<16384xf32, #tpu.memory_space<vmem>>, vector<128xf32>,
    %get3A_621 = arith.constant 0 : index
    %get3A_622 = arith.constant 0 : index
    %get3A_623 = vector.load %arg106[%get3A_621, %get3A_622] : memref<8x128xf32, #tpu.memory_space<vmem>>, vector<1x128xf32>
    %reshape3A_624 = vector.shape_cast %get3A_623 : vector<1x128xf32> to vector<128xf32>
    %swap3A_625 = arith.constant 13312 : index
    %swap3A_626 = vector.load %arg130[%swap3A_625] : memref<16384xf32, #tpu.memory_space<vmem>>, vector<128xf32>
    tpu.vector_store %arg130[%swap3A_625], %reshape3A_624 {strides = array<i32>} : memref<16384xf32, #tpu.memory_space<vmem>>, vector<128xf32>,
    %get3A_627 = arith.constant 1 : index
    %get3A_628 = arith.constant 0 : index
    %get3A_629 = vector.load %arg107[%get3A_627, %get3A_628] : memref<8x128xf32, #tpu.memory_space<vmem>>, vector<1x128xf32>
    %reshape3A_630 = vector.shape_cast %get3A_629 : vector<1x128xf32> to vector<128xf32>
    %swap3A_631 = arith.constant 13440 : index
    %swap3A_632 = vector.load %arg130[%swap3A_631] : memref<16384xf32, #tpu.memory_space<vmem>>, vector<128xf32>
    tpu.vector_store %arg130[%swap3A_631], %reshape3A_630 {strides = array<i32>} : memref<16384xf32, #tpu.memory_space<vmem>>, vector<128xf32>,
    %get3A_633 = arith.constant 2 : index
    %get3A_634 = arith.constant 0 : index
    %get3A_635 = vector.load %arg108[%get3A_633, %get3A_634] : memref<8x128xf32, #tpu.memory_space<vmem>>, vector<1x128xf32>
    %reshape3A_636 = vector.shape_cast %get3A_635 : vector<1x128xf32> to vector<128xf32>
    %swap3A_637 = arith.constant 13568 : index
    %swap3A_638 = vector.load %arg130[%swap3A_637] : memref<16384xf32, #tpu.memory_space<vmem>>, vector<128xf32>
    tpu.vector_store %arg130[%swap3A_637], %reshape3A_636 {strides = array<i32>} : memref<16384xf32, #tpu.memory_space<vmem>>, vector<128xf32>,
    %get3A_639 = arith.constant 3 : index
    %get3A_640 = arith.constant 0 : index
    %get3A_641 = vector.load %arg109[%get3A_639, %get3A_640] : memref<8x128xf32, #tpu.memory_space<vmem>>, vector<1x128xf32>
    %reshape3A_642 = vector.shape_cast %get3A_641 : vector<1x128xf32> to vector<128xf32>
    %swap3A_643 = arith.constant 13696 : index
    %swap3A_644 = vector.load %arg130[%swap3A_643] : memref<16384xf32, #tpu.memory_space<vmem>>, vector<128xf32>
    tpu.vector_store %arg130[%swap3A_643], %reshape3A_642 {strides = array<i32>} : memref<16384xf32, #tpu.memory_space<vmem>>, vector<128xf32>,
    %get3A_645 = arith.constant 4 : index
    %get3A_646 = arith.constant 0 : index
    %get3A_647 = vector.load %arg110[%get3A_645, %get3A_646] : memref<8x128xf32, #tpu.memory_space<vmem>>, vector<1x128xf32>
    %reshape3A_648 = vector.shape_cast %get3A_647 : vector<1x128xf32> to vector<128xf32>
    %swap3A_649 = arith.constant 13824 : index
    %swap3A_650 = vector.load %arg130[%swap3A_649] : memref<16384xf32, #tpu.memory_space<vmem>>, vector<128xf32>
    tpu.vector_store %arg130[%swap3A_649], %reshape3A_648 {strides = array<i32>} : memref<16384xf32, #tpu.memory_space<vmem>>, vector<128xf32>,
    %get3A_651 = arith.constant 5 : index
    %get3A_652 = arith.constant 0 : index
    %get3A_653 = vector.load %arg111[%get3A_651, %get3A_652] : memref<8x128xf32, #tpu.memory_space<vmem>>, vector<1x128xf32>
    %reshape3A_654 = vector.shape_cast %get3A_653 : vector<1x128xf32> to vector<128xf32>
    %swap3A_655 = arith.constant 13952 : index
    %swap3A_656 = vector.load %arg130[%swap3A_655] : memref<16384xf32, #tpu.memory_space<vmem>>, vector<128xf32>
    tpu.vector_store %arg130[%swap3A_655], %reshape3A_654 {strides = array<i32>} : memref<16384xf32, #tpu.memory_space<vmem>>, vector<128xf32>,
    %get3A_657 = arith.constant 6 : index
    %get3A_658 = arith.constant 0 : index
    %get3A_659 = vector.load %arg112[%get3A_657, %get3A_658] : memref<8x128xf32, #tpu.memory_space<vmem>>, vector<1x128xf32>
    %reshape3A_660 = vector.shape_cast %get3A_659 : vector<1x128xf32> to vector<128xf32>
    %swap3A_661 = arith.constant 14080 : index
    %swap3A_662 = vector.load %arg130[%swap3A_661] : memref<16384xf32, #tpu.memory_space<vmem>>, vector<128xf32>
    tpu.vector_store %arg130[%swap3A_661], %reshape3A_660 {strides = array<i32>} : memref<16384xf32, #tpu.memory_space<vmem>>, vector<128xf32>,
    %get3A_663 = arith.constant 7 : index
    %get3A_664 = arith.constant 0 : index
    %get3A_665 = vector.load %arg113[%get3A_663, %get3A_664] : memref<8x128xf32, #tpu.memory_space<vmem>>, vector<1x128xf32>
    %reshape3A_666 = vector.shape_cast %get3A_665 : vector<1x128xf32> to vector<128xf32>
    %swap3A_667 = arith.constant 14208 : index
    %swap3A_668 = vector.load %arg130[%swap3A_667] : memref<16384xf32, #tpu.memory_space<vmem>>, vector<128xf32>
    tpu.vector_store %arg130[%swap3A_667], %reshape3A_666 {strides = array<i32>} : memref<16384xf32, #tpu.memory_space<vmem>>, vector<128xf32>,
    %get3A_669 = arith.constant 0 : index
    %get3A_670 = arith.constant 0 : index
    %get3A_671 = vector.load %arg114[%get3A_669, %get3A_670] : memref<8x128xf32, #tpu.memory_space<vmem>>, vector<1x128xf32>
    %reshape3A_672 = vector.shape_cast %get3A_671 : vector<1x128xf32> to vector<128xf32>
    %swap3A_673 = arith.constant 14336 : index
    %swap3A_674 = vector.load %arg130[%swap3A_673] : memref<16384xf32, #tpu.memory_space<vmem>>, vector<128xf32>
    tpu.vector_store %arg130[%swap3A_673], %reshape3A_672 {strides = array<i32>} : memref<16384xf32, #tpu.memory_space<vmem>>, vector<128xf32>,
    %get3A_675 = arith.constant 1 : index
    %get3A_676 = arith.constant 0 : index
    %get3A_677 = vector.load %arg115[%get3A_675, %get3A_676] : memref<8x128xf32, #tpu.memory_space<vmem>>, vector<1x128xf32>
    %reshape3A_678 = vector.shape_cast %get3A_677 : vector<1x128xf32> to vector<128xf32>
    %swap3A_679 = arith.constant 14464 : index
    %swap3A_680 = vector.load %arg130[%swap3A_679] : memref<16384xf32, #tpu.memory_space<vmem>>, vector<128xf32>
    tpu.vector_store %arg130[%swap3A_679], %reshape3A_678 {strides = array<i32>} : memref<16384xf32, #tpu.memory_space<vmem>>, vector<128xf32>,
    %get3A_681 = arith.constant 2 : index
    %get3A_682 = arith.constant 0 : index
    %get3A_683 = vector.load %arg116[%get3A_681, %get3A_682] : memref<8x128xf32, #tpu.memory_space<vmem>>, vector<1x128xf32>
    %reshape3A_684 = vector.shape_cast %get3A_683 : vector<1x128xf32> to vector<128xf32>
    %swap3A_685 = arith.constant 14592 : index
    %swap3A_686 = vector.load %arg130[%swap3A_685] : memref<16384xf32, #tpu.memory_space<vmem>>, vector<128xf32>
    tpu.vector_store %arg130[%swap3A_685], %reshape3A_684 {strides = array<i32>} : memref<16384xf32, #tpu.memory_space<vmem>>, vector<128xf32>,
    %get3A_687 = arith.constant 3 : index
    %get3A_688 = arith.constant 0 : index
    %get3A_689 = vector.load %arg117[%get3A_687, %get3A_688] : memref<8x128xf32, #tpu.memory_space<vmem>>, vector<1x128xf32>
    %reshape3A_690 = vector.shape_cast %get3A_689 : vector<1x128xf32> to vector<128xf32>
    %swap3A_691 = arith.constant 14720 : index
    %swap3A_692 = vector.load %arg130[%swap3A_691] : memref<16384xf32, #tpu.memory_space<vmem>>, vector<128xf32>
    tpu.vector_store %arg130[%swap3A_691], %reshape3A_690 {strides = array<i32>} : memref<16384xf32, #tpu.memory_space<vmem>>, vector<128xf32>,
    %get3A_693 = arith.constant 4 : index
    %get3A_694 = arith.constant 0 : index
    %get3A_695 = vector.load %arg118[%get3A_693, %get3A_694] : memref<8x128xf32, #tpu.memory_space<vmem>>, vector<1x128xf32>
    %reshape3A_696 = vector.shape_cast %get3A_695 : vector<1x128xf32> to vector<128xf32>
    %swap3A_697 = arith.constant 14848 : index
    %swap3A_698 = vector.load %arg130[%swap3A_697] : memref<16384xf32, #tpu.memory_space<vmem>>, vector<128xf32>
    tpu.vector_store %arg130[%swap3A_697], %reshape3A_696 {strides = array<i32>} : memref<16384xf32, #tpu.memory_space<vmem>>, vector<128xf32>,
    %get3A_699 = arith.constant 5 : index
    %get3A_700 = arith.constant 0 : index
    %get3A_701 = vector.load %arg119[%get3A_699, %get3A_700] : memref<8x128xf32, #tpu.memory_space<vmem>>, vector<1x128xf32>
    %reshape3A_702 = vector.shape_cast %get3A_701 : vector<1x128xf32> to vector<128xf32>
    %swap3A_703 = arith.constant 14976 : index
    %swap3A_704 = vector.load %arg130[%swap3A_703] : memref<16384xf32, #tpu.memory_space<vmem>>, vector<128xf32>
    tpu.vector_store %arg130[%swap3A_703], %reshape3A_702 {strides = array<i32>} : memref<16384xf32, #tpu.memory_space<vmem>>, vector<128xf32>,
    %get3A_705 = arith.constant 6 : index
    %get3A_706 = arith.constant 0 : index
    %get3A_707 = vector.load %arg120[%get3A_705, %get3A_706] : memref<8x128xf32, #tpu.memory_space<vmem>>, vector<1x128xf32>
    %reshape3A_708 = vector.shape_cast %get3A_707 : vector<1x128xf32> to vector<128xf32>
    %swap3A_709 = arith.constant 15104 : index
    %swap3A_710 = vector.load %arg130[%swap3A_709] : memref<16384xf32, #tpu.memory_space<vmem>>, vector<128xf32>
    tpu.vector_store %arg130[%swap3A_709], %reshape3A_708 {strides = array<i32>} : memref<16384xf32, #tpu.memory_space<vmem>>, vector<128xf32>,
    %get3A_711 = arith.constant 7 : index
    %get3A_712 = arith.constant 0 : index
    %get3A_713 = vector.load %arg121[%get3A_711, %get3A_712] : memref<8x128xf32, #tpu.memory_space<vmem>>, vector<1x128xf32>
    %reshape3A_714 = vector.shape_cast %get3A_713 : vector<1x128xf32> to vector<128xf32>
    %swap3A_715 = arith.constant 15232 : index
    %swap3A_716 = vector.load %arg130[%swap3A_715] : memref<16384xf32, #tpu.memory_space<vmem>>, vector<128xf32>
    tpu.vector_store %arg130[%swap3A_715], %reshape3A_714 {strides = array<i32>} : memref<16384xf32, #tpu.memory_space<vmem>>, vector<128xf32>,
    %get3A_717 = arith.constant 0 : index
    %get3A_718 = arith.constant 0 : index
    %get3A_719 = vector.load %arg122[%get3A_717, %get3A_718] : memref<8x128xf32, #tpu.memory_space<vmem>>, vector<1x128xf32>
    %reshape3A_720 = vector.shape_cast %get3A_719 : vector<1x128xf32> to vector<128xf32>
    %swap3A_721 = arith.constant 15360 : index
    %swap3A_722 = vector.load %arg130[%swap3A_721] : memref<16384xf32, #tpu.memory_space<vmem>>, vector<128xf32>
    tpu.vector_store %arg130[%swap3A_721], %reshape3A_720 {strides = array<i32>} : memref<16384xf32, #tpu.memory_space<vmem>>, vector<128xf32>,
    %get3A_723 = arith.constant 1 : index
    %get3A_724 = arith.constant 0 : index
    %get3A_725 = vector.load %arg123[%get3A_723, %get3A_724] : memref<8x128xf32, #tpu.memory_space<vmem>>, vector<1x128xf32>
    %reshape3A_726 = vector.shape_cast %get3A_725 : vector<1x128xf32> to vector<128xf32>
    %swap3A_727 = arith.constant 15488 : index
    %swap3A_728 = vector.load %arg130[%swap3A_727] : memref<16384xf32, #tpu.memory_space<vmem>>, vector<128xf32>
    tpu.vector_store %arg130[%swap3A_727], %reshape3A_726 {strides = array<i32>} : memref<16384xf32, #tpu.memory_space<vmem>>, vector<128xf32>,
    %get3A_729 = arith.constant 2 : index
    %get3A_730 = arith.constant 0 : index
    %get3A_731 = vector.load %arg124[%get3A_729, %get3A_730] : memref<8x128xf32, #tpu.memory_space<vmem>>, vector<1x128xf32>
    %reshape3A_732 = vector.shape_cast %get3A_731 : vector<1x128xf32> to vector<128xf32>
    %swap3A_733 = arith.constant 15616 : index
    %swap3A_734 = vector.load %arg130[%swap3A_733] : memref<16384xf32, #tpu.memory_space<vmem>>, vector<128xf32>
    tpu.vector_store %arg130[%swap3A_733], %reshape3A_732 {strides = array<i32>} : memref<16384xf32, #tpu.memory_space<vmem>>, vector<128xf32>,
    %get3A_735 = arith.constant 3 : index
    %get3A_736 = arith.constant 0 : index
    %get3A_737 = vector.load %arg125[%get3A_735, %get3A_736] : memref<8x128xf32, #tpu.memory_space<vmem>>, vector<1x128xf32>
    %reshape3A_738 = vector.shape_cast %get3A_737 : vector<1x128xf32> to vector<128xf32>
    %swap3A_739 = arith.constant 15744 : index
    %swap3A_740 = vector.load %arg130[%swap3A_739] : memref<16384xf32, #tpu.memory_space<vmem>>, vector<128xf32>
    tpu.vector_store %arg130[%swap3A_739], %reshape3A_738 {strides = array<i32>} : memref<16384xf32, #tpu.memory_space<vmem>>, vector<128xf32>,
    %get3A_741 = arith.constant 4 : index
    %get3A_742 = arith.constant 0 : index
    %get3A_743 = vector.load %arg126[%get3A_741, %get3A_742] : memref<8x128xf32, #tpu.memory_space<vmem>>, vector<1x128xf32>
    %reshape3A_744 = vector.shape_cast %get3A_743 : vector<1x128xf32> to vector<128xf32>
    %swap3A_745 = arith.constant 15872 : index
    %swap3A_746 = vector.load %arg130[%swap3A_745] : memref<16384xf32, #tpu.memory_space<vmem>>, vector<128xf32>
    tpu.vector_store %arg130[%swap3A_745], %reshape3A_744 {strides = array<i32>} : memref<16384xf32, #tpu.memory_space<vmem>>, vector<128xf32>,
    %get3A_747 = arith.constant 5 : index
    %get3A_748 = arith.constant 0 : index
    %get3A_749 = vector.load %arg127[%get3A_747, %get3A_748] : memref<8x128xf32, #tpu.memory_space<vmem>>, vector<1x128xf32>
    %reshape3A_750 = vector.shape_cast %get3A_749 : vector<1x128xf32> to vector<128xf32>
    %swap3A_751 = arith.constant 16000 : index
    %swap3A_752 = vector.load %arg130[%swap3A_751] : memref<16384xf32, #tpu.memory_space<vmem>>, vector<128xf32>
    tpu.vector_store %arg130[%swap3A_751], %reshape3A_750 {strides = array<i32>} : memref<16384xf32, #tpu.memory_space<vmem>>, vector<128xf32>,
    %get3A_753 = arith.constant 6 : index
    %get3A_754 = arith.constant 0 : index
    %get3A_755 = vector.load %arg128[%get3A_753, %get3A_754] : memref<8x128xf32, #tpu.memory_space<vmem>>, vector<1x128xf32>
    %reshape3A_756 = vector.shape_cast %get3A_755 : vector<1x128xf32> to vector<128xf32>
    %swap3A_757 = arith.constant 16128 : index
    %swap3A_758 = vector.load %arg130[%swap3A_757] : memref<16384xf32, #tpu.memory_space<vmem>>, vector<128xf32>
    tpu.vector_store %arg130[%swap3A_757], %reshape3A_756 {strides = array<i32>} : memref<16384xf32, #tpu.memory_space<vmem>>, vector<128xf32>,
    %get3A_759 = arith.constant 7 : index
    %get3A_760 = arith.constant 0 : index
    %get3A_761 = vector.load %arg129[%get3A_759, %get3A_760] : memref<8x128xf32, #tpu.memory_space<vmem>>, vector<1x128xf32>
    %reshape3A_762 = vector.shape_cast %get3A_761 : vector<1x128xf32> to vector<128xf32>
    %swap3A_763 = arith.constant 16256 : index
    %swap3A_764 = vector.load %arg130[%swap3A_763] : memref<16384xf32, #tpu.memory_space<vmem>>, vector<128xf32>
    tpu.vector_store %arg130[%swap3A_763], %reshape3A_762 {strides = array<i32>} : memref<16384xf32, #tpu.memory_space<vmem>>, vector<128xf32>,
    return
  }
  func.func @transform_0(%arg0: i32, %arg1: memref<128xi32, #tpu.memory_space<smem>>) -> (i32, i32) {
    %mul3A = arith.constant 16 : i32
    %mul3A_0 = arith.muli %arg0, %mul3A : i32
    %add3A = arith.constant 0 : i32
    %add3A_1 = arith.addi %mul3A_0, %add3A : i32
    %mul3A_2 = arith.constant 128 : i32
    %mul3A_3 = arith.muli %arg0, %mul3A_2 : i32
    %add3A_4 = arith.constant 0 : i32
    %add3A_5 = arith.addi %mul3A_3, %add3A_4 : i32
    %get3A = arith.index_cast %add3A_5 : i32 to index
    %get3A_6 = memref.load %arg1[%get3A] : memref<128xi32, #tpu.memory_space<smem>>
    %jit3A = arith.constant 128 : i32
    %div3A = arith.divsi %get3A_6, %jit3A : i32
    %sign3A = arith.constant 0 : i32
    %sign3A_7 = arith.cmpi sgt, %get3A_6, %sign3A : i32
    %sign3A_8 = arith.extui %sign3A_7 : i1 to i32
    %sign3A_9 = arith.constant 0 : i32
    %sign3A_10 = arith.cmpi slt, %get3A_6, %sign3A_9 : i32
    %sign3A_11 = arith.extui %sign3A_10 : i1 to i32
    %sign3A_12 = arith.subi %sign3A_8, %sign3A_11 : i32
    %sign3A_13 = arith.constant 0 : i32
    %sign3A_14 = arith.cmpi sgt, %jit3A, %sign3A_13 : i32
    %sign3A_15 = arith.extui %sign3A_14 : i1 to i32
    %sign3A_16 = arith.constant 0 : i32
    %sign3A_17 = arith.cmpi slt, %jit3A, %sign3A_16 : i32
    %sign3A_18 = arith.extui %sign3A_17 : i1 to i32
    %sign3A_19 = arith.subi %sign3A_15, %sign3A_18 : i32
    %ne3A = arith.cmpi ne, %sign3A_12, %sign3A_19 : i32
    %rem3A = arith.remsi %get3A_6, %jit3A : i32
    %ne3A_20 = arith.constant 0 : i32
    %ne3A_21 = arith.cmpi ne, %rem3A, %ne3A_20 : i32
    %and3A = arith.andi %ne3A, %ne3A_21 : i1
    %sub3A = arith.constant 1 : i32
    %sub3A_22 = arith.subi %div3A, %sub3A : i32
    %select_n3A = arith.select %and3A, %sub3A_22, %div3A : i32
    %c0_i32 = arith.constant 0 : i32
    return %add3A_1, %select_n3A : i32, i32
  }
  func.func @transform_1(%arg0: i32, %arg1: memref<128xi32, #tpu.memory_space<smem>>) -> (i32, i32) {
    %mul3A = arith.constant 16 : i32
    %mul3A_0 = arith.muli %arg0, %mul3A : i32
    %add3A = arith.constant 0 : i32
    %add3A_1 = arith.addi %mul3A_0, %add3A : i32
    %mul3A_2 = arith.constant 128 : i32
    %mul3A_3 = arith.muli %arg0, %mul3A_2 : i32
    %add3A_4 = arith.constant 1 : i32
    %add3A_5 = arith.addi %mul3A_3, %add3A_4 : i32
    %get3A = arith.index_cast %add3A_5 : i32 to index
    %get3A_6 = memref.load %arg1[%get3A] : memref<128xi32, #tpu.memory_space<smem>>
    %jit3A = arith.constant 128 : i32
    %div3A = arith.divsi %get3A_6, %jit3A : i32
    %sign3A = arith.constant 0 : i32
    %sign3A_7 = arith.cmpi sgt, %get3A_6, %sign3A : i32
    %sign3A_8 = arith.extui %sign3A_7 : i1 to i32
    %sign3A_9 = arith.constant 0 : i32
    %sign3A_10 = arith.cmpi slt, %get3A_6, %sign3A_9 : i32
    %sign3A_11 = arith.extui %sign3A_10 : i1 to i32
    %sign3A_12 = arith.subi %sign3A_8, %sign3A_11 : i32
    %sign3A_13 = arith.constant 0 : i32
    %sign3A_14 = arith.cmpi sgt, %jit3A, %sign3A_13 : i32
    %sign3A_15 = arith.extui %sign3A_14 : i1 to i32
    %sign3A_16 = arith.constant 0 : i32
    %sign3A_17 = arith.cmpi slt, %jit3A, %sign3A_16 : i32
    %sign3A_18 = arith.extui %sign3A_17 : i1 to i32
    %sign3A_19 = arith.subi %sign3A_15, %sign3A_18 : i32
    %ne3A = arith.cmpi ne, %sign3A_12, %sign3A_19 : i32
    %rem3A = arith.remsi %get3A_6, %jit3A : i32
    %ne3A_20 = arith.constant 0 : i32
    %ne3A_21 = arith.cmpi ne, %rem3A, %ne3A_20 : i32
    %and3A = arith.andi %ne3A, %ne3A_21 : i1
    %sub3A = arith.constant 1 : i32
    %sub3A_22 = arith.subi %div3A, %sub3A : i32
    %select_n3A = arith.select %and3A, %sub3A_22, %div3A : i32
    %c0_i32 = arith.constant 0 : i32
    return %add3A_1, %select_n3A : i32, i32
  }
  func.func @transform_2(%arg0: i32, %arg1: memref<128xi32, #tpu.memory_space<smem>>) -> (i32, i32) {
    %mul3A = arith.constant 16 : i32
    %mul3A_0 = arith.muli %arg0, %mul3A : i32
    %add3A = arith.constant 0 : i32
    %add3A_1 = arith.addi %mul3A_0, %add3A : i32
    %mul3A_2 = arith.constant 128 : i32
    %mul3A_3 = arith.muli %arg0, %mul3A_2 : i32
    %add3A_4 = arith.constant 2 : i32
    %add3A_5 = arith.addi %mul3A_3, %add3A_4 : i32
    %get3A = arith.index_cast %add3A_5 : i32 to index
    %get3A_6 = memref.load %arg1[%get3A] : memref<128xi32, #tpu.memory_space<smem>>
    %jit3A = arith.constant 128 : i32
    %div3A = arith.divsi %get3A_6, %jit3A : i32
    %sign3A = arith.constant 0 : i32
    %sign3A_7 = arith.cmpi sgt, %get3A_6, %sign3A : i32
    %sign3A_8 = arith.extui %sign3A_7 : i1 to i32
    %sign3A_9 = arith.constant 0 : i32
    %sign3A_10 = arith.cmpi slt, %get3A_6, %sign3A_9 : i32
    %sign3A_11 = arith.extui %sign3A_10 : i1 to i32
    %sign3A_12 = arith.subi %sign3A_8, %sign3A_11 : i32
    %sign3A_13 = arith.constant 0 : i32
    %sign3A_14 = arith.cmpi sgt, %jit3A, %sign3A_13 : i32
    %sign3A_15 = arith.extui %sign3A_14 : i1 to i32
    %sign3A_16 = arith.constant 0 : i32
    %sign3A_17 = arith.cmpi slt, %jit3A, %sign3A_16 : i32
    %sign3A_18 = arith.extui %sign3A_17 : i1 to i32
    %sign3A_19 = arith.subi %sign3A_15, %sign3A_18 : i32
    %ne3A = arith.cmpi ne, %sign3A_12, %sign3A_19 : i32
    %rem3A = arith.remsi %get3A_6, %jit3A : i32
    %ne3A_20 = arith.constant 0 : i32
    %ne3A_21 = arith.cmpi ne, %rem3A, %ne3A_20 : i32
    %and3A = arith.andi %ne3A, %ne3A_21 : i1
    %sub3A = arith.constant 1 : i32
    %sub3A_22 = arith.subi %div3A, %sub3A : i32
    %select_n3A = arith.select %and3A, %sub3A_22, %div3A : i32
    %c0_i32 = arith.constant 0 : i32
    return %add3A_1, %select_n3A : i32, i32
  }
  func.func @transform_3(%arg0: i32, %arg1: memref<128xi32, #tpu.memory_space<smem>>) -> (i32, i32) {
    %mul3A = arith.constant 16 : i32
    %mul3A_0 = arith.muli %arg0, %mul3A : i32
    %add3A = arith.constant 0 : i32
    %add3A_1 = arith.addi %mul3A_0, %add3A : i32
    %mul3A_2 = arith.constant 128 : i32
    %mul3A_3 = arith.muli %arg0, %mul3A_2 : i32
    %add3A_4 = arith.constant 3 : i32
    %add3A_5 = arith.addi %mul3A_3, %add3A_4 : i32
    %get3A = arith.index_cast %add3A_5 : i32 to index
    %get3A_6 = memref.load %arg1[%get3A] : memref<128xi32, #tpu.memory_space<smem>>
    %jit3A = arith.constant 128 : i32
    %div3A = arith.divsi %get3A_6, %jit3A : i32
    %sign3A = arith.constant 0 : i32
    %sign3A_7 = arith.cmpi sgt, %get3A_6, %sign3A : i32
    %sign3A_8 = arith.extui %sign3A_7 : i1 to i32
    %sign3A_9 = arith.constant 0 : i32
    %sign3A_10 = arith.cmpi slt, %get3A_6, %sign3A_9 : i32
    %sign3A_11 = arith.extui %sign3A_10 : i1 to i32
    %sign3A_12 = arith.subi %sign3A_8, %sign3A_11 : i32
    %sign3A_13 = arith.constant 0 : i32
    %sign3A_14 = arith.cmpi sgt, %jit3A, %sign3A_13 : i32
    %sign3A_15 = arith.extui %sign3A_14 : i1 to i32
    %sign3A_16 = arith.constant 0 : i32
    %sign3A_17 = arith.cmpi slt, %jit3A, %sign3A_16 : i32
    %sign3A_18 = arith.extui %sign3A_17 : i1 to i32
    %sign3A_19 = arith.subi %sign3A_15, %sign3A_18 : i32
    %ne3A = arith.cmpi ne, %sign3A_12, %sign3A_19 : i32
    %rem3A = arith.remsi %get3A_6, %jit3A : i32
    %ne3A_20 = arith.constant 0 : i32
    %ne3A_21 = arith.cmpi ne, %rem3A, %ne3A_20 : i32
    %and3A = arith.andi %ne3A, %ne3A_21 : i1
    %sub3A = arith.constant 1 : i32
    %sub3A_22 = arith.subi %div3A, %sub3A : i32
    %select_n3A = arith.select %and3A, %sub3A_22, %div3A : i32
    %c0_i32 = arith.constant 0 : i32
    return %add3A_1, %select_n3A : i32, i32
  }
  func.func @transform_4(%arg0: i32, %arg1: memref<128xi32, #tpu.memory_space<smem>>) -> (i32, i32) {
    %mul3A = arith.constant 16 : i32
    %mul3A_0 = arith.muli %arg0, %mul3A : i32
    %add3A = arith.constant 0 : i32
    %add3A_1 = arith.addi %mul3A_0, %add3A : i32
    %mul3A_2 = arith.constant 128 : i32
    %mul3A_3 = arith.muli %arg0, %mul3A_2 : i32
    %add3A_4 = arith.constant 4 : i32
    %add3A_5 = arith.addi %mul3A_3, %add3A_4 : i32
    %get3A = arith.index_cast %add3A_5 : i32 to index
    %get3A_6 = memref.load %arg1[%get3A] : memref<128xi32, #tpu.memory_space<smem>>
    %jit3A = arith.constant 128 : i32
    %div3A = arith.divsi %get3A_6, %jit3A : i32
    %sign3A = arith.constant 0 : i32
    %sign3A_7 = arith.cmpi sgt, %get3A_6, %sign3A : i32
    %sign3A_8 = arith.extui %sign3A_7 : i1 to i32
    %sign3A_9 = arith.constant 0 : i32
    %sign3A_10 = arith.cmpi slt, %get3A_6, %sign3A_9 : i32
    %sign3A_11 = arith.extui %sign3A_10 : i1 to i32
    %sign3A_12 = arith.subi %sign3A_8, %sign3A_11 : i32
    %sign3A_13 = arith.constant 0 : i32
    %sign3A_14 = arith.cmpi sgt, %jit3A, %sign3A_13 : i32
    %sign3A_15 = arith.extui %sign3A_14 : i1 to i32
    %sign3A_16 = arith.constant 0 : i32
    %sign3A_17 = arith.cmpi slt, %jit3A, %sign3A_16 : i32
    %sign3A_18 = arith.extui %sign3A_17 : i1 to i32
    %sign3A_19 = arith.subi %sign3A_15, %sign3A_18 : i32
    %ne3A = arith.cmpi ne, %sign3A_12, %sign3A_19 : i32
    %rem3A = arith.remsi %get3A_6, %jit3A : i32
    %ne3A_20 = arith.constant 0 : i32
    %ne3A_21 = arith.cmpi ne, %rem3A, %ne3A_20 : i32
    %and3A = arith.andi %ne3A, %ne3A_21 : i1
    %sub3A = arith.constant 1 : i32
    %sub3A_22 = arith.subi %div3A, %sub3A : i32
    %select_n3A = arith.select %and3A, %sub3A_22, %div3A : i32
    %c0_i32 = arith.constant 0 : i32
    return %add3A_1, %select_n3A : i32, i32
  }
  func.func @transform_5(%arg0: i32, %arg1: memref<128xi32, #tpu.memory_space<smem>>) -> (i32, i32) {
    %mul3A = arith.constant 16 : i32
    %mul3A_0 = arith.muli %arg0, %mul3A : i32
    %add3A = arith.constant 0 : i32
    %add3A_1 = arith.addi %mul3A_0, %add3A : i32
    %mul3A_2 = arith.constant 128 : i32
    %mul3A_3 = arith.muli %arg0, %mul3A_2 : i32
    %add3A_4 = arith.constant 5 : i32
    %add3A_5 = arith.addi %mul3A_3, %add3A_4 : i32
    %get3A = arith.index_cast %add3A_5 : i32 to index
    %get3A_6 = memref.load %arg1[%get3A] : memref<128xi32, #tpu.memory_space<smem>>
    %jit3A = arith.constant 128 : i32
    %div3A = arith.divsi %get3A_6, %jit3A : i32
    %sign3A = arith.constant 0 : i32
    %sign3A_7 = arith.cmpi sgt, %get3A_6, %sign3A : i32
    %sign3A_8 = arith.extui %sign3A_7 : i1 to i32
    %sign3A_9 = arith.constant 0 : i32
    %sign3A_10 = arith.cmpi slt, %get3A_6, %sign3A_9 : i32
    %sign3A_11 = arith.extui %sign3A_10 : i1 to i32
    %sign3A_12 = arith.subi %sign3A_8, %sign3A_11 : i32
    %sign3A_13 = arith.constant 0 : i32
    %sign3A_14 = arith.cmpi sgt, %jit3A, %sign3A_13 : i32
    %sign3A_15 = arith.extui %sign3A_14 : i1 to i32
    %sign3A_16 = arith.constant 0 : i32
    %sign3A_17 = arith.cmpi slt, %jit3A, %sign3A_16 : i32
    %sign3A_18 = arith.extui %sign3A_17 : i1 to i32
    %sign3A_19 = arith.subi %sign3A_15, %sign3A_18 : i32
    %ne3A = arith.cmpi ne, %sign3A_12, %sign3A_19 : i32
    %rem3A = arith.remsi %get3A_6, %jit3A : i32
    %ne3A_20 = arith.constant 0 : i32
    %ne3A_21 = arith.cmpi ne, %rem3A, %ne3A_20 : i32
    %and3A = arith.andi %ne3A, %ne3A_21 : i1
    %sub3A = arith.constant 1 : i32
    %sub3A_22 = arith.subi %div3A, %sub3A : i32
    %select_n3A = arith.select %and3A, %sub3A_22, %div3A : i32
    %c0_i32 = arith.constant 0 : i32
    return %add3A_1, %select_n3A : i32, i32
  }
  func.func @transform_6(%arg0: i32, %arg1: memref<128xi32, #tpu.memory_space<smem>>) -> (i32, i32) {
    %mul3A = arith.constant 16 : i32
    %mul3A_0 = arith.muli %arg0, %mul3A : i32
    %add3A = arith.constant 0 : i32
    %add3A_1 = arith.addi %mul3A_0, %add3A : i32
    %mul3A_2 = arith.constant 128 : i32
    %mul3A_3 = arith.muli %arg0, %mul3A_2 : i32
    %add3A_4 = arith.constant 6 : i32
    %add3A_5 = arith.addi %mul3A_3, %add3A_4 : i32
    %get3A = arith.index_cast %add3A_5 : i32 to index
    %get3A_6 = memref.load %arg1[%get3A] : memref<128xi32, #tpu.memory_space<smem>>
    %jit3A = arith.constant 128 : i32
    %div3A = arith.divsi %get3A_6, %jit3A : i32
    %sign3A = arith.constant 0 : i32
    %sign3A_7 = arith.cmpi sgt, %get3A_6, %sign3A : i32
    %sign3A_8 = arith.extui %sign3A_7 : i1 to i32
    %sign3A_9 = arith.constant 0 : i32
    %sign3A_10 = arith.cmpi slt, %get3A_6, %sign3A_9 : i32
    %sign3A_11 = arith.extui %sign3A_10 : i1 to i32
    %sign3A_12 = arith.subi %sign3A_8, %sign3A_11 : i32
    %sign3A_13 = arith.constant 0 : i32
    %sign3A_14 = arith.cmpi sgt, %jit3A, %sign3A_13 : i32
    %sign3A_15 = arith.extui %sign3A_14 : i1 to i32
    %sign3A_16 = arith.constant 0 : i32
    %sign3A_17 = arith.cmpi slt, %jit3A, %sign3A_16 : i32
    %sign3A_18 = arith.extui %sign3A_17 : i1 to i32
    %sign3A_19 = arith.subi %sign3A_15, %sign3A_18 : i32
    %ne3A = arith.cmpi ne, %sign3A_12, %sign3A_19 : i32
    %rem3A = arith.remsi %get3A_6, %jit3A : i32
    %ne3A_20 = arith.constant 0 : i32
    %ne3A_21 = arith.cmpi ne, %rem3A, %ne3A_20 : i32
    %and3A = arith.andi %ne3A, %ne3A_21 : i1
    %sub3A = arith.constant 1 : i32
    %sub3A_22 = arith.subi %div3A, %sub3A : i32
    %select_n3A = arith.select %and3A, %sub3A_22, %div3A : i32
    %c0_i32 = arith.constant 0 : i32
    return %add3A_1, %select_n3A : i32, i32
  }
  func.func @transform_7(%arg0: i32, %arg1: memref<128xi32, #tpu.memory_space<smem>>) -> (i32, i32) {
    %mul3A = arith.constant 16 : i32
    %mul3A_0 = arith.muli %arg0, %mul3A : i32
    %add3A = arith.constant 0 : i32
    %add3A_1 = arith.addi %mul3A_0, %add3A : i32
    %mul3A_2 = arith.constant 128 : i32
    %mul3A_3 = arith.muli %arg0, %mul3A_2 : i32
    %add3A_4 = arith.constant 7 : i32
    %add3A_5 = arith.addi %mul3A_3, %add3A_4 : i32
    %get3A = arith.index_cast %add3A_5 : i32 to index
    %get3A_6 = memref.load %arg1[%get3A] : memref<128xi32, #tpu.memory_space<smem>>
    %jit3A = arith.constant 128 : i32
    %div3A = arith.divsi %get3A_6, %jit3A : i32
    %sign3A = arith.constant 0 : i32
    %sign3A_7 = arith.cmpi sgt, %get3A_6, %sign3A : i32
    %sign3A_8 = arith.extui %sign3A_7 : i1 to i32
    %sign3A_9 = arith.constant 0 : i32
    %sign3A_10 = arith.cmpi slt, %get3A_6, %sign3A_9 : i32
    %sign3A_11 = arith.extui %sign3A_10 : i1 to i32
    %sign3A_12 = arith.subi %sign3A_8, %sign3A_11 : i32
    %sign3A_13 = arith.constant 0 : i32
    %sign3A_14 = arith.cmpi sgt, %jit3A, %sign3A_13 : i32
    %sign3A_15 = arith.extui %sign3A_14 : i1 to i32
    %sign3A_16 = arith.constant 0 : i32
    %sign3A_17 = arith.cmpi slt, %jit3A, %sign3A_16 : i32
    %sign3A_18 = arith.extui %sign3A_17 : i1 to i32
    %sign3A_19 = arith.subi %sign3A_15, %sign3A_18 : i32
    %ne3A = arith.cmpi ne, %sign3A_12, %sign3A_19 : i32
    %rem3A = arith.remsi %get3A_6, %jit3A : i32
    %ne3A_20 = arith.constant 0 : i32
    %ne3A_21 = arith.cmpi ne, %rem3A, %ne3A_20 : i32
    %and3A = arith.andi %ne3A, %ne3A_21 : i1
    %sub3A = arith.constant 1 : i32
    %sub3A_22 = arith.subi %div3A, %sub3A : i32
    %select_n3A = arith.select %and3A, %sub3A_22, %div3A : i32
    %c0_i32 = arith.constant 0 : i32
    return %add3A_1, %select_n3A : i32, i32
  }
  func.func @transform_8(%arg0: i32, %arg1: memref<128xi32, #tpu.memory_space<smem>>) -> (i32, i32) {
    %mul3A = arith.constant 16 : i32
    %mul3A_0 = arith.muli %arg0, %mul3A : i32
    %add3A = arith.constant 1 : i32
    %add3A_1 = arith.addi %mul3A_0, %add3A : i32
    %mul3A_2 = arith.constant 128 : i32
    %mul3A_3 = arith.muli %arg0, %mul3A_2 : i32
    %add3A_4 = arith.constant 8 : i32
    %add3A_5 = arith.addi %mul3A_3, %add3A_4 : i32
    %get3A = arith.index_cast %add3A_5 : i32 to index
    %get3A_6 = memref.load %arg1[%get3A] : memref<128xi32, #tpu.memory_space<smem>>
    %jit3A = arith.constant 128 : i32
    %div3A = arith.divsi %get3A_6, %jit3A : i32
    %sign3A = arith.constant 0 : i32
    %sign3A_7 = arith.cmpi sgt, %get3A_6, %sign3A : i32
    %sign3A_8 = arith.extui %sign3A_7 : i1 to i32
    %sign3A_9 = arith.constant 0 : i32
    %sign3A_10 = arith.cmpi slt, %get3A_6, %sign3A_9 : i32
    %sign3A_11 = arith.extui %sign3A_10 : i1 to i32
    %sign3A_12 = arith.subi %sign3A_8, %sign3A_11 : i32
    %sign3A_13 = arith.constant 0 : i32
    %sign3A_14 = arith.cmpi sgt, %jit3A, %sign3A_13 : i32
    %sign3A_15 = arith.extui %sign3A_14 : i1 to i32
    %sign3A_16 = arith.constant 0 : i32
    %sign3A_17 = arith.cmpi slt, %jit3A, %sign3A_16 : i32
    %sign3A_18 = arith.extui %sign3A_17 : i1 to i32
    %sign3A_19 = arith.subi %sign3A_15, %sign3A_18 : i32
    %ne3A = arith.cmpi ne, %sign3A_12, %sign3A_19 : i32
    %rem3A = arith.remsi %get3A_6, %jit3A : i32
    %ne3A_20 = arith.constant 0 : i32
    %ne3A_21 = arith.cmpi ne, %rem3A, %ne3A_20 : i32
    %and3A = arith.andi %ne3A, %ne3A_21 : i1
    %sub3A = arith.constant 1 : i32
    %sub3A_22 = arith.subi %div3A, %sub3A : i32
    %select_n3A = arith.select %and3A, %sub3A_22, %div3A : i32
    %c0_i32 = arith.constant 0 : i32
    return %add3A_1, %select_n3A : i32, i32
  }
  func.func @transform_9(%arg0: i32, %arg1: memref<128xi32, #tpu.memory_space<smem>>) -> (i32, i32) {
    %mul3A = arith.constant 16 : i32
    %mul3A_0 = arith.muli %arg0, %mul3A : i32
    %add3A = arith.constant 1 : i32
    %add3A_1 = arith.addi %mul3A_0, %add3A : i32
    %mul3A_2 = arith.constant 128 : i32
    %mul3A_3 = arith.muli %arg0, %mul3A_2 : i32
    %add3A_4 = arith.constant 9 : i32
    %add3A_5 = arith.addi %mul3A_3, %add3A_4 : i32
    %get3A = arith.index_cast %add3A_5 : i32 to index
    %get3A_6 = memref.load %arg1[%get3A] : memref<128xi32, #tpu.memory_space<smem>>
    %jit3A = arith.constant 128 : i32
    %div3A = arith.divsi %get3A_6, %jit3A : i32
    %sign3A = arith.constant 0 : i32
    %sign3A_7 = arith.cmpi sgt, %get3A_6, %sign3A : i32
    %sign3A_8 = arith.extui %sign3A_7 : i1 to i32
    %sign3A_9 = arith.constant 0 : i32
    %sign3A_10 = arith.cmpi slt, %get3A_6, %sign3A_9 : i32
    %sign3A_11 = arith.extui %sign3A_10 : i1 to i32
    %sign3A_12 = arith.subi %sign3A_8, %sign3A_11 : i32
    %sign3A_13 = arith.constant 0 : i32
    %sign3A_14 = arith.cmpi sgt, %jit3A, %sign3A_13 : i32
    %sign3A_15 = arith.extui %sign3A_14 : i1 to i32
    %sign3A_16 = arith.constant 0 : i32
    %sign3A_17 = arith.cmpi slt, %jit3A, %sign3A_16 : i32
    %sign3A_18 = arith.extui %sign3A_17 : i1 to i32
    %sign3A_19 = arith.subi %sign3A_15, %sign3A_18 : i32
    %ne3A = arith.cmpi ne, %sign3A_12, %sign3A_19 : i32
    %rem3A = arith.remsi %get3A_6, %jit3A : i32
    %ne3A_20 = arith.constant 0 : i32
    %ne3A_21 = arith.cmpi ne, %rem3A, %ne3A_20 : i32
    %and3A = arith.andi %ne3A, %ne3A_21 : i1
    %sub3A = arith.constant 1 : i32
    %sub3A_22 = arith.subi %div3A, %sub3A : i32
    %select_n3A = arith.select %and3A, %sub3A_22, %div3A : i32
    %c0_i32 = arith.constant 0 : i32
    return %add3A_1, %select_n3A : i32, i32
  }
  func.func @transform_10(%arg0: i32, %arg1: memref<128xi32, #tpu.memory_space<smem>>) -> (i32, i32) {
    %mul3A = arith.constant 16 : i32
    %mul3A_0 = arith.muli %arg0, %mul3A : i32
    %add3A = arith.constant 1 : i32
    %add3A_1 = arith.addi %mul3A_0, %add3A : i32
    %mul3A_2 = arith.constant 128 : i32
    %mul3A_3 = arith.muli %arg0, %mul3A_2 : i32
    %add3A_4 = arith.constant 10 : i32
    %add3A_5 = arith.addi %mul3A_3, %add3A_4 : i32
    %get3A = arith.index_cast %add3A_5 : i32 to index
    %get3A_6 = memref.load %arg1[%get3A] : memref<128xi32, #tpu.memory_space<smem>>
    %jit3A = arith.constant 128 : i32
    %div3A = arith.divsi %get3A_6, %jit3A : i32
    %sign3A = arith.constant 0 : i32
    %sign3A_7 = arith.cmpi sgt, %get3A_6, %sign3A : i32
    %sign3A_8 = arith.extui %sign3A_7 : i1 to i32
    %sign3A_9 = arith.constant 0 : i32
    %sign3A_10 = arith.cmpi slt, %get3A_6, %sign3A_9 : i32
    %sign3A_11 = arith.extui %sign3A_10 : i1 to i32
    %sign3A_12 = arith.subi %sign3A_8, %sign3A_11 : i32
    %sign3A_13 = arith.constant 0 : i32
    %sign3A_14 = arith.cmpi sgt, %jit3A, %sign3A_13 : i32
    %sign3A_15 = arith.extui %sign3A_14 : i1 to i32
    %sign3A_16 = arith.constant 0 : i32
    %sign3A_17 = arith.cmpi slt, %jit3A, %sign3A_16 : i32
    %sign3A_18 = arith.extui %sign3A_17 : i1 to i32
    %sign3A_19 = arith.subi %sign3A_15, %sign3A_18 : i32
    %ne3A = arith.cmpi ne, %sign3A_12, %sign3A_19 : i32
    %rem3A = arith.remsi %get3A_6, %jit3A : i32
    %ne3A_20 = arith.constant 0 : i32
    %ne3A_21 = arith.cmpi ne, %rem3A, %ne3A_20 : i32
    %and3A = arith.andi %ne3A, %ne3A_21 : i1
    %sub3A = arith.constant 1 : i32
    %sub3A_22 = arith.subi %div3A, %sub3A : i32
    %select_n3A = arith.select %and3A, %sub3A_22, %div3A : i32
    %c0_i32 = arith.constant 0 : i32
    return %add3A_1, %select_n3A : i32, i32
  }
  func.func @transform_11(%arg0: i32, %arg1: memref<128xi32, #tpu.memory_space<smem>>) -> (i32, i32) {
    %mul3A = arith.constant 16 : i32
    %mul3A_0 = arith.muli %arg0, %mul3A : i32
    %add3A = arith.constant 1 : i32
    %add3A_1 = arith.addi %mul3A_0, %add3A : i32
    %mul3A_2 = arith.constant 128 : i32
    %mul3A_3 = arith.muli %arg0, %mul3A_2 : i32
    %add3A_4 = arith.constant 11 : i32
    %add3A_5 = arith.addi %mul3A_3, %add3A_4 : i32
    %get3A = arith.index_cast %add3A_5 : i32 to index
    %get3A_6 = memref.load %arg1[%get3A] : memref<128xi32, #tpu.memory_space<smem>>
    %jit3A = arith.constant 128 : i32
    %div3A = arith.divsi %get3A_6, %jit3A : i32
    %sign3A = arith.constant 0 : i32
    %sign3A_7 = arith.cmpi sgt, %get3A_6, %sign3A : i32
    %sign3A_8 = arith.extui %sign3A_7 : i1 to i32
    %sign3A_9 = arith.constant 0 : i32
    %sign3A_10 = arith.cmpi slt, %get3A_6, %sign3A_9 : i32
    %sign3A_11 = arith.extui %sign3A_10 : i1 to i32
    %sign3A_12 = arith.subi %sign3A_8, %sign3A_11 : i32
    %sign3A_13 = arith.constant 0 : i32
    %sign3A_14 = arith.cmpi sgt, %jit3A, %sign3A_13 : i32
    %sign3A_15 = arith.extui %sign3A_14 : i1 to i32
    %sign3A_16 = arith.constant 0 : i32
    %sign3A_17 = arith.cmpi slt, %jit3A, %sign3A_16 : i32
    %sign3A_18 = arith.extui %sign3A_17 : i1 to i32
    %sign3A_19 = arith.subi %sign3A_15, %sign3A_18 : i32
    %ne3A = arith.cmpi ne, %sign3A_12, %sign3A_19 : i32
    %rem3A = arith.remsi %get3A_6, %jit3A : i32
    %ne3A_20 = arith.constant 0 : i32
    %ne3A_21 = arith.cmpi ne, %rem3A, %ne3A_20 : i32
    %and3A = arith.andi %ne3A, %ne3A_21 : i1
    %sub3A = arith.constant 1 : i32
    %sub3A_22 = arith.subi %div3A, %sub3A : i32
    %select_n3A = arith.select %and3A, %sub3A_22, %div3A : i32
    %c0_i32 = arith.constant 0 : i32
    return %add3A_1, %select_n3A : i32, i32
  }
  func.func @transform_12(%arg0: i32, %arg1: memref<128xi32, #tpu.memory_space<smem>>) -> (i32, i32) {
    %mul3A = arith.constant 16 : i32
    %mul3A_0 = arith.muli %arg0, %mul3A : i32
    %add3A = arith.constant 1 : i32
    %add3A_1 = arith.addi %mul3A_0, %add3A : i32
    %mul3A_2 = arith.constant 128 : i32
    %mul3A_3 = arith.muli %arg0, %mul3A_2 : i32
    %add3A_4 = arith.constant 12 : i32
    %add3A_5 = arith.addi %mul3A_3, %add3A_4 : i32
    %get3A = arith.index_cast %add3A_5 : i32 to index
    %get3A_6 = memref.load %arg1[%get3A] : memref<128xi32, #tpu.memory_space<smem>>
    %jit3A = arith.constant 128 : i32
    %div3A = arith.divsi %get3A_6, %jit3A : i32
    %sign3A = arith.constant 0 : i32
    %sign3A_7 = arith.cmpi sgt, %get3A_6, %sign3A : i32
    %sign3A_8 = arith.extui %sign3A_7 : i1 to i32
    %sign3A_9 = arith.constant 0 : i32
    %sign3A_10 = arith.cmpi slt, %get3A_6, %sign3A_9 : i32
    %sign3A_11 = arith.extui %sign3A_10 : i1 to i32
    %sign3A_12 = arith.subi %sign3A_8, %sign3A_11 : i32
    %sign3A_13 = arith.constant 0 : i32
    %sign3A_14 = arith.cmpi sgt, %jit3A, %sign3A_13 : i32
    %sign3A_15 = arith.extui %sign3A_14 : i1 to i32
    %sign3A_16 = arith.constant 0 : i32
    %sign3A_17 = arith.cmpi slt, %jit3A, %sign3A_16 : i32
    %sign3A_18 = arith.extui %sign3A_17 : i1 to i32
    %sign3A_19 = arith.subi %sign3A_15, %sign3A_18 : i32
    %ne3A = arith.cmpi ne, %sign3A_12, %sign3A_19 : i32
    %rem3A = arith.remsi %get3A_6, %jit3A : i32
    %ne3A_20 = arith.constant 0 : i32
    %ne3A_21 = arith.cmpi ne, %rem3A, %ne3A_20 : i32
    %and3A = arith.andi %ne3A, %ne3A_21 : i1
    %sub3A = arith.constant 1 : i32
    %sub3A_22 = arith.subi %div3A, %sub3A : i32
    %select_n3A = arith.select %and3A, %sub3A_22, %div3A : i32
    %c0_i32 = arith.constant 0 : i32
    return %add3A_1, %select_n3A : i32, i32
  }
  func.func @transform_13(%arg0: i32, %arg1: memref<128xi32, #tpu.memory_space<smem>>) -> (i32, i32) {
    %mul3A = arith.constant 16 : i32
    %mul3A_0 = arith.muli %arg0, %mul3A : i32
    %add3A = arith.constant 1 : i32
    %add3A_1 = arith.addi %mul3A_0, %add3A : i32
    %mul3A_2 = arith.constant 128 : i32
    %mul3A_3 = arith.muli %arg0, %mul3A_2 : i32
    %add3A_4 = arith.constant 13 : i32
    %add3A_5 = arith.addi %mul3A_3, %add3A_4 : i32
    %get3A = arith.index_cast %add3A_5 : i32 to index
    %get3A_6 = memref.load %arg1[%get3A] : memref<128xi32, #tpu.memory_space<smem>>
    %jit3A = arith.constant 128 : i32
    %div3A = arith.divsi %get3A_6, %jit3A : i32
    %sign3A = arith.constant 0 : i32
    %sign3A_7 = arith.cmpi sgt, %get3A_6, %sign3A : i32
    %sign3A_8 = arith.extui %sign3A_7 : i1 to i32
    %sign3A_9 = arith.constant 0 : i32
    %sign3A_10 = arith.cmpi slt, %get3A_6, %sign3A_9 : i32
    %sign3A_11 = arith.extui %sign3A_10 : i1 to i32
    %sign3A_12 = arith.subi %sign3A_8, %sign3A_11 : i32
    %sign3A_13 = arith.constant 0 : i32
    %sign3A_14 = arith.cmpi sgt, %jit3A, %sign3A_13 : i32
    %sign3A_15 = arith.extui %sign3A_14 : i1 to i32
    %sign3A_16 = arith.constant 0 : i32
    %sign3A_17 = arith.cmpi slt, %jit3A, %sign3A_16 : i32
    %sign3A_18 = arith.extui %sign3A_17 : i1 to i32
    %sign3A_19 = arith.subi %sign3A_15, %sign3A_18 : i32
    %ne3A = arith.cmpi ne, %sign3A_12, %sign3A_19 : i32
    %rem3A = arith.remsi %get3A_6, %jit3A : i32
    %ne3A_20 = arith.constant 0 : i32
    %ne3A_21 = arith.cmpi ne, %rem3A, %ne3A_20 : i32
    %and3A = arith.andi %ne3A, %ne3A_21 : i1
    %sub3A = arith.constant 1 : i32
    %sub3A_22 = arith.subi %div3A, %sub3A : i32
    %select_n3A = arith.select %and3A, %sub3A_22, %div3A : i32
    %c0_i32 = arith.constant 0 : i32
    return %add3A_1, %select_n3A : i32, i32
  }
  func.func @transform_14(%arg0: i32, %arg1: memref<128xi32, #tpu.memory_space<smem>>) -> (i32, i32) {
    %mul3A = arith.constant 16 : i32
    %mul3A_0 = arith.muli %arg0, %mul3A : i32
    %add3A = arith.constant 1 : i32
    %add3A_1 = arith.addi %mul3A_0, %add3A : i32
    %mul3A_2 = arith.constant 128 : i32
    %mul3A_3 = arith.muli %arg0, %mul3A_2 : i32
    %add3A_4 = arith.constant 14 : i32
    %add3A_5 = arith.addi %mul3A_3, %add3A_4 : i32
    %get3A = arith.index_cast %add3A_5 : i32 to index
    %get3A_6 = memref.load %arg1[%get3A] : memref<128xi32, #tpu.memory_space<smem>>
    %jit3A = arith.constant 128 : i32
    %div3A = arith.divsi %get3A_6, %jit3A : i32
    %sign3A = arith.constant 0 : i32
    %sign3A_7 = arith.cmpi sgt, %get3A_6, %sign3A : i32
    %sign3A_8 = arith.extui %sign3A_7 : i1 to i32
    %sign3A_9 = arith.constant 0 : i32
    %sign3A_10 = arith.cmpi slt, %get3A_6, %sign3A_9 : i32
    %sign3A_11 = arith.extui %sign3A_10 : i1 to i32
    %sign3A_12 = arith.subi %sign3A_8, %sign3A_11 : i32
    %sign3A_13 = arith.constant 0 : i32
    %sign3A_14 = arith.cmpi sgt, %jit3A, %sign3A_13 : i32
    %sign3A_15 = arith.extui %sign3A_14 : i1 to i32
    %sign3A_16 = arith.constant 0 : i32
    %sign3A_17 = arith.cmpi slt, %jit3A, %sign3A_16 : i32
    %sign3A_18 = arith.extui %sign3A_17 : i1 to i32
    %sign3A_19 = arith.subi %sign3A_15, %sign3A_18 : i32
    %ne3A = arith.cmpi ne, %sign3A_12, %sign3A_19 : i32
    %rem3A = arith.remsi %get3A_6, %jit3A : i32
    %ne3A_20 = arith.constant 0 : i32
    %ne3A_21 = arith.cmpi ne, %rem3A, %ne3A_20 : i32
    %and3A = arith.andi %ne3A, %ne3A_21 : i1
    %sub3A = arith.constant 1 : i32
    %sub3A_22 = arith.subi %div3A, %sub3A : i32
    %select_n3A = arith.select %and3A, %sub3A_22, %div3A : i32
    %c0_i32 = arith.constant 0 : i32
    return %add3A_1, %select_n3A : i32, i32
  }
  func.func @transform_15(%arg0: i32, %arg1: memref<128xi32, #tpu.memory_space<smem>>) -> (i32, i32) {
    %mul3A = arith.constant 16 : i32
    %mul3A_0 = arith.muli %arg0, %mul3A : i32
    %add3A = arith.constant 1 : i32
    %add3A_1 = arith.addi %mul3A_0, %add3A : i32
    %mul3A_2 = arith.constant 128 : i32
    %mul3A_3 = arith.muli %arg0, %mul3A_2 : i32
    %add3A_4 = arith.constant 15 : i32
    %add3A_5 = arith.addi %mul3A_3, %add3A_4 : i32
    %get3A = arith.index_cast %add3A_5 : i32 to index
    %get3A_6 = memref.load %arg1[%get3A] : memref<128xi32, #tpu.memory_space<smem>>
    %jit3A = arith.constant 128 : i32
    %div3A = arith.divsi %get3A_6, %jit3A : i32
    %sign3A = arith.constant 0 : i32
    %sign3A_7 = arith.cmpi sgt, %get3A_6, %sign3A : i32
    %sign3A_8 = arith.extui %sign3A_7 : i1 to i32
    %sign3A_9 = arith.constant 0 : i32
    %sign3A_10 = arith.cmpi slt, %get3A_6, %sign3A_9 : i32
    %sign3A_11 = arith.extui %sign3A_10 : i1 to i32
    %sign3A_12 = arith.subi %sign3A_8, %sign3A_11 : i32
    %sign3A_13 = arith.constant 0 : i32
    %sign3A_14 = arith.cmpi sgt, %jit3A, %sign3A_13 : i32
    %sign3A_15 = arith.extui %sign3A_14 : i1 to i32
    %sign3A_16 = arith.constant 0 : i32
    %sign3A_17 = arith.cmpi slt, %jit3A, %sign3A_16 : i32
    %sign3A_18 = arith.extui %sign3A_17 : i1 to i32
    %sign3A_19 = arith.subi %sign3A_15, %sign3A_18 : i32
    %ne3A = arith.cmpi ne, %sign3A_12, %sign3A_19 : i32
    %rem3A = arith.remsi %get3A_6, %jit3A : i32
    %ne3A_20 = arith.constant 0 : i32
    %ne3A_21 = arith.cmpi ne, %rem3A, %ne3A_20 : i32
    %and3A = arith.andi %ne3A, %ne3A_21 : i1
    %sub3A = arith.constant 1 : i32
    %sub3A_22 = arith.subi %div3A, %sub3A : i32
    %select_n3A = arith.select %and3A, %sub3A_22, %div3A : i32
    %c0_i32 = arith.constant 0 : i32
    return %add3A_1, %select_n3A : i32, i32
  }
  func.func @transform_16(%arg0: i32, %arg1: memref<128xi32, #tpu.memory_space<smem>>) -> (i32, i32) {
    %mul3A = arith.constant 16 : i32
    %mul3A_0 = arith.muli %arg0, %mul3A : i32
    %add3A = arith.constant 2 : i32
    %add3A_1 = arith.addi %mul3A_0, %add3A : i32
    %mul3A_2 = arith.constant 128 : i32
    %mul3A_3 = arith.muli %arg0, %mul3A_2 : i32
    %add3A_4 = arith.constant 16 : i32
    %add3A_5 = arith.addi %mul3A_3, %add3A_4 : i32
    %get3A = arith.index_cast %add3A_5 : i32 to index
    %get3A_6 = memref.load %arg1[%get3A] : memref<128xi32, #tpu.memory_space<smem>>
    %jit3A = arith.constant 128 : i32
    %div3A = arith.divsi %get3A_6, %jit3A : i32
    %sign3A = arith.constant 0 : i32
    %sign3A_7 = arith.cmpi sgt, %get3A_6, %sign3A : i32
    %sign3A_8 = arith.extui %sign3A_7 : i1 to i32
    %sign3A_9 = arith.constant 0 : i32
    %sign3A_10 = arith.cmpi slt, %get3A_6, %sign3A_9 : i32
    %sign3A_11 = arith.extui %sign3A_10 : i1 to i32
    %sign3A_12 = arith.subi %sign3A_8, %sign3A_11 : i32
    %sign3A_13 = arith.constant 0 : i32
    %sign3A_14 = arith.cmpi sgt, %jit3A, %sign3A_13 : i32
    %sign3A_15 = arith.extui %sign3A_14 : i1 to i32
    %sign3A_16 = arith.constant 0 : i32
    %sign3A_17 = arith.cmpi slt, %jit3A, %sign3A_16 : i32
    %sign3A_18 = arith.extui %sign3A_17 : i1 to i32
    %sign3A_19 = arith.subi %sign3A_15, %sign3A_18 : i32
    %ne3A = arith.cmpi ne, %sign3A_12, %sign3A_19 : i32
    %rem3A = arith.remsi %get3A_6, %jit3A : i32
    %ne3A_20 = arith.constant 0 : i32
    %ne3A_21 = arith.cmpi ne, %rem3A, %ne3A_20 : i32
    %and3A = arith.andi %ne3A, %ne3A_21 : i1
    %sub3A = arith.constant 1 : i32
    %sub3A_22 = arith.subi %div3A, %sub3A : i32
    %select_n3A = arith.select %and3A, %sub3A_22, %div3A : i32
    %c0_i32 = arith.constant 0 : i32
    return %add3A_1, %select_n3A : i32, i32
  }
  func.func @transform_17(%arg0: i32, %arg1: memref<128xi32, #tpu.memory_space<smem>>) -> (i32, i32) {
    %mul3A = arith.constant 16 : i32
    %mul3A_0 = arith.muli %arg0, %mul3A : i32
    %add3A = arith.constant 2 : i32
    %add3A_1 = arith.addi %mul3A_0, %add3A : i32
    %mul3A_2 = arith.constant 128 : i32
    %mul3A_3 = arith.muli %arg0, %mul3A_2 : i32
    %add3A_4 = arith.constant 17 : i32
    %add3A_5 = arith.addi %mul3A_3, %add3A_4 : i32
    %get3A = arith.index_cast %add3A_5 : i32 to index
    %get3A_6 = memref.load %arg1[%get3A] : memref<128xi32, #tpu.memory_space<smem>>
    %jit3A = arith.constant 128 : i32
    %div3A = arith.divsi %get3A_6, %jit3A : i32
    %sign3A = arith.constant 0 : i32
    %sign3A_7 = arith.cmpi sgt, %get3A_6, %sign3A : i32
    %sign3A_8 = arith.extui %sign3A_7 : i1 to i32
    %sign3A_9 = arith.constant 0 : i32
    %sign3A_10 = arith.cmpi slt, %get3A_6, %sign3A_9 : i32
    %sign3A_11 = arith.extui %sign3A_10 : i1 to i32
    %sign3A_12 = arith.subi %sign3A_8, %sign3A_11 : i32
    %sign3A_13 = arith.constant 0 : i32
    %sign3A_14 = arith.cmpi sgt, %jit3A, %sign3A_13 : i32
    %sign3A_15 = arith.extui %sign3A_14 : i1 to i32
    %sign3A_16 = arith.constant 0 : i32
    %sign3A_17 = arith.cmpi slt, %jit3A, %sign3A_16 : i32
    %sign3A_18 = arith.extui %sign3A_17 : i1 to i32
    %sign3A_19 = arith.subi %sign3A_15, %sign3A_18 : i32
    %ne3A = arith.cmpi ne, %sign3A_12, %sign3A_19 : i32
    %rem3A = arith.remsi %get3A_6, %jit3A : i32
    %ne3A_20 = arith.constant 0 : i32
    %ne3A_21 = arith.cmpi ne, %rem3A, %ne3A_20 : i32
    %and3A = arith.andi %ne3A, %ne3A_21 : i1
    %sub3A = arith.constant 1 : i32
    %sub3A_22 = arith.subi %div3A, %sub3A : i32
    %select_n3A = arith.select %and3A, %sub3A_22, %div3A : i32
    %c0_i32 = arith.constant 0 : i32
    return %add3A_1, %select_n3A : i32, i32
  }
  func.func @transform_18(%arg0: i32, %arg1: memref<128xi32, #tpu.memory_space<smem>>) -> (i32, i32) {
    %mul3A = arith.constant 16 : i32
    %mul3A_0 = arith.muli %arg0, %mul3A : i32
    %add3A = arith.constant 2 : i32
    %add3A_1 = arith.addi %mul3A_0, %add3A : i32
    %mul3A_2 = arith.constant 128 : i32
    %mul3A_3 = arith.muli %arg0, %mul3A_2 : i32
    %add3A_4 = arith.constant 18 : i32
    %add3A_5 = arith.addi %mul3A_3, %add3A_4 : i32
    %get3A = arith.index_cast %add3A_5 : i32 to index
    %get3A_6 = memref.load %arg1[%get3A] : memref<128xi32, #tpu.memory_space<smem>>
    %jit3A = arith.constant 128 : i32
    %div3A = arith.divsi %get3A_6, %jit3A : i32
    %sign3A = arith.constant 0 : i32
    %sign3A_7 = arith.cmpi sgt, %get3A_6, %sign3A : i32
    %sign3A_8 = arith.extui %sign3A_7 : i1 to i32
    %sign3A_9 = arith.constant 0 : i32
    %sign3A_10 = arith.cmpi slt, %get3A_6, %sign3A_9 : i32
    %sign3A_11 = arith.extui %sign3A_10 : i1 to i32
    %sign3A_12 = arith.subi %sign3A_8, %sign3A_11 : i32
    %sign3A_13 = arith.constant 0 : i32
    %sign3A_14 = arith.cmpi sgt, %jit3A, %sign3A_13 : i32
    %sign3A_15 = arith.extui %sign3A_14 : i1 to i32
    %sign3A_16 = arith.constant 0 : i32
    %sign3A_17 = arith.cmpi slt, %jit3A, %sign3A_16 : i32
    %sign3A_18 = arith.extui %sign3A_17 : i1 to i32
    %sign3A_19 = arith.subi %sign3A_15, %sign3A_18 : i32
    %ne3A = arith.cmpi ne, %sign3A_12, %sign3A_19 : i32
    %rem3A = arith.remsi %get3A_6, %jit3A : i32
    %ne3A_20 = arith.constant 0 : i32
    %ne3A_21 = arith.cmpi ne, %rem3A, %ne3A_20 : i32
    %and3A = arith.andi %ne3A, %ne3A_21 : i1
    %sub3A = arith.constant 1 : i32
    %sub3A_22 = arith.subi %div3A, %sub3A : i32
    %select_n3A = arith.select %and3A, %sub3A_22, %div3A : i32
    %c0_i32 = arith.constant 0 : i32
    return %add3A_1, %select_n3A : i32, i32
  }
  func.func @transform_19(%arg0: i32, %arg1: memref<128xi32, #tpu.memory_space<smem>>) -> (i32, i32) {
    %mul3A = arith.constant 16 : i32
    %mul3A_0 = arith.muli %arg0, %mul3A : i32
    %add3A = arith.constant 2 : i32
    %add3A_1 = arith.addi %mul3A_0, %add3A : i32
    %mul3A_2 = arith.constant 128 : i32
    %mul3A_3 = arith.muli %arg0, %mul3A_2 : i32
    %add3A_4 = arith.constant 19 : i32
    %add3A_5 = arith.addi %mul3A_3, %add3A_4 : i32
    %get3A = arith.index_cast %add3A_5 : i32 to index
    %get3A_6 = memref.load %arg1[%get3A] : memref<128xi32, #tpu.memory_space<smem>>
    %jit3A = arith.constant 128 : i32
    %div3A = arith.divsi %get3A_6, %jit3A : i32
    %sign3A = arith.constant 0 : i32
    %sign3A_7 = arith.cmpi sgt, %get3A_6, %sign3A : i32
    %sign3A_8 = arith.extui %sign3A_7 : i1 to i32
    %sign3A_9 = arith.constant 0 : i32
    %sign3A_10 = arith.cmpi slt, %get3A_6, %sign3A_9 : i32
    %sign3A_11 = arith.extui %sign3A_10 : i1 to i32
    %sign3A_12 = arith.subi %sign3A_8, %sign3A_11 : i32
    %sign3A_13 = arith.constant 0 : i32
    %sign3A_14 = arith.cmpi sgt, %jit3A, %sign3A_13 : i32
    %sign3A_15 = arith.extui %sign3A_14 : i1 to i32
    %sign3A_16 = arith.constant 0 : i32
    %sign3A_17 = arith.cmpi slt, %jit3A, %sign3A_16 : i32
    %sign3A_18 = arith.extui %sign3A_17 : i1 to i32
    %sign3A_19 = arith.subi %sign3A_15, %sign3A_18 : i32
    %ne3A = arith.cmpi ne, %sign3A_12, %sign3A_19 : i32
    %rem3A = arith.remsi %get3A_6, %jit3A : i32
    %ne3A_20 = arith.constant 0 : i32
    %ne3A_21 = arith.cmpi ne, %rem3A, %ne3A_20 : i32
    %and3A = arith.andi %ne3A, %ne3A_21 : i1
    %sub3A = arith.constant 1 : i32
    %sub3A_22 = arith.subi %div3A, %sub3A : i32
    %select_n3A = arith.select %and3A, %sub3A_22, %div3A : i32
    %c0_i32 = arith.constant 0 : i32
    return %add3A_1, %select_n3A : i32, i32
  }
  func.func @transform_20(%arg0: i32, %arg1: memref<128xi32, #tpu.memory_space<smem>>) -> (i32, i32) {
    %mul3A = arith.constant 16 : i32
    %mul3A_0 = arith.muli %arg0, %mul3A : i32
    %add3A = arith.constant 2 : i32
    %add3A_1 = arith.addi %mul3A_0, %add3A : i32
    %mul3A_2 = arith.constant 128 : i32
    %mul3A_3 = arith.muli %arg0, %mul3A_2 : i32
    %add3A_4 = arith.constant 20 : i32
    %add3A_5 = arith.addi %mul3A_3, %add3A_4 : i32
    %get3A = arith.index_cast %add3A_5 : i32 to index
    %get3A_6 = memref.load %arg1[%get3A] : memref<128xi32, #tpu.memory_space<smem>>
    %jit3A = arith.constant 128 : i32
    %div3A = arith.divsi %get3A_6, %jit3A : i32
    %sign3A = arith.constant 0 : i32
    %sign3A_7 = arith.cmpi sgt, %get3A_6, %sign3A : i32
    %sign3A_8 = arith.extui %sign3A_7 : i1 to i32
    %sign3A_9 = arith.constant 0 : i32
    %sign3A_10 = arith.cmpi slt, %get3A_6, %sign3A_9 : i32
    %sign3A_11 = arith.extui %sign3A_10 : i1 to i32
    %sign3A_12 = arith.subi %sign3A_8, %sign3A_11 : i32
    %sign3A_13 = arith.constant 0 : i32
    %sign3A_14 = arith.cmpi sgt, %jit3A, %sign3A_13 : i32
    %sign3A_15 = arith.extui %sign3A_14 : i1 to i32
    %sign3A_16 = arith.constant 0 : i32
    %sign3A_17 = arith.cmpi slt, %jit3A, %sign3A_16 : i32
    %sign3A_18 = arith.extui %sign3A_17 : i1 to i32
    %sign3A_19 = arith.subi %sign3A_15, %sign3A_18 : i32
    %ne3A = arith.cmpi ne, %sign3A_12, %sign3A_19 : i32
    %rem3A = arith.remsi %get3A_6, %jit3A : i32
    %ne3A_20 = arith.constant 0 : i32
    %ne3A_21 = arith.cmpi ne, %rem3A, %ne3A_20 : i32
    %and3A = arith.andi %ne3A, %ne3A_21 : i1
    %sub3A = arith.constant 1 : i32
    %sub3A_22 = arith.subi %div3A, %sub3A : i32
    %select_n3A = arith.select %and3A, %sub3A_22, %div3A : i32
    %c0_i32 = arith.constant 0 : i32
    return %add3A_1, %select_n3A : i32, i32
  }
  func.func @transform_21(%arg0: i32, %arg1: memref<128xi32, #tpu.memory_space<smem>>) -> (i32, i32) {
    %mul3A = arith.constant 16 : i32
    %mul3A_0 = arith.muli %arg0, %mul3A : i32
    %add3A = arith.constant 2 : i32
    %add3A_1 = arith.addi %mul3A_0, %add3A : i32
    %mul3A_2 = arith.constant 128 : i32
    %mul3A_3 = arith.muli %arg0, %mul3A_2 : i32
    %add3A_4 = arith.constant 21 : i32
    %add3A_5 = arith.addi %mul3A_3, %add3A_4 : i32
    %get3A = arith.index_cast %add3A_5 : i32 to index
    %get3A_6 = memref.load %arg1[%get3A] : memref<128xi32, #tpu.memory_space<smem>>
    %jit3A = arith.constant 128 : i32
    %div3A = arith.divsi %get3A_6, %jit3A : i32
    %sign3A = arith.constant 0 : i32
    %sign3A_7 = arith.cmpi sgt, %get3A_6, %sign3A : i32
    %sign3A_8 = arith.extui %sign3A_7 : i1 to i32
    %sign3A_9 = arith.constant 0 : i32
    %sign3A_10 = arith.cmpi slt, %get3A_6, %sign3A_9 : i32
    %sign3A_11 = arith.extui %sign3A_10 : i1 to i32
    %sign3A_12 = arith.subi %sign3A_8, %sign3A_11 : i32
    %sign3A_13 = arith.constant 0 : i32
    %sign3A_14 = arith.cmpi sgt, %jit3A, %sign3A_13 : i32
    %sign3A_15 = arith.extui %sign3A_14 : i1 to i32
    %sign3A_16 = arith.constant 0 : i32
    %sign3A_17 = arith.cmpi slt, %jit3A, %sign3A_16 : i32
    %sign3A_18 = arith.extui %sign3A_17 : i1 to i32
    %sign3A_19 = arith.subi %sign3A_15, %sign3A_18 : i32
    %ne3A = arith.cmpi ne, %sign3A_12, %sign3A_19 : i32
    %rem3A = arith.remsi %get3A_6, %jit3A : i32
    %ne3A_20 = arith.constant 0 : i32
    %ne3A_21 = arith.cmpi ne, %rem3A, %ne3A_20 : i32
    %and3A = arith.andi %ne3A, %ne3A_21 : i1
    %sub3A = arith.constant 1 : i32
    %sub3A_22 = arith.subi %div3A, %sub3A : i32
    %select_n3A = arith.select %and3A, %sub3A_22, %div3A : i32
    %c0_i32 = arith.constant 0 : i32
    return %add3A_1, %select_n3A : i32, i32
  }
  func.func @transform_22(%arg0: i32, %arg1: memref<128xi32, #tpu.memory_space<smem>>) -> (i32, i32) {
    %mul3A = arith.constant 16 : i32
    %mul3A_0 = arith.muli %arg0, %mul3A : i32
    %add3A = arith.constant 2 : i32
    %add3A_1 = arith.addi %mul3A_0, %add3A : i32
    %mul3A_2 = arith.constant 128 : i32
    %mul3A_3 = arith.muli %arg0, %mul3A_2 : i32
    %add3A_4 = arith.constant 22 : i32
    %add3A_5 = arith.addi %mul3A_3, %add3A_4 : i32
    %get3A = arith.index_cast %add3A_5 : i32 to index
    %get3A_6 = memref.load %arg1[%get3A] : memref<128xi32, #tpu.memory_space<smem>>
    %jit3A = arith.constant 128 : i32
    %div3A = arith.divsi %get3A_6, %jit3A : i32
    %sign3A = arith.constant 0 : i32
    %sign3A_7 = arith.cmpi sgt, %get3A_6, %sign3A : i32
    %sign3A_8 = arith.extui %sign3A_7 : i1 to i32
    %sign3A_9 = arith.constant 0 : i32
    %sign3A_10 = arith.cmpi slt, %get3A_6, %sign3A_9 : i32
    %sign3A_11 = arith.extui %sign3A_10 : i1 to i32
    %sign3A_12 = arith.subi %sign3A_8, %sign3A_11 : i32
    %sign3A_13 = arith.constant 0 : i32
    %sign3A_14 = arith.cmpi sgt, %jit3A, %sign3A_13 : i32
    %sign3A_15 = arith.extui %sign3A_14 : i1 to i32
    %sign3A_16 = arith.constant 0 : i32
    %sign3A_17 = arith.cmpi slt, %jit3A, %sign3A_16 : i32
    %sign3A_18 = arith.extui %sign3A_17 : i1 to i32
    %sign3A_19 = arith.subi %sign3A_15, %sign3A_18 : i32
    %ne3A = arith.cmpi ne, %sign3A_12, %sign3A_19 : i32
    %rem3A = arith.remsi %get3A_6, %jit3A : i32
    %ne3A_20 = arith.constant 0 : i32
    %ne3A_21 = arith.cmpi ne, %rem3A, %ne3A_20 : i32
    %and3A = arith.andi %ne3A, %ne3A_21 : i1
    %sub3A = arith.constant 1 : i32
    %sub3A_22 = arith.subi %div3A, %sub3A : i32
    %select_n3A = arith.select %and3A, %sub3A_22, %div3A : i32
    %c0_i32 = arith.constant 0 : i32
    return %add3A_1, %select_n3A : i32, i32
  }
  func.func @transform_23(%arg0: i32, %arg1: memref<128xi32, #tpu.memory_space<smem>>) -> (i32, i32) {
    %mul3A = arith.constant 16 : i32
    %mul3A_0 = arith.muli %arg0, %mul3A : i32
    %add3A = arith.constant 2 : i32
    %add3A_1 = arith.addi %mul3A_0, %add3A : i32
    %mul3A_2 = arith.constant 128 : i32
    %mul3A_3 = arith.muli %arg0, %mul3A_2 : i32
    %add3A_4 = arith.constant 23 : i32
    %add3A_5 = arith.addi %mul3A_3, %add3A_4 : i32
    %get3A = arith.index_cast %add3A_5 : i32 to index
    %get3A_6 = memref.load %arg1[%get3A] : memref<128xi32, #tpu.memory_space<smem>>
    %jit3A = arith.constant 128 : i32
    %div3A = arith.divsi %get3A_6, %jit3A : i32
    %sign3A = arith.constant 0 : i32
    %sign3A_7 = arith.cmpi sgt, %get3A_6, %sign3A : i32
    %sign3A_8 = arith.extui %sign3A_7 : i1 to i32
    %sign3A_9 = arith.constant 0 : i32
    %sign3A_10 = arith.cmpi slt, %get3A_6, %sign3A_9 : i32
    %sign3A_11 = arith.extui %sign3A_10 : i1 to i32
    %sign3A_12 = arith.subi %sign3A_8, %sign3A_11 : i32
    %sign3A_13 = arith.constant 0 : i32
    %sign3A_14 = arith.cmpi sgt, %jit3A, %sign3A_13 : i32
    %sign3A_15 = arith.extui %sign3A_14 : i1 to i32
    %sign3A_16 = arith.constant 0 : i32
    %sign3A_17 = arith.cmpi slt, %jit3A, %sign3A_16 : i32
    %sign3A_18 = arith.extui %sign3A_17 : i1 to i32
    %sign3A_19 = arith.subi %sign3A_15, %sign3A_18 : i32
    %ne3A = arith.cmpi ne, %sign3A_12, %sign3A_19 : i32
    %rem3A = arith.remsi %get3A_6, %jit3A : i32
    %ne3A_20 = arith.constant 0 : i32
    %ne3A_21 = arith.cmpi ne, %rem3A, %ne3A_20 : i32
    %and3A = arith.andi %ne3A, %ne3A_21 : i1
    %sub3A = arith.constant 1 : i32
    %sub3A_22 = arith.subi %div3A, %sub3A : i32
    %select_n3A = arith.select %and3A, %sub3A_22, %div3A : i32
    %c0_i32 = arith.constant 0 : i32
    return %add3A_1, %select_n3A : i32, i32
  }
  func.func @transform_24(%arg0: i32, %arg1: memref<128xi32, #tpu.memory_space<smem>>) -> (i32, i32) {
    %mul3A = arith.constant 16 : i32
    %mul3A_0 = arith.muli %arg0, %mul3A : i32
    %add3A = arith.constant 3 : i32
    %add3A_1 = arith.addi %mul3A_0, %add3A : i32
    %mul3A_2 = arith.constant 128 : i32
    %mul3A_3 = arith.muli %arg0, %mul3A_2 : i32
    %add3A_4 = arith.constant 24 : i32
    %add3A_5 = arith.addi %mul3A_3, %add3A_4 : i32
    %get3A = arith.index_cast %add3A_5 : i32 to index
    %get3A_6 = memref.load %arg1[%get3A] : memref<128xi32, #tpu.memory_space<smem>>
    %jit3A = arith.constant 128 : i32
    %div3A = arith.divsi %get3A_6, %jit3A : i32
    %sign3A = arith.constant 0 : i32
    %sign3A_7 = arith.cmpi sgt, %get3A_6, %sign3A : i32
    %sign3A_8 = arith.extui %sign3A_7 : i1 to i32
    %sign3A_9 = arith.constant 0 : i32
    %sign3A_10 = arith.cmpi slt, %get3A_6, %sign3A_9 : i32
    %sign3A_11 = arith.extui %sign3A_10 : i1 to i32
    %sign3A_12 = arith.subi %sign3A_8, %sign3A_11 : i32
    %sign3A_13 = arith.constant 0 : i32
    %sign3A_14 = arith.cmpi sgt, %jit3A, %sign3A_13 : i32
    %sign3A_15 = arith.extui %sign3A_14 : i1 to i32
    %sign3A_16 = arith.constant 0 : i32
    %sign3A_17 = arith.cmpi slt, %jit3A, %sign3A_16 : i32
    %sign3A_18 = arith.extui %sign3A_17 : i1 to i32
    %sign3A_19 = arith.subi %sign3A_15, %sign3A_18 : i32
    %ne3A = arith.cmpi ne, %sign3A_12, %sign3A_19 : i32
    %rem3A = arith.remsi %get3A_6, %jit3A : i32
    %ne3A_20 = arith.constant 0 : i32
    %ne3A_21 = arith.cmpi ne, %rem3A, %ne3A_20 : i32
    %and3A = arith.andi %ne3A, %ne3A_21 : i1
    %sub3A = arith.constant 1 : i32
    %sub3A_22 = arith.subi %div3A, %sub3A : i32
    %select_n3A = arith.select %and3A, %sub3A_22, %div3A : i32
    %c0_i32 = arith.constant 0 : i32
    return %add3A_1, %select_n3A : i32, i32
  }
  func.func @transform_25(%arg0: i32, %arg1: memref<128xi32, #tpu.memory_space<smem>>) -> (i32, i32) {
    %mul3A = arith.constant 16 : i32
    %mul3A_0 = arith.muli %arg0, %mul3A : i32
    %add3A = arith.constant 3 : i32
    %add3A_1 = arith.addi %mul3A_0, %add3A : i32
    %mul3A_2 = arith.constant 128 : i32
    %mul3A_3 = arith.muli %arg0, %mul3A_2 : i32
    %add3A_4 = arith.constant 25 : i32
    %add3A_5 = arith.addi %mul3A_3, %add3A_4 : i32
    %get3A = arith.index_cast %add3A_5 : i32 to index
    %get3A_6 = memref.load %arg1[%get3A] : memref<128xi32, #tpu.memory_space<smem>>
    %jit3A = arith.constant 128 : i32
    %div3A = arith.divsi %get3A_6, %jit3A : i32
    %sign3A = arith.constant 0 : i32
    %sign3A_7 = arith.cmpi sgt, %get3A_6, %sign3A : i32
    %sign3A_8 = arith.extui %sign3A_7 : i1 to i32
    %sign3A_9 = arith.constant 0 : i32
    %sign3A_10 = arith.cmpi slt, %get3A_6, %sign3A_9 : i32
    %sign3A_11 = arith.extui %sign3A_10 : i1 to i32
    %sign3A_12 = arith.subi %sign3A_8, %sign3A_11 : i32
    %sign3A_13 = arith.constant 0 : i32
    %sign3A_14 = arith.cmpi sgt, %jit3A, %sign3A_13 : i32
    %sign3A_15 = arith.extui %sign3A_14 : i1 to i32
    %sign3A_16 = arith.constant 0 : i32
    %sign3A_17 = arith.cmpi slt, %jit3A, %sign3A_16 : i32
    %sign3A_18 = arith.extui %sign3A_17 : i1 to i32
    %sign3A_19 = arith.subi %sign3A_15, %sign3A_18 : i32
    %ne3A = arith.cmpi ne, %sign3A_12, %sign3A_19 : i32
    %rem3A = arith.remsi %get3A_6, %jit3A : i32
    %ne3A_20 = arith.constant 0 : i32
    %ne3A_21 = arith.cmpi ne, %rem3A, %ne3A_20 : i32
    %and3A = arith.andi %ne3A, %ne3A_21 : i1
    %sub3A = arith.constant 1 : i32
    %sub3A_22 = arith.subi %div3A, %sub3A : i32
    %select_n3A = arith.select %and3A, %sub3A_22, %div3A : i32
    %c0_i32 = arith.constant 0 : i32
    return %add3A_1, %select_n3A : i32, i32
  }
  func.func @transform_26(%arg0: i32, %arg1: memref<128xi32, #tpu.memory_space<smem>>) -> (i32, i32) {
    %mul3A = arith.constant 16 : i32
    %mul3A_0 = arith.muli %arg0, %mul3A : i32
    %add3A = arith.constant 3 : i32
    %add3A_1 = arith.addi %mul3A_0, %add3A : i32
    %mul3A_2 = arith.constant 128 : i32
    %mul3A_3 = arith.muli %arg0, %mul3A_2 : i32
    %add3A_4 = arith.constant 26 : i32
    %add3A_5 = arith.addi %mul3A_3, %add3A_4 : i32
    %get3A = arith.index_cast %add3A_5 : i32 to index
    %get3A_6 = memref.load %arg1[%get3A] : memref<128xi32, #tpu.memory_space<smem>>
    %jit3A = arith.constant 128 : i32
    %div3A = arith.divsi %get3A_6, %jit3A : i32
    %sign3A = arith.constant 0 : i32
    %sign3A_7 = arith.cmpi sgt, %get3A_6, %sign3A : i32
    %sign3A_8 = arith.extui %sign3A_7 : i1 to i32
    %sign3A_9 = arith.constant 0 : i32
    %sign3A_10 = arith.cmpi slt, %get3A_6, %sign3A_9 : i32
    %sign3A_11 = arith.extui %sign3A_10 : i1 to i32
    %sign3A_12 = arith.subi %sign3A_8, %sign3A_11 : i32
    %sign3A_13 = arith.constant 0 : i32
    %sign3A_14 = arith.cmpi sgt, %jit3A, %sign3A_13 : i32
    %sign3A_15 = arith.extui %sign3A_14 : i1 to i32
    %sign3A_16 = arith.constant 0 : i32
    %sign3A_17 = arith.cmpi slt, %jit3A, %sign3A_16 : i32
    %sign3A_18 = arith.extui %sign3A_17 : i1 to i32
    %sign3A_19 = arith.subi %sign3A_15, %sign3A_18 : i32
    %ne3A = arith.cmpi ne, %sign3A_12, %sign3A_19 : i32
    %rem3A = arith.remsi %get3A_6, %jit3A : i32
    %ne3A_20 = arith.constant 0 : i32
    %ne3A_21 = arith.cmpi ne, %rem3A, %ne3A_20 : i32
    %and3A = arith.andi %ne3A, %ne3A_21 : i1
    %sub3A = arith.constant 1 : i32
    %sub3A_22 = arith.subi %div3A, %sub3A : i32
    %select_n3A = arith.select %and3A, %sub3A_22, %div3A : i32
    %c0_i32 = arith.constant 0 : i32
    return %add3A_1, %select_n3A : i32, i32
  }
  func.func @transform_27(%arg0: i32, %arg1: memref<128xi32, #tpu.memory_space<smem>>) -> (i32, i32) {
    %mul3A = arith.constant 16 : i32
    %mul3A_0 = arith.muli %arg0, %mul3A : i32
    %add3A = arith.constant 3 : i32
    %add3A_1 = arith.addi %mul3A_0, %add3A : i32
    %mul3A_2 = arith.constant 128 : i32
    %mul3A_3 = arith.muli %arg0, %mul3A_2 : i32
    %add3A_4 = arith.constant 27 : i32
    %add3A_5 = arith.addi %mul3A_3, %add3A_4 : i32
    %get3A = arith.index_cast %add3A_5 : i32 to index
    %get3A_6 = memref.load %arg1[%get3A] : memref<128xi32, #tpu.memory_space<smem>>
    %jit3A = arith.constant 128 : i32
    %div3A = arith.divsi %get3A_6, %jit3A : i32
    %sign3A = arith.constant 0 : i32
    %sign3A_7 = arith.cmpi sgt, %get3A_6, %sign3A : i32
    %sign3A_8 = arith.extui %sign3A_7 : i1 to i32
    %sign3A_9 = arith.constant 0 : i32
    %sign3A_10 = arith.cmpi slt, %get3A_6, %sign3A_9 : i32
    %sign3A_11 = arith.extui %sign3A_10 : i1 to i32
    %sign3A_12 = arith.subi %sign3A_8, %sign3A_11 : i32
    %sign3A_13 = arith.constant 0 : i32
    %sign3A_14 = arith.cmpi sgt, %jit3A, %sign3A_13 : i32
    %sign3A_15 = arith.extui %sign3A_14 : i1 to i32
    %sign3A_16 = arith.constant 0 : i32
    %sign3A_17 = arith.cmpi slt, %jit3A, %sign3A_16 : i32
    %sign3A_18 = arith.extui %sign3A_17 : i1 to i32
    %sign3A_19 = arith.subi %sign3A_15, %sign3A_18 : i32
    %ne3A = arith.cmpi ne, %sign3A_12, %sign3A_19 : i32
    %rem3A = arith.remsi %get3A_6, %jit3A : i32
    %ne3A_20 = arith.constant 0 : i32
    %ne3A_21 = arith.cmpi ne, %rem3A, %ne3A_20 : i32
    %and3A = arith.andi %ne3A, %ne3A_21 : i1
    %sub3A = arith.constant 1 : i32
    %sub3A_22 = arith.subi %div3A, %sub3A : i32
    %select_n3A = arith.select %and3A, %sub3A_22, %div3A : i32
    %c0_i32 = arith.constant 0 : i32
    return %add3A_1, %select_n3A : i32, i32
  }
  func.func @transform_28(%arg0: i32, %arg1: memref<128xi32, #tpu.memory_space<smem>>) -> (i32, i32) {
    %mul3A = arith.constant 16 : i32
    %mul3A_0 = arith.muli %arg0, %mul3A : i32
    %add3A = arith.constant 3 : i32
    %add3A_1 = arith.addi %mul3A_0, %add3A : i32
    %mul3A_2 = arith.constant 128 : i32
    %mul3A_3 = arith.muli %arg0, %mul3A_2 : i32
    %add3A_4 = arith.constant 28 : i32
    %add3A_5 = arith.addi %mul3A_3, %add3A_4 : i32
    %get3A = arith.index_cast %add3A_5 : i32 to index
    %get3A_6 = memref.load %arg1[%get3A] : memref<128xi32, #tpu.memory_space<smem>>
    %jit3A = arith.constant 128 : i32
    %div3A = arith.divsi %get3A_6, %jit3A : i32
    %sign3A = arith.constant 0 : i32
    %sign3A_7 = arith.cmpi sgt, %get3A_6, %sign3A : i32
    %sign3A_8 = arith.extui %sign3A_7 : i1 to i32
    %sign3A_9 = arith.constant 0 : i32
    %sign3A_10 = arith.cmpi slt, %get3A_6, %sign3A_9 : i32
    %sign3A_11 = arith.extui %sign3A_10 : i1 to i32
    %sign3A_12 = arith.subi %sign3A_8, %sign3A_11 : i32
    %sign3A_13 = arith.constant 0 : i32
    %sign3A_14 = arith.cmpi sgt, %jit3A, %sign3A_13 : i32
    %sign3A_15 = arith.extui %sign3A_14 : i1 to i32
    %sign3A_16 = arith.constant 0 : i32
    %sign3A_17 = arith.cmpi slt, %jit3A, %sign3A_16 : i32
    %sign3A_18 = arith.extui %sign3A_17 : i1 to i32
    %sign3A_19 = arith.subi %sign3A_15, %sign3A_18 : i32
    %ne3A = arith.cmpi ne, %sign3A_12, %sign3A_19 : i32
    %rem3A = arith.remsi %get3A_6, %jit3A : i32
    %ne3A_20 = arith.constant 0 : i32
    %ne3A_21 = arith.cmpi ne, %rem3A, %ne3A_20 : i32
    %and3A = arith.andi %ne3A, %ne3A_21 : i1
    %sub3A = arith.constant 1 : i32
    %sub3A_22 = arith.subi %div3A, %sub3A : i32
    %select_n3A = arith.select %and3A, %sub3A_22, %div3A : i32
    %c0_i32 = arith.constant 0 : i32
    return %add3A_1, %select_n3A : i32, i32
  }
  func.func @transform_29(%arg0: i32, %arg1: memref<128xi32, #tpu.memory_space<smem>>) -> (i32, i32) {
    %mul3A = arith.constant 16 : i32
    %mul3A_0 = arith.muli %arg0, %mul3A : i32
    %add3A = arith.constant 3 : i32
    %add3A_1 = arith.addi %mul3A_0, %add3A : i32
    %mul3A_2 = arith.constant 128 : i32
    %mul3A_3 = arith.muli %arg0, %mul3A_2 : i32
    %add3A_4 = arith.constant 29 : i32
    %add3A_5 = arith.addi %mul3A_3, %add3A_4 : i32
    %get3A = arith.index_cast %add3A_5 : i32 to index
    %get3A_6 = memref.load %arg1[%get3A] : memref<128xi32, #tpu.memory_space<smem>>
    %jit3A = arith.constant 128 : i32
    %div3A = arith.divsi %get3A_6, %jit3A : i32
    %sign3A = arith.constant 0 : i32
    %sign3A_7 = arith.cmpi sgt, %get3A_6, %sign3A : i32
    %sign3A_8 = arith.extui %sign3A_7 : i1 to i32
    %sign3A_9 = arith.constant 0 : i32
    %sign3A_10 = arith.cmpi slt, %get3A_6, %sign3A_9 : i32
    %sign3A_11 = arith.extui %sign3A_10 : i1 to i32
    %sign3A_12 = arith.subi %sign3A_8, %sign3A_11 : i32
    %sign3A_13 = arith.constant 0 : i32
    %sign3A_14 = arith.cmpi sgt, %jit3A, %sign3A_13 : i32
    %sign3A_15 = arith.extui %sign3A_14 : i1 to i32
    %sign3A_16 = arith.constant 0 : i32
    %sign3A_17 = arith.cmpi slt, %jit3A, %sign3A_16 : i32
    %sign3A_18 = arith.extui %sign3A_17 : i1 to i32
    %sign3A_19 = arith.subi %sign3A_15, %sign3A_18 : i32
    %ne3A = arith.cmpi ne, %sign3A_12, %sign3A_19 : i32
    %rem3A = arith.remsi %get3A_6, %jit3A : i32
    %ne3A_20 = arith.constant 0 : i32
    %ne3A_21 = arith.cmpi ne, %rem3A, %ne3A_20 : i32
    %and3A = arith.andi %ne3A, %ne3A_21 : i1
    %sub3A = arith.constant 1 : i32
    %sub3A_22 = arith.subi %div3A, %sub3A : i32
    %select_n3A = arith.select %and3A, %sub3A_22, %div3A : i32
    %c0_i32 = arith.constant 0 : i32
    return %add3A_1, %select_n3A : i32, i32
  }
  func.func @transform_30(%arg0: i32, %arg1: memref<128xi32, #tpu.memory_space<smem>>) -> (i32, i32) {
    %mul3A = arith.constant 16 : i32
    %mul3A_0 = arith.muli %arg0, %mul3A : i32
    %add3A = arith.constant 3 : i32
    %add3A_1 = arith.addi %mul3A_0, %add3A : i32
    %mul3A_2 = arith.constant 128 : i32
    %mul3A_3 = arith.muli %arg0, %mul3A_2 : i32
    %add3A_4 = arith.constant 30 : i32
    %add3A_5 = arith.addi %mul3A_3, %add3A_4 : i32
    %get3A = arith.index_cast %add3A_5 : i32 to index
    %get3A_6 = memref.load %arg1[%get3A] : memref<128xi32, #tpu.memory_space<smem>>
    %jit3A = arith.constant 128 : i32
    %div3A = arith.divsi %get3A_6, %jit3A : i32
    %sign3A = arith.constant 0 : i32
    %sign3A_7 = arith.cmpi sgt, %get3A_6, %sign3A : i32
    %sign3A_8 = arith.extui %sign3A_7 : i1 to i32
    %sign3A_9 = arith.constant 0 : i32
    %sign3A_10 = arith.cmpi slt, %get3A_6, %sign3A_9 : i32
    %sign3A_11 = arith.extui %sign3A_10 : i1 to i32
    %sign3A_12 = arith.subi %sign3A_8, %sign3A_11 : i32
    %sign3A_13 = arith.constant 0 : i32
    %sign3A_14 = arith.cmpi sgt, %jit3A, %sign3A_13 : i32
    %sign3A_15 = arith.extui %sign3A_14 : i1 to i32
    %sign3A_16 = arith.constant 0 : i32
    %sign3A_17 = arith.cmpi slt, %jit3A, %sign3A_16 : i32
    %sign3A_18 = arith.extui %sign3A_17 : i1 to i32
    %sign3A_19 = arith.subi %sign3A_15, %sign3A_18 : i32
    %ne3A = arith.cmpi ne, %sign3A_12, %sign3A_19 : i32
    %rem3A = arith.remsi %get3A_6, %jit3A : i32
    %ne3A_20 = arith.constant 0 : i32
    %ne3A_21 = arith.cmpi ne, %rem3A, %ne3A_20 : i32
    %and3A = arith.andi %ne3A, %ne3A_21 : i1
    %sub3A = arith.constant 1 : i32
    %sub3A_22 = arith.subi %div3A, %sub3A : i32
    %select_n3A = arith.select %and3A, %sub3A_22, %div3A : i32
    %c0_i32 = arith.constant 0 : i32
    return %add3A_1, %select_n3A : i32, i32
  }
  func.func @transform_31(%arg0: i32, %arg1: memref<128xi32, #tpu.memory_space<smem>>) -> (i32, i32) {
    %mul3A = arith.constant 16 : i32
    %mul3A_0 = arith.muli %arg0, %mul3A : i32
    %add3A = arith.constant 3 : i32
    %add3A_1 = arith.addi %mul3A_0, %add3A : i32
    %mul3A_2 = arith.constant 128 : i32
    %mul3A_3 = arith.muli %arg0, %mul3A_2 : i32
    %add3A_4 = arith.constant 31 : i32
    %add3A_5 = arith.addi %mul3A_3, %add3A_4 : i32
    %get3A = arith.index_cast %add3A_5 : i32 to index
    %get3A_6 = memref.load %arg1[%get3A] : memref<128xi32, #tpu.memory_space<smem>>
    %jit3A = arith.constant 128 : i32
    %div3A = arith.divsi %get3A_6, %jit3A : i32
    %sign3A = arith.constant 0 : i32
    %sign3A_7 = arith.cmpi sgt, %get3A_6, %sign3A : i32
    %sign3A_8 = arith.extui %sign3A_7 : i1 to i32
    %sign3A_9 = arith.constant 0 : i32
    %sign3A_10 = arith.cmpi slt, %get3A_6, %sign3A_9 : i32
    %sign3A_11 = arith.extui %sign3A_10 : i1 to i32
    %sign3A_12 = arith.subi %sign3A_8, %sign3A_11 : i32
    %sign3A_13 = arith.constant 0 : i32
    %sign3A_14 = arith.cmpi sgt, %jit3A, %sign3A_13 : i32
    %sign3A_15 = arith.extui %sign3A_14 : i1 to i32
    %sign3A_16 = arith.constant 0 : i32
    %sign3A_17 = arith.cmpi slt, %jit3A, %sign3A_16 : i32
    %sign3A_18 = arith.extui %sign3A_17 : i1 to i32
    %sign3A_19 = arith.subi %sign3A_15, %sign3A_18 : i32
    %ne3A = arith.cmpi ne, %sign3A_12, %sign3A_19 : i32
    %rem3A = arith.remsi %get3A_6, %jit3A : i32
    %ne3A_20 = arith.constant 0 : i32
    %ne3A_21 = arith.cmpi ne, %rem3A, %ne3A_20 : i32
    %and3A = arith.andi %ne3A, %ne3A_21 : i1
    %sub3A = arith.constant 1 : i32
    %sub3A_22 = arith.subi %div3A, %sub3A : i32
    %select_n3A = arith.select %and3A, %sub3A_22, %div3A : i32
    %c0_i32 = arith.constant 0 : i32
    return %add3A_1, %select_n3A : i32, i32
  }
  func.func @transform_32(%arg0: i32, %arg1: memref<128xi32, #tpu.memory_space<smem>>) -> (i32, i32) {
    %mul3A = arith.constant 16 : i32
    %mul3A_0 = arith.muli %arg0, %mul3A : i32
    %add3A = arith.constant 4 : i32
    %add3A_1 = arith.addi %mul3A_0, %add3A : i32
    %mul3A_2 = arith.constant 128 : i32
    %mul3A_3 = arith.muli %arg0, %mul3A_2 : i32
    %add3A_4 = arith.constant 32 : i32
    %add3A_5 = arith.addi %mul3A_3, %add3A_4 : i32
    %get3A = arith.index_cast %add3A_5 : i32 to index
    %get3A_6 = memref.load %arg1[%get3A] : memref<128xi32, #tpu.memory_space<smem>>
    %jit3A = arith.constant 128 : i32
    %div3A = arith.divsi %get3A_6, %jit3A : i32
    %sign3A = arith.constant 0 : i32
    %sign3A_7 = arith.cmpi sgt, %get3A_6, %sign3A : i32
    %sign3A_8 = arith.extui %sign3A_7 : i1 to i32
    %sign3A_9 = arith.constant 0 : i32
    %sign3A_10 = arith.cmpi slt, %get3A_6, %sign3A_9 : i32
    %sign3A_11 = arith.extui %sign3A_10 : i1 to i32
    %sign3A_12 = arith.subi %sign3A_8, %sign3A_11 : i32
    %sign3A_13 = arith.constant 0 : i32
    %sign3A_14 = arith.cmpi sgt, %jit3A, %sign3A_13 : i32
    %sign3A_15 = arith.extui %sign3A_14 : i1 to i32
    %sign3A_16 = arith.constant 0 : i32
    %sign3A_17 = arith.cmpi slt, %jit3A, %sign3A_16 : i32
    %sign3A_18 = arith.extui %sign3A_17 : i1 to i32
    %sign3A_19 = arith.subi %sign3A_15, %sign3A_18 : i32
    %ne3A = arith.cmpi ne, %sign3A_12, %sign3A_19 : i32
    %rem3A = arith.remsi %get3A_6, %jit3A : i32
    %ne3A_20 = arith.constant 0 : i32
    %ne3A_21 = arith.cmpi ne, %rem3A, %ne3A_20 : i32
    %and3A = arith.andi %ne3A, %ne3A_21 : i1
    %sub3A = arith.constant 1 : i32
    %sub3A_22 = arith.subi %div3A, %sub3A : i32
    %select_n3A = arith.select %and3A, %sub3A_22, %div3A : i32
    %c0_i32 = arith.constant 0 : i32
    return %add3A_1, %select_n3A : i32, i32
  }
  func.func @transform_33(%arg0: i32, %arg1: memref<128xi32, #tpu.memory_space<smem>>) -> (i32, i32) {
    %mul3A = arith.constant 16 : i32
    %mul3A_0 = arith.muli %arg0, %mul3A : i32
    %add3A = arith.constant 4 : i32
    %add3A_1 = arith.addi %mul3A_0, %add3A : i32
    %mul3A_2 = arith.constant 128 : i32
    %mul3A_3 = arith.muli %arg0, %mul3A_2 : i32
    %add3A_4 = arith.constant 33 : i32
    %add3A_5 = arith.addi %mul3A_3, %add3A_4 : i32
    %get3A = arith.index_cast %add3A_5 : i32 to index
    %get3A_6 = memref.load %arg1[%get3A] : memref<128xi32, #tpu.memory_space<smem>>
    %jit3A = arith.constant 128 : i32
    %div3A = arith.divsi %get3A_6, %jit3A : i32
    %sign3A = arith.constant 0 : i32
    %sign3A_7 = arith.cmpi sgt, %get3A_6, %sign3A : i32
    %sign3A_8 = arith.extui %sign3A_7 : i1 to i32
    %sign3A_9 = arith.constant 0 : i32
    %sign3A_10 = arith.cmpi slt, %get3A_6, %sign3A_9 : i32
    %sign3A_11 = arith.extui %sign3A_10 : i1 to i32
    %sign3A_12 = arith.subi %sign3A_8, %sign3A_11 : i32
    %sign3A_13 = arith.constant 0 : i32
    %sign3A_14 = arith.cmpi sgt, %jit3A, %sign3A_13 : i32
    %sign3A_15 = arith.extui %sign3A_14 : i1 to i32
    %sign3A_16 = arith.constant 0 : i32
    %sign3A_17 = arith.cmpi slt, %jit3A, %sign3A_16 : i32
    %sign3A_18 = arith.extui %sign3A_17 : i1 to i32
    %sign3A_19 = arith.subi %sign3A_15, %sign3A_18 : i32
    %ne3A = arith.cmpi ne, %sign3A_12, %sign3A_19 : i32
    %rem3A = arith.remsi %get3A_6, %jit3A : i32
    %ne3A_20 = arith.constant 0 : i32
    %ne3A_21 = arith.cmpi ne, %rem3A, %ne3A_20 : i32
    %and3A = arith.andi %ne3A, %ne3A_21 : i1
    %sub3A = arith.constant 1 : i32
    %sub3A_22 = arith.subi %div3A, %sub3A : i32
    %select_n3A = arith.select %and3A, %sub3A_22, %div3A : i32
    %c0_i32 = arith.constant 0 : i32
    return %add3A_1, %select_n3A : i32, i32
  }
  func.func @transform_34(%arg0: i32, %arg1: memref<128xi32, #tpu.memory_space<smem>>) -> (i32, i32) {
    %mul3A = arith.constant 16 : i32
    %mul3A_0 = arith.muli %arg0, %mul3A : i32
    %add3A = arith.constant 4 : i32
    %add3A_1 = arith.addi %mul3A_0, %add3A : i32
    %mul3A_2 = arith.constant 128 : i32
    %mul3A_3 = arith.muli %arg0, %mul3A_2 : i32
    %add3A_4 = arith.constant 34 : i32
    %add3A_5 = arith.addi %mul3A_3, %add3A_4 : i32
    %get3A = arith.index_cast %add3A_5 : i32 to index
    %get3A_6 = memref.load %arg1[%get3A] : memref<128xi32, #tpu.memory_space<smem>>
    %jit3A = arith.constant 128 : i32
    %div3A = arith.divsi %get3A_6, %jit3A : i32
    %sign3A = arith.constant 0 : i32
    %sign3A_7 = arith.cmpi sgt, %get3A_6, %sign3A : i32
    %sign3A_8 = arith.extui %sign3A_7 : i1 to i32
    %sign3A_9 = arith.constant 0 : i32
    %sign3A_10 = arith.cmpi slt, %get3A_6, %sign3A_9 : i32
    %sign3A_11 = arith.extui %sign3A_10 : i1 to i32
    %sign3A_12 = arith.subi %sign3A_8, %sign3A_11 : i32
    %sign3A_13 = arith.constant 0 : i32
    %sign3A_14 = arith.cmpi sgt, %jit3A, %sign3A_13 : i32
    %sign3A_15 = arith.extui %sign3A_14 : i1 to i32
    %sign3A_16 = arith.constant 0 : i32
    %sign3A_17 = arith.cmpi slt, %jit3A, %sign3A_16 : i32
    %sign3A_18 = arith.extui %sign3A_17 : i1 to i32
    %sign3A_19 = arith.subi %sign3A_15, %sign3A_18 : i32
    %ne3A = arith.cmpi ne, %sign3A_12, %sign3A_19 : i32
    %rem3A = arith.remsi %get3A_6, %jit3A : i32
    %ne3A_20 = arith.constant 0 : i32
    %ne3A_21 = arith.cmpi ne, %rem3A, %ne3A_20 : i32
    %and3A = arith.andi %ne3A, %ne3A_21 : i1
    %sub3A = arith.constant 1 : i32
    %sub3A_22 = arith.subi %div3A, %sub3A : i32
    %select_n3A = arith.select %and3A, %sub3A_22, %div3A : i32
    %c0_i32 = arith.constant 0 : i32
    return %add3A_1, %select_n3A : i32, i32
  }
  func.func @transform_35(%arg0: i32, %arg1: memref<128xi32, #tpu.memory_space<smem>>) -> (i32, i32) {
    %mul3A = arith.constant 16 : i32
    %mul3A_0 = arith.muli %arg0, %mul3A : i32
    %add3A = arith.constant 4 : i32
    %add3A_1 = arith.addi %mul3A_0, %add3A : i32
    %mul3A_2 = arith.constant 128 : i32
    %mul3A_3 = arith.muli %arg0, %mul3A_2 : i32
    %add3A_4 = arith.constant 35 : i32
    %add3A_5 = arith.addi %mul3A_3, %add3A_4 : i32
    %get3A = arith.index_cast %add3A_5 : i32 to index
    %get3A_6 = memref.load %arg1[%get3A] : memref<128xi32, #tpu.memory_space<smem>>
    %jit3A = arith.constant 128 : i32
    %div3A = arith.divsi %get3A_6, %jit3A : i32
    %sign3A = arith.constant 0 : i32
    %sign3A_7 = arith.cmpi sgt, %get3A_6, %sign3A : i32
    %sign3A_8 = arith.extui %sign3A_7 : i1 to i32
    %sign3A_9 = arith.constant 0 : i32
    %sign3A_10 = arith.cmpi slt, %get3A_6, %sign3A_9 : i32
    %sign3A_11 = arith.extui %sign3A_10 : i1 to i32
    %sign3A_12 = arith.subi %sign3A_8, %sign3A_11 : i32
    %sign3A_13 = arith.constant 0 : i32
    %sign3A_14 = arith.cmpi sgt, %jit3A, %sign3A_13 : i32
    %sign3A_15 = arith.extui %sign3A_14 : i1 to i32
    %sign3A_16 = arith.constant 0 : i32
    %sign3A_17 = arith.cmpi slt, %jit3A, %sign3A_16 : i32
    %sign3A_18 = arith.extui %sign3A_17 : i1 to i32
    %sign3A_19 = arith.subi %sign3A_15, %sign3A_18 : i32
    %ne3A = arith.cmpi ne, %sign3A_12, %sign3A_19 : i32
    %rem3A = arith.remsi %get3A_6, %jit3A : i32
    %ne3A_20 = arith.constant 0 : i32
    %ne3A_21 = arith.cmpi ne, %rem3A, %ne3A_20 : i32
    %and3A = arith.andi %ne3A, %ne3A_21 : i1
    %sub3A = arith.constant 1 : i32
    %sub3A_22 = arith.subi %div3A, %sub3A : i32
    %select_n3A = arith.select %and3A, %sub3A_22, %div3A : i32
    %c0_i32 = arith.constant 0 : i32
    return %add3A_1, %select_n3A : i32, i32
  }
  func.func @transform_36(%arg0: i32, %arg1: memref<128xi32, #tpu.memory_space<smem>>) -> (i32, i32) {
    %mul3A = arith.constant 16 : i32
    %mul3A_0 = arith.muli %arg0, %mul3A : i32
    %add3A = arith.constant 4 : i32
    %add3A_1 = arith.addi %mul3A_0, %add3A : i32
    %mul3A_2 = arith.constant 128 : i32
    %mul3A_3 = arith.muli %arg0, %mul3A_2 : i32
    %add3A_4 = arith.constant 36 : i32
    %add3A_5 = arith.addi %mul3A_3, %add3A_4 : i32
    %get3A = arith.index_cast %add3A_5 : i32 to index
    %get3A_6 = memref.load %arg1[%get3A] : memref<128xi32, #tpu.memory_space<smem>>
    %jit3A = arith.constant 128 : i32
    %div3A = arith.divsi %get3A_6, %jit3A : i32
    %sign3A = arith.constant 0 : i32
    %sign3A_7 = arith.cmpi sgt, %get3A_6, %sign3A : i32
    %sign3A_8 = arith.extui %sign3A_7 : i1 to i32
    %sign3A_9 = arith.constant 0 : i32
    %sign3A_10 = arith.cmpi slt, %get3A_6, %sign3A_9 : i32
    %sign3A_11 = arith.extui %sign3A_10 : i1 to i32
    %sign3A_12 = arith.subi %sign3A_8, %sign3A_11 : i32
    %sign3A_13 = arith.constant 0 : i32
    %sign3A_14 = arith.cmpi sgt, %jit3A, %sign3A_13 : i32
    %sign3A_15 = arith.extui %sign3A_14 : i1 to i32
    %sign3A_16 = arith.constant 0 : i32
    %sign3A_17 = arith.cmpi slt, %jit3A, %sign3A_16 : i32
    %sign3A_18 = arith.extui %sign3A_17 : i1 to i32
    %sign3A_19 = arith.subi %sign3A_15, %sign3A_18 : i32
    %ne3A = arith.cmpi ne, %sign3A_12, %sign3A_19 : i32
    %rem3A = arith.remsi %get3A_6, %jit3A : i32
    %ne3A_20 = arith.constant 0 : i32
    %ne3A_21 = arith.cmpi ne, %rem3A, %ne3A_20 : i32
    %and3A = arith.andi %ne3A, %ne3A_21 : i1
    %sub3A = arith.constant 1 : i32
    %sub3A_22 = arith.subi %div3A, %sub3A : i32
    %select_n3A = arith.select %and3A, %sub3A_22, %div3A : i32
    %c0_i32 = arith.constant 0 : i32
    return %add3A_1, %select_n3A : i32, i32
  }
  func.func @transform_37(%arg0: i32, %arg1: memref<128xi32, #tpu.memory_space<smem>>) -> (i32, i32) {
    %mul3A = arith.constant 16 : i32
    %mul3A_0 = arith.muli %arg0, %mul3A : i32
    %add3A = arith.constant 4 : i32
    %add3A_1 = arith.addi %mul3A_0, %add3A : i32
    %mul3A_2 = arith.constant 128 : i32
    %mul3A_3 = arith.muli %arg0, %mul3A_2 : i32
    %add3A_4 = arith.constant 37 : i32
    %add3A_5 = arith.addi %mul3A_3, %add3A_4 : i32
    %get3A = arith.index_cast %add3A_5 : i32 to index
    %get3A_6 = memref.load %arg1[%get3A] : memref<128xi32, #tpu.memory_space<smem>>
    %jit3A = arith.constant 128 : i32
    %div3A = arith.divsi %get3A_6, %jit3A : i32
    %sign3A = arith.constant 0 : i32
    %sign3A_7 = arith.cmpi sgt, %get3A_6, %sign3A : i32
    %sign3A_8 = arith.extui %sign3A_7 : i1 to i32
    %sign3A_9 = arith.constant 0 : i32
    %sign3A_10 = arith.cmpi slt, %get3A_6, %sign3A_9 : i32
    %sign3A_11 = arith.extui %sign3A_10 : i1 to i32
    %sign3A_12 = arith.subi %sign3A_8, %sign3A_11 : i32
    %sign3A_13 = arith.constant 0 : i32
    %sign3A_14 = arith.cmpi sgt, %jit3A, %sign3A_13 : i32
    %sign3A_15 = arith.extui %sign3A_14 : i1 to i32
    %sign3A_16 = arith.constant 0 : i32
    %sign3A_17 = arith.cmpi slt, %jit3A, %sign3A_16 : i32
    %sign3A_18 = arith.extui %sign3A_17 : i1 to i32
    %sign3A_19 = arith.subi %sign3A_15, %sign3A_18 : i32
    %ne3A = arith.cmpi ne, %sign3A_12, %sign3A_19 : i32
    %rem3A = arith.remsi %get3A_6, %jit3A : i32
    %ne3A_20 = arith.constant 0 : i32
    %ne3A_21 = arith.cmpi ne, %rem3A, %ne3A_20 : i32
    %and3A = arith.andi %ne3A, %ne3A_21 : i1
    %sub3A = arith.constant 1 : i32
    %sub3A_22 = arith.subi %div3A, %sub3A : i32
    %select_n3A = arith.select %and3A, %sub3A_22, %div3A : i32
    %c0_i32 = arith.constant 0 : i32
    return %add3A_1, %select_n3A : i32, i32
  }
  func.func @transform_38(%arg0: i32, %arg1: memref<128xi32, #tpu.memory_space<smem>>) -> (i32, i32) {
    %mul3A = arith.constant 16 : i32
    %mul3A_0 = arith.muli %arg0, %mul3A : i32
    %add3A = arith.constant 4 : i32
    %add3A_1 = arith.addi %mul3A_0, %add3A : i32
    %mul3A_2 = arith.constant 128 : i32
    %mul3A_3 = arith.muli %arg0, %mul3A_2 : i32
    %add3A_4 = arith.constant 38 : i32
    %add3A_5 = arith.addi %mul3A_3, %add3A_4 : i32
    %get3A = arith.index_cast %add3A_5 : i32 to index
    %get3A_6 = memref.load %arg1[%get3A] : memref<128xi32, #tpu.memory_space<smem>>
    %jit3A = arith.constant 128 : i32
    %div3A = arith.divsi %get3A_6, %jit3A : i32
    %sign3A = arith.constant 0 : i32
    %sign3A_7 = arith.cmpi sgt, %get3A_6, %sign3A : i32
    %sign3A_8 = arith.extui %sign3A_7 : i1 to i32
    %sign3A_9 = arith.constant 0 : i32
    %sign3A_10 = arith.cmpi slt, %get3A_6, %sign3A_9 : i32
    %sign3A_11 = arith.extui %sign3A_10 : i1 to i32
    %sign3A_12 = arith.subi %sign3A_8, %sign3A_11 : i32
    %sign3A_13 = arith.constant 0 : i32
    %sign3A_14 = arith.cmpi sgt, %jit3A, %sign3A_13 : i32
    %sign3A_15 = arith.extui %sign3A_14 : i1 to i32
    %sign3A_16 = arith.constant 0 : i32
    %sign3A_17 = arith.cmpi slt, %jit3A, %sign3A_16 : i32
    %sign3A_18 = arith.extui %sign3A_17 : i1 to i32
    %sign3A_19 = arith.subi %sign3A_15, %sign3A_18 : i32
    %ne3A = arith.cmpi ne, %sign3A_12, %sign3A_19 : i32
    %rem3A = arith.remsi %get3A_6, %jit3A : i32
    %ne3A_20 = arith.constant 0 : i32
    %ne3A_21 = arith.cmpi ne, %rem3A, %ne3A_20 : i32
    %and3A = arith.andi %ne3A, %ne3A_21 : i1
    %sub3A = arith.constant 1 : i32
    %sub3A_22 = arith.subi %div3A, %sub3A : i32
    %select_n3A = arith.select %and3A, %sub3A_22, %div3A : i32
    %c0_i32 = arith.constant 0 : i32
    return %add3A_1, %select_n3A : i32, i32
  }
  func.func @transform_39(%arg0: i32, %arg1: memref<128xi32, #tpu.memory_space<smem>>) -> (i32, i32) {
    %mul3A = arith.constant 16 : i32
    %mul3A_0 = arith.muli %arg0, %mul3A : i32
    %add3A = arith.constant 4 : i32
    %add3A_1 = arith.addi %mul3A_0, %add3A : i32
    %mul3A_2 = arith.constant 128 : i32
    %mul3A_3 = arith.muli %arg0, %mul3A_2 : i32
    %add3A_4 = arith.constant 39 : i32
    %add3A_5 = arith.addi %mul3A_3, %add3A_4 : i32
    %get3A = arith.index_cast %add3A_5 : i32 to index
    %get3A_6 = memref.load %arg1[%get3A] : memref<128xi32, #tpu.memory_space<smem>>
    %jit3A = arith.constant 128 : i32
    %div3A = arith.divsi %get3A_6, %jit3A : i32
    %sign3A = arith.constant 0 : i32
    %sign3A_7 = arith.cmpi sgt, %get3A_6, %sign3A : i32
    %sign3A_8 = arith.extui %sign3A_7 : i1 to i32
    %sign3A_9 = arith.constant 0 : i32
    %sign3A_10 = arith.cmpi slt, %get3A_6, %sign3A_9 : i32
    %sign3A_11 = arith.extui %sign3A_10 : i1 to i32
    %sign3A_12 = arith.subi %sign3A_8, %sign3A_11 : i32
    %sign3A_13 = arith.constant 0 : i32
    %sign3A_14 = arith.cmpi sgt, %jit3A, %sign3A_13 : i32
    %sign3A_15 = arith.extui %sign3A_14 : i1 to i32
    %sign3A_16 = arith.constant 0 : i32
    %sign3A_17 = arith.cmpi slt, %jit3A, %sign3A_16 : i32
    %sign3A_18 = arith.extui %sign3A_17 : i1 to i32
    %sign3A_19 = arith.subi %sign3A_15, %sign3A_18 : i32
    %ne3A = arith.cmpi ne, %sign3A_12, %sign3A_19 : i32
    %rem3A = arith.remsi %get3A_6, %jit3A : i32
    %ne3A_20 = arith.constant 0 : i32
    %ne3A_21 = arith.cmpi ne, %rem3A, %ne3A_20 : i32
    %and3A = arith.andi %ne3A, %ne3A_21 : i1
    %sub3A = arith.constant 1 : i32
    %sub3A_22 = arith.subi %div3A, %sub3A : i32
    %select_n3A = arith.select %and3A, %sub3A_22, %div3A : i32
    %c0_i32 = arith.constant 0 : i32
    return %add3A_1, %select_n3A : i32, i32
  }
  func.func @transform_40(%arg0: i32, %arg1: memref<128xi32, #tpu.memory_space<smem>>) -> (i32, i32) {
    %mul3A = arith.constant 16 : i32
    %mul3A_0 = arith.muli %arg0, %mul3A : i32
    %add3A = arith.constant 5 : i32
    %add3A_1 = arith.addi %mul3A_0, %add3A : i32
    %mul3A_2 = arith.constant 128 : i32
    %mul3A_3 = arith.muli %arg0, %mul3A_2 : i32
    %add3A_4 = arith.constant 40 : i32
    %add3A_5 = arith.addi %mul3A_3, %add3A_4 : i32
    %get3A = arith.index_cast %add3A_5 : i32 to index
    %get3A_6 = memref.load %arg1[%get3A] : memref<128xi32, #tpu.memory_space<smem>>
    %jit3A = arith.constant 128 : i32
    %div3A = arith.divsi %get3A_6, %jit3A : i32
    %sign3A = arith.constant 0 : i32
    %sign3A_7 = arith.cmpi sgt, %get3A_6, %sign3A : i32
    %sign3A_8 = arith.extui %sign3A_7 : i1 to i32
    %sign3A_9 = arith.constant 0 : i32
    %sign3A_10 = arith.cmpi slt, %get3A_6, %sign3A_9 : i32
    %sign3A_11 = arith.extui %sign3A_10 : i1 to i32
    %sign3A_12 = arith.subi %sign3A_8, %sign3A_11 : i32
    %sign3A_13 = arith.constant 0 : i32
    %sign3A_14 = arith.cmpi sgt, %jit3A, %sign3A_13 : i32
    %sign3A_15 = arith.extui %sign3A_14 : i1 to i32
    %sign3A_16 = arith.constant 0 : i32
    %sign3A_17 = arith.cmpi slt, %jit3A, %sign3A_16 : i32
    %sign3A_18 = arith.extui %sign3A_17 : i1 to i32
    %sign3A_19 = arith.subi %sign3A_15, %sign3A_18 : i32
    %ne3A = arith.cmpi ne, %sign3A_12, %sign3A_19 : i32
    %rem3A = arith.remsi %get3A_6, %jit3A : i32
    %ne3A_20 = arith.constant 0 : i32
    %ne3A_21 = arith.cmpi ne, %rem3A, %ne3A_20 : i32
    %and3A = arith.andi %ne3A, %ne3A_21 : i1
    %sub3A = arith.constant 1 : i32
    %sub3A_22 = arith.subi %div3A, %sub3A : i32
    %select_n3A = arith.select %and3A, %sub3A_22, %div3A : i32
    %c0_i32 = arith.constant 0 : i32
    return %add3A_1, %select_n3A : i32, i32
  }
  func.func @transform_41(%arg0: i32, %arg1: memref<128xi32, #tpu.memory_space<smem>>) -> (i32, i32) {
    %mul3A = arith.constant 16 : i32
    %mul3A_0 = arith.muli %arg0, %mul3A : i32
    %add3A = arith.constant 5 : i32
    %add3A_1 = arith.addi %mul3A_0, %add3A : i32
    %mul3A_2 = arith.constant 128 : i32
    %mul3A_3 = arith.muli %arg0, %mul3A_2 : i32
    %add3A_4 = arith.constant 41 : i32
    %add3A_5 = arith.addi %mul3A_3, %add3A_4 : i32
    %get3A = arith.index_cast %add3A_5 : i32 to index
    %get3A_6 = memref.load %arg1[%get3A] : memref<128xi32, #tpu.memory_space<smem>>
    %jit3A = arith.constant 128 : i32
    %div3A = arith.divsi %get3A_6, %jit3A : i32
    %sign3A = arith.constant 0 : i32
    %sign3A_7 = arith.cmpi sgt, %get3A_6, %sign3A : i32
    %sign3A_8 = arith.extui %sign3A_7 : i1 to i32
    %sign3A_9 = arith.constant 0 : i32
    %sign3A_10 = arith.cmpi slt, %get3A_6, %sign3A_9 : i32
    %sign3A_11 = arith.extui %sign3A_10 : i1 to i32
    %sign3A_12 = arith.subi %sign3A_8, %sign3A_11 : i32
    %sign3A_13 = arith.constant 0 : i32
    %sign3A_14 = arith.cmpi sgt, %jit3A, %sign3A_13 : i32
    %sign3A_15 = arith.extui %sign3A_14 : i1 to i32
    %sign3A_16 = arith.constant 0 : i32
    %sign3A_17 = arith.cmpi slt, %jit3A, %sign3A_16 : i32
    %sign3A_18 = arith.extui %sign3A_17 : i1 to i32
    %sign3A_19 = arith.subi %sign3A_15, %sign3A_18 : i32
    %ne3A = arith.cmpi ne, %sign3A_12, %sign3A_19 : i32
    %rem3A = arith.remsi %get3A_6, %jit3A : i32
    %ne3A_20 = arith.constant 0 : i32
    %ne3A_21 = arith.cmpi ne, %rem3A, %ne3A_20 : i32
    %and3A = arith.andi %ne3A, %ne3A_21 : i1
    %sub3A = arith.constant 1 : i32
    %sub3A_22 = arith.subi %div3A, %sub3A : i32
    %select_n3A = arith.select %and3A, %sub3A_22, %div3A : i32
    %c0_i32 = arith.constant 0 : i32
    return %add3A_1, %select_n3A : i32, i32
  }
  func.func @transform_42(%arg0: i32, %arg1: memref<128xi32, #tpu.memory_space<smem>>) -> (i32, i32) {
    %mul3A = arith.constant 16 : i32
    %mul3A_0 = arith.muli %arg0, %mul3A : i32
    %add3A = arith.constant 5 : i32
    %add3A_1 = arith.addi %mul3A_0, %add3A : i32
    %mul3A_2 = arith.constant 128 : i32
    %mul3A_3 = arith.muli %arg0, %mul3A_2 : i32
    %add3A_4 = arith.constant 42 : i32
    %add3A_5 = arith.addi %mul3A_3, %add3A_4 : i32
    %get3A = arith.index_cast %add3A_5 : i32 to index
    %get3A_6 = memref.load %arg1[%get3A] : memref<128xi32, #tpu.memory_space<smem>>
    %jit3A = arith.constant 128 : i32
    %div3A = arith.divsi %get3A_6, %jit3A : i32
    %sign3A = arith.constant 0 : i32
    %sign3A_7 = arith.cmpi sgt, %get3A_6, %sign3A : i32
    %sign3A_8 = arith.extui %sign3A_7 : i1 to i32
    %sign3A_9 = arith.constant 0 : i32
    %sign3A_10 = arith.cmpi slt, %get3A_6, %sign3A_9 : i32
    %sign3A_11 = arith.extui %sign3A_10 : i1 to i32
    %sign3A_12 = arith.subi %sign3A_8, %sign3A_11 : i32
    %sign3A_13 = arith.constant 0 : i32
    %sign3A_14 = arith.cmpi sgt, %jit3A, %sign3A_13 : i32
    %sign3A_15 = arith.extui %sign3A_14 : i1 to i32
    %sign3A_16 = arith.constant 0 : i32
    %sign3A_17 = arith.cmpi slt, %jit3A, %sign3A_16 : i32
    %sign3A_18 = arith.extui %sign3A_17 : i1 to i32
    %sign3A_19 = arith.subi %sign3A_15, %sign3A_18 : i32
    %ne3A = arith.cmpi ne, %sign3A_12, %sign3A_19 : i32
    %rem3A = arith.remsi %get3A_6, %jit3A : i32
    %ne3A_20 = arith.constant 0 : i32
    %ne3A_21 = arith.cmpi ne, %rem3A, %ne3A_20 : i32
    %and3A = arith.andi %ne3A, %ne3A_21 : i1
    %sub3A = arith.constant 1 : i32
    %sub3A_22 = arith.subi %div3A, %sub3A : i32
    %select_n3A = arith.select %and3A, %sub3A_22, %div3A : i32
    %c0_i32 = arith.constant 0 : i32
    return %add3A_1, %select_n3A : i32, i32
  }
  func.func @transform_43(%arg0: i32, %arg1: memref<128xi32, #tpu.memory_space<smem>>) -> (i32, i32) {
    %mul3A = arith.constant 16 : i32
    %mul3A_0 = arith.muli %arg0, %mul3A : i32
    %add3A = arith.constant 5 : i32
    %add3A_1 = arith.addi %mul3A_0, %add3A : i32
    %mul3A_2 = arith.constant 128 : i32
    %mul3A_3 = arith.muli %arg0, %mul3A_2 : i32
    %add3A_4 = arith.constant 43 : i32
    %add3A_5 = arith.addi %mul3A_3, %add3A_4 : i32
    %get3A = arith.index_cast %add3A_5 : i32 to index
    %get3A_6 = memref.load %arg1[%get3A] : memref<128xi32, #tpu.memory_space<smem>>
    %jit3A = arith.constant 128 : i32
    %div3A = arith.divsi %get3A_6, %jit3A : i32
    %sign3A = arith.constant 0 : i32
    %sign3A_7 = arith.cmpi sgt, %get3A_6, %sign3A : i32
    %sign3A_8 = arith.extui %sign3A_7 : i1 to i32
    %sign3A_9 = arith.constant 0 : i32
    %sign3A_10 = arith.cmpi slt, %get3A_6, %sign3A_9 : i32
    %sign3A_11 = arith.extui %sign3A_10 : i1 to i32
    %sign3A_12 = arith.subi %sign3A_8, %sign3A_11 : i32
    %sign3A_13 = arith.constant 0 : i32
    %sign3A_14 = arith.cmpi sgt, %jit3A, %sign3A_13 : i32
    %sign3A_15 = arith.extui %sign3A_14 : i1 to i32
    %sign3A_16 = arith.constant 0 : i32
    %sign3A_17 = arith.cmpi slt, %jit3A, %sign3A_16 : i32
    %sign3A_18 = arith.extui %sign3A_17 : i1 to i32
    %sign3A_19 = arith.subi %sign3A_15, %sign3A_18 : i32
    %ne3A = arith.cmpi ne, %sign3A_12, %sign3A_19 : i32
    %rem3A = arith.remsi %get3A_6, %jit3A : i32
    %ne3A_20 = arith.constant 0 : i32
    %ne3A_21 = arith.cmpi ne, %rem3A, %ne3A_20 : i32
    %and3A = arith.andi %ne3A, %ne3A_21 : i1
    %sub3A = arith.constant 1 : i32
    %sub3A_22 = arith.subi %div3A, %sub3A : i32
    %select_n3A = arith.select %and3A, %sub3A_22, %div3A : i32
    %c0_i32 = arith.constant 0 : i32
    return %add3A_1, %select_n3A : i32, i32
  }
  func.func @transform_44(%arg0: i32, %arg1: memref<128xi32, #tpu.memory_space<smem>>) -> (i32, i32) {
    %mul3A = arith.constant 16 : i32
    %mul3A_0 = arith.muli %arg0, %mul3A : i32
    %add3A = arith.constant 5 : i32
    %add3A_1 = arith.addi %mul3A_0, %add3A : i32
    %mul3A_2 = arith.constant 128 : i32
    %mul3A_3 = arith.muli %arg0, %mul3A_2 : i32
    %add3A_4 = arith.constant 44 : i32
    %add3A_5 = arith.addi %mul3A_3, %add3A_4 : i32
    %get3A = arith.index_cast %add3A_5 : i32 to index
    %get3A_6 = memref.load %arg1[%get3A] : memref<128xi32, #tpu.memory_space<smem>>
    %jit3A = arith.constant 128 : i32
    %div3A = arith.divsi %get3A_6, %jit3A : i32
    %sign3A = arith.constant 0 : i32
    %sign3A_7 = arith.cmpi sgt, %get3A_6, %sign3A : i32
    %sign3A_8 = arith.extui %sign3A_7 : i1 to i32
    %sign3A_9 = arith.constant 0 : i32
    %sign3A_10 = arith.cmpi slt, %get3A_6, %sign3A_9 : i32
    %sign3A_11 = arith.extui %sign3A_10 : i1 to i32
    %sign3A_12 = arith.subi %sign3A_8, %sign3A_11 : i32
    %sign3A_13 = arith.constant 0 : i32
    %sign3A_14 = arith.cmpi sgt, %jit3A, %sign3A_13 : i32
    %sign3A_15 = arith.extui %sign3A_14 : i1 to i32
    %sign3A_16 = arith.constant 0 : i32
    %sign3A_17 = arith.cmpi slt, %jit3A, %sign3A_16 : i32
    %sign3A_18 = arith.extui %sign3A_17 : i1 to i32
    %sign3A_19 = arith.subi %sign3A_15, %sign3A_18 : i32
    %ne3A = arith.cmpi ne, %sign3A_12, %sign3A_19 : i32
    %rem3A = arith.remsi %get3A_6, %jit3A : i32
    %ne3A_20 = arith.constant 0 : i32
    %ne3A_21 = arith.cmpi ne, %rem3A, %ne3A_20 : i32
    %and3A = arith.andi %ne3A, %ne3A_21 : i1
    %sub3A = arith.constant 1 : i32
    %sub3A_22 = arith.subi %div3A, %sub3A : i32
    %select_n3A = arith.select %and3A, %sub3A_22, %div3A : i32
    %c0_i32 = arith.constant 0 : i32
    return %add3A_1, %select_n3A : i32, i32
  }
  func.func @transform_45(%arg0: i32, %arg1: memref<128xi32, #tpu.memory_space<smem>>) -> (i32, i32) {
    %mul3A = arith.constant 16 : i32
    %mul3A_0 = arith.muli %arg0, %mul3A : i32
    %add3A = arith.constant 5 : i32
    %add3A_1 = arith.addi %mul3A_0, %add3A : i32
    %mul3A_2 = arith.constant 128 : i32
    %mul3A_3 = arith.muli %arg0, %mul3A_2 : i32
    %add3A_4 = arith.constant 45 : i32
    %add3A_5 = arith.addi %mul3A_3, %add3A_4 : i32
    %get3A = arith.index_cast %add3A_5 : i32 to index
    %get3A_6 = memref.load %arg1[%get3A] : memref<128xi32, #tpu.memory_space<smem>>
    %jit3A = arith.constant 128 : i32
    %div3A = arith.divsi %get3A_6, %jit3A : i32
    %sign3A = arith.constant 0 : i32
    %sign3A_7 = arith.cmpi sgt, %get3A_6, %sign3A : i32
    %sign3A_8 = arith.extui %sign3A_7 : i1 to i32
    %sign3A_9 = arith.constant 0 : i32
    %sign3A_10 = arith.cmpi slt, %get3A_6, %sign3A_9 : i32
    %sign3A_11 = arith.extui %sign3A_10 : i1 to i32
    %sign3A_12 = arith.subi %sign3A_8, %sign3A_11 : i32
    %sign3A_13 = arith.constant 0 : i32
    %sign3A_14 = arith.cmpi sgt, %jit3A, %sign3A_13 : i32
    %sign3A_15 = arith.extui %sign3A_14 : i1 to i32
    %sign3A_16 = arith.constant 0 : i32
    %sign3A_17 = arith.cmpi slt, %jit3A, %sign3A_16 : i32
    %sign3A_18 = arith.extui %sign3A_17 : i1 to i32
    %sign3A_19 = arith.subi %sign3A_15, %sign3A_18 : i32
    %ne3A = arith.cmpi ne, %sign3A_12, %sign3A_19 : i32
    %rem3A = arith.remsi %get3A_6, %jit3A : i32
    %ne3A_20 = arith.constant 0 : i32
    %ne3A_21 = arith.cmpi ne, %rem3A, %ne3A_20 : i32
    %and3A = arith.andi %ne3A, %ne3A_21 : i1
    %sub3A = arith.constant 1 : i32
    %sub3A_22 = arith.subi %div3A, %sub3A : i32
    %select_n3A = arith.select %and3A, %sub3A_22, %div3A : i32
    %c0_i32 = arith.constant 0 : i32
    return %add3A_1, %select_n3A : i32, i32
  }
  func.func @transform_46(%arg0: i32, %arg1: memref<128xi32, #tpu.memory_space<smem>>) -> (i32, i32) {
    %mul3A = arith.constant 16 : i32
    %mul3A_0 = arith.muli %arg0, %mul3A : i32
    %add3A = arith.constant 5 : i32
    %add3A_1 = arith.addi %mul3A_0, %add3A : i32
    %mul3A_2 = arith.constant 128 : i32
    %mul3A_3 = arith.muli %arg0, %mul3A_2 : i32
    %add3A_4 = arith.constant 46 : i32
    %add3A_5 = arith.addi %mul3A_3, %add3A_4 : i32
    %get3A = arith.index_cast %add3A_5 : i32 to index
    %get3A_6 = memref.load %arg1[%get3A] : memref<128xi32, #tpu.memory_space<smem>>
    %jit3A = arith.constant 128 : i32
    %div3A = arith.divsi %get3A_6, %jit3A : i32
    %sign3A = arith.constant 0 : i32
    %sign3A_7 = arith.cmpi sgt, %get3A_6, %sign3A : i32
    %sign3A_8 = arith.extui %sign3A_7 : i1 to i32
    %sign3A_9 = arith.constant 0 : i32
    %sign3A_10 = arith.cmpi slt, %get3A_6, %sign3A_9 : i32
    %sign3A_11 = arith.extui %sign3A_10 : i1 to i32
    %sign3A_12 = arith.subi %sign3A_8, %sign3A_11 : i32
    %sign3A_13 = arith.constant 0 : i32
    %sign3A_14 = arith.cmpi sgt, %jit3A, %sign3A_13 : i32
    %sign3A_15 = arith.extui %sign3A_14 : i1 to i32
    %sign3A_16 = arith.constant 0 : i32
    %sign3A_17 = arith.cmpi slt, %jit3A, %sign3A_16 : i32
    %sign3A_18 = arith.extui %sign3A_17 : i1 to i32
    %sign3A_19 = arith.subi %sign3A_15, %sign3A_18 : i32
    %ne3A = arith.cmpi ne, %sign3A_12, %sign3A_19 : i32
    %rem3A = arith.remsi %get3A_6, %jit3A : i32
    %ne3A_20 = arith.constant 0 : i32
    %ne3A_21 = arith.cmpi ne, %rem3A, %ne3A_20 : i32
    %and3A = arith.andi %ne3A, %ne3A_21 : i1
    %sub3A = arith.constant 1 : i32
    %sub3A_22 = arith.subi %div3A, %sub3A : i32
    %select_n3A = arith.select %and3A, %sub3A_22, %div3A : i32
    %c0_i32 = arith.constant 0 : i32
    return %add3A_1, %select_n3A : i32, i32
  }
  func.func @transform_47(%arg0: i32, %arg1: memref<128xi32, #tpu.memory_space<smem>>) -> (i32, i32) {
    %mul3A = arith.constant 16 : i32
    %mul3A_0 = arith.muli %arg0, %mul3A : i32
    %add3A = arith.constant 5 : i32
    %add3A_1 = arith.addi %mul3A_0, %add3A : i32
    %mul3A_2 = arith.constant 128 : i32
    %mul3A_3 = arith.muli %arg0, %mul3A_2 : i32
    %add3A_4 = arith.constant 47 : i32
    %add3A_5 = arith.addi %mul3A_3, %add3A_4 : i32
    %get3A = arith.index_cast %add3A_5 : i32 to index
    %get3A_6 = memref.load %arg1[%get3A] : memref<128xi32, #tpu.memory_space<smem>>
    %jit3A = arith.constant 128 : i32
    %div3A = arith.divsi %get3A_6, %jit3A : i32
    %sign3A = arith.constant 0 : i32
    %sign3A_7 = arith.cmpi sgt, %get3A_6, %sign3A : i32
    %sign3A_8 = arith.extui %sign3A_7 : i1 to i32
    %sign3A_9 = arith.constant 0 : i32
    %sign3A_10 = arith.cmpi slt, %get3A_6, %sign3A_9 : i32
    %sign3A_11 = arith.extui %sign3A_10 : i1 to i32
    %sign3A_12 = arith.subi %sign3A_8, %sign3A_11 : i32
    %sign3A_13 = arith.constant 0 : i32
    %sign3A_14 = arith.cmpi sgt, %jit3A, %sign3A_13 : i32
    %sign3A_15 = arith.extui %sign3A_14 : i1 to i32
    %sign3A_16 = arith.constant 0 : i32
    %sign3A_17 = arith.cmpi slt, %jit3A, %sign3A_16 : i32
    %sign3A_18 = arith.extui %sign3A_17 : i1 to i32
    %sign3A_19 = arith.subi %sign3A_15, %sign3A_18 : i32
    %ne3A = arith.cmpi ne, %sign3A_12, %sign3A_19 : i32
    %rem3A = arith.remsi %get3A_6, %jit3A : i32
    %ne3A_20 = arith.constant 0 : i32
    %ne3A_21 = arith.cmpi ne, %rem3A, %ne3A_20 : i32
    %and3A = arith.andi %ne3A, %ne3A_21 : i1
    %sub3A = arith.constant 1 : i32
    %sub3A_22 = arith.subi %div3A, %sub3A : i32
    %select_n3A = arith.select %and3A, %sub3A_22, %div3A : i32
    %c0_i32 = arith.constant 0 : i32
    return %add3A_1, %select_n3A : i32, i32
  }
  func.func @transform_48(%arg0: i32, %arg1: memref<128xi32, #tpu.memory_space<smem>>) -> (i32, i32) {
    %mul3A = arith.constant 16 : i32
    %mul3A_0 = arith.muli %arg0, %mul3A : i32
    %add3A = arith.constant 6 : i32
    %add3A_1 = arith.addi %mul3A_0, %add3A : i32
    %mul3A_2 = arith.constant 128 : i32
    %mul3A_3 = arith.muli %arg0, %mul3A_2 : i32
    %add3A_4 = arith.constant 48 : i32
    %add3A_5 = arith.addi %mul3A_3, %add3A_4 : i32
    %get3A = arith.index_cast %add3A_5 : i32 to index
    %get3A_6 = memref.load %arg1[%get3A] : memref<128xi32, #tpu.memory_space<smem>>
    %jit3A = arith.constant 128 : i32
    %div3A = arith.divsi %get3A_6, %jit3A : i32
    %sign3A = arith.constant 0 : i32
    %sign3A_7 = arith.cmpi sgt, %get3A_6, %sign3A : i32
    %sign3A_8 = arith.extui %sign3A_7 : i1 to i32
    %sign3A_9 = arith.constant 0 : i32
    %sign3A_10 = arith.cmpi slt, %get3A_6, %sign3A_9 : i32
    %sign3A_11 = arith.extui %sign3A_10 : i1 to i32
    %sign3A_12 = arith.subi %sign3A_8, %sign3A_11 : i32
    %sign3A_13 = arith.constant 0 : i32
    %sign3A_14 = arith.cmpi sgt, %jit3A, %sign3A_13 : i32
    %sign3A_15 = arith.extui %sign3A_14 : i1 to i32
    %sign3A_16 = arith.constant 0 : i32
    %sign3A_17 = arith.cmpi slt, %jit3A, %sign3A_16 : i32
    %sign3A_18 = arith.extui %sign3A_17 : i1 to i32
    %sign3A_19 = arith.subi %sign3A_15, %sign3A_18 : i32
    %ne3A = arith.cmpi ne, %sign3A_12, %sign3A_19 : i32
    %rem3A = arith.remsi %get3A_6, %jit3A : i32
    %ne3A_20 = arith.constant 0 : i32
    %ne3A_21 = arith.cmpi ne, %rem3A, %ne3A_20 : i32
    %and3A = arith.andi %ne3A, %ne3A_21 : i1
    %sub3A = arith.constant 1 : i32
    %sub3A_22 = arith.subi %div3A, %sub3A : i32
    %select_n3A = arith.select %and3A, %sub3A_22, %div3A : i32
    %c0_i32 = arith.constant 0 : i32
    return %add3A_1, %select_n3A : i32, i32
  }
  func.func @transform_49(%arg0: i32, %arg1: memref<128xi32, #tpu.memory_space<smem>>) -> (i32, i32) {
    %mul3A = arith.constant 16 : i32
    %mul3A_0 = arith.muli %arg0, %mul3A : i32
    %add3A = arith.constant 6 : i32
    %add3A_1 = arith.addi %mul3A_0, %add3A : i32
    %mul3A_2 = arith.constant 128 : i32
    %mul3A_3 = arith.muli %arg0, %mul3A_2 : i32
    %add3A_4 = arith.constant 49 : i32
    %add3A_5 = arith.addi %mul3A_3, %add3A_4 : i32
    %get3A = arith.index_cast %add3A_5 : i32 to index
    %get3A_6 = memref.load %arg1[%get3A] : memref<128xi32, #tpu.memory_space<smem>>
    %jit3A = arith.constant 128 : i32
    %div3A = arith.divsi %get3A_6, %jit3A : i32
    %sign3A = arith.constant 0 : i32
    %sign3A_7 = arith.cmpi sgt, %get3A_6, %sign3A : i32
    %sign3A_8 = arith.extui %sign3A_7 : i1 to i32
    %sign3A_9 = arith.constant 0 : i32
    %sign3A_10 = arith.cmpi slt, %get3A_6, %sign3A_9 : i32
    %sign3A_11 = arith.extui %sign3A_10 : i1 to i32
    %sign3A_12 = arith.subi %sign3A_8, %sign3A_11 : i32
    %sign3A_13 = arith.constant 0 : i32
    %sign3A_14 = arith.cmpi sgt, %jit3A, %sign3A_13 : i32
    %sign3A_15 = arith.extui %sign3A_14 : i1 to i32
    %sign3A_16 = arith.constant 0 : i32
    %sign3A_17 = arith.cmpi slt, %jit3A, %sign3A_16 : i32
    %sign3A_18 = arith.extui %sign3A_17 : i1 to i32
    %sign3A_19 = arith.subi %sign3A_15, %sign3A_18 : i32
    %ne3A = arith.cmpi ne, %sign3A_12, %sign3A_19 : i32
    %rem3A = arith.remsi %get3A_6, %jit3A : i32
    %ne3A_20 = arith.constant 0 : i32
    %ne3A_21 = arith.cmpi ne, %rem3A, %ne3A_20 : i32
    %and3A = arith.andi %ne3A, %ne3A_21 : i1
    %sub3A = arith.constant 1 : i32
    %sub3A_22 = arith.subi %div3A, %sub3A : i32
    %select_n3A = arith.select %and3A, %sub3A_22, %div3A : i32
    %c0_i32 = arith.constant 0 : i32
    return %add3A_1, %select_n3A : i32, i32
  }
  func.func @transform_50(%arg0: i32, %arg1: memref<128xi32, #tpu.memory_space<smem>>) -> (i32, i32) {
    %mul3A = arith.constant 16 : i32
    %mul3A_0 = arith.muli %arg0, %mul3A : i32
    %add3A = arith.constant 6 : i32
    %add3A_1 = arith.addi %mul3A_0, %add3A : i32
    %mul3A_2 = arith.constant 128 : i32
    %mul3A_3 = arith.muli %arg0, %mul3A_2 : i32
    %add3A_4 = arith.constant 50 : i32
    %add3A_5 = arith.addi %mul3A_3, %add3A_4 : i32
    %get3A = arith.index_cast %add3A_5 : i32 to index
    %get3A_6 = memref.load %arg1[%get3A] : memref<128xi32, #tpu.memory_space<smem>>
    %jit3A = arith.constant 128 : i32
    %div3A = arith.divsi %get3A_6, %jit3A : i32
    %sign3A = arith.constant 0 : i32
    %sign3A_7 = arith.cmpi sgt, %get3A_6, %sign3A : i32
    %sign3A_8 = arith.extui %sign3A_7 : i1 to i32
    %sign3A_9 = arith.constant 0 : i32
    %sign3A_10 = arith.cmpi slt, %get3A_6, %sign3A_9 : i32
    %sign3A_11 = arith.extui %sign3A_10 : i1 to i32
    %sign3A_12 = arith.subi %sign3A_8, %sign3A_11 : i32
    %sign3A_13 = arith.constant 0 : i32
    %sign3A_14 = arith.cmpi sgt, %jit3A, %sign3A_13 : i32
    %sign3A_15 = arith.extui %sign3A_14 : i1 to i32
    %sign3A_16 = arith.constant 0 : i32
    %sign3A_17 = arith.cmpi slt, %jit3A, %sign3A_16 : i32
    %sign3A_18 = arith.extui %sign3A_17 : i1 to i32
    %sign3A_19 = arith.subi %sign3A_15, %sign3A_18 : i32
    %ne3A = arith.cmpi ne, %sign3A_12, %sign3A_19 : i32
    %rem3A = arith.remsi %get3A_6, %jit3A : i32
    %ne3A_20 = arith.constant 0 : i32
    %ne3A_21 = arith.cmpi ne, %rem3A, %ne3A_20 : i32
    %and3A = arith.andi %ne3A, %ne3A_21 : i1
    %sub3A = arith.constant 1 : i32
    %sub3A_22 = arith.subi %div3A, %sub3A : i32
    %select_n3A = arith.select %and3A, %sub3A_22, %div3A : i32
    %c0_i32 = arith.constant 0 : i32
    return %add3A_1, %select_n3A : i32, i32
  }
  func.func @transform_51(%arg0: i32, %arg1: memref<128xi32, #tpu.memory_space<smem>>) -> (i32, i32) {
    %mul3A = arith.constant 16 : i32
    %mul3A_0 = arith.muli %arg0, %mul3A : i32
    %add3A = arith.constant 6 : i32
    %add3A_1 = arith.addi %mul3A_0, %add3A : i32
    %mul3A_2 = arith.constant 128 : i32
    %mul3A_3 = arith.muli %arg0, %mul3A_2 : i32
    %add3A_4 = arith.constant 51 : i32
    %add3A_5 = arith.addi %mul3A_3, %add3A_4 : i32
    %get3A = arith.index_cast %add3A_5 : i32 to index
    %get3A_6 = memref.load %arg1[%get3A] : memref<128xi32, #tpu.memory_space<smem>>
    %jit3A = arith.constant 128 : i32
    %div3A = arith.divsi %get3A_6, %jit3A : i32
    %sign3A = arith.constant 0 : i32
    %sign3A_7 = arith.cmpi sgt, %get3A_6, %sign3A : i32
    %sign3A_8 = arith.extui %sign3A_7 : i1 to i32
    %sign3A_9 = arith.constant 0 : i32
    %sign3A_10 = arith.cmpi slt, %get3A_6, %sign3A_9 : i32
    %sign3A_11 = arith.extui %sign3A_10 : i1 to i32
    %sign3A_12 = arith.subi %sign3A_8, %sign3A_11 : i32
    %sign3A_13 = arith.constant 0 : i32
    %sign3A_14 = arith.cmpi sgt, %jit3A, %sign3A_13 : i32
    %sign3A_15 = arith.extui %sign3A_14 : i1 to i32
    %sign3A_16 = arith.constant 0 : i32
    %sign3A_17 = arith.cmpi slt, %jit3A, %sign3A_16 : i32
    %sign3A_18 = arith.extui %sign3A_17 : i1 to i32
    %sign3A_19 = arith.subi %sign3A_15, %sign3A_18 : i32
    %ne3A = arith.cmpi ne, %sign3A_12, %sign3A_19 : i32
    %rem3A = arith.remsi %get3A_6, %jit3A : i32
    %ne3A_20 = arith.constant 0 : i32
    %ne3A_21 = arith.cmpi ne, %rem3A, %ne3A_20 : i32
    %and3A = arith.andi %ne3A, %ne3A_21 : i1
    %sub3A = arith.constant 1 : i32
    %sub3A_22 = arith.subi %div3A, %sub3A : i32
    %select_n3A = arith.select %and3A, %sub3A_22, %div3A : i32
    %c0_i32 = arith.constant 0 : i32
    return %add3A_1, %select_n3A : i32, i32
  }
  func.func @transform_52(%arg0: i32, %arg1: memref<128xi32, #tpu.memory_space<smem>>) -> (i32, i32) {
    %mul3A = arith.constant 16 : i32
    %mul3A_0 = arith.muli %arg0, %mul3A : i32
    %add3A = arith.constant 6 : i32
    %add3A_1 = arith.addi %mul3A_0, %add3A : i32
    %mul3A_2 = arith.constant 128 : i32
    %mul3A_3 = arith.muli %arg0, %mul3A_2 : i32
    %add3A_4 = arith.constant 52 : i32
    %add3A_5 = arith.addi %mul3A_3, %add3A_4 : i32
    %get3A = arith.index_cast %add3A_5 : i32 to index
    %get3A_6 = memref.load %arg1[%get3A] : memref<128xi32, #tpu.memory_space<smem>>
    %jit3A = arith.constant 128 : i32
    %div3A = arith.divsi %get3A_6, %jit3A : i32
    %sign3A = arith.constant 0 : i32
    %sign3A_7 = arith.cmpi sgt, %get3A_6, %sign3A : i32
    %sign3A_8 = arith.extui %sign3A_7 : i1 to i32
    %sign3A_9 = arith.constant 0 : i32
    %sign3A_10 = arith.cmpi slt, %get3A_6, %sign3A_9 : i32
    %sign3A_11 = arith.extui %sign3A_10 : i1 to i32
    %sign3A_12 = arith.subi %sign3A_8, %sign3A_11 : i32
    %sign3A_13 = arith.constant 0 : i32
    %sign3A_14 = arith.cmpi sgt, %jit3A, %sign3A_13 : i32
    %sign3A_15 = arith.extui %sign3A_14 : i1 to i32
    %sign3A_16 = arith.constant 0 : i32
    %sign3A_17 = arith.cmpi slt, %jit3A, %sign3A_16 : i32
    %sign3A_18 = arith.extui %sign3A_17 : i1 to i32
    %sign3A_19 = arith.subi %sign3A_15, %sign3A_18 : i32
    %ne3A = arith.cmpi ne, %sign3A_12, %sign3A_19 : i32
    %rem3A = arith.remsi %get3A_6, %jit3A : i32
    %ne3A_20 = arith.constant 0 : i32
    %ne3A_21 = arith.cmpi ne, %rem3A, %ne3A_20 : i32
    %and3A = arith.andi %ne3A, %ne3A_21 : i1
    %sub3A = arith.constant 1 : i32
    %sub3A_22 = arith.subi %div3A, %sub3A : i32
    %select_n3A = arith.select %and3A, %sub3A_22, %div3A : i32
    %c0_i32 = arith.constant 0 : i32
    return %add3A_1, %select_n3A : i32, i32
  }
  func.func @transform_53(%arg0: i32, %arg1: memref<128xi32, #tpu.memory_space<smem>>) -> (i32, i32) {
    %mul3A = arith.constant 16 : i32
    %mul3A_0 = arith.muli %arg0, %mul3A : i32
    %add3A = arith.constant 6 : i32
    %add3A_1 = arith.addi %mul3A_0, %add3A : i32
    %mul3A_2 = arith.constant 128 : i32
    %mul3A_3 = arith.muli %arg0, %mul3A_2 : i32
    %add3A_4 = arith.constant 53 : i32
    %add3A_5 = arith.addi %mul3A_3, %add3A_4 : i32
    %get3A = arith.index_cast %add3A_5 : i32 to index
    %get3A_6 = memref.load %arg1[%get3A] : memref<128xi32, #tpu.memory_space<smem>>
    %jit3A = arith.constant 128 : i32
    %div3A = arith.divsi %get3A_6, %jit3A : i32
    %sign3A = arith.constant 0 : i32
    %sign3A_7 = arith.cmpi sgt, %get3A_6, %sign3A : i32
    %sign3A_8 = arith.extui %sign3A_7 : i1 to i32
    %sign3A_9 = arith.constant 0 : i32
    %sign3A_10 = arith.cmpi slt, %get3A_6, %sign3A_9 : i32
    %sign3A_11 = arith.extui %sign3A_10 : i1 to i32
    %sign3A_12 = arith.subi %sign3A_8, %sign3A_11 : i32
    %sign3A_13 = arith.constant 0 : i32
    %sign3A_14 = arith.cmpi sgt, %jit3A, %sign3A_13 : i32
    %sign3A_15 = arith.extui %sign3A_14 : i1 to i32
    %sign3A_16 = arith.constant 0 : i32
    %sign3A_17 = arith.cmpi slt, %jit3A, %sign3A_16 : i32
    %sign3A_18 = arith.extui %sign3A_17 : i1 to i32
    %sign3A_19 = arith.subi %sign3A_15, %sign3A_18 : i32
    %ne3A = arith.cmpi ne, %sign3A_12, %sign3A_19 : i32
    %rem3A = arith.remsi %get3A_6, %jit3A : i32
    %ne3A_20 = arith.constant 0 : i32
    %ne3A_21 = arith.cmpi ne, %rem3A, %ne3A_20 : i32
    %and3A = arith.andi %ne3A, %ne3A_21 : i1
    %sub3A = arith.constant 1 : i32
    %sub3A_22 = arith.subi %div3A, %sub3A : i32
    %select_n3A = arith.select %and3A, %sub3A_22, %div3A : i32
    %c0_i32 = arith.constant 0 : i32
    return %add3A_1, %select_n3A : i32, i32
  }
  func.func @transform_54(%arg0: i32, %arg1: memref<128xi32, #tpu.memory_space<smem>>) -> (i32, i32) {
    %mul3A = arith.constant 16 : i32
    %mul3A_0 = arith.muli %arg0, %mul3A : i32
    %add3A = arith.constant 6 : i32
    %add3A_1 = arith.addi %mul3A_0, %add3A : i32
    %mul3A_2 = arith.constant 128 : i32
    %mul3A_3 = arith.muli %arg0, %mul3A_2 : i32
    %add3A_4 = arith.constant 54 : i32
    %add3A_5 = arith.addi %mul3A_3, %add3A_4 : i32
    %get3A = arith.index_cast %add3A_5 : i32 to index
    %get3A_6 = memref.load %arg1[%get3A] : memref<128xi32, #tpu.memory_space<smem>>
    %jit3A = arith.constant 128 : i32
    %div3A = arith.divsi %get3A_6, %jit3A : i32
    %sign3A = arith.constant 0 : i32
    %sign3A_7 = arith.cmpi sgt, %get3A_6, %sign3A : i32
    %sign3A_8 = arith.extui %sign3A_7 : i1 to i32
    %sign3A_9 = arith.constant 0 : i32
    %sign3A_10 = arith.cmpi slt, %get3A_6, %sign3A_9 : i32
    %sign3A_11 = arith.extui %sign3A_10 : i1 to i32
    %sign3A_12 = arith.subi %sign3A_8, %sign3A_11 : i32
    %sign3A_13 = arith.constant 0 : i32
    %sign3A_14 = arith.cmpi sgt, %jit3A, %sign3A_13 : i32
    %sign3A_15 = arith.extui %sign3A_14 : i1 to i32
    %sign3A_16 = arith.constant 0 : i32
    %sign3A_17 = arith.cmpi slt, %jit3A, %sign3A_16 : i32
    %sign3A_18 = arith.extui %sign3A_17 : i1 to i32
    %sign3A_19 = arith.subi %sign3A_15, %sign3A_18 : i32
    %ne3A = arith.cmpi ne, %sign3A_12, %sign3A_19 : i32
    %rem3A = arith.remsi %get3A_6, %jit3A : i32
    %ne3A_20 = arith.constant 0 : i32
    %ne3A_21 = arith.cmpi ne, %rem3A, %ne3A_20 : i32
    %and3A = arith.andi %ne3A, %ne3A_21 : i1
    %sub3A = arith.constant 1 : i32
    %sub3A_22 = arith.subi %div3A, %sub3A : i32
    %select_n3A = arith.select %and3A, %sub3A_22, %div3A : i32
    %c0_i32 = arith.constant 0 : i32
    return %add3A_1, %select_n3A : i32, i32
  }
  func.func @transform_55(%arg0: i32, %arg1: memref<128xi32, #tpu.memory_space<smem>>) -> (i32, i32) {
    %mul3A = arith.constant 16 : i32
    %mul3A_0 = arith.muli %arg0, %mul3A : i32
    %add3A = arith.constant 6 : i32
    %add3A_1 = arith.addi %mul3A_0, %add3A : i32
    %mul3A_2 = arith.constant 128 : i32
    %mul3A_3 = arith.muli %arg0, %mul3A_2 : i32
    %add3A_4 = arith.constant 55 : i32
    %add3A_5 = arith.addi %mul3A_3, %add3A_4 : i32
    %get3A = arith.index_cast %add3A_5 : i32 to index
    %get3A_6 = memref.load %arg1[%get3A] : memref<128xi32, #tpu.memory_space<smem>>
    %jit3A = arith.constant 128 : i32
    %div3A = arith.divsi %get3A_6, %jit3A : i32
    %sign3A = arith.constant 0 : i32
    %sign3A_7 = arith.cmpi sgt, %get3A_6, %sign3A : i32
    %sign3A_8 = arith.extui %sign3A_7 : i1 to i32
    %sign3A_9 = arith.constant 0 : i32
    %sign3A_10 = arith.cmpi slt, %get3A_6, %sign3A_9 : i32
    %sign3A_11 = arith.extui %sign3A_10 : i1 to i32
    %sign3A_12 = arith.subi %sign3A_8, %sign3A_11 : i32
    %sign3A_13 = arith.constant 0 : i32
    %sign3A_14 = arith.cmpi sgt, %jit3A, %sign3A_13 : i32
    %sign3A_15 = arith.extui %sign3A_14 : i1 to i32
    %sign3A_16 = arith.constant 0 : i32
    %sign3A_17 = arith.cmpi slt, %jit3A, %sign3A_16 : i32
    %sign3A_18 = arith.extui %sign3A_17 : i1 to i32
    %sign3A_19 = arith.subi %sign3A_15, %sign3A_18 : i32
    %ne3A = arith.cmpi ne, %sign3A_12, %sign3A_19 : i32
    %rem3A = arith.remsi %get3A_6, %jit3A : i32
    %ne3A_20 = arith.constant 0 : i32
    %ne3A_21 = arith.cmpi ne, %rem3A, %ne3A_20 : i32
    %and3A = arith.andi %ne3A, %ne3A_21 : i1
    %sub3A = arith.constant 1 : i32
    %sub3A_22 = arith.subi %div3A, %sub3A : i32
    %select_n3A = arith.select %and3A, %sub3A_22, %div3A : i32
    %c0_i32 = arith.constant 0 : i32
    return %add3A_1, %select_n3A : i32, i32
  }
  func.func @transform_56(%arg0: i32, %arg1: memref<128xi32, #tpu.memory_space<smem>>) -> (i32, i32) {
    %mul3A = arith.constant 16 : i32
    %mul3A_0 = arith.muli %arg0, %mul3A : i32
    %add3A = arith.constant 7 : i32
    %add3A_1 = arith.addi %mul3A_0, %add3A : i32
    %mul3A_2 = arith.constant 128 : i32
    %mul3A_3 = arith.muli %arg0, %mul3A_2 : i32
    %add3A_4 = arith.constant 56 : i32
    %add3A_5 = arith.addi %mul3A_3, %add3A_4 : i32
    %get3A = arith.index_cast %add3A_5 : i32 to index
    %get3A_6 = memref.load %arg1[%get3A] : memref<128xi32, #tpu.memory_space<smem>>
    %jit3A = arith.constant 128 : i32
    %div3A = arith.divsi %get3A_6, %jit3A : i32
    %sign3A = arith.constant 0 : i32
    %sign3A_7 = arith.cmpi sgt, %get3A_6, %sign3A : i32
    %sign3A_8 = arith.extui %sign3A_7 : i1 to i32
    %sign3A_9 = arith.constant 0 : i32
    %sign3A_10 = arith.cmpi slt, %get3A_6, %sign3A_9 : i32
    %sign3A_11 = arith.extui %sign3A_10 : i1 to i32
    %sign3A_12 = arith.subi %sign3A_8, %sign3A_11 : i32
    %sign3A_13 = arith.constant 0 : i32
    %sign3A_14 = arith.cmpi sgt, %jit3A, %sign3A_13 : i32
    %sign3A_15 = arith.extui %sign3A_14 : i1 to i32
    %sign3A_16 = arith.constant 0 : i32
    %sign3A_17 = arith.cmpi slt, %jit3A, %sign3A_16 : i32
    %sign3A_18 = arith.extui %sign3A_17 : i1 to i32
    %sign3A_19 = arith.subi %sign3A_15, %sign3A_18 : i32
    %ne3A = arith.cmpi ne, %sign3A_12, %sign3A_19 : i32
    %rem3A = arith.remsi %get3A_6, %jit3A : i32
    %ne3A_20 = arith.constant 0 : i32
    %ne3A_21 = arith.cmpi ne, %rem3A, %ne3A_20 : i32
    %and3A = arith.andi %ne3A, %ne3A_21 : i1
    %sub3A = arith.constant 1 : i32
    %sub3A_22 = arith.subi %div3A, %sub3A : i32
    %select_n3A = arith.select %and3A, %sub3A_22, %div3A : i32
    %c0_i32 = arith.constant 0 : i32
    return %add3A_1, %select_n3A : i32, i32
  }
  func.func @transform_57(%arg0: i32, %arg1: memref<128xi32, #tpu.memory_space<smem>>) -> (i32, i32) {
    %mul3A = arith.constant 16 : i32
    %mul3A_0 = arith.muli %arg0, %mul3A : i32
    %add3A = arith.constant 7 : i32
    %add3A_1 = arith.addi %mul3A_0, %add3A : i32
    %mul3A_2 = arith.constant 128 : i32
    %mul3A_3 = arith.muli %arg0, %mul3A_2 : i32
    %add3A_4 = arith.constant 57 : i32
    %add3A_5 = arith.addi %mul3A_3, %add3A_4 : i32
    %get3A = arith.index_cast %add3A_5 : i32 to index
    %get3A_6 = memref.load %arg1[%get3A] : memref<128xi32, #tpu.memory_space<smem>>
    %jit3A = arith.constant 128 : i32
    %div3A = arith.divsi %get3A_6, %jit3A : i32
    %sign3A = arith.constant 0 : i32
    %sign3A_7 = arith.cmpi sgt, %get3A_6, %sign3A : i32
    %sign3A_8 = arith.extui %sign3A_7 : i1 to i32
    %sign3A_9 = arith.constant 0 : i32
    %sign3A_10 = arith.cmpi slt, %get3A_6, %sign3A_9 : i32
    %sign3A_11 = arith.extui %sign3A_10 : i1 to i32
    %sign3A_12 = arith.subi %sign3A_8, %sign3A_11 : i32
    %sign3A_13 = arith.constant 0 : i32
    %sign3A_14 = arith.cmpi sgt, %jit3A, %sign3A_13 : i32
    %sign3A_15 = arith.extui %sign3A_14 : i1 to i32
    %sign3A_16 = arith.constant 0 : i32
    %sign3A_17 = arith.cmpi slt, %jit3A, %sign3A_16 : i32
    %sign3A_18 = arith.extui %sign3A_17 : i1 to i32
    %sign3A_19 = arith.subi %sign3A_15, %sign3A_18 : i32
    %ne3A = arith.cmpi ne, %sign3A_12, %sign3A_19 : i32
    %rem3A = arith.remsi %get3A_6, %jit3A : i32
    %ne3A_20 = arith.constant 0 : i32
    %ne3A_21 = arith.cmpi ne, %rem3A, %ne3A_20 : i32
    %and3A = arith.andi %ne3A, %ne3A_21 : i1
    %sub3A = arith.constant 1 : i32
    %sub3A_22 = arith.subi %div3A, %sub3A : i32
    %select_n3A = arith.select %and3A, %sub3A_22, %div3A : i32
    %c0_i32 = arith.constant 0 : i32
    return %add3A_1, %select_n3A : i32, i32
  }
  func.func @transform_58(%arg0: i32, %arg1: memref<128xi32, #tpu.memory_space<smem>>) -> (i32, i32) {
    %mul3A = arith.constant 16 : i32
    %mul3A_0 = arith.muli %arg0, %mul3A : i32
    %add3A = arith.constant 7 : i32
    %add3A_1 = arith.addi %mul3A_0, %add3A : i32
    %mul3A_2 = arith.constant 128 : i32
    %mul3A_3 = arith.muli %arg0, %mul3A_2 : i32
    %add3A_4 = arith.constant 58 : i32
    %add3A_5 = arith.addi %mul3A_3, %add3A_4 : i32
    %get3A = arith.index_cast %add3A_5 : i32 to index
    %get3A_6 = memref.load %arg1[%get3A] : memref<128xi32, #tpu.memory_space<smem>>
    %jit3A = arith.constant 128 : i32
    %div3A = arith.divsi %get3A_6, %jit3A : i32
    %sign3A = arith.constant 0 : i32
    %sign3A_7 = arith.cmpi sgt, %get3A_6, %sign3A : i32
    %sign3A_8 = arith.extui %sign3A_7 : i1 to i32
    %sign3A_9 = arith.constant 0 : i32
    %sign3A_10 = arith.cmpi slt, %get3A_6, %sign3A_9 : i32
    %sign3A_11 = arith.extui %sign3A_10 : i1 to i32
    %sign3A_12 = arith.subi %sign3A_8, %sign3A_11 : i32
    %sign3A_13 = arith.constant 0 : i32
    %sign3A_14 = arith.cmpi sgt, %jit3A, %sign3A_13 : i32
    %sign3A_15 = arith.extui %sign3A_14 : i1 to i32
    %sign3A_16 = arith.constant 0 : i32
    %sign3A_17 = arith.cmpi slt, %jit3A, %sign3A_16 : i32
    %sign3A_18 = arith.extui %sign3A_17 : i1 to i32
    %sign3A_19 = arith.subi %sign3A_15, %sign3A_18 : i32
    %ne3A = arith.cmpi ne, %sign3A_12, %sign3A_19 : i32
    %rem3A = arith.remsi %get3A_6, %jit3A : i32
    %ne3A_20 = arith.constant 0 : i32
    %ne3A_21 = arith.cmpi ne, %rem3A, %ne3A_20 : i32
    %and3A = arith.andi %ne3A, %ne3A_21 : i1
    %sub3A = arith.constant 1 : i32
    %sub3A_22 = arith.subi %div3A, %sub3A : i32
    %select_n3A = arith.select %and3A, %sub3A_22, %div3A : i32
    %c0_i32 = arith.constant 0 : i32
    return %add3A_1, %select_n3A : i32, i32
  }
  func.func @transform_59(%arg0: i32, %arg1: memref<128xi32, #tpu.memory_space<smem>>) -> (i32, i32) {
    %mul3A = arith.constant 16 : i32
    %mul3A_0 = arith.muli %arg0, %mul3A : i32
    %add3A = arith.constant 7 : i32
    %add3A_1 = arith.addi %mul3A_0, %add3A : i32
    %mul3A_2 = arith.constant 128 : i32
    %mul3A_3 = arith.muli %arg0, %mul3A_2 : i32
    %add3A_4 = arith.constant 59 : i32
    %add3A_5 = arith.addi %mul3A_3, %add3A_4 : i32
    %get3A = arith.index_cast %add3A_5 : i32 to index
    %get3A_6 = memref.load %arg1[%get3A] : memref<128xi32, #tpu.memory_space<smem>>
    %jit3A = arith.constant 128 : i32
    %div3A = arith.divsi %get3A_6, %jit3A : i32
    %sign3A = arith.constant 0 : i32
    %sign3A_7 = arith.cmpi sgt, %get3A_6, %sign3A : i32
    %sign3A_8 = arith.extui %sign3A_7 : i1 to i32
    %sign3A_9 = arith.constant 0 : i32
    %sign3A_10 = arith.cmpi slt, %get3A_6, %sign3A_9 : i32
    %sign3A_11 = arith.extui %sign3A_10 : i1 to i32
    %sign3A_12 = arith.subi %sign3A_8, %sign3A_11 : i32
    %sign3A_13 = arith.constant 0 : i32
    %sign3A_14 = arith.cmpi sgt, %jit3A, %sign3A_13 : i32
    %sign3A_15 = arith.extui %sign3A_14 : i1 to i32
    %sign3A_16 = arith.constant 0 : i32
    %sign3A_17 = arith.cmpi slt, %jit3A, %sign3A_16 : i32
    %sign3A_18 = arith.extui %sign3A_17 : i1 to i32
    %sign3A_19 = arith.subi %sign3A_15, %sign3A_18 : i32
    %ne3A = arith.cmpi ne, %sign3A_12, %sign3A_19 : i32
    %rem3A = arith.remsi %get3A_6, %jit3A : i32
    %ne3A_20 = arith.constant 0 : i32
    %ne3A_21 = arith.cmpi ne, %rem3A, %ne3A_20 : i32
    %and3A = arith.andi %ne3A, %ne3A_21 : i1
    %sub3A = arith.constant 1 : i32
    %sub3A_22 = arith.subi %div3A, %sub3A : i32
    %select_n3A = arith.select %and3A, %sub3A_22, %div3A : i32
    %c0_i32 = arith.constant 0 : i32
    return %add3A_1, %select_n3A : i32, i32
  }
  func.func @transform_60(%arg0: i32, %arg1: memref<128xi32, #tpu.memory_space<smem>>) -> (i32, i32) {
    %mul3A = arith.constant 16 : i32
    %mul3A_0 = arith.muli %arg0, %mul3A : i32
    %add3A = arith.constant 7 : i32
    %add3A_1 = arith.addi %mul3A_0, %add3A : i32
    %mul3A_2 = arith.constant 128 : i32
    %mul3A_3 = arith.muli %arg0, %mul3A_2 : i32
    %add3A_4 = arith.constant 60 : i32
    %add3A_5 = arith.addi %mul3A_3, %add3A_4 : i32
    %get3A = arith.index_cast %add3A_5 : i32 to index
    %get3A_6 = memref.load %arg1[%get3A] : memref<128xi32, #tpu.memory_space<smem>>
    %jit3A = arith.constant 128 : i32
    %div3A = arith.divsi %get3A_6, %jit3A : i32
    %sign3A = arith.constant 0 : i32
    %sign3A_7 = arith.cmpi sgt, %get3A_6, %sign3A : i32
    %sign3A_8 = arith.extui %sign3A_7 : i1 to i32
    %sign3A_9 = arith.constant 0 : i32
    %sign3A_10 = arith.cmpi slt, %get3A_6, %sign3A_9 : i32
    %sign3A_11 = arith.extui %sign3A_10 : i1 to i32
    %sign3A_12 = arith.subi %sign3A_8, %sign3A_11 : i32
    %sign3A_13 = arith.constant 0 : i32
    %sign3A_14 = arith.cmpi sgt, %jit3A, %sign3A_13 : i32
    %sign3A_15 = arith.extui %sign3A_14 : i1 to i32
    %sign3A_16 = arith.constant 0 : i32
    %sign3A_17 = arith.cmpi slt, %jit3A, %sign3A_16 : i32
    %sign3A_18 = arith.extui %sign3A_17 : i1 to i32
    %sign3A_19 = arith.subi %sign3A_15, %sign3A_18 : i32
    %ne3A = arith.cmpi ne, %sign3A_12, %sign3A_19 : i32
    %rem3A = arith.remsi %get3A_6, %jit3A : i32
    %ne3A_20 = arith.constant 0 : i32
    %ne3A_21 = arith.cmpi ne, %rem3A, %ne3A_20 : i32
    %and3A = arith.andi %ne3A, %ne3A_21 : i1
    %sub3A = arith.constant 1 : i32
    %sub3A_22 = arith.subi %div3A, %sub3A : i32
    %select_n3A = arith.select %and3A, %sub3A_22, %div3A : i32
    %c0_i32 = arith.constant 0 : i32
    return %add3A_1, %select_n3A : i32, i32
  }
  func.func @transform_61(%arg0: i32, %arg1: memref<128xi32, #tpu.memory_space<smem>>) -> (i32, i32) {
    %mul3A = arith.constant 16 : i32
    %mul3A_0 = arith.muli %arg0, %mul3A : i32
    %add3A = arith.constant 7 : i32
    %add3A_1 = arith.addi %mul3A_0, %add3A : i32
    %mul3A_2 = arith.constant 128 : i32
    %mul3A_3 = arith.muli %arg0, %mul3A_2 : i32
    %add3A_4 = arith.constant 61 : i32
    %add3A_5 = arith.addi %mul3A_3, %add3A_4 : i32
    %get3A = arith.index_cast %add3A_5 : i32 to index
    %get3A_6 = memref.load %arg1[%get3A] : memref<128xi32, #tpu.memory_space<smem>>
    %jit3A = arith.constant 128 : i32
    %div3A = arith.divsi %get3A_6, %jit3A : i32
    %sign3A = arith.constant 0 : i32
    %sign3A_7 = arith.cmpi sgt, %get3A_6, %sign3A : i32
    %sign3A_8 = arith.extui %sign3A_7 : i1 to i32
    %sign3A_9 = arith.constant 0 : i32
    %sign3A_10 = arith.cmpi slt, %get3A_6, %sign3A_9 : i32
    %sign3A_11 = arith.extui %sign3A_10 : i1 to i32
    %sign3A_12 = arith.subi %sign3A_8, %sign3A_11 : i32
    %sign3A_13 = arith.constant 0 : i32
    %sign3A_14 = arith.cmpi sgt, %jit3A, %sign3A_13 : i32
    %sign3A_15 = arith.extui %sign3A_14 : i1 to i32
    %sign3A_16 = arith.constant 0 : i32
    %sign3A_17 = arith.cmpi slt, %jit3A, %sign3A_16 : i32
    %sign3A_18 = arith.extui %sign3A_17 : i1 to i32
    %sign3A_19 = arith.subi %sign3A_15, %sign3A_18 : i32
    %ne3A = arith.cmpi ne, %sign3A_12, %sign3A_19 : i32
    %rem3A = arith.remsi %get3A_6, %jit3A : i32
    %ne3A_20 = arith.constant 0 : i32
    %ne3A_21 = arith.cmpi ne, %rem3A, %ne3A_20 : i32
    %and3A = arith.andi %ne3A, %ne3A_21 : i1
    %sub3A = arith.constant 1 : i32
    %sub3A_22 = arith.subi %div3A, %sub3A : i32
    %select_n3A = arith.select %and3A, %sub3A_22, %div3A : i32
    %c0_i32 = arith.constant 0 : i32
    return %add3A_1, %select_n3A : i32, i32
  }
  func.func @transform_62(%arg0: i32, %arg1: memref<128xi32, #tpu.memory_space<smem>>) -> (i32, i32) {
    %mul3A = arith.constant 16 : i32
    %mul3A_0 = arith.muli %arg0, %mul3A : i32
    %add3A = arith.constant 7 : i32
    %add3A_1 = arith.addi %mul3A_0, %add3A : i32
    %mul3A_2 = arith.constant 128 : i32
    %mul3A_3 = arith.muli %arg0, %mul3A_2 : i32
    %add3A_4 = arith.constant 62 : i32
    %add3A_5 = arith.addi %mul3A_3, %add3A_4 : i32
    %get3A = arith.index_cast %add3A_5 : i32 to index
    %get3A_6 = memref.load %arg1[%get3A] : memref<128xi32, #tpu.memory_space<smem>>
    %jit3A = arith.constant 128 : i32
    %div3A = arith.divsi %get3A_6, %jit3A : i32
    %sign3A = arith.constant 0 : i32
    %sign3A_7 = arith.cmpi sgt, %get3A_6, %sign3A : i32
    %sign3A_8 = arith.extui %sign3A_7 : i1 to i32
    %sign3A_9 = arith.constant 0 : i32
    %sign3A_10 = arith.cmpi slt, %get3A_6, %sign3A_9 : i32
    %sign3A_11 = arith.extui %sign3A_10 : i1 to i32
    %sign3A_12 = arith.subi %sign3A_8, %sign3A_11 : i32
    %sign3A_13 = arith.constant 0 : i32
    %sign3A_14 = arith.cmpi sgt, %jit3A, %sign3A_13 : i32
    %sign3A_15 = arith.extui %sign3A_14 : i1 to i32
    %sign3A_16 = arith.constant 0 : i32
    %sign3A_17 = arith.cmpi slt, %jit3A, %sign3A_16 : i32
    %sign3A_18 = arith.extui %sign3A_17 : i1 to i32
    %sign3A_19 = arith.subi %sign3A_15, %sign3A_18 : i32
    %ne3A = arith.cmpi ne, %sign3A_12, %sign3A_19 : i32
    %rem3A = arith.remsi %get3A_6, %jit3A : i32
    %ne3A_20 = arith.constant 0 : i32
    %ne3A_21 = arith.cmpi ne, %rem3A, %ne3A_20 : i32
    %and3A = arith.andi %ne3A, %ne3A_21 : i1
    %sub3A = arith.constant 1 : i32
    %sub3A_22 = arith.subi %div3A, %sub3A : i32
    %select_n3A = arith.select %and3A, %sub3A_22, %div3A : i32
    %c0_i32 = arith.constant 0 : i32
    return %add3A_1, %select_n3A : i32, i32
  }
  func.func @transform_63(%arg0: i32, %arg1: memref<128xi32, #tpu.memory_space<smem>>) -> (i32, i32) {
    %mul3A = arith.constant 16 : i32
    %mul3A_0 = arith.muli %arg0, %mul3A : i32
    %add3A = arith.constant 7 : i32
    %add3A_1 = arith.addi %mul3A_0, %add3A : i32
    %mul3A_2 = arith.constant 128 : i32
    %mul3A_3 = arith.muli %arg0, %mul3A_2 : i32
    %add3A_4 = arith.constant 63 : i32
    %add3A_5 = arith.addi %mul3A_3, %add3A_4 : i32
    %get3A = arith.index_cast %add3A_5 : i32 to index
    %get3A_6 = memref.load %arg1[%get3A] : memref<128xi32, #tpu.memory_space<smem>>
    %jit3A = arith.constant 128 : i32
    %div3A = arith.divsi %get3A_6, %jit3A : i32
    %sign3A = arith.constant 0 : i32
    %sign3A_7 = arith.cmpi sgt, %get3A_6, %sign3A : i32
    %sign3A_8 = arith.extui %sign3A_7 : i1 to i32
    %sign3A_9 = arith.constant 0 : i32
    %sign3A_10 = arith.cmpi slt, %get3A_6, %sign3A_9 : i32
    %sign3A_11 = arith.extui %sign3A_10 : i1 to i32
    %sign3A_12 = arith.subi %sign3A_8, %sign3A_11 : i32
    %sign3A_13 = arith.constant 0 : i32
    %sign3A_14 = arith.cmpi sgt, %jit3A, %sign3A_13 : i32
    %sign3A_15 = arith.extui %sign3A_14 : i1 to i32
    %sign3A_16 = arith.constant 0 : i32
    %sign3A_17 = arith.cmpi slt, %jit3A, %sign3A_16 : i32
    %sign3A_18 = arith.extui %sign3A_17 : i1 to i32
    %sign3A_19 = arith.subi %sign3A_15, %sign3A_18 : i32
    %ne3A = arith.cmpi ne, %sign3A_12, %sign3A_19 : i32
    %rem3A = arith.remsi %get3A_6, %jit3A : i32
    %ne3A_20 = arith.constant 0 : i32
    %ne3A_21 = arith.cmpi ne, %rem3A, %ne3A_20 : i32
    %and3A = arith.andi %ne3A, %ne3A_21 : i1
    %sub3A = arith.constant 1 : i32
    %sub3A_22 = arith.subi %div3A, %sub3A : i32
    %select_n3A = arith.select %and3A, %sub3A_22, %div3A : i32
    %c0_i32 = arith.constant 0 : i32
    return %add3A_1, %select_n3A : i32, i32
  }
  func.func @transform_64(%arg0: i32, %arg1: memref<128xi32, #tpu.memory_space<smem>>) -> (i32, i32) {
    %mul3A = arith.constant 16 : i32
    %mul3A_0 = arith.muli %arg0, %mul3A : i32
    %add3A = arith.constant 8 : i32
    %add3A_1 = arith.addi %mul3A_0, %add3A : i32
    %mul3A_2 = arith.constant 128 : i32
    %mul3A_3 = arith.muli %arg0, %mul3A_2 : i32
    %add3A_4 = arith.constant 64 : i32
    %add3A_5 = arith.addi %mul3A_3, %add3A_4 : i32
    %get3A = arith.index_cast %add3A_5 : i32 to index
    %get3A_6 = memref.load %arg1[%get3A] : memref<128xi32, #tpu.memory_space<smem>>
    %jit3A = arith.constant 128 : i32
    %div3A = arith.divsi %get3A_6, %jit3A : i32
    %sign3A = arith.constant 0 : i32
    %sign3A_7 = arith.cmpi sgt, %get3A_6, %sign3A : i32
    %sign3A_8 = arith.extui %sign3A_7 : i1 to i32
    %sign3A_9 = arith.constant 0 : i32
    %sign3A_10 = arith.cmpi slt, %get3A_6, %sign3A_9 : i32
    %sign3A_11 = arith.extui %sign3A_10 : i1 to i32
    %sign3A_12 = arith.subi %sign3A_8, %sign3A_11 : i32
    %sign3A_13 = arith.constant 0 : i32
    %sign3A_14 = arith.cmpi sgt, %jit3A, %sign3A_13 : i32
    %sign3A_15 = arith.extui %sign3A_14 : i1 to i32
    %sign3A_16 = arith.constant 0 : i32
    %sign3A_17 = arith.cmpi slt, %jit3A, %sign3A_16 : i32
    %sign3A_18 = arith.extui %sign3A_17 : i1 to i32
    %sign3A_19 = arith.subi %sign3A_15, %sign3A_18 : i32
    %ne3A = arith.cmpi ne, %sign3A_12, %sign3A_19 : i32
    %rem3A = arith.remsi %get3A_6, %jit3A : i32
    %ne3A_20 = arith.constant 0 : i32
    %ne3A_21 = arith.cmpi ne, %rem3A, %ne3A_20 : i32
    %and3A = arith.andi %ne3A, %ne3A_21 : i1
    %sub3A = arith.constant 1 : i32
    %sub3A_22 = arith.subi %div3A, %sub3A : i32
    %select_n3A = arith.select %and3A, %sub3A_22, %div3A : i32
    %c0_i32 = arith.constant 0 : i32
    return %add3A_1, %select_n3A : i32, i32
  }
  func.func @transform_65(%arg0: i32, %arg1: memref<128xi32, #tpu.memory_space<smem>>) -> (i32, i32) {
    %mul3A = arith.constant 16 : i32
    %mul3A_0 = arith.muli %arg0, %mul3A : i32
    %add3A = arith.constant 8 : i32
    %add3A_1 = arith.addi %mul3A_0, %add3A : i32
    %mul3A_2 = arith.constant 128 : i32
    %mul3A_3 = arith.muli %arg0, %mul3A_2 : i32
    %add3A_4 = arith.constant 65 : i32
    %add3A_5 = arith.addi %mul3A_3, %add3A_4 : i32
    %get3A = arith.index_cast %add3A_5 : i32 to index
    %get3A_6 = memref.load %arg1[%get3A] : memref<128xi32, #tpu.memory_space<smem>>
    %jit3A = arith.constant 128 : i32
    %div3A = arith.divsi %get3A_6, %jit3A : i32
    %sign3A = arith.constant 0 : i32
    %sign3A_7 = arith.cmpi sgt, %get3A_6, %sign3A : i32
    %sign3A_8 = arith.extui %sign3A_7 : i1 to i32
    %sign3A_9 = arith.constant 0 : i32
    %sign3A_10 = arith.cmpi slt, %get3A_6, %sign3A_9 : i32
    %sign3A_11 = arith.extui %sign3A_10 : i1 to i32
    %sign3A_12 = arith.subi %sign3A_8, %sign3A_11 : i32
    %sign3A_13 = arith.constant 0 : i32
    %sign3A_14 = arith.cmpi sgt, %jit3A, %sign3A_13 : i32
    %sign3A_15 = arith.extui %sign3A_14 : i1 to i32
    %sign3A_16 = arith.constant 0 : i32
    %sign3A_17 = arith.cmpi slt, %jit3A, %sign3A_16 : i32
    %sign3A_18 = arith.extui %sign3A_17 : i1 to i32
    %sign3A_19 = arith.subi %sign3A_15, %sign3A_18 : i32
    %ne3A = arith.cmpi ne, %sign3A_12, %sign3A_19 : i32
    %rem3A = arith.remsi %get3A_6, %jit3A : i32
    %ne3A_20 = arith.constant 0 : i32
    %ne3A_21 = arith.cmpi ne, %rem3A, %ne3A_20 : i32
    %and3A = arith.andi %ne3A, %ne3A_21 : i1
    %sub3A = arith.constant 1 : i32
    %sub3A_22 = arith.subi %div3A, %sub3A : i32
    %select_n3A = arith.select %and3A, %sub3A_22, %div3A : i32
    %c0_i32 = arith.constant 0 : i32
    return %add3A_1, %select_n3A : i32, i32
  }
  func.func @transform_66(%arg0: i32, %arg1: memref<128xi32, #tpu.memory_space<smem>>) -> (i32, i32) {
    %mul3A = arith.constant 16 : i32
    %mul3A_0 = arith.muli %arg0, %mul3A : i32
    %add3A = arith.constant 8 : i32
    %add3A_1 = arith.addi %mul3A_0, %add3A : i32
    %mul3A_2 = arith.constant 128 : i32
    %mul3A_3 = arith.muli %arg0, %mul3A_2 : i32
    %add3A_4 = arith.constant 66 : i32
    %add3A_5 = arith.addi %mul3A_3, %add3A_4 : i32
    %get3A = arith.index_cast %add3A_5 : i32 to index
    %get3A_6 = memref.load %arg1[%get3A] : memref<128xi32, #tpu.memory_space<smem>>
    %jit3A = arith.constant 128 : i32
    %div3A = arith.divsi %get3A_6, %jit3A : i32
    %sign3A = arith.constant 0 : i32
    %sign3A_7 = arith.cmpi sgt, %get3A_6, %sign3A : i32
    %sign3A_8 = arith.extui %sign3A_7 : i1 to i32
    %sign3A_9 = arith.constant 0 : i32
    %sign3A_10 = arith.cmpi slt, %get3A_6, %sign3A_9 : i32
    %sign3A_11 = arith.extui %sign3A_10 : i1 to i32
    %sign3A_12 = arith.subi %sign3A_8, %sign3A_11 : i32
    %sign3A_13 = arith.constant 0 : i32
    %sign3A_14 = arith.cmpi sgt, %jit3A, %sign3A_13 : i32
    %sign3A_15 = arith.extui %sign3A_14 : i1 to i32
    %sign3A_16 = arith.constant 0 : i32
    %sign3A_17 = arith.cmpi slt, %jit3A, %sign3A_16 : i32
    %sign3A_18 = arith.extui %sign3A_17 : i1 to i32
    %sign3A_19 = arith.subi %sign3A_15, %sign3A_18 : i32
    %ne3A = arith.cmpi ne, %sign3A_12, %sign3A_19 : i32
    %rem3A = arith.remsi %get3A_6, %jit3A : i32
    %ne3A_20 = arith.constant 0 : i32
    %ne3A_21 = arith.cmpi ne, %rem3A, %ne3A_20 : i32
    %and3A = arith.andi %ne3A, %ne3A_21 : i1
    %sub3A = arith.constant 1 : i32
    %sub3A_22 = arith.subi %div3A, %sub3A : i32
    %select_n3A = arith.select %and3A, %sub3A_22, %div3A : i32
    %c0_i32 = arith.constant 0 : i32
    return %add3A_1, %select_n3A : i32, i32
  }
  func.func @transform_67(%arg0: i32, %arg1: memref<128xi32, #tpu.memory_space<smem>>) -> (i32, i32) {
    %mul3A = arith.constant 16 : i32
    %mul3A_0 = arith.muli %arg0, %mul3A : i32
    %add3A = arith.constant 8 : i32
    %add3A_1 = arith.addi %mul3A_0, %add3A : i32
    %mul3A_2 = arith.constant 128 : i32
    %mul3A_3 = arith.muli %arg0, %mul3A_2 : i32
    %add3A_4 = arith.constant 67 : i32
    %add3A_5 = arith.addi %mul3A_3, %add3A_4 : i32
    %get3A = arith.index_cast %add3A_5 : i32 to index
    %get3A_6 = memref.load %arg1[%get3A] : memref<128xi32, #tpu.memory_space<smem>>
    %jit3A = arith.constant 128 : i32
    %div3A = arith.divsi %get3A_6, %jit3A : i32
    %sign3A = arith.constant 0 : i32
    %sign3A_7 = arith.cmpi sgt, %get3A_6, %sign3A : i32
    %sign3A_8 = arith.extui %sign3A_7 : i1 to i32
    %sign3A_9 = arith.constant 0 : i32
    %sign3A_10 = arith.cmpi slt, %get3A_6, %sign3A_9 : i32
    %sign3A_11 = arith.extui %sign3A_10 : i1 to i32
    %sign3A_12 = arith.subi %sign3A_8, %sign3A_11 : i32
    %sign3A_13 = arith.constant 0 : i32
    %sign3A_14 = arith.cmpi sgt, %jit3A, %sign3A_13 : i32
    %sign3A_15 = arith.extui %sign3A_14 : i1 to i32
    %sign3A_16 = arith.constant 0 : i32
    %sign3A_17 = arith.cmpi slt, %jit3A, %sign3A_16 : i32
    %sign3A_18 = arith.extui %sign3A_17 : i1 to i32
    %sign3A_19 = arith.subi %sign3A_15, %sign3A_18 : i32
    %ne3A = arith.cmpi ne, %sign3A_12, %sign3A_19 : i32
    %rem3A = arith.remsi %get3A_6, %jit3A : i32
    %ne3A_20 = arith.constant 0 : i32
    %ne3A_21 = arith.cmpi ne, %rem3A, %ne3A_20 : i32
    %and3A = arith.andi %ne3A, %ne3A_21 : i1
    %sub3A = arith.constant 1 : i32
    %sub3A_22 = arith.subi %div3A, %sub3A : i32
    %select_n3A = arith.select %and3A, %sub3A_22, %div3A : i32
    %c0_i32 = arith.constant 0 : i32
    return %add3A_1, %select_n3A : i32, i32
  }
  func.func @transform_68(%arg0: i32, %arg1: memref<128xi32, #tpu.memory_space<smem>>) -> (i32, i32) {
    %mul3A = arith.constant 16 : i32
    %mul3A_0 = arith.muli %arg0, %mul3A : i32
    %add3A = arith.constant 8 : i32
    %add3A_1 = arith.addi %mul3A_0, %add3A : i32
    %mul3A_2 = arith.constant 128 : i32
    %mul3A_3 = arith.muli %arg0, %mul3A_2 : i32
    %add3A_4 = arith.constant 68 : i32
    %add3A_5 = arith.addi %mul3A_3, %add3A_4 : i32
    %get3A = arith.index_cast %add3A_5 : i32 to index
    %get3A_6 = memref.load %arg1[%get3A] : memref<128xi32, #tpu.memory_space<smem>>
    %jit3A = arith.constant 128 : i32
    %div3A = arith.divsi %get3A_6, %jit3A : i32
    %sign3A = arith.constant 0 : i32
    %sign3A_7 = arith.cmpi sgt, %get3A_6, %sign3A : i32
    %sign3A_8 = arith.extui %sign3A_7 : i1 to i32
    %sign3A_9 = arith.constant 0 : i32
    %sign3A_10 = arith.cmpi slt, %get3A_6, %sign3A_9 : i32
    %sign3A_11 = arith.extui %sign3A_10 : i1 to i32
    %sign3A_12 = arith.subi %sign3A_8, %sign3A_11 : i32
    %sign3A_13 = arith.constant 0 : i32
    %sign3A_14 = arith.cmpi sgt, %jit3A, %sign3A_13 : i32
    %sign3A_15 = arith.extui %sign3A_14 : i1 to i32
    %sign3A_16 = arith.constant 0 : i32
    %sign3A_17 = arith.cmpi slt, %jit3A, %sign3A_16 : i32
    %sign3A_18 = arith.extui %sign3A_17 : i1 to i32
    %sign3A_19 = arith.subi %sign3A_15, %sign3A_18 : i32
    %ne3A = arith.cmpi ne, %sign3A_12, %sign3A_19 : i32
    %rem3A = arith.remsi %get3A_6, %jit3A : i32
    %ne3A_20 = arith.constant 0 : i32
    %ne3A_21 = arith.cmpi ne, %rem3A, %ne3A_20 : i32
    %and3A = arith.andi %ne3A, %ne3A_21 : i1
    %sub3A = arith.constant 1 : i32
    %sub3A_22 = arith.subi %div3A, %sub3A : i32
    %select_n3A = arith.select %and3A, %sub3A_22, %div3A : i32
    %c0_i32 = arith.constant 0 : i32
    return %add3A_1, %select_n3A : i32, i32
  }
  func.func @transform_69(%arg0: i32, %arg1: memref<128xi32, #tpu.memory_space<smem>>) -> (i32, i32) {
    %mul3A = arith.constant 16 : i32
    %mul3A_0 = arith.muli %arg0, %mul3A : i32
    %add3A = arith.constant 8 : i32
    %add3A_1 = arith.addi %mul3A_0, %add3A : i32
    %mul3A_2 = arith.constant 128 : i32
    %mul3A_3 = arith.muli %arg0, %mul3A_2 : i32
    %add3A_4 = arith.constant 69 : i32
    %add3A_5 = arith.addi %mul3A_3, %add3A_4 : i32
    %get3A = arith.index_cast %add3A_5 : i32 to index
    %get3A_6 = memref.load %arg1[%get3A] : memref<128xi32, #tpu.memory_space<smem>>
    %jit3A = arith.constant 128 : i32
    %div3A = arith.divsi %get3A_6, %jit3A : i32
    %sign3A = arith.constant 0 : i32
    %sign3A_7 = arith.cmpi sgt, %get3A_6, %sign3A : i32
    %sign3A_8 = arith.extui %sign3A_7 : i1 to i32
    %sign3A_9 = arith.constant 0 : i32
    %sign3A_10 = arith.cmpi slt, %get3A_6, %sign3A_9 : i32
    %sign3A_11 = arith.extui %sign3A_10 : i1 to i32
    %sign3A_12 = arith.subi %sign3A_8, %sign3A_11 : i32
    %sign3A_13 = arith.constant 0 : i32
    %sign3A_14 = arith.cmpi sgt, %jit3A, %sign3A_13 : i32
    %sign3A_15 = arith.extui %sign3A_14 : i1 to i32
    %sign3A_16 = arith.constant 0 : i32
    %sign3A_17 = arith.cmpi slt, %jit3A, %sign3A_16 : i32
    %sign3A_18 = arith.extui %sign3A_17 : i1 to i32
    %sign3A_19 = arith.subi %sign3A_15, %sign3A_18 : i32
    %ne3A = arith.cmpi ne, %sign3A_12, %sign3A_19 : i32
    %rem3A = arith.remsi %get3A_6, %jit3A : i32
    %ne3A_20 = arith.constant 0 : i32
    %ne3A_21 = arith.cmpi ne, %rem3A, %ne3A_20 : i32
    %and3A = arith.andi %ne3A, %ne3A_21 : i1
    %sub3A = arith.constant 1 : i32
    %sub3A_22 = arith.subi %div3A, %sub3A : i32
    %select_n3A = arith.select %and3A, %sub3A_22, %div3A : i32
    %c0_i32 = arith.constant 0 : i32
    return %add3A_1, %select_n3A : i32, i32
  }
  func.func @transform_70(%arg0: i32, %arg1: memref<128xi32, #tpu.memory_space<smem>>) -> (i32, i32) {
    %mul3A = arith.constant 16 : i32
    %mul3A_0 = arith.muli %arg0, %mul3A : i32
    %add3A = arith.constant 8 : i32
    %add3A_1 = arith.addi %mul3A_0, %add3A : i32
    %mul3A_2 = arith.constant 128 : i32
    %mul3A_3 = arith.muli %arg0, %mul3A_2 : i32
    %add3A_4 = arith.constant 70 : i32
    %add3A_5 = arith.addi %mul3A_3, %add3A_4 : i32
    %get3A = arith.index_cast %add3A_5 : i32 to index
    %get3A_6 = memref.load %arg1[%get3A] : memref<128xi32, #tpu.memory_space<smem>>
    %jit3A = arith.constant 128 : i32
    %div3A = arith.divsi %get3A_6, %jit3A : i32
    %sign3A = arith.constant 0 : i32
    %sign3A_7 = arith.cmpi sgt, %get3A_6, %sign3A : i32
    %sign3A_8 = arith.extui %sign3A_7 : i1 to i32
    %sign3A_9 = arith.constant 0 : i32
    %sign3A_10 = arith.cmpi slt, %get3A_6, %sign3A_9 : i32
    %sign3A_11 = arith.extui %sign3A_10 : i1 to i32
    %sign3A_12 = arith.subi %sign3A_8, %sign3A_11 : i32
    %sign3A_13 = arith.constant 0 : i32
    %sign3A_14 = arith.cmpi sgt, %jit3A, %sign3A_13 : i32
    %sign3A_15 = arith.extui %sign3A_14 : i1 to i32
    %sign3A_16 = arith.constant 0 : i32
    %sign3A_17 = arith.cmpi slt, %jit3A, %sign3A_16 : i32
    %sign3A_18 = arith.extui %sign3A_17 : i1 to i32
    %sign3A_19 = arith.subi %sign3A_15, %sign3A_18 : i32
    %ne3A = arith.cmpi ne, %sign3A_12, %sign3A_19 : i32
    %rem3A = arith.remsi %get3A_6, %jit3A : i32
    %ne3A_20 = arith.constant 0 : i32
    %ne3A_21 = arith.cmpi ne, %rem3A, %ne3A_20 : i32
    %and3A = arith.andi %ne3A, %ne3A_21 : i1
    %sub3A = arith.constant 1 : i32
    %sub3A_22 = arith.subi %div3A, %sub3A : i32
    %select_n3A = arith.select %and3A, %sub3A_22, %div3A : i32
    %c0_i32 = arith.constant 0 : i32
    return %add3A_1, %select_n3A : i32, i32
  }
  func.func @transform_71(%arg0: i32, %arg1: memref<128xi32, #tpu.memory_space<smem>>) -> (i32, i32) {
    %mul3A = arith.constant 16 : i32
    %mul3A_0 = arith.muli %arg0, %mul3A : i32
    %add3A = arith.constant 8 : i32
    %add3A_1 = arith.addi %mul3A_0, %add3A : i32
    %mul3A_2 = arith.constant 128 : i32
    %mul3A_3 = arith.muli %arg0, %mul3A_2 : i32
    %add3A_4 = arith.constant 71 : i32
    %add3A_5 = arith.addi %mul3A_3, %add3A_4 : i32
    %get3A = arith.index_cast %add3A_5 : i32 to index
    %get3A_6 = memref.load %arg1[%get3A] : memref<128xi32, #tpu.memory_space<smem>>
    %jit3A = arith.constant 128 : i32
    %div3A = arith.divsi %get3A_6, %jit3A : i32
    %sign3A = arith.constant 0 : i32
    %sign3A_7 = arith.cmpi sgt, %get3A_6, %sign3A : i32
    %sign3A_8 = arith.extui %sign3A_7 : i1 to i32
    %sign3A_9 = arith.constant 0 : i32
    %sign3A_10 = arith.cmpi slt, %get3A_6, %sign3A_9 : i32
    %sign3A_11 = arith.extui %sign3A_10 : i1 to i32
    %sign3A_12 = arith.subi %sign3A_8, %sign3A_11 : i32
    %sign3A_13 = arith.constant 0 : i32
    %sign3A_14 = arith.cmpi sgt, %jit3A, %sign3A_13 : i32
    %sign3A_15 = arith.extui %sign3A_14 : i1 to i32
    %sign3A_16 = arith.constant 0 : i32
    %sign3A_17 = arith.cmpi slt, %jit3A, %sign3A_16 : i32
    %sign3A_18 = arith.extui %sign3A_17 : i1 to i32
    %sign3A_19 = arith.subi %sign3A_15, %sign3A_18 : i32
    %ne3A = arith.cmpi ne, %sign3A_12, %sign3A_19 : i32
    %rem3A = arith.remsi %get3A_6, %jit3A : i32
    %ne3A_20 = arith.constant 0 : i32
    %ne3A_21 = arith.cmpi ne, %rem3A, %ne3A_20 : i32
    %and3A = arith.andi %ne3A, %ne3A_21 : i1
    %sub3A = arith.constant 1 : i32
    %sub3A_22 = arith.subi %div3A, %sub3A : i32
    %select_n3A = arith.select %and3A, %sub3A_22, %div3A : i32
    %c0_i32 = arith.constant 0 : i32
    return %add3A_1, %select_n3A : i32, i32
  }
  func.func @transform_72(%arg0: i32, %arg1: memref<128xi32, #tpu.memory_space<smem>>) -> (i32, i32) {
    %mul3A = arith.constant 16 : i32
    %mul3A_0 = arith.muli %arg0, %mul3A : i32
    %add3A = arith.constant 9 : i32
    %add3A_1 = arith.addi %mul3A_0, %add3A : i32
    %mul3A_2 = arith.constant 128 : i32
    %mul3A_3 = arith.muli %arg0, %mul3A_2 : i32
    %add3A_4 = arith.constant 72 : i32
    %add3A_5 = arith.addi %mul3A_3, %add3A_4 : i32
    %get3A = arith.index_cast %add3A_5 : i32 to index
    %get3A_6 = memref.load %arg1[%get3A] : memref<128xi32, #tpu.memory_space<smem>>
    %jit3A = arith.constant 128 : i32
    %div3A = arith.divsi %get3A_6, %jit3A : i32
    %sign3A = arith.constant 0 : i32
    %sign3A_7 = arith.cmpi sgt, %get3A_6, %sign3A : i32
    %sign3A_8 = arith.extui %sign3A_7 : i1 to i32
    %sign3A_9 = arith.constant 0 : i32
    %sign3A_10 = arith.cmpi slt, %get3A_6, %sign3A_9 : i32
    %sign3A_11 = arith.extui %sign3A_10 : i1 to i32
    %sign3A_12 = arith.subi %sign3A_8, %sign3A_11 : i32
    %sign3A_13 = arith.constant 0 : i32
    %sign3A_14 = arith.cmpi sgt, %jit3A, %sign3A_13 : i32
    %sign3A_15 = arith.extui %sign3A_14 : i1 to i32
    %sign3A_16 = arith.constant 0 : i32
    %sign3A_17 = arith.cmpi slt, %jit3A, %sign3A_16 : i32
    %sign3A_18 = arith.extui %sign3A_17 : i1 to i32
    %sign3A_19 = arith.subi %sign3A_15, %sign3A_18 : i32
    %ne3A = arith.cmpi ne, %sign3A_12, %sign3A_19 : i32
    %rem3A = arith.remsi %get3A_6, %jit3A : i32
    %ne3A_20 = arith.constant 0 : i32
    %ne3A_21 = arith.cmpi ne, %rem3A, %ne3A_20 : i32
    %and3A = arith.andi %ne3A, %ne3A_21 : i1
    %sub3A = arith.constant 1 : i32
    %sub3A_22 = arith.subi %div3A, %sub3A : i32
    %select_n3A = arith.select %and3A, %sub3A_22, %div3A : i32
    %c0_i32 = arith.constant 0 : i32
    return %add3A_1, %select_n3A : i32, i32
  }
  func.func @transform_73(%arg0: i32, %arg1: memref<128xi32, #tpu.memory_space<smem>>) -> (i32, i32) {
    %mul3A = arith.constant 16 : i32
    %mul3A_0 = arith.muli %arg0, %mul3A : i32
    %add3A = arith.constant 9 : i32
    %add3A_1 = arith.addi %mul3A_0, %add3A : i32
    %mul3A_2 = arith.constant 128 : i32
    %mul3A_3 = arith.muli %arg0, %mul3A_2 : i32
    %add3A_4 = arith.constant 73 : i32
    %add3A_5 = arith.addi %mul3A_3, %add3A_4 : i32
    %get3A = arith.index_cast %add3A_5 : i32 to index
    %get3A_6 = memref.load %arg1[%get3A] : memref<128xi32, #tpu.memory_space<smem>>
    %jit3A = arith.constant 128 : i32
    %div3A = arith.divsi %get3A_6, %jit3A : i32
    %sign3A = arith.constant 0 : i32
    %sign3A_7 = arith.cmpi sgt, %get3A_6, %sign3A : i32
    %sign3A_8 = arith.extui %sign3A_7 : i1 to i32
    %sign3A_9 = arith.constant 0 : i32
    %sign3A_10 = arith.cmpi slt, %get3A_6, %sign3A_9 : i32
    %sign3A_11 = arith.extui %sign3A_10 : i1 to i32
    %sign3A_12 = arith.subi %sign3A_8, %sign3A_11 : i32
    %sign3A_13 = arith.constant 0 : i32
    %sign3A_14 = arith.cmpi sgt, %jit3A, %sign3A_13 : i32
    %sign3A_15 = arith.extui %sign3A_14 : i1 to i32
    %sign3A_16 = arith.constant 0 : i32
    %sign3A_17 = arith.cmpi slt, %jit3A, %sign3A_16 : i32
    %sign3A_18 = arith.extui %sign3A_17 : i1 to i32
    %sign3A_19 = arith.subi %sign3A_15, %sign3A_18 : i32
    %ne3A = arith.cmpi ne, %sign3A_12, %sign3A_19 : i32
    %rem3A = arith.remsi %get3A_6, %jit3A : i32
    %ne3A_20 = arith.constant 0 : i32
    %ne3A_21 = arith.cmpi ne, %rem3A, %ne3A_20 : i32
    %and3A = arith.andi %ne3A, %ne3A_21 : i1
    %sub3A = arith.constant 1 : i32
    %sub3A_22 = arith.subi %div3A, %sub3A : i32
    %select_n3A = arith.select %and3A, %sub3A_22, %div3A : i32
    %c0_i32 = arith.constant 0 : i32
    return %add3A_1, %select_n3A : i32, i32
  }
  func.func @transform_74(%arg0: i32, %arg1: memref<128xi32, #tpu.memory_space<smem>>) -> (i32, i32) {
    %mul3A = arith.constant 16 : i32
    %mul3A_0 = arith.muli %arg0, %mul3A : i32
    %add3A = arith.constant 9 : i32
    %add3A_1 = arith.addi %mul3A_0, %add3A : i32
    %mul3A_2 = arith.constant 128 : i32
    %mul3A_3 = arith.muli %arg0, %mul3A_2 : i32
    %add3A_4 = arith.constant 74 : i32
    %add3A_5 = arith.addi %mul3A_3, %add3A_4 : i32
    %get3A = arith.index_cast %add3A_5 : i32 to index
    %get3A_6 = memref.load %arg1[%get3A] : memref<128xi32, #tpu.memory_space<smem>>
    %jit3A = arith.constant 128 : i32
    %div3A = arith.divsi %get3A_6, %jit3A : i32
    %sign3A = arith.constant 0 : i32
    %sign3A_7 = arith.cmpi sgt, %get3A_6, %sign3A : i32
    %sign3A_8 = arith.extui %sign3A_7 : i1 to i32
    %sign3A_9 = arith.constant 0 : i32
    %sign3A_10 = arith.cmpi slt, %get3A_6, %sign3A_9 : i32
    %sign3A_11 = arith.extui %sign3A_10 : i1 to i32
    %sign3A_12 = arith.subi %sign3A_8, %sign3A_11 : i32
    %sign3A_13 = arith.constant 0 : i32
    %sign3A_14 = arith.cmpi sgt, %jit3A, %sign3A_13 : i32
    %sign3A_15 = arith.extui %sign3A_14 : i1 to i32
    %sign3A_16 = arith.constant 0 : i32
    %sign3A_17 = arith.cmpi slt, %jit3A, %sign3A_16 : i32
    %sign3A_18 = arith.extui %sign3A_17 : i1 to i32
    %sign3A_19 = arith.subi %sign3A_15, %sign3A_18 : i32
    %ne3A = arith.cmpi ne, %sign3A_12, %sign3A_19 : i32
    %rem3A = arith.remsi %get3A_6, %jit3A : i32
    %ne3A_20 = arith.constant 0 : i32
    %ne3A_21 = arith.cmpi ne, %rem3A, %ne3A_20 : i32
    %and3A = arith.andi %ne3A, %ne3A_21 : i1
    %sub3A = arith.constant 1 : i32
    %sub3A_22 = arith.subi %div3A, %sub3A : i32
    %select_n3A = arith.select %and3A, %sub3A_22, %div3A : i32
    %c0_i32 = arith.constant 0 : i32
    return %add3A_1, %select_n3A : i32, i32
  }
  func.func @transform_75(%arg0: i32, %arg1: memref<128xi32, #tpu.memory_space<smem>>) -> (i32, i32) {
    %mul3A = arith.constant 16 : i32
    %mul3A_0 = arith.muli %arg0, %mul3A : i32
    %add3A = arith.constant 9 : i32
    %add3A_1 = arith.addi %mul3A_0, %add3A : i32
    %mul3A_2 = arith.constant 128 : i32
    %mul3A_3 = arith.muli %arg0, %mul3A_2 : i32
    %add3A_4 = arith.constant 75 : i32
    %add3A_5 = arith.addi %mul3A_3, %add3A_4 : i32
    %get3A = arith.index_cast %add3A_5 : i32 to index
    %get3A_6 = memref.load %arg1[%get3A] : memref<128xi32, #tpu.memory_space<smem>>
    %jit3A = arith.constant 128 : i32
    %div3A = arith.divsi %get3A_6, %jit3A : i32
    %sign3A = arith.constant 0 : i32
    %sign3A_7 = arith.cmpi sgt, %get3A_6, %sign3A : i32
    %sign3A_8 = arith.extui %sign3A_7 : i1 to i32
    %sign3A_9 = arith.constant 0 : i32
    %sign3A_10 = arith.cmpi slt, %get3A_6, %sign3A_9 : i32
    %sign3A_11 = arith.extui %sign3A_10 : i1 to i32
    %sign3A_12 = arith.subi %sign3A_8, %sign3A_11 : i32
    %sign3A_13 = arith.constant 0 : i32
    %sign3A_14 = arith.cmpi sgt, %jit3A, %sign3A_13 : i32
    %sign3A_15 = arith.extui %sign3A_14 : i1 to i32
    %sign3A_16 = arith.constant 0 : i32
    %sign3A_17 = arith.cmpi slt, %jit3A, %sign3A_16 : i32
    %sign3A_18 = arith.extui %sign3A_17 : i1 to i32
    %sign3A_19 = arith.subi %sign3A_15, %sign3A_18 : i32
    %ne3A = arith.cmpi ne, %sign3A_12, %sign3A_19 : i32
    %rem3A = arith.remsi %get3A_6, %jit3A : i32
    %ne3A_20 = arith.constant 0 : i32
    %ne3A_21 = arith.cmpi ne, %rem3A, %ne3A_20 : i32
    %and3A = arith.andi %ne3A, %ne3A_21 : i1
    %sub3A = arith.constant 1 : i32
    %sub3A_22 = arith.subi %div3A, %sub3A : i32
    %select_n3A = arith.select %and3A, %sub3A_22, %div3A : i32
    %c0_i32 = arith.constant 0 : i32
    return %add3A_1, %select_n3A : i32, i32
  }
  func.func @transform_76(%arg0: i32, %arg1: memref<128xi32, #tpu.memory_space<smem>>) -> (i32, i32) {
    %mul3A = arith.constant 16 : i32
    %mul3A_0 = arith.muli %arg0, %mul3A : i32
    %add3A = arith.constant 9 : i32
    %add3A_1 = arith.addi %mul3A_0, %add3A : i32
    %mul3A_2 = arith.constant 128 : i32
    %mul3A_3 = arith.muli %arg0, %mul3A_2 : i32
    %add3A_4 = arith.constant 76 : i32
    %add3A_5 = arith.addi %mul3A_3, %add3A_4 : i32
    %get3A = arith.index_cast %add3A_5 : i32 to index
    %get3A_6 = memref.load %arg1[%get3A] : memref<128xi32, #tpu.memory_space<smem>>
    %jit3A = arith.constant 128 : i32
    %div3A = arith.divsi %get3A_6, %jit3A : i32
    %sign3A = arith.constant 0 : i32
    %sign3A_7 = arith.cmpi sgt, %get3A_6, %sign3A : i32
    %sign3A_8 = arith.extui %sign3A_7 : i1 to i32
    %sign3A_9 = arith.constant 0 : i32
    %sign3A_10 = arith.cmpi slt, %get3A_6, %sign3A_9 : i32
    %sign3A_11 = arith.extui %sign3A_10 : i1 to i32
    %sign3A_12 = arith.subi %sign3A_8, %sign3A_11 : i32
    %sign3A_13 = arith.constant 0 : i32
    %sign3A_14 = arith.cmpi sgt, %jit3A, %sign3A_13 : i32
    %sign3A_15 = arith.extui %sign3A_14 : i1 to i32
    %sign3A_16 = arith.constant 0 : i32
    %sign3A_17 = arith.cmpi slt, %jit3A, %sign3A_16 : i32
    %sign3A_18 = arith.extui %sign3A_17 : i1 to i32
    %sign3A_19 = arith.subi %sign3A_15, %sign3A_18 : i32
    %ne3A = arith.cmpi ne, %sign3A_12, %sign3A_19 : i32
    %rem3A = arith.remsi %get3A_6, %jit3A : i32
    %ne3A_20 = arith.constant 0 : i32
    %ne3A_21 = arith.cmpi ne, %rem3A, %ne3A_20 : i32
    %and3A = arith.andi %ne3A, %ne3A_21 : i1
    %sub3A = arith.constant 1 : i32
    %sub3A_22 = arith.subi %div3A, %sub3A : i32
    %select_n3A = arith.select %and3A, %sub3A_22, %div3A : i32
    %c0_i32 = arith.constant 0 : i32
    return %add3A_1, %select_n3A : i32, i32
  }
  func.func @transform_77(%arg0: i32, %arg1: memref<128xi32, #tpu.memory_space<smem>>) -> (i32, i32) {
    %mul3A = arith.constant 16 : i32
    %mul3A_0 = arith.muli %arg0, %mul3A : i32
    %add3A = arith.constant 9 : i32
    %add3A_1 = arith.addi %mul3A_0, %add3A : i32
    %mul3A_2 = arith.constant 128 : i32
    %mul3A_3 = arith.muli %arg0, %mul3A_2 : i32
    %add3A_4 = arith.constant 77 : i32
    %add3A_5 = arith.addi %mul3A_3, %add3A_4 : i32
    %get3A = arith.index_cast %add3A_5 : i32 to index
    %get3A_6 = memref.load %arg1[%get3A] : memref<128xi32, #tpu.memory_space<smem>>
    %jit3A = arith.constant 128 : i32
    %div3A = arith.divsi %get3A_6, %jit3A : i32
    %sign3A = arith.constant 0 : i32
    %sign3A_7 = arith.cmpi sgt, %get3A_6, %sign3A : i32
    %sign3A_8 = arith.extui %sign3A_7 : i1 to i32
    %sign3A_9 = arith.constant 0 : i32
    %sign3A_10 = arith.cmpi slt, %get3A_6, %sign3A_9 : i32
    %sign3A_11 = arith.extui %sign3A_10 : i1 to i32
    %sign3A_12 = arith.subi %sign3A_8, %sign3A_11 : i32
    %sign3A_13 = arith.constant 0 : i32
    %sign3A_14 = arith.cmpi sgt, %jit3A, %sign3A_13 : i32
    %sign3A_15 = arith.extui %sign3A_14 : i1 to i32
    %sign3A_16 = arith.constant 0 : i32
    %sign3A_17 = arith.cmpi slt, %jit3A, %sign3A_16 : i32
    %sign3A_18 = arith.extui %sign3A_17 : i1 to i32
    %sign3A_19 = arith.subi %sign3A_15, %sign3A_18 : i32
    %ne3A = arith.cmpi ne, %sign3A_12, %sign3A_19 : i32
    %rem3A = arith.remsi %get3A_6, %jit3A : i32
    %ne3A_20 = arith.constant 0 : i32
    %ne3A_21 = arith.cmpi ne, %rem3A, %ne3A_20 : i32
    %and3A = arith.andi %ne3A, %ne3A_21 : i1
    %sub3A = arith.constant 1 : i32
    %sub3A_22 = arith.subi %div3A, %sub3A : i32
    %select_n3A = arith.select %and3A, %sub3A_22, %div3A : i32
    %c0_i32 = arith.constant 0 : i32
    return %add3A_1, %select_n3A : i32, i32
  }
  func.func @transform_78(%arg0: i32, %arg1: memref<128xi32, #tpu.memory_space<smem>>) -> (i32, i32) {
    %mul3A = arith.constant 16 : i32
    %mul3A_0 = arith.muli %arg0, %mul3A : i32
    %add3A = arith.constant 9 : i32
    %add3A_1 = arith.addi %mul3A_0, %add3A : i32
    %mul3A_2 = arith.constant 128 : i32
    %mul3A_3 = arith.muli %arg0, %mul3A_2 : i32
    %add3A_4 = arith.constant 78 : i32
    %add3A_5 = arith.addi %mul3A_3, %add3A_4 : i32
    %get3A = arith.index_cast %add3A_5 : i32 to index
    %get3A_6 = memref.load %arg1[%get3A] : memref<128xi32, #tpu.memory_space<smem>>
    %jit3A = arith.constant 128 : i32
    %div3A = arith.divsi %get3A_6, %jit3A : i32
    %sign3A = arith.constant 0 : i32
    %sign3A_7 = arith.cmpi sgt, %get3A_6, %sign3A : i32
    %sign3A_8 = arith.extui %sign3A_7 : i1 to i32
    %sign3A_9 = arith.constant 0 : i32
    %sign3A_10 = arith.cmpi slt, %get3A_6, %sign3A_9 : i32
    %sign3A_11 = arith.extui %sign3A_10 : i1 to i32
    %sign3A_12 = arith.subi %sign3A_8, %sign3A_11 : i32
    %sign3A_13 = arith.constant 0 : i32
    %sign3A_14 = arith.cmpi sgt, %jit3A, %sign3A_13 : i32
    %sign3A_15 = arith.extui %sign3A_14 : i1 to i32
    %sign3A_16 = arith.constant 0 : i32
    %sign3A_17 = arith.cmpi slt, %jit3A, %sign3A_16 : i32
    %sign3A_18 = arith.extui %sign3A_17 : i1 to i32
    %sign3A_19 = arith.subi %sign3A_15, %sign3A_18 : i32
    %ne3A = arith.cmpi ne, %sign3A_12, %sign3A_19 : i32
    %rem3A = arith.remsi %get3A_6, %jit3A : i32
    %ne3A_20 = arith.constant 0 : i32
    %ne3A_21 = arith.cmpi ne, %rem3A, %ne3A_20 : i32
    %and3A = arith.andi %ne3A, %ne3A_21 : i1
    %sub3A = arith.constant 1 : i32
    %sub3A_22 = arith.subi %div3A, %sub3A : i32
    %select_n3A = arith.select %and3A, %sub3A_22, %div3A : i32
    %c0_i32 = arith.constant 0 : i32
    return %add3A_1, %select_n3A : i32, i32
  }
  func.func @transform_79(%arg0: i32, %arg1: memref<128xi32, #tpu.memory_space<smem>>) -> (i32, i32) {
    %mul3A = arith.constant 16 : i32
    %mul3A_0 = arith.muli %arg0, %mul3A : i32
    %add3A = arith.constant 9 : i32
    %add3A_1 = arith.addi %mul3A_0, %add3A : i32
    %mul3A_2 = arith.constant 128 : i32
    %mul3A_3 = arith.muli %arg0, %mul3A_2 : i32
    %add3A_4 = arith.constant 79 : i32
    %add3A_5 = arith.addi %mul3A_3, %add3A_4 : i32
    %get3A = arith.index_cast %add3A_5 : i32 to index
    %get3A_6 = memref.load %arg1[%get3A] : memref<128xi32, #tpu.memory_space<smem>>
    %jit3A = arith.constant 128 : i32
    %div3A = arith.divsi %get3A_6, %jit3A : i32
    %sign3A = arith.constant 0 : i32
    %sign3A_7 = arith.cmpi sgt, %get3A_6, %sign3A : i32
    %sign3A_8 = arith.extui %sign3A_7 : i1 to i32
    %sign3A_9 = arith.constant 0 : i32
    %sign3A_10 = arith.cmpi slt, %get3A_6, %sign3A_9 : i32
    %sign3A_11 = arith.extui %sign3A_10 : i1 to i32
    %sign3A_12 = arith.subi %sign3A_8, %sign3A_11 : i32
    %sign3A_13 = arith.constant 0 : i32
    %sign3A_14 = arith.cmpi sgt, %jit3A, %sign3A_13 : i32
    %sign3A_15 = arith.extui %sign3A_14 : i1 to i32
    %sign3A_16 = arith.constant 0 : i32
    %sign3A_17 = arith.cmpi slt, %jit3A, %sign3A_16 : i32
    %sign3A_18 = arith.extui %sign3A_17 : i1 to i32
    %sign3A_19 = arith.subi %sign3A_15, %sign3A_18 : i32
    %ne3A = arith.cmpi ne, %sign3A_12, %sign3A_19 : i32
    %rem3A = arith.remsi %get3A_6, %jit3A : i32
    %ne3A_20 = arith.constant 0 : i32
    %ne3A_21 = arith.cmpi ne, %rem3A, %ne3A_20 : i32
    %and3A = arith.andi %ne3A, %ne3A_21 : i1
    %sub3A = arith.constant 1 : i32
    %sub3A_22 = arith.subi %div3A, %sub3A : i32
    %select_n3A = arith.select %and3A, %sub3A_22, %div3A : i32
    %c0_i32 = arith.constant 0 : i32
    return %add3A_1, %select_n3A : i32, i32
  }
  func.func @transform_80(%arg0: i32, %arg1: memref<128xi32, #tpu.memory_space<smem>>) -> (i32, i32) {
    %mul3A = arith.constant 16 : i32
    %mul3A_0 = arith.muli %arg0, %mul3A : i32
    %add3A = arith.constant 10 : i32
    %add3A_1 = arith.addi %mul3A_0, %add3A : i32
    %mul3A_2 = arith.constant 128 : i32
    %mul3A_3 = arith.muli %arg0, %mul3A_2 : i32
    %add3A_4 = arith.constant 80 : i32
    %add3A_5 = arith.addi %mul3A_3, %add3A_4 : i32
    %get3A = arith.index_cast %add3A_5 : i32 to index
    %get3A_6 = memref.load %arg1[%get3A] : memref<128xi32, #tpu.memory_space<smem>>
    %jit3A = arith.constant 128 : i32
    %div3A = arith.divsi %get3A_6, %jit3A : i32
    %sign3A = arith.constant 0 : i32
    %sign3A_7 = arith.cmpi sgt, %get3A_6, %sign3A : i32
    %sign3A_8 = arith.extui %sign3A_7 : i1 to i32
    %sign3A_9 = arith.constant 0 : i32
    %sign3A_10 = arith.cmpi slt, %get3A_6, %sign3A_9 : i32
    %sign3A_11 = arith.extui %sign3A_10 : i1 to i32
    %sign3A_12 = arith.subi %sign3A_8, %sign3A_11 : i32
    %sign3A_13 = arith.constant 0 : i32
    %sign3A_14 = arith.cmpi sgt, %jit3A, %sign3A_13 : i32
    %sign3A_15 = arith.extui %sign3A_14 : i1 to i32
    %sign3A_16 = arith.constant 0 : i32
    %sign3A_17 = arith.cmpi slt, %jit3A, %sign3A_16 : i32
    %sign3A_18 = arith.extui %sign3A_17 : i1 to i32
    %sign3A_19 = arith.subi %sign3A_15, %sign3A_18 : i32
    %ne3A = arith.cmpi ne, %sign3A_12, %sign3A_19 : i32
    %rem3A = arith.remsi %get3A_6, %jit3A : i32
    %ne3A_20 = arith.constant 0 : i32
    %ne3A_21 = arith.cmpi ne, %rem3A, %ne3A_20 : i32
    %and3A = arith.andi %ne3A, %ne3A_21 : i1
    %sub3A = arith.constant 1 : i32
    %sub3A_22 = arith.subi %div3A, %sub3A : i32
    %select_n3A = arith.select %and3A, %sub3A_22, %div3A : i32
    %c0_i32 = arith.constant 0 : i32
    return %add3A_1, %select_n3A : i32, i32
  }
  func.func @transform_81(%arg0: i32, %arg1: memref<128xi32, #tpu.memory_space<smem>>) -> (i32, i32) {
    %mul3A = arith.constant 16 : i32
    %mul3A_0 = arith.muli %arg0, %mul3A : i32
    %add3A = arith.constant 10 : i32
    %add3A_1 = arith.addi %mul3A_0, %add3A : i32
    %mul3A_2 = arith.constant 128 : i32
    %mul3A_3 = arith.muli %arg0, %mul3A_2 : i32
    %add3A_4 = arith.constant 81 : i32
    %add3A_5 = arith.addi %mul3A_3, %add3A_4 : i32
    %get3A = arith.index_cast %add3A_5 : i32 to index
    %get3A_6 = memref.load %arg1[%get3A] : memref<128xi32, #tpu.memory_space<smem>>
    %jit3A = arith.constant 128 : i32
    %div3A = arith.divsi %get3A_6, %jit3A : i32
    %sign3A = arith.constant 0 : i32
    %sign3A_7 = arith.cmpi sgt, %get3A_6, %sign3A : i32
    %sign3A_8 = arith.extui %sign3A_7 : i1 to i32
    %sign3A_9 = arith.constant 0 : i32
    %sign3A_10 = arith.cmpi slt, %get3A_6, %sign3A_9 : i32
    %sign3A_11 = arith.extui %sign3A_10 : i1 to i32
    %sign3A_12 = arith.subi %sign3A_8, %sign3A_11 : i32
    %sign3A_13 = arith.constant 0 : i32
    %sign3A_14 = arith.cmpi sgt, %jit3A, %sign3A_13 : i32
    %sign3A_15 = arith.extui %sign3A_14 : i1 to i32
    %sign3A_16 = arith.constant 0 : i32
    %sign3A_17 = arith.cmpi slt, %jit3A, %sign3A_16 : i32
    %sign3A_18 = arith.extui %sign3A_17 : i1 to i32
    %sign3A_19 = arith.subi %sign3A_15, %sign3A_18 : i32
    %ne3A = arith.cmpi ne, %sign3A_12, %sign3A_19 : i32
    %rem3A = arith.remsi %get3A_6, %jit3A : i32
    %ne3A_20 = arith.constant 0 : i32
    %ne3A_21 = arith.cmpi ne, %rem3A, %ne3A_20 : i32
    %and3A = arith.andi %ne3A, %ne3A_21 : i1
    %sub3A = arith.constant 1 : i32
    %sub3A_22 = arith.subi %div3A, %sub3A : i32
    %select_n3A = arith.select %and3A, %sub3A_22, %div3A : i32
    %c0_i32 = arith.constant 0 : i32
    return %add3A_1, %select_n3A : i32, i32
  }
  func.func @transform_82(%arg0: i32, %arg1: memref<128xi32, #tpu.memory_space<smem>>) -> (i32, i32) {
    %mul3A = arith.constant 16 : i32
    %mul3A_0 = arith.muli %arg0, %mul3A : i32
    %add3A = arith.constant 10 : i32
    %add3A_1 = arith.addi %mul3A_0, %add3A : i32
    %mul3A_2 = arith.constant 128 : i32
    %mul3A_3 = arith.muli %arg0, %mul3A_2 : i32
    %add3A_4 = arith.constant 82 : i32
    %add3A_5 = arith.addi %mul3A_3, %add3A_4 : i32
    %get3A = arith.index_cast %add3A_5 : i32 to index
    %get3A_6 = memref.load %arg1[%get3A] : memref<128xi32, #tpu.memory_space<smem>>
    %jit3A = arith.constant 128 : i32
    %div3A = arith.divsi %get3A_6, %jit3A : i32
    %sign3A = arith.constant 0 : i32
    %sign3A_7 = arith.cmpi sgt, %get3A_6, %sign3A : i32
    %sign3A_8 = arith.extui %sign3A_7 : i1 to i32
    %sign3A_9 = arith.constant 0 : i32
    %sign3A_10 = arith.cmpi slt, %get3A_6, %sign3A_9 : i32
    %sign3A_11 = arith.extui %sign3A_10 : i1 to i32
    %sign3A_12 = arith.subi %sign3A_8, %sign3A_11 : i32
    %sign3A_13 = arith.constant 0 : i32
    %sign3A_14 = arith.cmpi sgt, %jit3A, %sign3A_13 : i32
    %sign3A_15 = arith.extui %sign3A_14 : i1 to i32
    %sign3A_16 = arith.constant 0 : i32
    %sign3A_17 = arith.cmpi slt, %jit3A, %sign3A_16 : i32
    %sign3A_18 = arith.extui %sign3A_17 : i1 to i32
    %sign3A_19 = arith.subi %sign3A_15, %sign3A_18 : i32
    %ne3A = arith.cmpi ne, %sign3A_12, %sign3A_19 : i32
    %rem3A = arith.remsi %get3A_6, %jit3A : i32
    %ne3A_20 = arith.constant 0 : i32
    %ne3A_21 = arith.cmpi ne, %rem3A, %ne3A_20 : i32
    %and3A = arith.andi %ne3A, %ne3A_21 : i1
    %sub3A = arith.constant 1 : i32
    %sub3A_22 = arith.subi %div3A, %sub3A : i32
    %select_n3A = arith.select %and3A, %sub3A_22, %div3A : i32
    %c0_i32 = arith.constant 0 : i32
    return %add3A_1, %select_n3A : i32, i32
  }
  func.func @transform_83(%arg0: i32, %arg1: memref<128xi32, #tpu.memory_space<smem>>) -> (i32, i32) {
    %mul3A = arith.constant 16 : i32
    %mul3A_0 = arith.muli %arg0, %mul3A : i32
    %add3A = arith.constant 10 : i32
    %add3A_1 = arith.addi %mul3A_0, %add3A : i32
    %mul3A_2 = arith.constant 128 : i32
    %mul3A_3 = arith.muli %arg0, %mul3A_2 : i32
    %add3A_4 = arith.constant 83 : i32
    %add3A_5 = arith.addi %mul3A_3, %add3A_4 : i32
    %get3A = arith.index_cast %add3A_5 : i32 to index
    %get3A_6 = memref.load %arg1[%get3A] : memref<128xi32, #tpu.memory_space<smem>>
    %jit3A = arith.constant 128 : i32
    %div3A = arith.divsi %get3A_6, %jit3A : i32
    %sign3A = arith.constant 0 : i32
    %sign3A_7 = arith.cmpi sgt, %get3A_6, %sign3A : i32
    %sign3A_8 = arith.extui %sign3A_7 : i1 to i32
    %sign3A_9 = arith.constant 0 : i32
    %sign3A_10 = arith.cmpi slt, %get3A_6, %sign3A_9 : i32
    %sign3A_11 = arith.extui %sign3A_10 : i1 to i32
    %sign3A_12 = arith.subi %sign3A_8, %sign3A_11 : i32
    %sign3A_13 = arith.constant 0 : i32
    %sign3A_14 = arith.cmpi sgt, %jit3A, %sign3A_13 : i32
    %sign3A_15 = arith.extui %sign3A_14 : i1 to i32
    %sign3A_16 = arith.constant 0 : i32
    %sign3A_17 = arith.cmpi slt, %jit3A, %sign3A_16 : i32
    %sign3A_18 = arith.extui %sign3A_17 : i1 to i32
    %sign3A_19 = arith.subi %sign3A_15, %sign3A_18 : i32
    %ne3A = arith.cmpi ne, %sign3A_12, %sign3A_19 : i32
    %rem3A = arith.remsi %get3A_6, %jit3A : i32
    %ne3A_20 = arith.constant 0 : i32
    %ne3A_21 = arith.cmpi ne, %rem3A, %ne3A_20 : i32
    %and3A = arith.andi %ne3A, %ne3A_21 : i1
    %sub3A = arith.constant 1 : i32
    %sub3A_22 = arith.subi %div3A, %sub3A : i32
    %select_n3A = arith.select %and3A, %sub3A_22, %div3A : i32
    %c0_i32 = arith.constant 0 : i32
    return %add3A_1, %select_n3A : i32, i32
  }
  func.func @transform_84(%arg0: i32, %arg1: memref<128xi32, #tpu.memory_space<smem>>) -> (i32, i32) {
    %mul3A = arith.constant 16 : i32
    %mul3A_0 = arith.muli %arg0, %mul3A : i32
    %add3A = arith.constant 10 : i32
    %add3A_1 = arith.addi %mul3A_0, %add3A : i32
    %mul3A_2 = arith.constant 128 : i32
    %mul3A_3 = arith.muli %arg0, %mul3A_2 : i32
    %add3A_4 = arith.constant 84 : i32
    %add3A_5 = arith.addi %mul3A_3, %add3A_4 : i32
    %get3A = arith.index_cast %add3A_5 : i32 to index
    %get3A_6 = memref.load %arg1[%get3A] : memref<128xi32, #tpu.memory_space<smem>>
    %jit3A = arith.constant 128 : i32
    %div3A = arith.divsi %get3A_6, %jit3A : i32
    %sign3A = arith.constant 0 : i32
    %sign3A_7 = arith.cmpi sgt, %get3A_6, %sign3A : i32
    %sign3A_8 = arith.extui %sign3A_7 : i1 to i32
    %sign3A_9 = arith.constant 0 : i32
    %sign3A_10 = arith.cmpi slt, %get3A_6, %sign3A_9 : i32
    %sign3A_11 = arith.extui %sign3A_10 : i1 to i32
    %sign3A_12 = arith.subi %sign3A_8, %sign3A_11 : i32
    %sign3A_13 = arith.constant 0 : i32
    %sign3A_14 = arith.cmpi sgt, %jit3A, %sign3A_13 : i32
    %sign3A_15 = arith.extui %sign3A_14 : i1 to i32
    %sign3A_16 = arith.constant 0 : i32
    %sign3A_17 = arith.cmpi slt, %jit3A, %sign3A_16 : i32
    %sign3A_18 = arith.extui %sign3A_17 : i1 to i32
    %sign3A_19 = arith.subi %sign3A_15, %sign3A_18 : i32
    %ne3A = arith.cmpi ne, %sign3A_12, %sign3A_19 : i32
    %rem3A = arith.remsi %get3A_6, %jit3A : i32
    %ne3A_20 = arith.constant 0 : i32
    %ne3A_21 = arith.cmpi ne, %rem3A, %ne3A_20 : i32
    %and3A = arith.andi %ne3A, %ne3A_21 : i1
    %sub3A = arith.constant 1 : i32
    %sub3A_22 = arith.subi %div3A, %sub3A : i32
    %select_n3A = arith.select %and3A, %sub3A_22, %div3A : i32
    %c0_i32 = arith.constant 0 : i32
    return %add3A_1, %select_n3A : i32, i32
  }
  func.func @transform_85(%arg0: i32, %arg1: memref<128xi32, #tpu.memory_space<smem>>) -> (i32, i32) {
    %mul3A = arith.constant 16 : i32
    %mul3A_0 = arith.muli %arg0, %mul3A : i32
    %add3A = arith.constant 10 : i32
    %add3A_1 = arith.addi %mul3A_0, %add3A : i32
    %mul3A_2 = arith.constant 128 : i32
    %mul3A_3 = arith.muli %arg0, %mul3A_2 : i32
    %add3A_4 = arith.constant 85 : i32
    %add3A_5 = arith.addi %mul3A_3, %add3A_4 : i32
    %get3A = arith.index_cast %add3A_5 : i32 to index
    %get3A_6 = memref.load %arg1[%get3A] : memref<128xi32, #tpu.memory_space<smem>>
    %jit3A = arith.constant 128 : i32
    %div3A = arith.divsi %get3A_6, %jit3A : i32
    %sign3A = arith.constant 0 : i32
    %sign3A_7 = arith.cmpi sgt, %get3A_6, %sign3A : i32
    %sign3A_8 = arith.extui %sign3A_7 : i1 to i32
    %sign3A_9 = arith.constant 0 : i32
    %sign3A_10 = arith.cmpi slt, %get3A_6, %sign3A_9 : i32
    %sign3A_11 = arith.extui %sign3A_10 : i1 to i32
    %sign3A_12 = arith.subi %sign3A_8, %sign3A_11 : i32
    %sign3A_13 = arith.constant 0 : i32
    %sign3A_14 = arith.cmpi sgt, %jit3A, %sign3A_13 : i32
    %sign3A_15 = arith.extui %sign3A_14 : i1 to i32
    %sign3A_16 = arith.constant 0 : i32
    %sign3A_17 = arith.cmpi slt, %jit3A, %sign3A_16 : i32
    %sign3A_18 = arith.extui %sign3A_17 : i1 to i32
    %sign3A_19 = arith.subi %sign3A_15, %sign3A_18 : i32
    %ne3A = arith.cmpi ne, %sign3A_12, %sign3A_19 : i32
    %rem3A = arith.remsi %get3A_6, %jit3A : i32
    %ne3A_20 = arith.constant 0 : i32
    %ne3A_21 = arith.cmpi ne, %rem3A, %ne3A_20 : i32
    %and3A = arith.andi %ne3A, %ne3A_21 : i1
    %sub3A = arith.constant 1 : i32
    %sub3A_22 = arith.subi %div3A, %sub3A : i32
    %select_n3A = arith.select %and3A, %sub3A_22, %div3A : i32
    %c0_i32 = arith.constant 0 : i32
    return %add3A_1, %select_n3A : i32, i32
  }
  func.func @transform_86(%arg0: i32, %arg1: memref<128xi32, #tpu.memory_space<smem>>) -> (i32, i32) {
    %mul3A = arith.constant 16 : i32
    %mul3A_0 = arith.muli %arg0, %mul3A : i32
    %add3A = arith.constant 10 : i32
    %add3A_1 = arith.addi %mul3A_0, %add3A : i32
    %mul3A_2 = arith.constant 128 : i32
    %mul3A_3 = arith.muli %arg0, %mul3A_2 : i32
    %add3A_4 = arith.constant 86 : i32
    %add3A_5 = arith.addi %mul3A_3, %add3A_4 : i32
    %get3A = arith.index_cast %add3A_5 : i32 to index
    %get3A_6 = memref.load %arg1[%get3A] : memref<128xi32, #tpu.memory_space<smem>>
    %jit3A = arith.constant 128 : i32
    %div3A = arith.divsi %get3A_6, %jit3A : i32
    %sign3A = arith.constant 0 : i32
    %sign3A_7 = arith.cmpi sgt, %get3A_6, %sign3A : i32
    %sign3A_8 = arith.extui %sign3A_7 : i1 to i32
    %sign3A_9 = arith.constant 0 : i32
    %sign3A_10 = arith.cmpi slt, %get3A_6, %sign3A_9 : i32
    %sign3A_11 = arith.extui %sign3A_10 : i1 to i32
    %sign3A_12 = arith.subi %sign3A_8, %sign3A_11 : i32
    %sign3A_13 = arith.constant 0 : i32
    %sign3A_14 = arith.cmpi sgt, %jit3A, %sign3A_13 : i32
    %sign3A_15 = arith.extui %sign3A_14 : i1 to i32
    %sign3A_16 = arith.constant 0 : i32
    %sign3A_17 = arith.cmpi slt, %jit3A, %sign3A_16 : i32
    %sign3A_18 = arith.extui %sign3A_17 : i1 to i32
    %sign3A_19 = arith.subi %sign3A_15, %sign3A_18 : i32
    %ne3A = arith.cmpi ne, %sign3A_12, %sign3A_19 : i32
    %rem3A = arith.remsi %get3A_6, %jit3A : i32
    %ne3A_20 = arith.constant 0 : i32
    %ne3A_21 = arith.cmpi ne, %rem3A, %ne3A_20 : i32
    %and3A = arith.andi %ne3A, %ne3A_21 : i1
    %sub3A = arith.constant 1 : i32
    %sub3A_22 = arith.subi %div3A, %sub3A : i32
    %select_n3A = arith.select %and3A, %sub3A_22, %div3A : i32
    %c0_i32 = arith.constant 0 : i32
    return %add3A_1, %select_n3A : i32, i32
  }
  func.func @transform_87(%arg0: i32, %arg1: memref<128xi32, #tpu.memory_space<smem>>) -> (i32, i32) {
    %mul3A = arith.constant 16 : i32
    %mul3A_0 = arith.muli %arg0, %mul3A : i32
    %add3A = arith.constant 10 : i32
    %add3A_1 = arith.addi %mul3A_0, %add3A : i32
    %mul3A_2 = arith.constant 128 : i32
    %mul3A_3 = arith.muli %arg0, %mul3A_2 : i32
    %add3A_4 = arith.constant 87 : i32
    %add3A_5 = arith.addi %mul3A_3, %add3A_4 : i32
    %get3A = arith.index_cast %add3A_5 : i32 to index
    %get3A_6 = memref.load %arg1[%get3A] : memref<128xi32, #tpu.memory_space<smem>>
    %jit3A = arith.constant 128 : i32
    %div3A = arith.divsi %get3A_6, %jit3A : i32
    %sign3A = arith.constant 0 : i32
    %sign3A_7 = arith.cmpi sgt, %get3A_6, %sign3A : i32
    %sign3A_8 = arith.extui %sign3A_7 : i1 to i32
    %sign3A_9 = arith.constant 0 : i32
    %sign3A_10 = arith.cmpi slt, %get3A_6, %sign3A_9 : i32
    %sign3A_11 = arith.extui %sign3A_10 : i1 to i32
    %sign3A_12 = arith.subi %sign3A_8, %sign3A_11 : i32
    %sign3A_13 = arith.constant 0 : i32
    %sign3A_14 = arith.cmpi sgt, %jit3A, %sign3A_13 : i32
    %sign3A_15 = arith.extui %sign3A_14 : i1 to i32
    %sign3A_16 = arith.constant 0 : i32
    %sign3A_17 = arith.cmpi slt, %jit3A, %sign3A_16 : i32
    %sign3A_18 = arith.extui %sign3A_17 : i1 to i32
    %sign3A_19 = arith.subi %sign3A_15, %sign3A_18 : i32
    %ne3A = arith.cmpi ne, %sign3A_12, %sign3A_19 : i32
    %rem3A = arith.remsi %get3A_6, %jit3A : i32
    %ne3A_20 = arith.constant 0 : i32
    %ne3A_21 = arith.cmpi ne, %rem3A, %ne3A_20 : i32
    %and3A = arith.andi %ne3A, %ne3A_21 : i1
    %sub3A = arith.constant 1 : i32
    %sub3A_22 = arith.subi %div3A, %sub3A : i32
    %select_n3A = arith.select %and3A, %sub3A_22, %div3A : i32
    %c0_i32 = arith.constant 0 : i32
    return %add3A_1, %select_n3A : i32, i32
  }
  func.func @transform_88(%arg0: i32, %arg1: memref<128xi32, #tpu.memory_space<smem>>) -> (i32, i32) {
    %mul3A = arith.constant 16 : i32
    %mul3A_0 = arith.muli %arg0, %mul3A : i32
    %add3A = arith.constant 11 : i32
    %add3A_1 = arith.addi %mul3A_0, %add3A : i32
    %mul3A_2 = arith.constant 128 : i32
    %mul3A_3 = arith.muli %arg0, %mul3A_2 : i32
    %add3A_4 = arith.constant 88 : i32
    %add3A_5 = arith.addi %mul3A_3, %add3A_4 : i32
    %get3A = arith.index_cast %add3A_5 : i32 to index
    %get3A_6 = memref.load %arg1[%get3A] : memref<128xi32, #tpu.memory_space<smem>>
    %jit3A = arith.constant 128 : i32
    %div3A = arith.divsi %get3A_6, %jit3A : i32
    %sign3A = arith.constant 0 : i32
    %sign3A_7 = arith.cmpi sgt, %get3A_6, %sign3A : i32
    %sign3A_8 = arith.extui %sign3A_7 : i1 to i32
    %sign3A_9 = arith.constant 0 : i32
    %sign3A_10 = arith.cmpi slt, %get3A_6, %sign3A_9 : i32
    %sign3A_11 = arith.extui %sign3A_10 : i1 to i32
    %sign3A_12 = arith.subi %sign3A_8, %sign3A_11 : i32
    %sign3A_13 = arith.constant 0 : i32
    %sign3A_14 = arith.cmpi sgt, %jit3A, %sign3A_13 : i32
    %sign3A_15 = arith.extui %sign3A_14 : i1 to i32
    %sign3A_16 = arith.constant 0 : i32
    %sign3A_17 = arith.cmpi slt, %jit3A, %sign3A_16 : i32
    %sign3A_18 = arith.extui %sign3A_17 : i1 to i32
    %sign3A_19 = arith.subi %sign3A_15, %sign3A_18 : i32
    %ne3A = arith.cmpi ne, %sign3A_12, %sign3A_19 : i32
    %rem3A = arith.remsi %get3A_6, %jit3A : i32
    %ne3A_20 = arith.constant 0 : i32
    %ne3A_21 = arith.cmpi ne, %rem3A, %ne3A_20 : i32
    %and3A = arith.andi %ne3A, %ne3A_21 : i1
    %sub3A = arith.constant 1 : i32
    %sub3A_22 = arith.subi %div3A, %sub3A : i32
    %select_n3A = arith.select %and3A, %sub3A_22, %div3A : i32
    %c0_i32 = arith.constant 0 : i32
    return %add3A_1, %select_n3A : i32, i32
  }
  func.func @transform_89(%arg0: i32, %arg1: memref<128xi32, #tpu.memory_space<smem>>) -> (i32, i32) {
    %mul3A = arith.constant 16 : i32
    %mul3A_0 = arith.muli %arg0, %mul3A : i32
    %add3A = arith.constant 11 : i32
    %add3A_1 = arith.addi %mul3A_0, %add3A : i32
    %mul3A_2 = arith.constant 128 : i32
    %mul3A_3 = arith.muli %arg0, %mul3A_2 : i32
    %add3A_4 = arith.constant 89 : i32
    %add3A_5 = arith.addi %mul3A_3, %add3A_4 : i32
    %get3A = arith.index_cast %add3A_5 : i32 to index
    %get3A_6 = memref.load %arg1[%get3A] : memref<128xi32, #tpu.memory_space<smem>>
    %jit3A = arith.constant 128 : i32
    %div3A = arith.divsi %get3A_6, %jit3A : i32
    %sign3A = arith.constant 0 : i32
    %sign3A_7 = arith.cmpi sgt, %get3A_6, %sign3A : i32
    %sign3A_8 = arith.extui %sign3A_7 : i1 to i32
    %sign3A_9 = arith.constant 0 : i32
    %sign3A_10 = arith.cmpi slt, %get3A_6, %sign3A_9 : i32
    %sign3A_11 = arith.extui %sign3A_10 : i1 to i32
    %sign3A_12 = arith.subi %sign3A_8, %sign3A_11 : i32
    %sign3A_13 = arith.constant 0 : i32
    %sign3A_14 = arith.cmpi sgt, %jit3A, %sign3A_13 : i32
    %sign3A_15 = arith.extui %sign3A_14 : i1 to i32
    %sign3A_16 = arith.constant 0 : i32
    %sign3A_17 = arith.cmpi slt, %jit3A, %sign3A_16 : i32
    %sign3A_18 = arith.extui %sign3A_17 : i1 to i32
    %sign3A_19 = arith.subi %sign3A_15, %sign3A_18 : i32
    %ne3A = arith.cmpi ne, %sign3A_12, %sign3A_19 : i32
    %rem3A = arith.remsi %get3A_6, %jit3A : i32
    %ne3A_20 = arith.constant 0 : i32
    %ne3A_21 = arith.cmpi ne, %rem3A, %ne3A_20 : i32
    %and3A = arith.andi %ne3A, %ne3A_21 : i1
    %sub3A = arith.constant 1 : i32
    %sub3A_22 = arith.subi %div3A, %sub3A : i32
    %select_n3A = arith.select %and3A, %sub3A_22, %div3A : i32
    %c0_i32 = arith.constant 0 : i32
    return %add3A_1, %select_n3A : i32, i32
  }
  func.func @transform_90(%arg0: i32, %arg1: memref<128xi32, #tpu.memory_space<smem>>) -> (i32, i32) {
    %mul3A = arith.constant 16 : i32
    %mul3A_0 = arith.muli %arg0, %mul3A : i32
    %add3A = arith.constant 11 : i32
    %add3A_1 = arith.addi %mul3A_0, %add3A : i32
    %mul3A_2 = arith.constant 128 : i32
    %mul3A_3 = arith.muli %arg0, %mul3A_2 : i32
    %add3A_4 = arith.constant 90 : i32
    %add3A_5 = arith.addi %mul3A_3, %add3A_4 : i32
    %get3A = arith.index_cast %add3A_5 : i32 to index
    %get3A_6 = memref.load %arg1[%get3A] : memref<128xi32, #tpu.memory_space<smem>>
    %jit3A = arith.constant 128 : i32
    %div3A = arith.divsi %get3A_6, %jit3A : i32
    %sign3A = arith.constant 0 : i32
    %sign3A_7 = arith.cmpi sgt, %get3A_6, %sign3A : i32
    %sign3A_8 = arith.extui %sign3A_7 : i1 to i32
    %sign3A_9 = arith.constant 0 : i32
    %sign3A_10 = arith.cmpi slt, %get3A_6, %sign3A_9 : i32
    %sign3A_11 = arith.extui %sign3A_10 : i1 to i32
    %sign3A_12 = arith.subi %sign3A_8, %sign3A_11 : i32
    %sign3A_13 = arith.constant 0 : i32
    %sign3A_14 = arith.cmpi sgt, %jit3A, %sign3A_13 : i32
    %sign3A_15 = arith.extui %sign3A_14 : i1 to i32
    %sign3A_16 = arith.constant 0 : i32
    %sign3A_17 = arith.cmpi slt, %jit3A, %sign3A_16 : i32
    %sign3A_18 = arith.extui %sign3A_17 : i1 to i32
    %sign3A_19 = arith.subi %sign3A_15, %sign3A_18 : i32
    %ne3A = arith.cmpi ne, %sign3A_12, %sign3A_19 : i32
    %rem3A = arith.remsi %get3A_6, %jit3A : i32
    %ne3A_20 = arith.constant 0 : i32
    %ne3A_21 = arith.cmpi ne, %rem3A, %ne3A_20 : i32
    %and3A = arith.andi %ne3A, %ne3A_21 : i1
    %sub3A = arith.constant 1 : i32
    %sub3A_22 = arith.subi %div3A, %sub3A : i32
    %select_n3A = arith.select %and3A, %sub3A_22, %div3A : i32
    %c0_i32 = arith.constant 0 : i32
    return %add3A_1, %select_n3A : i32, i32
  }
  func.func @transform_91(%arg0: i32, %arg1: memref<128xi32, #tpu.memory_space<smem>>) -> (i32, i32) {
    %mul3A = arith.constant 16 : i32
    %mul3A_0 = arith.muli %arg0, %mul3A : i32
    %add3A = arith.constant 11 : i32
    %add3A_1 = arith.addi %mul3A_0, %add3A : i32
    %mul3A_2 = arith.constant 128 : i32
    %mul3A_3 = arith.muli %arg0, %mul3A_2 : i32
    %add3A_4 = arith.constant 91 : i32
    %add3A_5 = arith.addi %mul3A_3, %add3A_4 : i32
    %get3A = arith.index_cast %add3A_5 : i32 to index
    %get3A_6 = memref.load %arg1[%get3A] : memref<128xi32, #tpu.memory_space<smem>>
    %jit3A = arith.constant 128 : i32
    %div3A = arith.divsi %get3A_6, %jit3A : i32
    %sign3A = arith.constant 0 : i32
    %sign3A_7 = arith.cmpi sgt, %get3A_6, %sign3A : i32
    %sign3A_8 = arith.extui %sign3A_7 : i1 to i32
    %sign3A_9 = arith.constant 0 : i32
    %sign3A_10 = arith.cmpi slt, %get3A_6, %sign3A_9 : i32
    %sign3A_11 = arith.extui %sign3A_10 : i1 to i32
    %sign3A_12 = arith.subi %sign3A_8, %sign3A_11 : i32
    %sign3A_13 = arith.constant 0 : i32
    %sign3A_14 = arith.cmpi sgt, %jit3A, %sign3A_13 : i32
    %sign3A_15 = arith.extui %sign3A_14 : i1 to i32
    %sign3A_16 = arith.constant 0 : i32
    %sign3A_17 = arith.cmpi slt, %jit3A, %sign3A_16 : i32
    %sign3A_18 = arith.extui %sign3A_17 : i1 to i32
    %sign3A_19 = arith.subi %sign3A_15, %sign3A_18 : i32
    %ne3A = arith.cmpi ne, %sign3A_12, %sign3A_19 : i32
    %rem3A = arith.remsi %get3A_6, %jit3A : i32
    %ne3A_20 = arith.constant 0 : i32
    %ne3A_21 = arith.cmpi ne, %rem3A, %ne3A_20 : i32
    %and3A = arith.andi %ne3A, %ne3A_21 : i1
    %sub3A = arith.constant 1 : i32
    %sub3A_22 = arith.subi %div3A, %sub3A : i32
    %select_n3A = arith.select %and3A, %sub3A_22, %div3A : i32
    %c0_i32 = arith.constant 0 : i32
    return %add3A_1, %select_n3A : i32, i32
  }
  func.func @transform_92(%arg0: i32, %arg1: memref<128xi32, #tpu.memory_space<smem>>) -> (i32, i32) {
    %mul3A = arith.constant 16 : i32
    %mul3A_0 = arith.muli %arg0, %mul3A : i32
    %add3A = arith.constant 11 : i32
    %add3A_1 = arith.addi %mul3A_0, %add3A : i32
    %mul3A_2 = arith.constant 128 : i32
    %mul3A_3 = arith.muli %arg0, %mul3A_2 : i32
    %add3A_4 = arith.constant 92 : i32
    %add3A_5 = arith.addi %mul3A_3, %add3A_4 : i32
    %get3A = arith.index_cast %add3A_5 : i32 to index
    %get3A_6 = memref.load %arg1[%get3A] : memref<128xi32, #tpu.memory_space<smem>>
    %jit3A = arith.constant 128 : i32
    %div3A = arith.divsi %get3A_6, %jit3A : i32
    %sign3A = arith.constant 0 : i32
    %sign3A_7 = arith.cmpi sgt, %get3A_6, %sign3A : i32
    %sign3A_8 = arith.extui %sign3A_7 : i1 to i32
    %sign3A_9 = arith.constant 0 : i32
    %sign3A_10 = arith.cmpi slt, %get3A_6, %sign3A_9 : i32
    %sign3A_11 = arith.extui %sign3A_10 : i1 to i32
    %sign3A_12 = arith.subi %sign3A_8, %sign3A_11 : i32
    %sign3A_13 = arith.constant 0 : i32
    %sign3A_14 = arith.cmpi sgt, %jit3A, %sign3A_13 : i32
    %sign3A_15 = arith.extui %sign3A_14 : i1 to i32
    %sign3A_16 = arith.constant 0 : i32
    %sign3A_17 = arith.cmpi slt, %jit3A, %sign3A_16 : i32
    %sign3A_18 = arith.extui %sign3A_17 : i1 to i32
    %sign3A_19 = arith.subi %sign3A_15, %sign3A_18 : i32
    %ne3A = arith.cmpi ne, %sign3A_12, %sign3A_19 : i32
    %rem3A = arith.remsi %get3A_6, %jit3A : i32
    %ne3A_20 = arith.constant 0 : i32
    %ne3A_21 = arith.cmpi ne, %rem3A, %ne3A_20 : i32
    %and3A = arith.andi %ne3A, %ne3A_21 : i1
    %sub3A = arith.constant 1 : i32
    %sub3A_22 = arith.subi %div3A, %sub3A : i32
    %select_n3A = arith.select %and3A, %sub3A_22, %div3A : i32
    %c0_i32 = arith.constant 0 : i32
    return %add3A_1, %select_n3A : i32, i32
  }
  func.func @transform_93(%arg0: i32, %arg1: memref<128xi32, #tpu.memory_space<smem>>) -> (i32, i32) {
    %mul3A = arith.constant 16 : i32
    %mul3A_0 = arith.muli %arg0, %mul3A : i32
    %add3A = arith.constant 11 : i32
    %add3A_1 = arith.addi %mul3A_0, %add3A : i32
    %mul3A_2 = arith.constant 128 : i32
    %mul3A_3 = arith.muli %arg0, %mul3A_2 : i32
    %add3A_4 = arith.constant 93 : i32
    %add3A_5 = arith.addi %mul3A_3, %add3A_4 : i32
    %get3A = arith.index_cast %add3A_5 : i32 to index
    %get3A_6 = memref.load %arg1[%get3A] : memref<128xi32, #tpu.memory_space<smem>>
    %jit3A = arith.constant 128 : i32
    %div3A = arith.divsi %get3A_6, %jit3A : i32
    %sign3A = arith.constant 0 : i32
    %sign3A_7 = arith.cmpi sgt, %get3A_6, %sign3A : i32
    %sign3A_8 = arith.extui %sign3A_7 : i1 to i32
    %sign3A_9 = arith.constant 0 : i32
    %sign3A_10 = arith.cmpi slt, %get3A_6, %sign3A_9 : i32
    %sign3A_11 = arith.extui %sign3A_10 : i1 to i32
    %sign3A_12 = arith.subi %sign3A_8, %sign3A_11 : i32
    %sign3A_13 = arith.constant 0 : i32
    %sign3A_14 = arith.cmpi sgt, %jit3A, %sign3A_13 : i32
    %sign3A_15 = arith.extui %sign3A_14 : i1 to i32
    %sign3A_16 = arith.constant 0 : i32
    %sign3A_17 = arith.cmpi slt, %jit3A, %sign3A_16 : i32
    %sign3A_18 = arith.extui %sign3A_17 : i1 to i32
    %sign3A_19 = arith.subi %sign3A_15, %sign3A_18 : i32
    %ne3A = arith.cmpi ne, %sign3A_12, %sign3A_19 : i32
    %rem3A = arith.remsi %get3A_6, %jit3A : i32
    %ne3A_20 = arith.constant 0 : i32
    %ne3A_21 = arith.cmpi ne, %rem3A, %ne3A_20 : i32
    %and3A = arith.andi %ne3A, %ne3A_21 : i1
    %sub3A = arith.constant 1 : i32
    %sub3A_22 = arith.subi %div3A, %sub3A : i32
    %select_n3A = arith.select %and3A, %sub3A_22, %div3A : i32
    %c0_i32 = arith.constant 0 : i32
    return %add3A_1, %select_n3A : i32, i32
  }
  func.func @transform_94(%arg0: i32, %arg1: memref<128xi32, #tpu.memory_space<smem>>) -> (i32, i32) {
    %mul3A = arith.constant 16 : i32
    %mul3A_0 = arith.muli %arg0, %mul3A : i32
    %add3A = arith.constant 11 : i32
    %add3A_1 = arith.addi %mul3A_0, %add3A : i32
    %mul3A_2 = arith.constant 128 : i32
    %mul3A_3 = arith.muli %arg0, %mul3A_2 : i32
    %add3A_4 = arith.constant 94 : i32
    %add3A_5 = arith.addi %mul3A_3, %add3A_4 : i32
    %get3A = arith.index_cast %add3A_5 : i32 to index
    %get3A_6 = memref.load %arg1[%get3A] : memref<128xi32, #tpu.memory_space<smem>>
    %jit3A = arith.constant 128 : i32
    %div3A = arith.divsi %get3A_6, %jit3A : i32
    %sign3A = arith.constant 0 : i32
    %sign3A_7 = arith.cmpi sgt, %get3A_6, %sign3A : i32
    %sign3A_8 = arith.extui %sign3A_7 : i1 to i32
    %sign3A_9 = arith.constant 0 : i32
    %sign3A_10 = arith.cmpi slt, %get3A_6, %sign3A_9 : i32
    %sign3A_11 = arith.extui %sign3A_10 : i1 to i32
    %sign3A_12 = arith.subi %sign3A_8, %sign3A_11 : i32
    %sign3A_13 = arith.constant 0 : i32
    %sign3A_14 = arith.cmpi sgt, %jit3A, %sign3A_13 : i32
    %sign3A_15 = arith.extui %sign3A_14 : i1 to i32
    %sign3A_16 = arith.constant 0 : i32
    %sign3A_17 = arith.cmpi slt, %jit3A, %sign3A_16 : i32
    %sign3A_18 = arith.extui %sign3A_17 : i1 to i32
    %sign3A_19 = arith.subi %sign3A_15, %sign3A_18 : i32
    %ne3A = arith.cmpi ne, %sign3A_12, %sign3A_19 : i32
    %rem3A = arith.remsi %get3A_6, %jit3A : i32
    %ne3A_20 = arith.constant 0 : i32
    %ne3A_21 = arith.cmpi ne, %rem3A, %ne3A_20 : i32
    %and3A = arith.andi %ne3A, %ne3A_21 : i1
    %sub3A = arith.constant 1 : i32
    %sub3A_22 = arith.subi %div3A, %sub3A : i32
    %select_n3A = arith.select %and3A, %sub3A_22, %div3A : i32
    %c0_i32 = arith.constant 0 : i32
    return %add3A_1, %select_n3A : i32, i32
  }
  func.func @transform_95(%arg0: i32, %arg1: memref<128xi32, #tpu.memory_space<smem>>) -> (i32, i32) {
    %mul3A = arith.constant 16 : i32
    %mul3A_0 = arith.muli %arg0, %mul3A : i32
    %add3A = arith.constant 11 : i32
    %add3A_1 = arith.addi %mul3A_0, %add3A : i32
    %mul3A_2 = arith.constant 128 : i32
    %mul3A_3 = arith.muli %arg0, %mul3A_2 : i32
    %add3A_4 = arith.constant 95 : i32
    %add3A_5 = arith.addi %mul3A_3, %add3A_4 : i32
    %get3A = arith.index_cast %add3A_5 : i32 to index
    %get3A_6 = memref.load %arg1[%get3A] : memref<128xi32, #tpu.memory_space<smem>>
    %jit3A = arith.constant 128 : i32
    %div3A = arith.divsi %get3A_6, %jit3A : i32
    %sign3A = arith.constant 0 : i32
    %sign3A_7 = arith.cmpi sgt, %get3A_6, %sign3A : i32
    %sign3A_8 = arith.extui %sign3A_7 : i1 to i32
    %sign3A_9 = arith.constant 0 : i32
    %sign3A_10 = arith.cmpi slt, %get3A_6, %sign3A_9 : i32
    %sign3A_11 = arith.extui %sign3A_10 : i1 to i32
    %sign3A_12 = arith.subi %sign3A_8, %sign3A_11 : i32
    %sign3A_13 = arith.constant 0 : i32
    %sign3A_14 = arith.cmpi sgt, %jit3A, %sign3A_13 : i32
    %sign3A_15 = arith.extui %sign3A_14 : i1 to i32
    %sign3A_16 = arith.constant 0 : i32
    %sign3A_17 = arith.cmpi slt, %jit3A, %sign3A_16 : i32
    %sign3A_18 = arith.extui %sign3A_17 : i1 to i32
    %sign3A_19 = arith.subi %sign3A_15, %sign3A_18 : i32
    %ne3A = arith.cmpi ne, %sign3A_12, %sign3A_19 : i32
    %rem3A = arith.remsi %get3A_6, %jit3A : i32
    %ne3A_20 = arith.constant 0 : i32
    %ne3A_21 = arith.cmpi ne, %rem3A, %ne3A_20 : i32
    %and3A = arith.andi %ne3A, %ne3A_21 : i1
    %sub3A = arith.constant 1 : i32
    %sub3A_22 = arith.subi %div3A, %sub3A : i32
    %select_n3A = arith.select %and3A, %sub3A_22, %div3A : i32
    %c0_i32 = arith.constant 0 : i32
    return %add3A_1, %select_n3A : i32, i32
  }
  func.func @transform_96(%arg0: i32, %arg1: memref<128xi32, #tpu.memory_space<smem>>) -> (i32, i32) {
    %mul3A = arith.constant 16 : i32
    %mul3A_0 = arith.muli %arg0, %mul3A : i32
    %add3A = arith.constant 12 : i32
    %add3A_1 = arith.addi %mul3A_0, %add3A : i32
    %mul3A_2 = arith.constant 128 : i32
    %mul3A_3 = arith.muli %arg0, %mul3A_2 : i32
    %add3A_4 = arith.constant 96 : i32
    %add3A_5 = arith.addi %mul3A_3, %add3A_4 : i32
    %get3A = arith.index_cast %add3A_5 : i32 to index
    %get3A_6 = memref.load %arg1[%get3A] : memref<128xi32, #tpu.memory_space<smem>>
    %jit3A = arith.constant 128 : i32
    %div3A = arith.divsi %get3A_6, %jit3A : i32
    %sign3A = arith.constant 0 : i32
    %sign3A_7 = arith.cmpi sgt, %get3A_6, %sign3A : i32
    %sign3A_8 = arith.extui %sign3A_7 : i1 to i32
    %sign3A_9 = arith.constant 0 : i32
    %sign3A_10 = arith.cmpi slt, %get3A_6, %sign3A_9 : i32
    %sign3A_11 = arith.extui %sign3A_10 : i1 to i32
    %sign3A_12 = arith.subi %sign3A_8, %sign3A_11 : i32
    %sign3A_13 = arith.constant 0 : i32
    %sign3A_14 = arith.cmpi sgt, %jit3A, %sign3A_13 : i32
    %sign3A_15 = arith.extui %sign3A_14 : i1 to i32
    %sign3A_16 = arith.constant 0 : i32
    %sign3A_17 = arith.cmpi slt, %jit3A, %sign3A_16 : i32
    %sign3A_18 = arith.extui %sign3A_17 : i1 to i32
    %sign3A_19 = arith.subi %sign3A_15, %sign3A_18 : i32
    %ne3A = arith.cmpi ne, %sign3A_12, %sign3A_19 : i32
    %rem3A = arith.remsi %get3A_6, %jit3A : i32
    %ne3A_20 = arith.constant 0 : i32
    %ne3A_21 = arith.cmpi ne, %rem3A, %ne3A_20 : i32
    %and3A = arith.andi %ne3A, %ne3A_21 : i1
    %sub3A = arith.constant 1 : i32
    %sub3A_22 = arith.subi %div3A, %sub3A : i32
    %select_n3A = arith.select %and3A, %sub3A_22, %div3A : i32
    %c0_i32 = arith.constant 0 : i32
    return %add3A_1, %select_n3A : i32, i32
  }
  func.func @transform_97(%arg0: i32, %arg1: memref<128xi32, #tpu.memory_space<smem>>) -> (i32, i32) {
    %mul3A = arith.constant 16 : i32
    %mul3A_0 = arith.muli %arg0, %mul3A : i32
    %add3A = arith.constant 12 : i32
    %add3A_1 = arith.addi %mul3A_0, %add3A : i32
    %mul3A_2 = arith.constant 128 : i32
    %mul3A_3 = arith.muli %arg0, %mul3A_2 : i32
    %add3A_4 = arith.constant 97 : i32
    %add3A_5 = arith.addi %mul3A_3, %add3A_4 : i32
    %get3A = arith.index_cast %add3A_5 : i32 to index
    %get3A_6 = memref.load %arg1[%get3A] : memref<128xi32, #tpu.memory_space<smem>>
    %jit3A = arith.constant 128 : i32
    %div3A = arith.divsi %get3A_6, %jit3A : i32
    %sign3A = arith.constant 0 : i32
    %sign3A_7 = arith.cmpi sgt, %get3A_6, %sign3A : i32
    %sign3A_8 = arith.extui %sign3A_7 : i1 to i32
    %sign3A_9 = arith.constant 0 : i32
    %sign3A_10 = arith.cmpi slt, %get3A_6, %sign3A_9 : i32
    %sign3A_11 = arith.extui %sign3A_10 : i1 to i32
    %sign3A_12 = arith.subi %sign3A_8, %sign3A_11 : i32
    %sign3A_13 = arith.constant 0 : i32
    %sign3A_14 = arith.cmpi sgt, %jit3A, %sign3A_13 : i32
    %sign3A_15 = arith.extui %sign3A_14 : i1 to i32
    %sign3A_16 = arith.constant 0 : i32
    %sign3A_17 = arith.cmpi slt, %jit3A, %sign3A_16 : i32
    %sign3A_18 = arith.extui %sign3A_17 : i1 to i32
    %sign3A_19 = arith.subi %sign3A_15, %sign3A_18 : i32
    %ne3A = arith.cmpi ne, %sign3A_12, %sign3A_19 : i32
    %rem3A = arith.remsi %get3A_6, %jit3A : i32
    %ne3A_20 = arith.constant 0 : i32
    %ne3A_21 = arith.cmpi ne, %rem3A, %ne3A_20 : i32
    %and3A = arith.andi %ne3A, %ne3A_21 : i1
    %sub3A = arith.constant 1 : i32
    %sub3A_22 = arith.subi %div3A, %sub3A : i32
    %select_n3A = arith.select %and3A, %sub3A_22, %div3A : i32
    %c0_i32 = arith.constant 0 : i32
    return %add3A_1, %select_n3A : i32, i32
  }
  func.func @transform_98(%arg0: i32, %arg1: memref<128xi32, #tpu.memory_space<smem>>) -> (i32, i32) {
    %mul3A = arith.constant 16 : i32
    %mul3A_0 = arith.muli %arg0, %mul3A : i32
    %add3A = arith.constant 12 : i32
    %add3A_1 = arith.addi %mul3A_0, %add3A : i32
    %mul3A_2 = arith.constant 128 : i32
    %mul3A_3 = arith.muli %arg0, %mul3A_2 : i32
    %add3A_4 = arith.constant 98 : i32
    %add3A_5 = arith.addi %mul3A_3, %add3A_4 : i32
    %get3A = arith.index_cast %add3A_5 : i32 to index
    %get3A_6 = memref.load %arg1[%get3A] : memref<128xi32, #tpu.memory_space<smem>>
    %jit3A = arith.constant 128 : i32
    %div3A = arith.divsi %get3A_6, %jit3A : i32
    %sign3A = arith.constant 0 : i32
    %sign3A_7 = arith.cmpi sgt, %get3A_6, %sign3A : i32
    %sign3A_8 = arith.extui %sign3A_7 : i1 to i32
    %sign3A_9 = arith.constant 0 : i32
    %sign3A_10 = arith.cmpi slt, %get3A_6, %sign3A_9 : i32
    %sign3A_11 = arith.extui %sign3A_10 : i1 to i32
    %sign3A_12 = arith.subi %sign3A_8, %sign3A_11 : i32
    %sign3A_13 = arith.constant 0 : i32
    %sign3A_14 = arith.cmpi sgt, %jit3A, %sign3A_13 : i32
    %sign3A_15 = arith.extui %sign3A_14 : i1 to i32
    %sign3A_16 = arith.constant 0 : i32
    %sign3A_17 = arith.cmpi slt, %jit3A, %sign3A_16 : i32
    %sign3A_18 = arith.extui %sign3A_17 : i1 to i32
    %sign3A_19 = arith.subi %sign3A_15, %sign3A_18 : i32
    %ne3A = arith.cmpi ne, %sign3A_12, %sign3A_19 : i32
    %rem3A = arith.remsi %get3A_6, %jit3A : i32
    %ne3A_20 = arith.constant 0 : i32
    %ne3A_21 = arith.cmpi ne, %rem3A, %ne3A_20 : i32
    %and3A = arith.andi %ne3A, %ne3A_21 : i1
    %sub3A = arith.constant 1 : i32
    %sub3A_22 = arith.subi %div3A, %sub3A : i32
    %select_n3A = arith.select %and3A, %sub3A_22, %div3A : i32
    %c0_i32 = arith.constant 0 : i32
    return %add3A_1, %select_n3A : i32, i32
  }
  func.func @transform_99(%arg0: i32, %arg1: memref<128xi32, #tpu.memory_space<smem>>) -> (i32, i32) {
    %mul3A = arith.constant 16 : i32
    %mul3A_0 = arith.muli %arg0, %mul3A : i32
    %add3A = arith.constant 12 : i32
    %add3A_1 = arith.addi %mul3A_0, %add3A : i32
    %mul3A_2 = arith.constant 128 : i32
    %mul3A_3 = arith.muli %arg0, %mul3A_2 : i32
    %add3A_4 = arith.constant 99 : i32
    %add3A_5 = arith.addi %mul3A_3, %add3A_4 : i32
    %get3A = arith.index_cast %add3A_5 : i32 to index
    %get3A_6 = memref.load %arg1[%get3A] : memref<128xi32, #tpu.memory_space<smem>>
    %jit3A = arith.constant 128 : i32
    %div3A = arith.divsi %get3A_6, %jit3A : i32
    %sign3A = arith.constant 0 : i32
    %sign3A_7 = arith.cmpi sgt, %get3A_6, %sign3A : i32
    %sign3A_8 = arith.extui %sign3A_7 : i1 to i32
    %sign3A_9 = arith.constant 0 : i32
    %sign3A_10 = arith.cmpi slt, %get3A_6, %sign3A_9 : i32
    %sign3A_11 = arith.extui %sign3A_10 : i1 to i32
    %sign3A_12 = arith.subi %sign3A_8, %sign3A_11 : i32
    %sign3A_13 = arith.constant 0 : i32
    %sign3A_14 = arith.cmpi sgt, %jit3A, %sign3A_13 : i32
    %sign3A_15 = arith.extui %sign3A_14 : i1 to i32
    %sign3A_16 = arith.constant 0 : i32
    %sign3A_17 = arith.cmpi slt, %jit3A, %sign3A_16 : i32
    %sign3A_18 = arith.extui %sign3A_17 : i1 to i32
    %sign3A_19 = arith.subi %sign3A_15, %sign3A_18 : i32
    %ne3A = arith.cmpi ne, %sign3A_12, %sign3A_19 : i32
    %rem3A = arith.remsi %get3A_6, %jit3A : i32
    %ne3A_20 = arith.constant 0 : i32
    %ne3A_21 = arith.cmpi ne, %rem3A, %ne3A_20 : i32
    %and3A = arith.andi %ne3A, %ne3A_21 : i1
    %sub3A = arith.constant 1 : i32
    %sub3A_22 = arith.subi %div3A, %sub3A : i32
    %select_n3A = arith.select %and3A, %sub3A_22, %div3A : i32
    %c0_i32 = arith.constant 0 : i32
    return %add3A_1, %select_n3A : i32, i32
  }
  func.func @transform_100(%arg0: i32, %arg1: memref<128xi32, #tpu.memory_space<smem>>) -> (i32, i32) {
    %mul3A = arith.constant 16 : i32
    %mul3A_0 = arith.muli %arg0, %mul3A : i32
    %add3A = arith.constant 12 : i32
    %add3A_1 = arith.addi %mul3A_0, %add3A : i32
    %mul3A_2 = arith.constant 128 : i32
    %mul3A_3 = arith.muli %arg0, %mul3A_2 : i32
    %add3A_4 = arith.constant 100 : i32
    %add3A_5 = arith.addi %mul3A_3, %add3A_4 : i32
    %get3A = arith.index_cast %add3A_5 : i32 to index
    %get3A_6 = memref.load %arg1[%get3A] : memref<128xi32, #tpu.memory_space<smem>>
    %jit3A = arith.constant 128 : i32
    %div3A = arith.divsi %get3A_6, %jit3A : i32
    %sign3A = arith.constant 0 : i32
    %sign3A_7 = arith.cmpi sgt, %get3A_6, %sign3A : i32
    %sign3A_8 = arith.extui %sign3A_7 : i1 to i32
    %sign3A_9 = arith.constant 0 : i32
    %sign3A_10 = arith.cmpi slt, %get3A_6, %sign3A_9 : i32
    %sign3A_11 = arith.extui %sign3A_10 : i1 to i32
    %sign3A_12 = arith.subi %sign3A_8, %sign3A_11 : i32
    %sign3A_13 = arith.constant 0 : i32
    %sign3A_14 = arith.cmpi sgt, %jit3A, %sign3A_13 : i32
    %sign3A_15 = arith.extui %sign3A_14 : i1 to i32
    %sign3A_16 = arith.constant 0 : i32
    %sign3A_17 = arith.cmpi slt, %jit3A, %sign3A_16 : i32
    %sign3A_18 = arith.extui %sign3A_17 : i1 to i32
    %sign3A_19 = arith.subi %sign3A_15, %sign3A_18 : i32
    %ne3A = arith.cmpi ne, %sign3A_12, %sign3A_19 : i32
    %rem3A = arith.remsi %get3A_6, %jit3A : i32
    %ne3A_20 = arith.constant 0 : i32
    %ne3A_21 = arith.cmpi ne, %rem3A, %ne3A_20 : i32
    %and3A = arith.andi %ne3A, %ne3A_21 : i1
    %sub3A = arith.constant 1 : i32
    %sub3A_22 = arith.subi %div3A, %sub3A : i32
    %select_n3A = arith.select %and3A, %sub3A_22, %div3A : i32
    %c0_i32 = arith.constant 0 : i32
    return %add3A_1, %select_n3A : i32, i32
  }
  func.func @transform_101(%arg0: i32, %arg1: memref<128xi32, #tpu.memory_space<smem>>) -> (i32, i32) {
    %mul3A = arith.constant 16 : i32
    %mul3A_0 = arith.muli %arg0, %mul3A : i32
    %add3A = arith.constant 12 : i32
    %add3A_1 = arith.addi %mul3A_0, %add3A : i32
    %mul3A_2 = arith.constant 128 : i32
    %mul3A_3 = arith.muli %arg0, %mul3A_2 : i32
    %add3A_4 = arith.constant 101 : i32
    %add3A_5 = arith.addi %mul3A_3, %add3A_4 : i32
    %get3A = arith.index_cast %add3A_5 : i32 to index
    %get3A_6 = memref.load %arg1[%get3A] : memref<128xi32, #tpu.memory_space<smem>>
    %jit3A = arith.constant 128 : i32
    %div3A = arith.divsi %get3A_6, %jit3A : i32
    %sign3A = arith.constant 0 : i32
    %sign3A_7 = arith.cmpi sgt, %get3A_6, %sign3A : i32
    %sign3A_8 = arith.extui %sign3A_7 : i1 to i32
    %sign3A_9 = arith.constant 0 : i32
    %sign3A_10 = arith.cmpi slt, %get3A_6, %sign3A_9 : i32
    %sign3A_11 = arith.extui %sign3A_10 : i1 to i32
    %sign3A_12 = arith.subi %sign3A_8, %sign3A_11 : i32
    %sign3A_13 = arith.constant 0 : i32
    %sign3A_14 = arith.cmpi sgt, %jit3A, %sign3A_13 : i32
    %sign3A_15 = arith.extui %sign3A_14 : i1 to i32
    %sign3A_16 = arith.constant 0 : i32
    %sign3A_17 = arith.cmpi slt, %jit3A, %sign3A_16 : i32
    %sign3A_18 = arith.extui %sign3A_17 : i1 to i32
    %sign3A_19 = arith.subi %sign3A_15, %sign3A_18 : i32
    %ne3A = arith.cmpi ne, %sign3A_12, %sign3A_19 : i32
    %rem3A = arith.remsi %get3A_6, %jit3A : i32
    %ne3A_20 = arith.constant 0 : i32
    %ne3A_21 = arith.cmpi ne, %rem3A, %ne3A_20 : i32
    %and3A = arith.andi %ne3A, %ne3A_21 : i1
    %sub3A = arith.constant 1 : i32
    %sub3A_22 = arith.subi %div3A, %sub3A : i32
    %select_n3A = arith.select %and3A, %sub3A_22, %div3A : i32
    %c0_i32 = arith.constant 0 : i32
    return %add3A_1, %select_n3A : i32, i32
  }
  func.func @transform_102(%arg0: i32, %arg1: memref<128xi32, #tpu.memory_space<smem>>) -> (i32, i32) {
    %mul3A = arith.constant 16 : i32
    %mul3A_0 = arith.muli %arg0, %mul3A : i32
    %add3A = arith.constant 12 : i32
    %add3A_1 = arith.addi %mul3A_0, %add3A : i32
    %mul3A_2 = arith.constant 128 : i32
    %mul3A_3 = arith.muli %arg0, %mul3A_2 : i32
    %add3A_4 = arith.constant 102 : i32
    %add3A_5 = arith.addi %mul3A_3, %add3A_4 : i32
    %get3A = arith.index_cast %add3A_5 : i32 to index
    %get3A_6 = memref.load %arg1[%get3A] : memref<128xi32, #tpu.memory_space<smem>>
    %jit3A = arith.constant 128 : i32
    %div3A = arith.divsi %get3A_6, %jit3A : i32
    %sign3A = arith.constant 0 : i32
    %sign3A_7 = arith.cmpi sgt, %get3A_6, %sign3A : i32
    %sign3A_8 = arith.extui %sign3A_7 : i1 to i32
    %sign3A_9 = arith.constant 0 : i32
    %sign3A_10 = arith.cmpi slt, %get3A_6, %sign3A_9 : i32
    %sign3A_11 = arith.extui %sign3A_10 : i1 to i32
    %sign3A_12 = arith.subi %sign3A_8, %sign3A_11 : i32
    %sign3A_13 = arith.constant 0 : i32
    %sign3A_14 = arith.cmpi sgt, %jit3A, %sign3A_13 : i32
    %sign3A_15 = arith.extui %sign3A_14 : i1 to i32
    %sign3A_16 = arith.constant 0 : i32
    %sign3A_17 = arith.cmpi slt, %jit3A, %sign3A_16 : i32
    %sign3A_18 = arith.extui %sign3A_17 : i1 to i32
    %sign3A_19 = arith.subi %sign3A_15, %sign3A_18 : i32
    %ne3A = arith.cmpi ne, %sign3A_12, %sign3A_19 : i32
    %rem3A = arith.remsi %get3A_6, %jit3A : i32
    %ne3A_20 = arith.constant 0 : i32
    %ne3A_21 = arith.cmpi ne, %rem3A, %ne3A_20 : i32
    %and3A = arith.andi %ne3A, %ne3A_21 : i1
    %sub3A = arith.constant 1 : i32
    %sub3A_22 = arith.subi %div3A, %sub3A : i32
    %select_n3A = arith.select %and3A, %sub3A_22, %div3A : i32
    %c0_i32 = arith.constant 0 : i32
    return %add3A_1, %select_n3A : i32, i32
  }
  func.func @transform_103(%arg0: i32, %arg1: memref<128xi32, #tpu.memory_space<smem>>) -> (i32, i32) {
    %mul3A = arith.constant 16 : i32
    %mul3A_0 = arith.muli %arg0, %mul3A : i32
    %add3A = arith.constant 12 : i32
    %add3A_1 = arith.addi %mul3A_0, %add3A : i32
    %mul3A_2 = arith.constant 128 : i32
    %mul3A_3 = arith.muli %arg0, %mul3A_2 : i32
    %add3A_4 = arith.constant 103 : i32
    %add3A_5 = arith.addi %mul3A_3, %add3A_4 : i32
    %get3A = arith.index_cast %add3A_5 : i32 to index
    %get3A_6 = memref.load %arg1[%get3A] : memref<128xi32, #tpu.memory_space<smem>>
    %jit3A = arith.constant 128 : i32
    %div3A = arith.divsi %get3A_6, %jit3A : i32
    %sign3A = arith.constant 0 : i32
    %sign3A_7 = arith.cmpi sgt, %get3A_6, %sign3A : i32
    %sign3A_8 = arith.extui %sign3A_7 : i1 to i32
    %sign3A_9 = arith.constant 0 : i32
    %sign3A_10 = arith.cmpi slt, %get3A_6, %sign3A_9 : i32
    %sign3A_11 = arith.extui %sign3A_10 : i1 to i32
    %sign3A_12 = arith.subi %sign3A_8, %sign3A_11 : i32
    %sign3A_13 = arith.constant 0 : i32
    %sign3A_14 = arith.cmpi sgt, %jit3A, %sign3A_13 : i32
    %sign3A_15 = arith.extui %sign3A_14 : i1 to i32
    %sign3A_16 = arith.constant 0 : i32
    %sign3A_17 = arith.cmpi slt, %jit3A, %sign3A_16 : i32
    %sign3A_18 = arith.extui %sign3A_17 : i1 to i32
    %sign3A_19 = arith.subi %sign3A_15, %sign3A_18 : i32
    %ne3A = arith.cmpi ne, %sign3A_12, %sign3A_19 : i32
    %rem3A = arith.remsi %get3A_6, %jit3A : i32
    %ne3A_20 = arith.constant 0 : i32
    %ne3A_21 = arith.cmpi ne, %rem3A, %ne3A_20 : i32
    %and3A = arith.andi %ne3A, %ne3A_21 : i1
    %sub3A = arith.constant 1 : i32
    %sub3A_22 = arith.subi %div3A, %sub3A : i32
    %select_n3A = arith.select %and3A, %sub3A_22, %div3A : i32
    %c0_i32 = arith.constant 0 : i32
    return %add3A_1, %select_n3A : i32, i32
  }
  func.func @transform_104(%arg0: i32, %arg1: memref<128xi32, #tpu.memory_space<smem>>) -> (i32, i32) {
    %mul3A = arith.constant 16 : i32
    %mul3A_0 = arith.muli %arg0, %mul3A : i32
    %add3A = arith.constant 13 : i32
    %add3A_1 = arith.addi %mul3A_0, %add3A : i32
    %mul3A_2 = arith.constant 128 : i32
    %mul3A_3 = arith.muli %arg0, %mul3A_2 : i32
    %add3A_4 = arith.constant 104 : i32
    %add3A_5 = arith.addi %mul3A_3, %add3A_4 : i32
    %get3A = arith.index_cast %add3A_5 : i32 to index
    %get3A_6 = memref.load %arg1[%get3A] : memref<128xi32, #tpu.memory_space<smem>>
    %jit3A = arith.constant 128 : i32
    %div3A = arith.divsi %get3A_6, %jit3A : i32
    %sign3A = arith.constant 0 : i32
    %sign3A_7 = arith.cmpi sgt, %get3A_6, %sign3A : i32
    %sign3A_8 = arith.extui %sign3A_7 : i1 to i32
    %sign3A_9 = arith.constant 0 : i32
    %sign3A_10 = arith.cmpi slt, %get3A_6, %sign3A_9 : i32
    %sign3A_11 = arith.extui %sign3A_10 : i1 to i32
    %sign3A_12 = arith.subi %sign3A_8, %sign3A_11 : i32
    %sign3A_13 = arith.constant 0 : i32
    %sign3A_14 = arith.cmpi sgt, %jit3A, %sign3A_13 : i32
    %sign3A_15 = arith.extui %sign3A_14 : i1 to i32
    %sign3A_16 = arith.constant 0 : i32
    %sign3A_17 = arith.cmpi slt, %jit3A, %sign3A_16 : i32
    %sign3A_18 = arith.extui %sign3A_17 : i1 to i32
    %sign3A_19 = arith.subi %sign3A_15, %sign3A_18 : i32
    %ne3A = arith.cmpi ne, %sign3A_12, %sign3A_19 : i32
    %rem3A = arith.remsi %get3A_6, %jit3A : i32
    %ne3A_20 = arith.constant 0 : i32
    %ne3A_21 = arith.cmpi ne, %rem3A, %ne3A_20 : i32
    %and3A = arith.andi %ne3A, %ne3A_21 : i1
    %sub3A = arith.constant 1 : i32
    %sub3A_22 = arith.subi %div3A, %sub3A : i32
    %select_n3A = arith.select %and3A, %sub3A_22, %div3A : i32
    %c0_i32 = arith.constant 0 : i32
    return %add3A_1, %select_n3A : i32, i32
  }
  func.func @transform_105(%arg0: i32, %arg1: memref<128xi32, #tpu.memory_space<smem>>) -> (i32, i32) {
    %mul3A = arith.constant 16 : i32
    %mul3A_0 = arith.muli %arg0, %mul3A : i32
    %add3A = arith.constant 13 : i32
    %add3A_1 = arith.addi %mul3A_0, %add3A : i32
    %mul3A_2 = arith.constant 128 : i32
    %mul3A_3 = arith.muli %arg0, %mul3A_2 : i32
    %add3A_4 = arith.constant 105 : i32
    %add3A_5 = arith.addi %mul3A_3, %add3A_4 : i32
    %get3A = arith.index_cast %add3A_5 : i32 to index
    %get3A_6 = memref.load %arg1[%get3A] : memref<128xi32, #tpu.memory_space<smem>>
    %jit3A = arith.constant 128 : i32
    %div3A = arith.divsi %get3A_6, %jit3A : i32
    %sign3A = arith.constant 0 : i32
    %sign3A_7 = arith.cmpi sgt, %get3A_6, %sign3A : i32
    %sign3A_8 = arith.extui %sign3A_7 : i1 to i32
    %sign3A_9 = arith.constant 0 : i32
    %sign3A_10 = arith.cmpi slt, %get3A_6, %sign3A_9 : i32
    %sign3A_11 = arith.extui %sign3A_10 : i1 to i32
    %sign3A_12 = arith.subi %sign3A_8, %sign3A_11 : i32
    %sign3A_13 = arith.constant 0 : i32
    %sign3A_14 = arith.cmpi sgt, %jit3A, %sign3A_13 : i32
    %sign3A_15 = arith.extui %sign3A_14 : i1 to i32
    %sign3A_16 = arith.constant 0 : i32
    %sign3A_17 = arith.cmpi slt, %jit3A, %sign3A_16 : i32
    %sign3A_18 = arith.extui %sign3A_17 : i1 to i32
    %sign3A_19 = arith.subi %sign3A_15, %sign3A_18 : i32
    %ne3A = arith.cmpi ne, %sign3A_12, %sign3A_19 : i32
    %rem3A = arith.remsi %get3A_6, %jit3A : i32
    %ne3A_20 = arith.constant 0 : i32
    %ne3A_21 = arith.cmpi ne, %rem3A, %ne3A_20 : i32
    %and3A = arith.andi %ne3A, %ne3A_21 : i1
    %sub3A = arith.constant 1 : i32
    %sub3A_22 = arith.subi %div3A, %sub3A : i32
    %select_n3A = arith.select %and3A, %sub3A_22, %div3A : i32
    %c0_i32 = arith.constant 0 : i32
    return %add3A_1, %select_n3A : i32, i32
  }
  func.func @transform_106(%arg0: i32, %arg1: memref<128xi32, #tpu.memory_space<smem>>) -> (i32, i32) {
    %mul3A = arith.constant 16 : i32
    %mul3A_0 = arith.muli %arg0, %mul3A : i32
    %add3A = arith.constant 13 : i32
    %add3A_1 = arith.addi %mul3A_0, %add3A : i32
    %mul3A_2 = arith.constant 128 : i32
    %mul3A_3 = arith.muli %arg0, %mul3A_2 : i32
    %add3A_4 = arith.constant 106 : i32
    %add3A_5 = arith.addi %mul3A_3, %add3A_4 : i32
    %get3A = arith.index_cast %add3A_5 : i32 to index
    %get3A_6 = memref.load %arg1[%get3A] : memref<128xi32, #tpu.memory_space<smem>>
    %jit3A = arith.constant 128 : i32
    %div3A = arith.divsi %get3A_6, %jit3A : i32
    %sign3A = arith.constant 0 : i32
    %sign3A_7 = arith.cmpi sgt, %get3A_6, %sign3A : i32
    %sign3A_8 = arith.extui %sign3A_7 : i1 to i32
    %sign3A_9 = arith.constant 0 : i32
    %sign3A_10 = arith.cmpi slt, %get3A_6, %sign3A_9 : i32
    %sign3A_11 = arith.extui %sign3A_10 : i1 to i32
    %sign3A_12 = arith.subi %sign3A_8, %sign3A_11 : i32
    %sign3A_13 = arith.constant 0 : i32
    %sign3A_14 = arith.cmpi sgt, %jit3A, %sign3A_13 : i32
    %sign3A_15 = arith.extui %sign3A_14 : i1 to i32
    %sign3A_16 = arith.constant 0 : i32
    %sign3A_17 = arith.cmpi slt, %jit3A, %sign3A_16 : i32
    %sign3A_18 = arith.extui %sign3A_17 : i1 to i32
    %sign3A_19 = arith.subi %sign3A_15, %sign3A_18 : i32
    %ne3A = arith.cmpi ne, %sign3A_12, %sign3A_19 : i32
    %rem3A = arith.remsi %get3A_6, %jit3A : i32
    %ne3A_20 = arith.constant 0 : i32
    %ne3A_21 = arith.cmpi ne, %rem3A, %ne3A_20 : i32
    %and3A = arith.andi %ne3A, %ne3A_21 : i1
    %sub3A = arith.constant 1 : i32
    %sub3A_22 = arith.subi %div3A, %sub3A : i32
    %select_n3A = arith.select %and3A, %sub3A_22, %div3A : i32
    %c0_i32 = arith.constant 0 : i32
    return %add3A_1, %select_n3A : i32, i32
  }
  func.func @transform_107(%arg0: i32, %arg1: memref<128xi32, #tpu.memory_space<smem>>) -> (i32, i32) {
    %mul3A = arith.constant 16 : i32
    %mul3A_0 = arith.muli %arg0, %mul3A : i32
    %add3A = arith.constant 13 : i32
    %add3A_1 = arith.addi %mul3A_0, %add3A : i32
    %mul3A_2 = arith.constant 128 : i32
    %mul3A_3 = arith.muli %arg0, %mul3A_2 : i32
    %add3A_4 = arith.constant 107 : i32
    %add3A_5 = arith.addi %mul3A_3, %add3A_4 : i32
    %get3A = arith.index_cast %add3A_5 : i32 to index
    %get3A_6 = memref.load %arg1[%get3A] : memref<128xi32, #tpu.memory_space<smem>>
    %jit3A = arith.constant 128 : i32
    %div3A = arith.divsi %get3A_6, %jit3A : i32
    %sign3A = arith.constant 0 : i32
    %sign3A_7 = arith.cmpi sgt, %get3A_6, %sign3A : i32
    %sign3A_8 = arith.extui %sign3A_7 : i1 to i32
    %sign3A_9 = arith.constant 0 : i32
    %sign3A_10 = arith.cmpi slt, %get3A_6, %sign3A_9 : i32
    %sign3A_11 = arith.extui %sign3A_10 : i1 to i32
    %sign3A_12 = arith.subi %sign3A_8, %sign3A_11 : i32
    %sign3A_13 = arith.constant 0 : i32
    %sign3A_14 = arith.cmpi sgt, %jit3A, %sign3A_13 : i32
    %sign3A_15 = arith.extui %sign3A_14 : i1 to i32
    %sign3A_16 = arith.constant 0 : i32
    %sign3A_17 = arith.cmpi slt, %jit3A, %sign3A_16 : i32
    %sign3A_18 = arith.extui %sign3A_17 : i1 to i32
    %sign3A_19 = arith.subi %sign3A_15, %sign3A_18 : i32
    %ne3A = arith.cmpi ne, %sign3A_12, %sign3A_19 : i32
    %rem3A = arith.remsi %get3A_6, %jit3A : i32
    %ne3A_20 = arith.constant 0 : i32
    %ne3A_21 = arith.cmpi ne, %rem3A, %ne3A_20 : i32
    %and3A = arith.andi %ne3A, %ne3A_21 : i1
    %sub3A = arith.constant 1 : i32
    %sub3A_22 = arith.subi %div3A, %sub3A : i32
    %select_n3A = arith.select %and3A, %sub3A_22, %div3A : i32
    %c0_i32 = arith.constant 0 : i32
    return %add3A_1, %select_n3A : i32, i32
  }
  func.func @transform_108(%arg0: i32, %arg1: memref<128xi32, #tpu.memory_space<smem>>) -> (i32, i32) {
    %mul3A = arith.constant 16 : i32
    %mul3A_0 = arith.muli %arg0, %mul3A : i32
    %add3A = arith.constant 13 : i32
    %add3A_1 = arith.addi %mul3A_0, %add3A : i32
    %mul3A_2 = arith.constant 128 : i32
    %mul3A_3 = arith.muli %arg0, %mul3A_2 : i32
    %add3A_4 = arith.constant 108 : i32
    %add3A_5 = arith.addi %mul3A_3, %add3A_4 : i32
    %get3A = arith.index_cast %add3A_5 : i32 to index
    %get3A_6 = memref.load %arg1[%get3A] : memref<128xi32, #tpu.memory_space<smem>>
    %jit3A = arith.constant 128 : i32
    %div3A = arith.divsi %get3A_6, %jit3A : i32
    %sign3A = arith.constant 0 : i32
    %sign3A_7 = arith.cmpi sgt, %get3A_6, %sign3A : i32
    %sign3A_8 = arith.extui %sign3A_7 : i1 to i32
    %sign3A_9 = arith.constant 0 : i32
    %sign3A_10 = arith.cmpi slt, %get3A_6, %sign3A_9 : i32
    %sign3A_11 = arith.extui %sign3A_10 : i1 to i32
    %sign3A_12 = arith.subi %sign3A_8, %sign3A_11 : i32
    %sign3A_13 = arith.constant 0 : i32
    %sign3A_14 = arith.cmpi sgt, %jit3A, %sign3A_13 : i32
    %sign3A_15 = arith.extui %sign3A_14 : i1 to i32
    %sign3A_16 = arith.constant 0 : i32
    %sign3A_17 = arith.cmpi slt, %jit3A, %sign3A_16 : i32
    %sign3A_18 = arith.extui %sign3A_17 : i1 to i32
    %sign3A_19 = arith.subi %sign3A_15, %sign3A_18 : i32
    %ne3A = arith.cmpi ne, %sign3A_12, %sign3A_19 : i32
    %rem3A = arith.remsi %get3A_6, %jit3A : i32
    %ne3A_20 = arith.constant 0 : i32
    %ne3A_21 = arith.cmpi ne, %rem3A, %ne3A_20 : i32
    %and3A = arith.andi %ne3A, %ne3A_21 : i1
    %sub3A = arith.constant 1 : i32
    %sub3A_22 = arith.subi %div3A, %sub3A : i32
    %select_n3A = arith.select %and3A, %sub3A_22, %div3A : i32
    %c0_i32 = arith.constant 0 : i32
    return %add3A_1, %select_n3A : i32, i32
  }
  func.func @transform_109(%arg0: i32, %arg1: memref<128xi32, #tpu.memory_space<smem>>) -> (i32, i32) {
    %mul3A = arith.constant 16 : i32
    %mul3A_0 = arith.muli %arg0, %mul3A : i32
    %add3A = arith.constant 13 : i32
    %add3A_1 = arith.addi %mul3A_0, %add3A : i32
    %mul3A_2 = arith.constant 128 : i32
    %mul3A_3 = arith.muli %arg0, %mul3A_2 : i32
    %add3A_4 = arith.constant 109 : i32
    %add3A_5 = arith.addi %mul3A_3, %add3A_4 : i32
    %get3A = arith.index_cast %add3A_5 : i32 to index
    %get3A_6 = memref.load %arg1[%get3A] : memref<128xi32, #tpu.memory_space<smem>>
    %jit3A = arith.constant 128 : i32
    %div3A = arith.divsi %get3A_6, %jit3A : i32
    %sign3A = arith.constant 0 : i32
    %sign3A_7 = arith.cmpi sgt, %get3A_6, %sign3A : i32
    %sign3A_8 = arith.extui %sign3A_7 : i1 to i32
    %sign3A_9 = arith.constant 0 : i32
    %sign3A_10 = arith.cmpi slt, %get3A_6, %sign3A_9 : i32
    %sign3A_11 = arith.extui %sign3A_10 : i1 to i32
    %sign3A_12 = arith.subi %sign3A_8, %sign3A_11 : i32
    %sign3A_13 = arith.constant 0 : i32
    %sign3A_14 = arith.cmpi sgt, %jit3A, %sign3A_13 : i32
    %sign3A_15 = arith.extui %sign3A_14 : i1 to i32
    %sign3A_16 = arith.constant 0 : i32
    %sign3A_17 = arith.cmpi slt, %jit3A, %sign3A_16 : i32
    %sign3A_18 = arith.extui %sign3A_17 : i1 to i32
    %sign3A_19 = arith.subi %sign3A_15, %sign3A_18 : i32
    %ne3A = arith.cmpi ne, %sign3A_12, %sign3A_19 : i32
    %rem3A = arith.remsi %get3A_6, %jit3A : i32
    %ne3A_20 = arith.constant 0 : i32
    %ne3A_21 = arith.cmpi ne, %rem3A, %ne3A_20 : i32
    %and3A = arith.andi %ne3A, %ne3A_21 : i1
    %sub3A = arith.constant 1 : i32
    %sub3A_22 = arith.subi %div3A, %sub3A : i32
    %select_n3A = arith.select %and3A, %sub3A_22, %div3A : i32
    %c0_i32 = arith.constant 0 : i32
    return %add3A_1, %select_n3A : i32, i32
  }
  func.func @transform_110(%arg0: i32, %arg1: memref<128xi32, #tpu.memory_space<smem>>) -> (i32, i32) {
    %mul3A = arith.constant 16 : i32
    %mul3A_0 = arith.muli %arg0, %mul3A : i32
    %add3A = arith.constant 13 : i32
    %add3A_1 = arith.addi %mul3A_0, %add3A : i32
    %mul3A_2 = arith.constant 128 : i32
    %mul3A_3 = arith.muli %arg0, %mul3A_2 : i32
    %add3A_4 = arith.constant 110 : i32
    %add3A_5 = arith.addi %mul3A_3, %add3A_4 : i32
    %get3A = arith.index_cast %add3A_5 : i32 to index
    %get3A_6 = memref.load %arg1[%get3A] : memref<128xi32, #tpu.memory_space<smem>>
    %jit3A = arith.constant 128 : i32
    %div3A = arith.divsi %get3A_6, %jit3A : i32
    %sign3A = arith.constant 0 : i32
    %sign3A_7 = arith.cmpi sgt, %get3A_6, %sign3A : i32
    %sign3A_8 = arith.extui %sign3A_7 : i1 to i32
    %sign3A_9 = arith.constant 0 : i32
    %sign3A_10 = arith.cmpi slt, %get3A_6, %sign3A_9 : i32
    %sign3A_11 = arith.extui %sign3A_10 : i1 to i32
    %sign3A_12 = arith.subi %sign3A_8, %sign3A_11 : i32
    %sign3A_13 = arith.constant 0 : i32
    %sign3A_14 = arith.cmpi sgt, %jit3A, %sign3A_13 : i32
    %sign3A_15 = arith.extui %sign3A_14 : i1 to i32
    %sign3A_16 = arith.constant 0 : i32
    %sign3A_17 = arith.cmpi slt, %jit3A, %sign3A_16 : i32
    %sign3A_18 = arith.extui %sign3A_17 : i1 to i32
    %sign3A_19 = arith.subi %sign3A_15, %sign3A_18 : i32
    %ne3A = arith.cmpi ne, %sign3A_12, %sign3A_19 : i32
    %rem3A = arith.remsi %get3A_6, %jit3A : i32
    %ne3A_20 = arith.constant 0 : i32
    %ne3A_21 = arith.cmpi ne, %rem3A, %ne3A_20 : i32
    %and3A = arith.andi %ne3A, %ne3A_21 : i1
    %sub3A = arith.constant 1 : i32
    %sub3A_22 = arith.subi %div3A, %sub3A : i32
    %select_n3A = arith.select %and3A, %sub3A_22, %div3A : i32
    %c0_i32 = arith.constant 0 : i32
    return %add3A_1, %select_n3A : i32, i32
  }
  func.func @transform_111(%arg0: i32, %arg1: memref<128xi32, #tpu.memory_space<smem>>) -> (i32, i32) {
    %mul3A = arith.constant 16 : i32
    %mul3A_0 = arith.muli %arg0, %mul3A : i32
    %add3A = arith.constant 13 : i32
    %add3A_1 = arith.addi %mul3A_0, %add3A : i32
    %mul3A_2 = arith.constant 128 : i32
    %mul3A_3 = arith.muli %arg0, %mul3A_2 : i32
    %add3A_4 = arith.constant 111 : i32
    %add3A_5 = arith.addi %mul3A_3, %add3A_4 : i32
    %get3A = arith.index_cast %add3A_5 : i32 to index
    %get3A_6 = memref.load %arg1[%get3A] : memref<128xi32, #tpu.memory_space<smem>>
    %jit3A = arith.constant 128 : i32
    %div3A = arith.divsi %get3A_6, %jit3A : i32
    %sign3A = arith.constant 0 : i32
    %sign3A_7 = arith.cmpi sgt, %get3A_6, %sign3A : i32
    %sign3A_8 = arith.extui %sign3A_7 : i1 to i32
    %sign3A_9 = arith.constant 0 : i32
    %sign3A_10 = arith.cmpi slt, %get3A_6, %sign3A_9 : i32
    %sign3A_11 = arith.extui %sign3A_10 : i1 to i32
    %sign3A_12 = arith.subi %sign3A_8, %sign3A_11 : i32
    %sign3A_13 = arith.constant 0 : i32
    %sign3A_14 = arith.cmpi sgt, %jit3A, %sign3A_13 : i32
    %sign3A_15 = arith.extui %sign3A_14 : i1 to i32
    %sign3A_16 = arith.constant 0 : i32
    %sign3A_17 = arith.cmpi slt, %jit3A, %sign3A_16 : i32
    %sign3A_18 = arith.extui %sign3A_17 : i1 to i32
    %sign3A_19 = arith.subi %sign3A_15, %sign3A_18 : i32
    %ne3A = arith.cmpi ne, %sign3A_12, %sign3A_19 : i32
    %rem3A = arith.remsi %get3A_6, %jit3A : i32
    %ne3A_20 = arith.constant 0 : i32
    %ne3A_21 = arith.cmpi ne, %rem3A, %ne3A_20 : i32
    %and3A = arith.andi %ne3A, %ne3A_21 : i1
    %sub3A = arith.constant 1 : i32
    %sub3A_22 = arith.subi %div3A, %sub3A : i32
    %select_n3A = arith.select %and3A, %sub3A_22, %div3A : i32
    %c0_i32 = arith.constant 0 : i32
    return %add3A_1, %select_n3A : i32, i32
  }
  func.func @transform_112(%arg0: i32, %arg1: memref<128xi32, #tpu.memory_space<smem>>) -> (i32, i32) {
    %mul3A = arith.constant 16 : i32
    %mul3A_0 = arith.muli %arg0, %mul3A : i32
    %add3A = arith.constant 14 : i32
    %add3A_1 = arith.addi %mul3A_0, %add3A : i32
    %mul3A_2 = arith.constant 128 : i32
    %mul3A_3 = arith.muli %arg0, %mul3A_2 : i32
    %add3A_4 = arith.constant 112 : i32
    %add3A_5 = arith.addi %mul3A_3, %add3A_4 : i32
    %get3A = arith.index_cast %add3A_5 : i32 to index
    %get3A_6 = memref.load %arg1[%get3A] : memref<128xi32, #tpu.memory_space<smem>>
    %jit3A = arith.constant 128 : i32
    %div3A = arith.divsi %get3A_6, %jit3A : i32
    %sign3A = arith.constant 0 : i32
    %sign3A_7 = arith.cmpi sgt, %get3A_6, %sign3A : i32
    %sign3A_8 = arith.extui %sign3A_7 : i1 to i32
    %sign3A_9 = arith.constant 0 : i32
    %sign3A_10 = arith.cmpi slt, %get3A_6, %sign3A_9 : i32
    %sign3A_11 = arith.extui %sign3A_10 : i1 to i32
    %sign3A_12 = arith.subi %sign3A_8, %sign3A_11 : i32
    %sign3A_13 = arith.constant 0 : i32
    %sign3A_14 = arith.cmpi sgt, %jit3A, %sign3A_13 : i32
    %sign3A_15 = arith.extui %sign3A_14 : i1 to i32
    %sign3A_16 = arith.constant 0 : i32
    %sign3A_17 = arith.cmpi slt, %jit3A, %sign3A_16 : i32
    %sign3A_18 = arith.extui %sign3A_17 : i1 to i32
    %sign3A_19 = arith.subi %sign3A_15, %sign3A_18 : i32
    %ne3A = arith.cmpi ne, %sign3A_12, %sign3A_19 : i32
    %rem3A = arith.remsi %get3A_6, %jit3A : i32
    %ne3A_20 = arith.constant 0 : i32
    %ne3A_21 = arith.cmpi ne, %rem3A, %ne3A_20 : i32
    %and3A = arith.andi %ne3A, %ne3A_21 : i1
    %sub3A = arith.constant 1 : i32
    %sub3A_22 = arith.subi %div3A, %sub3A : i32
    %select_n3A = arith.select %and3A, %sub3A_22, %div3A : i32
    %c0_i32 = arith.constant 0 : i32
    return %add3A_1, %select_n3A : i32, i32
  }
  func.func @transform_113(%arg0: i32, %arg1: memref<128xi32, #tpu.memory_space<smem>>) -> (i32, i32) {
    %mul3A = arith.constant 16 : i32
    %mul3A_0 = arith.muli %arg0, %mul3A : i32
    %add3A = arith.constant 14 : i32
    %add3A_1 = arith.addi %mul3A_0, %add3A : i32
    %mul3A_2 = arith.constant 128 : i32
    %mul3A_3 = arith.muli %arg0, %mul3A_2 : i32
    %add3A_4 = arith.constant 113 : i32
    %add3A_5 = arith.addi %mul3A_3, %add3A_4 : i32
    %get3A = arith.index_cast %add3A_5 : i32 to index
    %get3A_6 = memref.load %arg1[%get3A] : memref<128xi32, #tpu.memory_space<smem>>
    %jit3A = arith.constant 128 : i32
    %div3A = arith.divsi %get3A_6, %jit3A : i32
    %sign3A = arith.constant 0 : i32
    %sign3A_7 = arith.cmpi sgt, %get3A_6, %sign3A : i32
    %sign3A_8 = arith.extui %sign3A_7 : i1 to i32
    %sign3A_9 = arith.constant 0 : i32
    %sign3A_10 = arith.cmpi slt, %get3A_6, %sign3A_9 : i32
    %sign3A_11 = arith.extui %sign3A_10 : i1 to i32
    %sign3A_12 = arith.subi %sign3A_8, %sign3A_11 : i32
    %sign3A_13 = arith.constant 0 : i32
    %sign3A_14 = arith.cmpi sgt, %jit3A, %sign3A_13 : i32
    %sign3A_15 = arith.extui %sign3A_14 : i1 to i32
    %sign3A_16 = arith.constant 0 : i32
    %sign3A_17 = arith.cmpi slt, %jit3A, %sign3A_16 : i32
    %sign3A_18 = arith.extui %sign3A_17 : i1 to i32
    %sign3A_19 = arith.subi %sign3A_15, %sign3A_18 : i32
    %ne3A = arith.cmpi ne, %sign3A_12, %sign3A_19 : i32
    %rem3A = arith.remsi %get3A_6, %jit3A : i32
    %ne3A_20 = arith.constant 0 : i32
    %ne3A_21 = arith.cmpi ne, %rem3A, %ne3A_20 : i32
    %and3A = arith.andi %ne3A, %ne3A_21 : i1
    %sub3A = arith.constant 1 : i32
    %sub3A_22 = arith.subi %div3A, %sub3A : i32
    %select_n3A = arith.select %and3A, %sub3A_22, %div3A : i32
    %c0_i32 = arith.constant 0 : i32
    return %add3A_1, %select_n3A : i32, i32
  }
  func.func @transform_114(%arg0: i32, %arg1: memref<128xi32, #tpu.memory_space<smem>>) -> (i32, i32) {
    %mul3A = arith.constant 16 : i32
    %mul3A_0 = arith.muli %arg0, %mul3A : i32
    %add3A = arith.constant 14 : i32
    %add3A_1 = arith.addi %mul3A_0, %add3A : i32
    %mul3A_2 = arith.constant 128 : i32
    %mul3A_3 = arith.muli %arg0, %mul3A_2 : i32
    %add3A_4 = arith.constant 114 : i32
    %add3A_5 = arith.addi %mul3A_3, %add3A_4 : i32
    %get3A = arith.index_cast %add3A_5 : i32 to index
    %get3A_6 = memref.load %arg1[%get3A] : memref<128xi32, #tpu.memory_space<smem>>
    %jit3A = arith.constant 128 : i32
    %div3A = arith.divsi %get3A_6, %jit3A : i32
    %sign3A = arith.constant 0 : i32
    %sign3A_7 = arith.cmpi sgt, %get3A_6, %sign3A : i32
    %sign3A_8 = arith.extui %sign3A_7 : i1 to i32
    %sign3A_9 = arith.constant 0 : i32
    %sign3A_10 = arith.cmpi slt, %get3A_6, %sign3A_9 : i32
    %sign3A_11 = arith.extui %sign3A_10 : i1 to i32
    %sign3A_12 = arith.subi %sign3A_8, %sign3A_11 : i32
    %sign3A_13 = arith.constant 0 : i32
    %sign3A_14 = arith.cmpi sgt, %jit3A, %sign3A_13 : i32
    %sign3A_15 = arith.extui %sign3A_14 : i1 to i32
    %sign3A_16 = arith.constant 0 : i32
    %sign3A_17 = arith.cmpi slt, %jit3A, %sign3A_16 : i32
    %sign3A_18 = arith.extui %sign3A_17 : i1 to i32
    %sign3A_19 = arith.subi %sign3A_15, %sign3A_18 : i32
    %ne3A = arith.cmpi ne, %sign3A_12, %sign3A_19 : i32
    %rem3A = arith.remsi %get3A_6, %jit3A : i32
    %ne3A_20 = arith.constant 0 : i32
    %ne3A_21 = arith.cmpi ne, %rem3A, %ne3A_20 : i32
    %and3A = arith.andi %ne3A, %ne3A_21 : i1
    %sub3A = arith.constant 1 : i32
    %sub3A_22 = arith.subi %div3A, %sub3A : i32
    %select_n3A = arith.select %and3A, %sub3A_22, %div3A : i32
    %c0_i32 = arith.constant 0 : i32
    return %add3A_1, %select_n3A : i32, i32
  }
  func.func @transform_115(%arg0: i32, %arg1: memref<128xi32, #tpu.memory_space<smem>>) -> (i32, i32) {
    %mul3A = arith.constant 16 : i32
    %mul3A_0 = arith.muli %arg0, %mul3A : i32
    %add3A = arith.constant 14 : i32
    %add3A_1 = arith.addi %mul3A_0, %add3A : i32
    %mul3A_2 = arith.constant 128 : i32
    %mul3A_3 = arith.muli %arg0, %mul3A_2 : i32
    %add3A_4 = arith.constant 115 : i32
    %add3A_5 = arith.addi %mul3A_3, %add3A_4 : i32
    %get3A = arith.index_cast %add3A_5 : i32 to index
    %get3A_6 = memref.load %arg1[%get3A] : memref<128xi32, #tpu.memory_space<smem>>
    %jit3A = arith.constant 128 : i32
    %div3A = arith.divsi %get3A_6, %jit3A : i32
    %sign3A = arith.constant 0 : i32
    %sign3A_7 = arith.cmpi sgt, %get3A_6, %sign3A : i32
    %sign3A_8 = arith.extui %sign3A_7 : i1 to i32
    %sign3A_9 = arith.constant 0 : i32
    %sign3A_10 = arith.cmpi slt, %get3A_6, %sign3A_9 : i32
    %sign3A_11 = arith.extui %sign3A_10 : i1 to i32
    %sign3A_12 = arith.subi %sign3A_8, %sign3A_11 : i32
    %sign3A_13 = arith.constant 0 : i32
    %sign3A_14 = arith.cmpi sgt, %jit3A, %sign3A_13 : i32
    %sign3A_15 = arith.extui %sign3A_14 : i1 to i32
    %sign3A_16 = arith.constant 0 : i32
    %sign3A_17 = arith.cmpi slt, %jit3A, %sign3A_16 : i32
    %sign3A_18 = arith.extui %sign3A_17 : i1 to i32
    %sign3A_19 = arith.subi %sign3A_15, %sign3A_18 : i32
    %ne3A = arith.cmpi ne, %sign3A_12, %sign3A_19 : i32
    %rem3A = arith.remsi %get3A_6, %jit3A : i32
    %ne3A_20 = arith.constant 0 : i32
    %ne3A_21 = arith.cmpi ne, %rem3A, %ne3A_20 : i32
    %and3A = arith.andi %ne3A, %ne3A_21 : i1
    %sub3A = arith.constant 1 : i32
    %sub3A_22 = arith.subi %div3A, %sub3A : i32
    %select_n3A = arith.select %and3A, %sub3A_22, %div3A : i32
    %c0_i32 = arith.constant 0 : i32
    return %add3A_1, %select_n3A : i32, i32
  }
  func.func @transform_116(%arg0: i32, %arg1: memref<128xi32, #tpu.memory_space<smem>>) -> (i32, i32) {
    %mul3A = arith.constant 16 : i32
    %mul3A_0 = arith.muli %arg0, %mul3A : i32
    %add3A = arith.constant 14 : i32
    %add3A_1 = arith.addi %mul3A_0, %add3A : i32
    %mul3A_2 = arith.constant 128 : i32
    %mul3A_3 = arith.muli %arg0, %mul3A_2 : i32
    %add3A_4 = arith.constant 116 : i32
    %add3A_5 = arith.addi %mul3A_3, %add3A_4 : i32
    %get3A = arith.index_cast %add3A_5 : i32 to index
    %get3A_6 = memref.load %arg1[%get3A] : memref<128xi32, #tpu.memory_space<smem>>
    %jit3A = arith.constant 128 : i32
    %div3A = arith.divsi %get3A_6, %jit3A : i32
    %sign3A = arith.constant 0 : i32
    %sign3A_7 = arith.cmpi sgt, %get3A_6, %sign3A : i32
    %sign3A_8 = arith.extui %sign3A_7 : i1 to i32
    %sign3A_9 = arith.constant 0 : i32
    %sign3A_10 = arith.cmpi slt, %get3A_6, %sign3A_9 : i32
    %sign3A_11 = arith.extui %sign3A_10 : i1 to i32
    %sign3A_12 = arith.subi %sign3A_8, %sign3A_11 : i32
    %sign3A_13 = arith.constant 0 : i32
    %sign3A_14 = arith.cmpi sgt, %jit3A, %sign3A_13 : i32
    %sign3A_15 = arith.extui %sign3A_14 : i1 to i32
    %sign3A_16 = arith.constant 0 : i32
    %sign3A_17 = arith.cmpi slt, %jit3A, %sign3A_16 : i32
    %sign3A_18 = arith.extui %sign3A_17 : i1 to i32
    %sign3A_19 = arith.subi %sign3A_15, %sign3A_18 : i32
    %ne3A = arith.cmpi ne, %sign3A_12, %sign3A_19 : i32
    %rem3A = arith.remsi %get3A_6, %jit3A : i32
    %ne3A_20 = arith.constant 0 : i32
    %ne3A_21 = arith.cmpi ne, %rem3A, %ne3A_20 : i32
    %and3A = arith.andi %ne3A, %ne3A_21 : i1
    %sub3A = arith.constant 1 : i32
    %sub3A_22 = arith.subi %div3A, %sub3A : i32
    %select_n3A = arith.select %and3A, %sub3A_22, %div3A : i32
    %c0_i32 = arith.constant 0 : i32
    return %add3A_1, %select_n3A : i32, i32
  }
  func.func @transform_117(%arg0: i32, %arg1: memref<128xi32, #tpu.memory_space<smem>>) -> (i32, i32) {
    %mul3A = arith.constant 16 : i32
    %mul3A_0 = arith.muli %arg0, %mul3A : i32
    %add3A = arith.constant 14 : i32
    %add3A_1 = arith.addi %mul3A_0, %add3A : i32
    %mul3A_2 = arith.constant 128 : i32
    %mul3A_3 = arith.muli %arg0, %mul3A_2 : i32
    %add3A_4 = arith.constant 117 : i32
    %add3A_5 = arith.addi %mul3A_3, %add3A_4 : i32
    %get3A = arith.index_cast %add3A_5 : i32 to index
    %get3A_6 = memref.load %arg1[%get3A] : memref<128xi32, #tpu.memory_space<smem>>
    %jit3A = arith.constant 128 : i32
    %div3A = arith.divsi %get3A_6, %jit3A : i32
    %sign3A = arith.constant 0 : i32
    %sign3A_7 = arith.cmpi sgt, %get3A_6, %sign3A : i32
    %sign3A_8 = arith.extui %sign3A_7 : i1 to i32
    %sign3A_9 = arith.constant 0 : i32
    %sign3A_10 = arith.cmpi slt, %get3A_6, %sign3A_9 : i32
    %sign3A_11 = arith.extui %sign3A_10 : i1 to i32
    %sign3A_12 = arith.subi %sign3A_8, %sign3A_11 : i32
    %sign3A_13 = arith.constant 0 : i32
    %sign3A_14 = arith.cmpi sgt, %jit3A, %sign3A_13 : i32
    %sign3A_15 = arith.extui %sign3A_14 : i1 to i32
    %sign3A_16 = arith.constant 0 : i32
    %sign3A_17 = arith.cmpi slt, %jit3A, %sign3A_16 : i32
    %sign3A_18 = arith.extui %sign3A_17 : i1 to i32
    %sign3A_19 = arith.subi %sign3A_15, %sign3A_18 : i32
    %ne3A = arith.cmpi ne, %sign3A_12, %sign3A_19 : i32
    %rem3A = arith.remsi %get3A_6, %jit3A : i32
    %ne3A_20 = arith.constant 0 : i32
    %ne3A_21 = arith.cmpi ne, %rem3A, %ne3A_20 : i32
    %and3A = arith.andi %ne3A, %ne3A_21 : i1
    %sub3A = arith.constant 1 : i32
    %sub3A_22 = arith.subi %div3A, %sub3A : i32
    %select_n3A = arith.select %and3A, %sub3A_22, %div3A : i32
    %c0_i32 = arith.constant 0 : i32
    return %add3A_1, %select_n3A : i32, i32
  }
  func.func @transform_118(%arg0: i32, %arg1: memref<128xi32, #tpu.memory_space<smem>>) -> (i32, i32) {
    %mul3A = arith.constant 16 : i32
    %mul3A_0 = arith.muli %arg0, %mul3A : i32
    %add3A = arith.constant 14 : i32
    %add3A_1 = arith.addi %mul3A_0, %add3A : i32
    %mul3A_2 = arith.constant 128 : i32
    %mul3A_3 = arith.muli %arg0, %mul3A_2 : i32
    %add3A_4 = arith.constant 118 : i32
    %add3A_5 = arith.addi %mul3A_3, %add3A_4 : i32
    %get3A = arith.index_cast %add3A_5 : i32 to index
    %get3A_6 = memref.load %arg1[%get3A] : memref<128xi32, #tpu.memory_space<smem>>
    %jit3A = arith.constant 128 : i32
    %div3A = arith.divsi %get3A_6, %jit3A : i32
    %sign3A = arith.constant 0 : i32
    %sign3A_7 = arith.cmpi sgt, %get3A_6, %sign3A : i32
    %sign3A_8 = arith.extui %sign3A_7 : i1 to i32
    %sign3A_9 = arith.constant 0 : i32
    %sign3A_10 = arith.cmpi slt, %get3A_6, %sign3A_9 : i32
    %sign3A_11 = arith.extui %sign3A_10 : i1 to i32
    %sign3A_12 = arith.subi %sign3A_8, %sign3A_11 : i32
    %sign3A_13 = arith.constant 0 : i32
    %sign3A_14 = arith.cmpi sgt, %jit3A, %sign3A_13 : i32
    %sign3A_15 = arith.extui %sign3A_14 : i1 to i32
    %sign3A_16 = arith.constant 0 : i32
    %sign3A_17 = arith.cmpi slt, %jit3A, %sign3A_16 : i32
    %sign3A_18 = arith.extui %sign3A_17 : i1 to i32
    %sign3A_19 = arith.subi %sign3A_15, %sign3A_18 : i32
    %ne3A = arith.cmpi ne, %sign3A_12, %sign3A_19 : i32
    %rem3A = arith.remsi %get3A_6, %jit3A : i32
    %ne3A_20 = arith.constant 0 : i32
    %ne3A_21 = arith.cmpi ne, %rem3A, %ne3A_20 : i32
    %and3A = arith.andi %ne3A, %ne3A_21 : i1
    %sub3A = arith.constant 1 : i32
    %sub3A_22 = arith.subi %div3A, %sub3A : i32
    %select_n3A = arith.select %and3A, %sub3A_22, %div3A : i32
    %c0_i32 = arith.constant 0 : i32
    return %add3A_1, %select_n3A : i32, i32
  }
  func.func @transform_119(%arg0: i32, %arg1: memref<128xi32, #tpu.memory_space<smem>>) -> (i32, i32) {
    %mul3A = arith.constant 16 : i32
    %mul3A_0 = arith.muli %arg0, %mul3A : i32
    %add3A = arith.constant 14 : i32
    %add3A_1 = arith.addi %mul3A_0, %add3A : i32
    %mul3A_2 = arith.constant 128 : i32
    %mul3A_3 = arith.muli %arg0, %mul3A_2 : i32
    %add3A_4 = arith.constant 119 : i32
    %add3A_5 = arith.addi %mul3A_3, %add3A_4 : i32
    %get3A = arith.index_cast %add3A_5 : i32 to index
    %get3A_6 = memref.load %arg1[%get3A] : memref<128xi32, #tpu.memory_space<smem>>
    %jit3A = arith.constant 128 : i32
    %div3A = arith.divsi %get3A_6, %jit3A : i32
    %sign3A = arith.constant 0 : i32
    %sign3A_7 = arith.cmpi sgt, %get3A_6, %sign3A : i32
    %sign3A_8 = arith.extui %sign3A_7 : i1 to i32
    %sign3A_9 = arith.constant 0 : i32
    %sign3A_10 = arith.cmpi slt, %get3A_6, %sign3A_9 : i32
    %sign3A_11 = arith.extui %sign3A_10 : i1 to i32
    %sign3A_12 = arith.subi %sign3A_8, %sign3A_11 : i32
    %sign3A_13 = arith.constant 0 : i32
    %sign3A_14 = arith.cmpi sgt, %jit3A, %sign3A_13 : i32
    %sign3A_15 = arith.extui %sign3A_14 : i1 to i32
    %sign3A_16 = arith.constant 0 : i32
    %sign3A_17 = arith.cmpi slt, %jit3A, %sign3A_16 : i32
    %sign3A_18 = arith.extui %sign3A_17 : i1 to i32
    %sign3A_19 = arith.subi %sign3A_15, %sign3A_18 : i32
    %ne3A = arith.cmpi ne, %sign3A_12, %sign3A_19 : i32
    %rem3A = arith.remsi %get3A_6, %jit3A : i32
    %ne3A_20 = arith.constant 0 : i32
    %ne3A_21 = arith.cmpi ne, %rem3A, %ne3A_20 : i32
    %and3A = arith.andi %ne3A, %ne3A_21 : i1
    %sub3A = arith.constant 1 : i32
    %sub3A_22 = arith.subi %div3A, %sub3A : i32
    %select_n3A = arith.select %and3A, %sub3A_22, %div3A : i32
    %c0_i32 = arith.constant 0 : i32
    return %add3A_1, %select_n3A : i32, i32
  }
  func.func @transform_120(%arg0: i32, %arg1: memref<128xi32, #tpu.memory_space<smem>>) -> (i32, i32) {
    %mul3A = arith.constant 16 : i32
    %mul3A_0 = arith.muli %arg0, %mul3A : i32
    %add3A = arith.constant 15 : i32
    %add3A_1 = arith.addi %mul3A_0, %add3A : i32
    %mul3A_2 = arith.constant 128 : i32
    %mul3A_3 = arith.muli %arg0, %mul3A_2 : i32
    %add3A_4 = arith.constant 120 : i32
    %add3A_5 = arith.addi %mul3A_3, %add3A_4 : i32
    %get3A = arith.index_cast %add3A_5 : i32 to index
    %get3A_6 = memref.load %arg1[%get3A] : memref<128xi32, #tpu.memory_space<smem>>
    %jit3A = arith.constant 128 : i32
    %div3A = arith.divsi %get3A_6, %jit3A : i32
    %sign3A = arith.constant 0 : i32
    %sign3A_7 = arith.cmpi sgt, %get3A_6, %sign3A : i32
    %sign3A_8 = arith.extui %sign3A_7 : i1 to i32
    %sign3A_9 = arith.constant 0 : i32
    %sign3A_10 = arith.cmpi slt, %get3A_6, %sign3A_9 : i32
    %sign3A_11 = arith.extui %sign3A_10 : i1 to i32
    %sign3A_12 = arith.subi %sign3A_8, %sign3A_11 : i32
    %sign3A_13 = arith.constant 0 : i32
    %sign3A_14 = arith.cmpi sgt, %jit3A, %sign3A_13 : i32
    %sign3A_15 = arith.extui %sign3A_14 : i1 to i32
    %sign3A_16 = arith.constant 0 : i32
    %sign3A_17 = arith.cmpi slt, %jit3A, %sign3A_16 : i32
    %sign3A_18 = arith.extui %sign3A_17 : i1 to i32
    %sign3A_19 = arith.subi %sign3A_15, %sign3A_18 : i32
    %ne3A = arith.cmpi ne, %sign3A_12, %sign3A_19 : i32
    %rem3A = arith.remsi %get3A_6, %jit3A : i32
    %ne3A_20 = arith.constant 0 : i32
    %ne3A_21 = arith.cmpi ne, %rem3A, %ne3A_20 : i32
    %and3A = arith.andi %ne3A, %ne3A_21 : i1
    %sub3A = arith.constant 1 : i32
    %sub3A_22 = arith.subi %div3A, %sub3A : i32
    %select_n3A = arith.select %and3A, %sub3A_22, %div3A : i32
    %c0_i32 = arith.constant 0 : i32
    return %add3A_1, %select_n3A : i32, i32
  }
  func.func @transform_121(%arg0: i32, %arg1: memref<128xi32, #tpu.memory_space<smem>>) -> (i32, i32) {
    %mul3A = arith.constant 16 : i32
    %mul3A_0 = arith.muli %arg0, %mul3A : i32
    %add3A = arith.constant 15 : i32
    %add3A_1 = arith.addi %mul3A_0, %add3A : i32
    %mul3A_2 = arith.constant 128 : i32
    %mul3A_3 = arith.muli %arg0, %mul3A_2 : i32
    %add3A_4 = arith.constant 121 : i32
    %add3A_5 = arith.addi %mul3A_3, %add3A_4 : i32
    %get3A = arith.index_cast %add3A_5 : i32 to index
    %get3A_6 = memref.load %arg1[%get3A] : memref<128xi32, #tpu.memory_space<smem>>
    %jit3A = arith.constant 128 : i32
    %div3A = arith.divsi %get3A_6, %jit3A : i32
    %sign3A = arith.constant 0 : i32
    %sign3A_7 = arith.cmpi sgt, %get3A_6, %sign3A : i32
    %sign3A_8 = arith.extui %sign3A_7 : i1 to i32
    %sign3A_9 = arith.constant 0 : i32
    %sign3A_10 = arith.cmpi slt, %get3A_6, %sign3A_9 : i32
    %sign3A_11 = arith.extui %sign3A_10 : i1 to i32
    %sign3A_12 = arith.subi %sign3A_8, %sign3A_11 : i32
    %sign3A_13 = arith.constant 0 : i32
    %sign3A_14 = arith.cmpi sgt, %jit3A, %sign3A_13 : i32
    %sign3A_15 = arith.extui %sign3A_14 : i1 to i32
    %sign3A_16 = arith.constant 0 : i32
    %sign3A_17 = arith.cmpi slt, %jit3A, %sign3A_16 : i32
    %sign3A_18 = arith.extui %sign3A_17 : i1 to i32
    %sign3A_19 = arith.subi %sign3A_15, %sign3A_18 : i32
    %ne3A = arith.cmpi ne, %sign3A_12, %sign3A_19 : i32
    %rem3A = arith.remsi %get3A_6, %jit3A : i32
    %ne3A_20 = arith.constant 0 : i32
    %ne3A_21 = arith.cmpi ne, %rem3A, %ne3A_20 : i32
    %and3A = arith.andi %ne3A, %ne3A_21 : i1
    %sub3A = arith.constant 1 : i32
    %sub3A_22 = arith.subi %div3A, %sub3A : i32
    %select_n3A = arith.select %and3A, %sub3A_22, %div3A : i32
    %c0_i32 = arith.constant 0 : i32
    return %add3A_1, %select_n3A : i32, i32
  }
  func.func @transform_122(%arg0: i32, %arg1: memref<128xi32, #tpu.memory_space<smem>>) -> (i32, i32) {
    %mul3A = arith.constant 16 : i32
    %mul3A_0 = arith.muli %arg0, %mul3A : i32
    %add3A = arith.constant 15 : i32
    %add3A_1 = arith.addi %mul3A_0, %add3A : i32
    %mul3A_2 = arith.constant 128 : i32
    %mul3A_3 = arith.muli %arg0, %mul3A_2 : i32
    %add3A_4 = arith.constant 122 : i32
    %add3A_5 = arith.addi %mul3A_3, %add3A_4 : i32
    %get3A = arith.index_cast %add3A_5 : i32 to index
    %get3A_6 = memref.load %arg1[%get3A] : memref<128xi32, #tpu.memory_space<smem>>
    %jit3A = arith.constant 128 : i32
    %div3A = arith.divsi %get3A_6, %jit3A : i32
    %sign3A = arith.constant 0 : i32
    %sign3A_7 = arith.cmpi sgt, %get3A_6, %sign3A : i32
    %sign3A_8 = arith.extui %sign3A_7 : i1 to i32
    %sign3A_9 = arith.constant 0 : i32
    %sign3A_10 = arith.cmpi slt, %get3A_6, %sign3A_9 : i32
    %sign3A_11 = arith.extui %sign3A_10 : i1 to i32
    %sign3A_12 = arith.subi %sign3A_8, %sign3A_11 : i32
    %sign3A_13 = arith.constant 0 : i32
    %sign3A_14 = arith.cmpi sgt, %jit3A, %sign3A_13 : i32
    %sign3A_15 = arith.extui %sign3A_14 : i1 to i32
    %sign3A_16 = arith.constant 0 : i32
    %sign3A_17 = arith.cmpi slt, %jit3A, %sign3A_16 : i32
    %sign3A_18 = arith.extui %sign3A_17 : i1 to i32
    %sign3A_19 = arith.subi %sign3A_15, %sign3A_18 : i32
    %ne3A = arith.cmpi ne, %sign3A_12, %sign3A_19 : i32
    %rem3A = arith.remsi %get3A_6, %jit3A : i32
    %ne3A_20 = arith.constant 0 : i32
    %ne3A_21 = arith.cmpi ne, %rem3A, %ne3A_20 : i32
    %and3A = arith.andi %ne3A, %ne3A_21 : i1
    %sub3A = arith.constant 1 : i32
    %sub3A_22 = arith.subi %div3A, %sub3A : i32
    %select_n3A = arith.select %and3A, %sub3A_22, %div3A : i32
    %c0_i32 = arith.constant 0 : i32
    return %add3A_1, %select_n3A : i32, i32
  }
  func.func @transform_123(%arg0: i32, %arg1: memref<128xi32, #tpu.memory_space<smem>>) -> (i32, i32) {
    %mul3A = arith.constant 16 : i32
    %mul3A_0 = arith.muli %arg0, %mul3A : i32
    %add3A = arith.constant 15 : i32
    %add3A_1 = arith.addi %mul3A_0, %add3A : i32
    %mul3A_2 = arith.constant 128 : i32
    %mul3A_3 = arith.muli %arg0, %mul3A_2 : i32
    %add3A_4 = arith.constant 123 : i32
    %add3A_5 = arith.addi %mul3A_3, %add3A_4 : i32
    %get3A = arith.index_cast %add3A_5 : i32 to index
    %get3A_6 = memref.load %arg1[%get3A] : memref<128xi32, #tpu.memory_space<smem>>
    %jit3A = arith.constant 128 : i32
    %div3A = arith.divsi %get3A_6, %jit3A : i32
    %sign3A = arith.constant 0 : i32
    %sign3A_7 = arith.cmpi sgt, %get3A_6, %sign3A : i32
    %sign3A_8 = arith.extui %sign3A_7 : i1 to i32
    %sign3A_9 = arith.constant 0 : i32
    %sign3A_10 = arith.cmpi slt, %get3A_6, %sign3A_9 : i32
    %sign3A_11 = arith.extui %sign3A_10 : i1 to i32
    %sign3A_12 = arith.subi %sign3A_8, %sign3A_11 : i32
    %sign3A_13 = arith.constant 0 : i32
    %sign3A_14 = arith.cmpi sgt, %jit3A, %sign3A_13 : i32
    %sign3A_15 = arith.extui %sign3A_14 : i1 to i32
    %sign3A_16 = arith.constant 0 : i32
    %sign3A_17 = arith.cmpi slt, %jit3A, %sign3A_16 : i32
    %sign3A_18 = arith.extui %sign3A_17 : i1 to i32
    %sign3A_19 = arith.subi %sign3A_15, %sign3A_18 : i32
    %ne3A = arith.cmpi ne, %sign3A_12, %sign3A_19 : i32
    %rem3A = arith.remsi %get3A_6, %jit3A : i32
    %ne3A_20 = arith.constant 0 : i32
    %ne3A_21 = arith.cmpi ne, %rem3A, %ne3A_20 : i32
    %and3A = arith.andi %ne3A, %ne3A_21 : i1
    %sub3A = arith.constant 1 : i32
    %sub3A_22 = arith.subi %div3A, %sub3A : i32
    %select_n3A = arith.select %and3A, %sub3A_22, %div3A : i32
    %c0_i32 = arith.constant 0 : i32
    return %add3A_1, %select_n3A : i32, i32
  }
  func.func @transform_124(%arg0: i32, %arg1: memref<128xi32, #tpu.memory_space<smem>>) -> (i32, i32) {
    %mul3A = arith.constant 16 : i32
    %mul3A_0 = arith.muli %arg0, %mul3A : i32
    %add3A = arith.constant 15 : i32
    %add3A_1 = arith.addi %mul3A_0, %add3A : i32
    %mul3A_2 = arith.constant 128 : i32
    %mul3A_3 = arith.muli %arg0, %mul3A_2 : i32
    %add3A_4 = arith.constant 124 : i32
    %add3A_5 = arith.addi %mul3A_3, %add3A_4 : i32
    %get3A = arith.index_cast %add3A_5 : i32 to index
    %get3A_6 = memref.load %arg1[%get3A] : memref<128xi32, #tpu.memory_space<smem>>
    %jit3A = arith.constant 128 : i32
    %div3A = arith.divsi %get3A_6, %jit3A : i32
    %sign3A = arith.constant 0 : i32
    %sign3A_7 = arith.cmpi sgt, %get3A_6, %sign3A : i32
    %sign3A_8 = arith.extui %sign3A_7 : i1 to i32
    %sign3A_9 = arith.constant 0 : i32
    %sign3A_10 = arith.cmpi slt, %get3A_6, %sign3A_9 : i32
    %sign3A_11 = arith.extui %sign3A_10 : i1 to i32
    %sign3A_12 = arith.subi %sign3A_8, %sign3A_11 : i32
    %sign3A_13 = arith.constant 0 : i32
    %sign3A_14 = arith.cmpi sgt, %jit3A, %sign3A_13 : i32
    %sign3A_15 = arith.extui %sign3A_14 : i1 to i32
    %sign3A_16 = arith.constant 0 : i32
    %sign3A_17 = arith.cmpi slt, %jit3A, %sign3A_16 : i32
    %sign3A_18 = arith.extui %sign3A_17 : i1 to i32
    %sign3A_19 = arith.subi %sign3A_15, %sign3A_18 : i32
    %ne3A = arith.cmpi ne, %sign3A_12, %sign3A_19 : i32
    %rem3A = arith.remsi %get3A_6, %jit3A : i32
    %ne3A_20 = arith.constant 0 : i32
    %ne3A_21 = arith.cmpi ne, %rem3A, %ne3A_20 : i32
    %and3A = arith.andi %ne3A, %ne3A_21 : i1
    %sub3A = arith.constant 1 : i32
    %sub3A_22 = arith.subi %div3A, %sub3A : i32
    %select_n3A = arith.select %and3A, %sub3A_22, %div3A : i32
    %c0_i32 = arith.constant 0 : i32
    return %add3A_1, %select_n3A : i32, i32
  }
  func.func @transform_125(%arg0: i32, %arg1: memref<128xi32, #tpu.memory_space<smem>>) -> (i32, i32) {
    %mul3A = arith.constant 16 : i32
    %mul3A_0 = arith.muli %arg0, %mul3A : i32
    %add3A = arith.constant 15 : i32
    %add3A_1 = arith.addi %mul3A_0, %add3A : i32
    %mul3A_2 = arith.constant 128 : i32
    %mul3A_3 = arith.muli %arg0, %mul3A_2 : i32
    %add3A_4 = arith.constant 125 : i32
    %add3A_5 = arith.addi %mul3A_3, %add3A_4 : i32
    %get3A = arith.index_cast %add3A_5 : i32 to index
    %get3A_6 = memref.load %arg1[%get3A] : memref<128xi32, #tpu.memory_space<smem>>
    %jit3A = arith.constant 128 : i32
    %div3A = arith.divsi %get3A_6, %jit3A : i32
    %sign3A = arith.constant 0 : i32
    %sign3A_7 = arith.cmpi sgt, %get3A_6, %sign3A : i32
    %sign3A_8 = arith.extui %sign3A_7 : i1 to i32
    %sign3A_9 = arith.constant 0 : i32
    %sign3A_10 = arith.cmpi slt, %get3A_6, %sign3A_9 : i32
    %sign3A_11 = arith.extui %sign3A_10 : i1 to i32
    %sign3A_12 = arith.subi %sign3A_8, %sign3A_11 : i32
    %sign3A_13 = arith.constant 0 : i32
    %sign3A_14 = arith.cmpi sgt, %jit3A, %sign3A_13 : i32
    %sign3A_15 = arith.extui %sign3A_14 : i1 to i32
    %sign3A_16 = arith.constant 0 : i32
    %sign3A_17 = arith.cmpi slt, %jit3A, %sign3A_16 : i32
    %sign3A_18 = arith.extui %sign3A_17 : i1 to i32
    %sign3A_19 = arith.subi %sign3A_15, %sign3A_18 : i32
    %ne3A = arith.cmpi ne, %sign3A_12, %sign3A_19 : i32
    %rem3A = arith.remsi %get3A_6, %jit3A : i32
    %ne3A_20 = arith.constant 0 : i32
    %ne3A_21 = arith.cmpi ne, %rem3A, %ne3A_20 : i32
    %and3A = arith.andi %ne3A, %ne3A_21 : i1
    %sub3A = arith.constant 1 : i32
    %sub3A_22 = arith.subi %div3A, %sub3A : i32
    %select_n3A = arith.select %and3A, %sub3A_22, %div3A : i32
    %c0_i32 = arith.constant 0 : i32
    return %add3A_1, %select_n3A : i32, i32
  }
  func.func @transform_126(%arg0: i32, %arg1: memref<128xi32, #tpu.memory_space<smem>>) -> (i32, i32) {
    %mul3A = arith.constant 16 : i32
    %mul3A_0 = arith.muli %arg0, %mul3A : i32
    %add3A = arith.constant 15 : i32
    %add3A_1 = arith.addi %mul3A_0, %add3A : i32
    %mul3A_2 = arith.constant 128 : i32
    %mul3A_3 = arith.muli %arg0, %mul3A_2 : i32
    %add3A_4 = arith.constant 126 : i32
    %add3A_5 = arith.addi %mul3A_3, %add3A_4 : i32
    %get3A = arith.index_cast %add3A_5 : i32 to index
    %get3A_6 = memref.load %arg1[%get3A] : memref<128xi32, #tpu.memory_space<smem>>
    %jit3A = arith.constant 128 : i32
    %div3A = arith.divsi %get3A_6, %jit3A : i32
    %sign3A = arith.constant 0 : i32
    %sign3A_7 = arith.cmpi sgt, %get3A_6, %sign3A : i32
    %sign3A_8 = arith.extui %sign3A_7 : i1 to i32
    %sign3A_9 = arith.constant 0 : i32
    %sign3A_10 = arith.cmpi slt, %get3A_6, %sign3A_9 : i32
    %sign3A_11 = arith.extui %sign3A_10 : i1 to i32
    %sign3A_12 = arith.subi %sign3A_8, %sign3A_11 : i32
    %sign3A_13 = arith.constant 0 : i32
    %sign3A_14 = arith.cmpi sgt, %jit3A, %sign3A_13 : i32
    %sign3A_15 = arith.extui %sign3A_14 : i1 to i32
    %sign3A_16 = arith.constant 0 : i32
    %sign3A_17 = arith.cmpi slt, %jit3A, %sign3A_16 : i32
    %sign3A_18 = arith.extui %sign3A_17 : i1 to i32
    %sign3A_19 = arith.subi %sign3A_15, %sign3A_18 : i32
    %ne3A = arith.cmpi ne, %sign3A_12, %sign3A_19 : i32
    %rem3A = arith.remsi %get3A_6, %jit3A : i32
    %ne3A_20 = arith.constant 0 : i32
    %ne3A_21 = arith.cmpi ne, %rem3A, %ne3A_20 : i32
    %and3A = arith.andi %ne3A, %ne3A_21 : i1
    %sub3A = arith.constant 1 : i32
    %sub3A_22 = arith.subi %div3A, %sub3A : i32
    %select_n3A = arith.select %and3A, %sub3A_22, %div3A : i32
    %c0_i32 = arith.constant 0 : i32
    return %add3A_1, %select_n3A : i32, i32
  }
  func.func @transform_127(%arg0: i32, %arg1: memref<128xi32, #tpu.memory_space<smem>>) -> (i32, i32) {
    %mul3A = arith.constant 16 : i32
    %mul3A_0 = arith.muli %arg0, %mul3A : i32
    %add3A = arith.constant 15 : i32
    %add3A_1 = arith.addi %mul3A_0, %add3A : i32
    %mul3A_2 = arith.constant 128 : i32
    %mul3A_3 = arith.muli %arg0, %mul3A_2 : i32
    %add3A_4 = arith.constant 127 : i32
    %add3A_5 = arith.addi %mul3A_3, %add3A_4 : i32
    %get3A = arith.index_cast %add3A_5 : i32 to index
    %get3A_6 = memref.load %arg1[%get3A] : memref<128xi32, #tpu.memory_space<smem>>
    %jit3A = arith.constant 128 : i32
    %div3A = arith.divsi %get3A_6, %jit3A : i32
    %sign3A = arith.constant 0 : i32
    %sign3A_7 = arith.cmpi sgt, %get3A_6, %sign3A : i32
    %sign3A_8 = arith.extui %sign3A_7 : i1 to i32
    %sign3A_9 = arith.constant 0 : i32
    %sign3A_10 = arith.cmpi slt, %get3A_6, %sign3A_9 : i32
    %sign3A_11 = arith.extui %sign3A_10 : i1 to i32
    %sign3A_12 = arith.subi %sign3A_8, %sign3A_11 : i32
    %sign3A_13 = arith.constant 0 : i32
    %sign3A_14 = arith.cmpi sgt, %jit3A, %sign3A_13 : i32
    %sign3A_15 = arith.extui %sign3A_14 : i1 to i32
    %sign3A_16 = arith.constant 0 : i32
    %sign3A_17 = arith.cmpi slt, %jit3A, %sign3A_16 : i32
    %sign3A_18 = arith.extui %sign3A_17 : i1 to i32
    %sign3A_19 = arith.subi %sign3A_15, %sign3A_18 : i32
    %ne3A = arith.cmpi ne, %sign3A_12, %sign3A_19 : i32
    %rem3A = arith.remsi %get3A_6, %jit3A : i32
    %ne3A_20 = arith.constant 0 : i32
    %ne3A_21 = arith.cmpi ne, %rem3A, %ne3A_20 : i32
    %and3A = arith.andi %ne3A, %ne3A_21 : i1
    %sub3A = arith.constant 1 : i32
    %sub3A_22 = arith.subi %div3A, %sub3A : i32
    %select_n3A = arith.select %and3A, %sub3A_22, %div3A : i32
    %c0_i32 = arith.constant 0 : i32
    return %add3A_1, %select_n3A : i32, i32
  }
  func.func @transform_128(%arg0: i32, %arg1: memref<128xi32, #tpu.memory_space<smem>>) -> i32 {
    %c0_i32 = arith.constant 0 : i32
    return %arg0 : i32
  }
}

</mosaic_0001>

<sc_bundles>
// kernel: kernel.5.cloned.1.call-start
scs
__scs_entry_jumppad:
0x0: {  	(pc) =	sbr.rel $0x88, $3  }
0x1: {  	(tag) =	ssettag $0x0;
	lr =	simm.s32 $0x1  }
0x2: {  	[smem:$0x3F9F] =	sst lr;
	_ =	strace $0xD0000000  }
0x3: {  	_ = 	snop  }
0x4: {  	_ = 	snop  }
0x5: {  	_ = 	snop  }
0x6: {  	_ = 	snop  }
0x7: {  	_ = 	snop  }
__scs_overlays_trampoline_lowered:
0x8: {  	[smem:$0x3FAE] =	sst s0  }
0x9: {  	[smem:$0x3FAF] =	sst s1  }
0xa: {  	[smem:$0x3FB0] =	sst s2  }
0xb: {  	[smem:$0x3FB1] =	sst s3  }
0xc: {  	[smem:$0x3FB2] =	sst s4  }
0xd: {  	[smem:$0x3FB3] =	sst s5  }
0xe: {  	[smem:$0x3FB4] =	sst s6  }
0xf: {  	[smem:$0x3FB5] =	sst s7  }
0x10: {  	[smem:$0x3FB6] =	sst s8  }
0x11: {  	[smem:$0x3FB7] =	sst s9;
	s0 =	simm.s32 @!p0 $0x0  }
0x12: {  	s1 =	sld [smem:$0x3F9D];
	s0 =	simm.s32 @p0 $0x1  }
0x13: {  	[smem:$0x3FB8] =	sst s0;
	s0 =	simm.s32 @!p1 $0x0  }
0x14: {  	s2 =	sld [smem:$0x3F9C];
	s0 =	simm.s32 @p1 $0x1  }
0x15: {  	[smem:$0x3FB9] =	sst s0;
	s0 =	simm.s32 @!p2 $0x0  }
0x16: {  	s3 =	sld [smem:$0x3FDB];
	s0 =	simm.s32 @p2 $0x1  }
0x17: {  	s4 =	simm.s32 $0x1BF5;
	[smem:$0x3FBB] =	sst s0  }
0x18: {  	s0 =	sld [smem:$0x3F9E];
	_ =	swait.ge [sflag:s4], $0x0  }
0x19: {  	s7 =	sld [smem:$0x3F9F]  }
0x1a: {  	s8 =	sadd.s32 $0xFFFFE003, lr  }
0x1b: {  	s9 =	sadd.s32 $0xFFFFFEF7, lr;
	s5 =	simm.s32 $0xFFFFFFFF;
	p2 =	slt.u32 s8, $0xFFFFF086  }
0x1c: {  	p1 =	slt.u32 s9, $0xF7A;
	s5 =	simm.s32 @!p2 $0x0  }
0x1d: {  	s5 =	simm.s32 @p1 $0x1;
	p0 =	seq.s32 s7, s2  }
0x1e: {  	s7 =	smul.u32 @!p0 $0xF7A, s2;
	p2 =	seq.s32 @!p0 s5, $0x0  }
0x1f: {  	s9 =	smul.u32 $0xF7A, s1;
	s8 =	simm.s32 @!p0 $0x1BF5;
	p2 =	por !p2, p0  }
0x20: {  	[sflag:s8] =	ssyncset.s32 @!p0 $0xFFFFF086;
	s6 =	sadd.s32 @!p0 s3, s7;
	s7 =	simm.s32 @!p0 $0x108  }
0x21: {  	s3 =	sadd.s32 s3, s9;
	s6 =	sadd.s32 @!p0 $0x88, s6;
	s7 =	simm.s32 @p2 $0x1082  }
0x22: {  	[simem:s7], [sflag:s8] =	dma.local @!p0 [hbm:s6], $0xF7A  }
0x23: {  	s9 =	sor.u32 $0xD0000000, s2;
	s6 =	simm.s32 $0x108;
	_ =	swait.ge @!p0 [sflag:s8], $0x0  }
0x24: {  	s3 =	sadd.s32 $0x88, s3;
	s6 =	simm.s32 @!p1 $0x1082;
	[sflag:s4] =	ssyncset.s32 $0xFFFFF086  }
0x25: {  	[simem:s6], [sflag:s4] =	dma.local [hbm:s3], $0xF7A  }
0x26: {  	[smem:$0x3F9F] =	sst s1;
	(tag) =	ssettag s2;
	_ =	strace s9  }
0x27: {  	s1 =	sld [smem:$0x3FAF]  }
0x28: {  	s2 =	sld [smem:$0x3FB0]  }
0x29: {  	s4 =	sld [smem:$0x3FB2]  }
0x2a: {  	p0 =	seq.s32 s5, $0x0;
	s5 =	sld [smem:$0x3FB3]  }
0x2b: {  	s6 =	sld [smem:$0x3FB4]  }
0x2c: {  	s7 =	sld [smem:$0x3FB5]  }
0x2d: {  	s3 =	simm.s32 $0x108;
	s8 =	sld [smem:$0x3FB6]  }
0x2e: {  	s3 =	simm.s32 @!p0 $0x1082;
	s9 =	sld [smem:$0x3FB7]  }
0x2f: {  	lr =	sadd.s32 s0, s3;
	s0 =	sld [smem:$0x3FAE]  }
0x30: {  	s3 =	sld [smem:$0x3FB1]  }
0x31: {  	[smem:$0x3FBA] =	sst s10  }
0x32: {  	s10 =	sld [smem:$0x3FB8];
	_ =	sdelay $0x3  }
0x33: {  	p0 =	seq.s32 s10, $0x1;
	s10 =	sld [smem:$0x3FBA];
	_ =	sdelay $0x3  }
0x34: {  	[smem:$0x3FBA] =	sst s10  }
0x35: {  	s10 =	sld [smem:$0x3FB9];
	_ =	sdelay $0x3  }
0x36: {  	p1 =	seq.s32 s10, $0x1;
	s10 =	sld [smem:$0x3FBA];
	_ =	sdelay $0x3  }
0x37: {  	[smem:$0x3FBA] =	sst s10  }
0x38: {  	s10 =	sld [smem:$0x3FBB]  }
0x39: {  	_ = 	snop;
	(pc) =	sbr.ind lr, $3  }
0x3a: {  	_ = 	snop  }
0x3b: {  	_ = 	snop  }
0x3c: {  	p2 =	seq.s32 s10, $0x1;
	s10 =	sld [smem:$0x3FBA]  }
0x3d: {  	_ =	shalt  }
0x3e: {  	_ =	shalt  }
0x3f: {  	_ =	shalt  }
0x40: {  	_ =	shalt  }
0x41: {  	_ =	shalt  }
0x42: {  	_ =	shalt  }
0x43: {  	_ =	shalt  }
0x44: {  	_ =	shalt  }
0x45: {  	_ =	shalt  }
0x46: {  	_ =	shalt  }
0x47: {  	_ =	shalt  }
0x48: {  	_ =	shalt  }
0x49: {  	_ =	shalt  }
0x4a: {  	_ =	shalt  }
0x4b: {  	_ =	shalt  }
0x4c: {  	_ =	shalt  }
0x4d: {  	_ =	shalt  }
0x4e: {  	_ =	shalt  }
0x4f: {  	_ =	shalt  }
0x50: {  	_ =	shalt  }
0x51: {  	_ =	shalt  }
0x52: {  	_ =	shalt  }
0x53: {  	_ =	shalt  }
0x54: {  	_ =	shalt  }
0x55: {  	_ =	shalt  }
0x56: {  	_ =	shalt  }
0x57: {  	_ =	shalt  }
0x58: {  	_ =	shalt  }
0x59: {  	_ =	shalt  }
0x5a: {  	_ =	shalt  }
0x5b: {  	_ =	shalt  }
0x5c: {  	_ =	shalt  }
0x5d: {  	_ =	shalt  }
0x5e: {  	_ =	shalt  }
0x5f: {  	_ =	shalt  }
0x60: {  	_ =	shalt  }
0x61: {  	_ =	shalt  }
0x62: {  	_ =	shalt  }
0x63: {  	_ =	shalt  }
0x64: {  	_ =	shalt  }
0x65: {  	_ =	shalt  }
0x66: {  	_ =	shalt  }
0x67: {  	_ =	shalt  }
0x68: {  	_ =	shalt  }
0x69: {  	_ =	shalt  }
0x6a: {  	_ =	shalt  }
0x6b: {  	_ =	shalt  }
0x6c: {  	_ =	shalt  }
0x6d: {  	_ =	shalt  }
0x6e: {  	_ =	shalt  }
0x6f: {  	_ =	shalt  }
0x70: {  	_ =	shalt  }
0x71: {  	_ =	shalt  }
0x72: {  	_ =	shalt  }
0x73: {  	_ =	shalt  }
0x74: {  	_ =	shalt  }
0x75: {  	_ =	shalt  }
0x76: {  	_ =	shalt  }
0x77: {  	_ =	shalt  }
0x78: {  	_ =	shalt  }
0x79: {  	_ =	shalt  }
0x7a: {  	_ =	shalt  }
0x7b: {  	_ =	shalt  }
0x7c: {  	_ =	shalt  }
0x7d: {  	_ =	shalt  }
0x7e: {  	_ =	shalt  }
0x7f: {  	_ =	shalt  }
0x80: {  	_ =	shalt  }
0x81: {  	_ =	shalt  }
0x82: {  	_ =	shalt  }
0x83: {  	_ =	shalt  }
0x84: {  	_ =	shalt  }
0x85: {  	_ =	shalt  }
0x86: {  	_ =	shalt  }
0x87: {  	_ =	shalt  }
.Lfunc_end0:
.L_simem_size_0:
called_computation_lowered:
.L_overlay_start_0:
0x88: {  	s2 =	sld [smem:$0x3FD9]  }
0x89: {  	s3 =	sld [smem:$0x3FFE];
	_ =	sdelay $0x1  }
0x8a: {  	s1 =	srdreg.scid  }
0x8b: {  	s0 =	sand.u32 $0x1, s1  }
0x8c: {  	s17 =	sshll.u32 s0, $0xA;
	s2 =	sadd.s32 s3, s2  }
0x8d: {  	s2 =	sadd.s32 s2, s17  }
0x8e: {  	[smem:$0x3FC6] =	sst s2  }
0x8f: {  	_ = 	snop  }
0x90: {  	s2 =	sld [smem:$0x3FC8]  }
0x91: {  	s18 =	sld [smem:$0x3FD0];
	(tm) =	ssettm $0x1  }
0x92: {  	s4 =	sld [smem:$0x3FFB];
	_ =	sdelay $0x3  }
0x93: {  	_ =	strace s4  }
0x94: {  	s4 =	sld [smem:$0x3FFC];
	_ =	sdelay $0x3  }
0x95: {  	_ =	strace s4  }
0x96: {  	s4 =	sld [smem:$0x3FFD];
	_ =	sdelay $0x3  }
0x97: {  	_ =	strace s4  }
0x98: {  	_ =	strace $0x8FFFFFFF  }
0x99: {  	s19 =	sld [smem:$0x3FDB];
	_ =	sdelay $0x1  }
0x9a: {  	s5 =	simm.s32 $_scs_section_size  }
0x9b: {  	s6 =	simm.s32 $_size__tile_overlayer_lowered;
	s7 =	simm.s32 $_tile_overlayer_lowered  }
0x9c: {  	s22 =	simm.s32 $0x1BFF;
	s21 =	sshll.u32 s7, $0x1;
	s4 =	sadd.s32 s5, s19  }
0x9d: {  	s8 =	simm.s32 $0x0;
	s20 =	sshll.u32 s6, $0x1;
	s6 =	sadd.s32 s21, s4  }
0x9e: {  	[timem:s8], [sflag:s22] =	dma.local [hbm:s6], s20  }
0x9f: {  	_ =	swait.ge [sflag:s22], s20  }
0xa0: {  	s5 =	ssub.s32 $0x0, s20;
	[sflag:s22] =	ssyncset.done $0x0  }
0xa1: {  	[sflag:s22] =	ssyncadd.s32 s5;
	_ =	sdelay $0x1  }
0xa2: {  	s23 =	simm.s32 $0x1B8B  }
0xa3: {  	_ =	swait.ge [sflag:s23], $0x1  }
0xa4: {  	[sflag:s23] =	ssyncset.done $0x0  }
0xa5: {  	s25 =	simm.s32 $0x1B8E;
	s24 =	sld [smem:$0x3FFE];
	[sflag:s23] =	ssyncadd.s32 $0xFFFFFFFF  }
0xa6: {  	s26 =	simm.s32 $execute0_lowered;
	[smem:$0x3FD2] =	sst s25  }
0xa7: {  	s6 =	sshll.u32 s26, $0x1;
	_ =	strace $0x80000046;
	[dreg:$0x1] =	wrdreg $0xFFFFFFFF  }
0xa8: {  	s28 =	simm.s32 $_size_execute0_lowered;
	s4 =	sadd.s32 s4, s6;
	[dreg:$0x0] =	wrdreg $0x0  }
0xa9: {  	s6 =	sshll.u32 s28, $0x1;
	[dreg:$0x2] =	wrdreg s4  }
0xaa: {  	[dreg:$0x3] =	wrdreg s6  }
0xab: {  	[dreg:$0x4] =	wrdreg $0xC0  }
0xac: {  	_ =	task [dreg:s8], $0x5FFFF  }
0xad: {  	[dreg:$0x1] =	wrdreg $0xFFFFFFFF  }
0xae: {  	[dreg:$0x0] =	wrdreg $0x60  }
0xaf: {  	[dreg:$0x2] =	wrdreg s24  }
0xb0: {  	[dreg:$0x3] =	wrdreg s2  }
0xb1: {  	[dreg:$0x4] =	wrdreg s18  }
0xb2: {  	[dreg:$0x5] =	wrdreg $0x9  }
0xb3: {  	_ =	task.clear_ibuf [dreg:s8], $0x6FFFF;
	_ =	strace $0x90000046  }
0xb4: {  	s29 =	simm.s32 $0x9;
	_ =	strace $0x80000048  }
0xb5: {  	_ =	swait.ge [sflag:s29], $0x1  }
0xb6: {  	[sflag:s29] =	ssyncadd.s32 $0xFFFFFFFF  }
0xb7: {  	_ =	strace $0x90000048  }
0xb8: {  	_ =	sfence  }
0xb9: {  	s30 =	sld [smem:$0x0];
	_ =	sdelay $0x2  }
0xba: {  	s31 =	sshll.u32 s1, $0xD;
	s1 =	sshrl.u32 s1, $0x2  }
0xbb: {  	s3 =	sand.u32 $0x4000, s31;
	s1 =	sadd.s32 s1, s30  }
0xbc: {  	s0 =	sor.u32 s3, s0;
	s1 =	sshll.u32 s1, $0x11  }
0xbd: {  	s0 =	sor.u32 s1, s0  }
0xbe: {  	s0 =	sadd.s32 $0x8F2B, s0  }
0xbf: {  	[sflag:s0] =	ssyncadd.remote.s32 $0x1  }
0xc0: {  	_ =	sfence.sel $0xFFFF  }
0xc1: {  	[dreg:$0x0] =	wrdreg $0xFFFFFFFF;
	(pc) =	sbr.abs _section_cstart, $3  }
0xc2: {  	[dreg:$0x1] =	wrdreg $0xFFFFFFFF  }
0xc3: {  	_ =	task.clear_ibuf [dreg:s8], $0x2FFFF;
	_ =	strace $0x9FFFFFFF  }
0xc4: {  	(tm) =	ssettm $0x7FFFFFFF  }
0xc5: {  	_ =	shalt  }
tec
execute0_lowered:
.L_overlay_start_1:
0x0: {  	(tag) =	ssettag $0x1  }
0x1: {  	s1 =	stileid.u32  }
0x2: {  	p0 =	sgt.u32 s1, $0x3  }
.Ltmp0:
0x3: {  	s5 =	rddreg [dreg:$0x0];
	(pc) =	sbr.rel @p0 .LBB2_4-.Ltmp0, $4  }
0x4: {  	s3 =	rddreg [dreg:$0x1]  }
0x5: {  	s8 =	rddreg [dreg:$0x2];
	s2 =	simm.s32 $0x0  }
0x6: {  	[smem:$0x7FF] =	sst s2  }
0x7: {  	s0 =	rddreg [dreg:$0x3];
	_ =	strace $0x80000047  }
0x8: {  	s4 =	srdreg.scid  }
0x9: {  	s30 =	sshll.u32 s1, $0x1;
	s6 =	sand.u32 $0x1, s4  }
0xa: {  	s7 =	sor.u32 s6, s30  }
0xb: {  	s9 =	sshll.u32 s7, $0x1  }
0xc: {  	s4 =	sadd.s32 s3, s9;
	s3 =	simm.s32 $0x2  }
0xd: {  	[tilespmem:s2], [sflag:$0x2] =	stream.linear.gather [hbm4b:s4+s2], $0x10, $0x38;
	[tilespmem:$0x100] =	vst v63  }
0xe: {  	_ =	swait.ge [sflag:s3], $0x10  }
0xf: {  	[sflag:s3] =	ssyncset.done $0x0  }
0x10: {  	[sflag:s3] =	ssyncadd.s32 $0xFFFFFFF0  }
0x11: {  	v1 =	vld [tilespmem:$0x0];
	_ =	sdelay $0x1  }
0x12: {  	v0 =	vlaneseq.u32;
	s7 =	sshll.u32 s7, $0x4  }
0x13: {  	v0 =	vmul.u32 $0x80, v0;
	v2 =	vmov s7  }
0x14: {  	v2 =	vshll.u32 v2, $0x7  }
0x15: {  	v0 =	vor.u32 v0, v2;
	v1 =	vand.u32 $0x7F, v1  }
0x16: {  	v1 =	vor.u32 v0, v1  }
0x17: {  	s10 =	ssub.s32 $0x2, s6  }
0x18: {  	s11 =	sshrl.u32 s10, $0x1  }
0x19: {  	s5 =	sadd.s32 $0xE00, s5;
	s10 =	ssub.s32 s10, s11  }
0x1a: {  	vm0 =	vmmov $0xffff;
	s6 =	simm.s32 $0x80;
	s7 =	simm.s32 $0x1;
	s31 =	smax.u32 s10, $0x1  }
0x1b: {  	[tilespmem:s6], [sflag:$0x1] =	stream.indirect_vreg.gather [hbm4b:s5+s2], $0x1, v1, vm0, $0xb8;
	[tilespmem:$0x100] =	vst v63  }
0x1c: {  	p0 =	sne.s32 s31, $0x1;
	_ =	swait.ge [sflag:s7], $0x10  }
.Ltmp1:
0x1d: {  	[sflag:s7] =	ssyncset.done $0x0;
	(pc) =	sbr.rel @!p0 .LBB2_3-.Ltmp1, $4  }
0x1e: {  	s8 =	sadd.s32 s8, s9;
	[sflag:s7] =	ssyncadd.s32 $0xFFFFFFF0  }
0x1f: {  	[hbm4b:s8+s2] =	stream.linear.scatter [tilespmem:s6], [sflag:$0x2], $0x10, $0x38;
	[tilespmem:$0x100] =	vst v63  }
0x20: {  	_ =	swait.ge [sflag:s3], $0x10  }
0x21: {  	s9 =	sadd.s32 $0xFFFFFFFF, s31;
	[sflag:s3] =	ssyncset.done $0x0  }
.LBB2_2:
0x22: {  	p0 =	sne.s32 s9, $0x1;
	s9 =	sadd.s32 $0xFFFFFFFF, s9;
	[sflag:s3] =	ssyncadd.s32 $0xFFFFFFF0  }
0x23: {  	[tilespmem:s2], [sflag:$0x2] =	stream.linear.gather [hbm4b:s4+s2], $0x10, $0x38;
	[tilespmem:$0x100] =	vst v63  }
0x24: {  	_ =	swait.ge [sflag:s3], $0x10  }
0x25: {  	[sflag:s3] =	ssyncset.done $0x0  }
0x26: {  	[sflag:s3] =	ssyncadd.s32 $0xFFFFFFF0  }
0x27: {  	v1 =	vld [tilespmem:$0x0];
	_ =	sdelay $0x4  }
0x28: {  	v1 =	vand.u32 $0x7F, v1  }
0x29: {  	v1 =	vor.u32 v0, v1;
	_ =	sdelay $0x4  }
0x2a: {  	[tilespmem:s6], [sflag:$0x1] =	stream.indirect_vreg.gather [hbm4b:s5+s2], $0x1, v1, vm0, $0xb8;
	[tilespmem:$0x100] =	vst v63  }
0x2b: {  	_ =	swait.ge [sflag:s7], $0x10  }
.Ltmp2:
0x2c: {  	[sflag:s7] =	ssyncset.done $0x0;
	(pc) =	sbr.rel @p0 .LBB2_2-.Ltmp2, $4  }
0x2d: {  	[sflag:s7] =	ssyncadd.s32 $0xFFFFFFF0  }
0x2e: {  	[hbm4b:s8+s2] =	stream.linear.scatter [tilespmem:s6], [sflag:$0x2], $0x10, $0x38;
	[tilespmem:$0x100] =	vst v63  }
0x2f: {  	_ =	swait.ge [sflag:s3], $0x10  }
0x30: {  	[sflag:s3] =	ssyncset.done $0x0  }
.LBB2_3:
0x31: {  	[sflag:s3] =	ssyncadd.s32 $0xFFFFFFF0  }
.LBB2_4:
0x32: {  	_ =	sfence.sel $0x180000  }
0x33: {  	[bflag:$0x0] =	sbarrier.arrive $0xFFFF  }
0x34: {  	p0 =	sne.s32 s1, $0x0;
	_ =	strace $0x90000047  }
0x35: {  	s0 =	sadd.s32 @!p0 $0x100000, s0;
	[bflag:$0x2] =	sbarrier.arrive $0xFFFF  }
0x36: {  	[sflag:s0] =	ssyncadd.tile.s32 @!p0 $0x1;
	_ =	shalt  }
.Lfunc_end2:
_tile_overlayer_lowered:
.L_overlay_start_2:
0x37: {  	(tag) =	ssettag $0x2  }
0x38: {  	s0 =	rddreg [dreg:$0x0];
	s2 =	stileid.u32  }
0x39: {  	s1 =	rddreg [dreg:$0x1];
	p0 =	sne.s32 s2, $0x0  }
0x3a: {  	s3 =	rddreg [dreg:$0x2];
	[bflag:$0x3] =	sbarrier.arrive $0xFFFF;
	s2 =	simm.s32 @!p0 $0x1C02  }
0x3b: {  	[timem:s3], [sflag:s2] =	dma.local @!p0 [hbm:s0], s1  }
0x3c: {  	s0 =	simm.s32 @!p0 $0x2  }
0x3d: {  	_ =	swait.ge @!p0 [sflag:s0], s1  }
0x3e: {  	s1 =	ssub.s32 @!p0 $0x0, s1;
	[sflag:s0] =	ssyncset.done @!p0 $0x0  }
0x3f: {  	[sflag:s0] =	ssyncadd.s32 @!p0 s1  }
0x40: {  	[bflag:$0x3] =	sbarrier.arrive $0xFFFF  }
0x41: {  	_ =	shalt  }

</sc_bundles>
